<compile_context>
chip_gen: v7x
topology: tpu7x:2x2x1
jax: 0.10.2.dev20260603
libtpu: 0.0.44.dev20260713+nightly
codegen_flags: <defaults>
</compile_context>

<pallas_src>
import functools

import jax
import jax.numpy as jnp
from jax import lax
from jax.experimental import pallas as pl
from jax.experimental.pallas import tpu as pltpu
from jax.experimental.pallas import tpu_sc as plsc

N = 10000
E = 320000
D = 128
L = 16
NC = 2
NS = 16
NW = NC * NS
EPW = E // NW
K = 40
SEG = 50
NSEG = EPW // (K * SEG)
CNT_BASE = N
CNT_ROWS = 80
NACC = 10112
RPT = NACC // NS
NG = D // L


def _rsqrt(x):
    i = plsc.bitcast(x, jnp.int32)
    i = jnp.int32(0x5F3759DF) - (i >> 1)
    y = plsc.bitcast(i, jnp.float32)
    for _ in range(2):
        y = y * (1.5 - 0.5 * x * y * y)
    return y


@functools.partial(
    pl.kernel,
    out_type=jax.ShapeDtypeStruct((NC, NACC, D), jnp.float32),
    mesh=plsc.VectorSubcoreMesh(core_axis_name="c", subcore_axis_name="s"),
    compiler_params=pltpu.CompilerParams(needs_layout_passes=False),
    scratch_types=[
        pltpu.VMEM((SEG, K), jnp.int32),
        pltpu.VMEM((SEG, K), jnp.int32),
        pltpu.VMEM((2, K, D), jnp.float32),
        pltpu.VMEM((2, K, D), jnp.float32),
        pltpu.VMEM((CNT_ROWS, D), jnp.float32),
        pltpu.VMEM((CNT_ROWS,), jnp.int32),
        pltpu.VMEM_SHARED((NACC, D), jnp.float32),
        pltpu.SemaphoreType.DMA,
        pltpu.SemaphoreType.DMA,
        pltpu.SemaphoreType.DMA,
        pltpu.SemaphoreType.DMA,
        pltpu.SemaphoreType.DMA,
        pltpu.SemaphoreType.DMA,
    ],
)
def _edge_phase(xsrc_hbm, pred_hbm, eidx_hbm, zeros_hbm, out_hbm,
                srcv, dstv, xjv, msgv, cntv, cidxv, acc,
                semx0, semx1, semp0, semp1, sems0, sems1):
    semx = (semx0, semx1)
    semp = (semp0, semp1)
    semsc = (sems0, sems1)
    c = lax.axis_index("c")
    s = lax.axis_index("s")
    w = s * NC + c

    pltpu.sync_copy(zeros_hbm, acc.at[pl.ds(s * RPT, RPT)])
    pltpu.sync_copy(zeros_hbm.at[pl.ds(0, CNT_ROWS)], cntv)

    lanes = lax.iota(jnp.int32, L)
    for g in range(CNT_ROWS // L):
        cidxv[pl.ds(g * L, L)] = CNT_BASE + g * L + lanes
    plsc.subcore_barrier()

    elig = lanes >= (3 * L - K)

    def _lane_sum(x):
        for sh in (8, 4, 2, 1):
            perm = jnp.bitwise_xor(lanes, sh)
            x = x + x.at[perm].get(mode="promise_in_bounds")
        return x

    def make_compute(p):
        xjp = xjv.at[p]
        msp = msgv.at[p]

        def one_row(r):
            diffs = []
            ssum = None
            ssq = None
            for g in range(NG):
                d = xjp[r, pl.ds(g * L, L)] - msp[r, pl.ds(g * L, L)]
                diffs.append(d)
                ssum = d if g == 0 else ssum + d
                ssq = d * d if g == 0 else ssq + d * d
            return diffs, ssum, ssq

        def finish_row(r, diffs, ssum, ssq):
            mu = _lane_sum(ssum) * (1.0 / D)
            var = _lane_sum(ssq) * (1.0 / D) - mu * mu
            rstd = _rsqrt(var + 1e-5)
            for g in range(NG):
                msp[r, pl.ds(g * L, L)] = (diffs[g] - mu) * rstd

        def row_quad(rr, carry):
            r0 = rr * 4
            rows = [r0, r0 + 1, r0 + 2, r0 + 3]
            parts = [one_row(r) for r in rows]
            for r, (dd, ss, qq) in zip(rows, parts):
                finish_row(r, dd, ss, qq)
            return carry

        def compute():
            lax.fori_loop(0, K // 4, row_quad, 0)

        return compute

    computes = [make_compute(p) for p in (0, 1)]

    def count_chunk(j):
        for off, em in ((0, None), (L, None), (K - L, elig)):
            d16 = dstv[j, pl.ds(off, L)]
            runs, last = plsc.scan_count(d16, em)
            m = last if em is None else jnp.logical_and(last, em)
            plsc.addupdate_scatter(cntv, [d16 >> 7, d16 & 127],
                                   runs.astype(jnp.float32), mask=m)

    def seg_body(t, carry):
        pltpu.sync_copy(eidx_hbm.at[0, w, t], srcv)
        pltpu.sync_copy(eidx_hbm.at[1, w, t], dstv)
        pltpu.async_copy(xsrc_hbm.at[srcv.at[0]], xjv.at[0], semx[0])
        pltpu.async_copy(pred_hbm.at[dstv.at[0]], msgv.at[0], semp[0])

        def pair_body(u, carry2):
            for p in (0, 1):
                j = 2 * u + p
                q = 1 - p
                pltpu.make_async_copy(
                    xsrc_hbm.at[srcv.at[j]], xjv.at[p], semx[p]).wait()
                pltpu.make_async_copy(
                    pred_hbm.at[dstv.at[j]], msgv.at[p], semp[p]).wait()

                @pl.when(j >= 1)
                def _():
                    pltpu.make_async_copy(
                        msgv.at[q], acc.at[dstv.at[j - 1]], semsc[q]).wait()

                @pl.when(j < SEG - 1)
                def _():
                    pltpu.async_copy(
                        xsrc_hbm.at[srcv.at[j + 1]], xjv.at[q], semx[q])
                    pltpu.async_copy(
                        pred_hbm.at[dstv.at[j + 1]], msgv.at[q], semp[q])

                count_chunk(j)
                computes[p]()
                pltpu.async_copy(
                    msgv.at[p], acc.at[dstv.at[j]], semsc[p], add=True)
            return carry2

        lax.fori_loop(0, SEG // 2, pair_body, 0)
        pltpu.make_async_copy(
            msgv.at[1], acc.at[dstv.at[SEG - 1]], semsc[1]).wait()
        return carry

    lax.fori_loop(0, NSEG, seg_body, 0)
    pltpu.sync_copy(cntv, acc.at[cidxv], add=True)
    plsc.subcore_barrier()

    pltpu.sync_copy(acc.at[pl.ds(s * RPT, RPT)],
                    out_hbm.at[c, pl.ds(s * RPT, RPT)])


def _pred_body(x_ref, w1_ref, b1_ref, w2_ref, b2_ref, o_ref):
    h = jnp.dot(x_ref[...], w1_ref[...], preferred_element_type=jnp.float32)
    h = jnp.maximum(h + b1_ref[...], 0.0)
    o_ref[...] = (
        jnp.dot(h, w2_ref[...], preferred_element_type=jnp.float32)
        + b2_ref[...]
    )


def _update_body(x_ref, p0_ref, p1_ref, c0_ref, c1_ref, wd_ref, wa_ref,
                 b_ref, g_ref, lb_ref, o_ref):
    msum = p0_ref[...] + p1_ref[...]
    cnt = c0_ref[...] + c1_ref[...]
    mean = msum * (1.0 / jnp.maximum(cnt, 1.0))
    aggr = jnp.where(cnt > 0.0, mean * g_ref[...] + lb_ref[...], 0.0)
    acc = jnp.dot(x_ref[...], wd_ref[...], preferred_element_type=jnp.float32)
    acc += jnp.dot(aggr, wa_ref[...], preferred_element_type=jnp.float32)
    o_ref[...] = jnp.maximum(acc + b_ref[...], 0.0)


_ROWS_BLK = 1000


def kernel(x_src, x_dst, pred_W1, pred_b1, pred_W2, pred_b2, ln_g, ln_b,
           upd_W, upd_b, edge_index):
    nblk = N // _ROWS_BLK
    full = lambda shape: pl.BlockSpec(shape, lambda i: (0, 0))
    rows = lambda width: pl.BlockSpec((_ROWS_BLK, width), lambda i: (i, 0))

    pred = pl.pallas_call(
        _pred_body,
        grid=(nblk,),
        in_specs=[rows(D), full((D, D)), full((1, D)), full((D, D)),
                  full((1, D))],
        out_specs=rows(D),
        out_shape=jax.ShapeDtypeStruct((N, D), jnp.float32),
    )(x_dst, pred_W1, pred_b1.reshape(1, D), pred_W2, pred_b2.reshape(1, D))

    eidx = edge_index.reshape(2, NW, NSEG, SEG, K)
    zeros = jnp.zeros((RPT, D), dtype=jnp.float32)
    part = _edge_phase(x_src, pred, eidx, zeros)
    cnts = part[:, CNT_BASE:CNT_BASE + CNT_ROWS, :].reshape(NC, -1)[:, :N]
    cnts = cnts[:, :, None]

    out = pl.pallas_call(
        _update_body,
        grid=(nblk,),
        in_specs=[rows(D), rows(D), rows(D), rows(1), rows(1), full((D, D)),
                  full((D, D)), full((1, D)), full((1, D)), full((1, D))],
        out_specs=rows(D),
        out_shape=jax.ShapeDtypeStruct((N, D), jnp.float32),
    )(x_dst, part[0], part[1], cnts[0], cnts[1], upd_W[:D], upd_W[D:],
      upd_b.reshape(1, D), ln_g.reshape(1, D), ln_b.reshape(1, D))
    return out

# --- scband reference (transcript-rebuilt; emitter-appended) ---
"""Pipeline reference for scband-prmpmodel-19808389169919 (READ-ONLY COPY).

The authoritative reference and input builder live on the scoring server;
editing this copy changes nothing except your own understanding.
"""

import jax, jax.numpy as jnp
import numpy as np

N = 10000
E = 320000
D = 128


def setup_inputs(seed: int = 0) -> dict:
    key = jax.random.key(seed)
    ks = jax.random.split(key, 8)
    x_src = jax.random.normal(ks[0], (N, D), dtype=jnp.float32)
    x_dst = jax.random.normal(ks[1], (N, D), dtype=jnp.float32)
    edge_index = jax.random.randint(ks[2], (2, E), 0, N, dtype=jnp.int32)
    # pred_mlp params: Linear(D -> hidden=D) + ReLU + Linear(hidden -> D)
    pred_W1 = jax.random.normal(ks[3], (D, D), dtype=jnp.float32) * 0.02
    pred_b1 = jnp.zeros((D,), dtype=jnp.float32)
    pred_W2 = jax.random.normal(ks[4], (D, D), dtype=jnp.float32) * 0.02
    pred_b2 = jnp.zeros((D,), dtype=jnp.float32)
    # LayerNorm params over in_ch_src
    ln_g = jnp.ones((D,), dtype=jnp.float32)
    ln_b = jnp.zeros((D,), dtype=jnp.float32)
    # update_mlp: Linear(in_ch_dst + in_ch_src -> out_ch) + ReLU
    upd_W = jax.random.normal(ks[5], (2 * D, D), dtype=jnp.float32) * 0.02
    upd_b = jnp.zeros((D,), dtype=jnp.float32)
    return {
        "x_src": x_src,
        "x_dst": x_dst,
        "pred_W1": pred_W1,
        "pred_b1": pred_b1,
        "pred_W2": pred_W2,
        "pred_b2": pred_b2,
        "ln_g": ln_g,
        "ln_b": ln_b,
        "upd_W": upd_W,
        "upd_b": upd_b,
        "edge_index": edge_index,
    }


def reference(x_src, x_dst, pred_W1, pred_b1, pred_W2, pred_b2, ln_g, ln_b, upd_W, upd_b, edge_index):
    src = edge_index[0]
    dst = edge_index[1]
    # gather per-edge features
    x_j = jnp.take(x_src, src, axis=0)  # source/neighbor features
    x_i = jnp.take(x_dst, dst, axis=0)  # destination features
    # message: predicted = pred_mlp(x_i.detach()); residual = x_j - predicted; norm(residual)
    h = jax.lax.stop_gradient(x_i)
    h = jax.nn.relu(h @ pred_W1 + pred_b1)
    predicted = h @ pred_W2 + pred_b2
    residual = x_j - predicted
    mu = jnp.mean(residual, axis=-1, keepdims=True)
    var = jnp.var(residual, axis=-1, keepdims=True)
    msg = (residual - mu) / jnp.sqrt(var + 1e-5) * ln_g + ln_b
    # aggr='mean' scatter to destination nodes
    summed = jax.ops.segment_sum(msg, dst, num_segments=N)
    cnt = jax.ops.segment_sum(jnp.ones((E,), dtype=jnp.float32), dst, num_segments=N)
    aggr = summed / jnp.maximum(cnt, 1.0)[:, None]
    # update: update_mlp(cat([dst_feat, aggr_out]))
    out = jax.nn.relu(jnp.concatenate([x_dst, aggr], axis=-1) @ upd_W + upd_b)
    return out

if __name__ == "__main__":
    import jax
    _d = setup_inputs()
    print(jax.jit(kernel)(*tuple(_d.values())))

</pallas_src>

<mosaic_0001>
#map = affine_map<(d0, d1) -> (0, 0)>
#map1 = affine_map<(d0, d1) -> (0, 0, 0, 0, 0)>
#map2 = affine_map<(d0, d1) -> (0, 0, 0)>
module attributes {stable_mosaic.version = 14 : i64} {
  func.func @_edge_phase(%arg0: i32, %arg1: i32, %arg2: memref<10000x128xf32, #tpu.memory_space<hbm>>, %arg3: memref<10000x128xf32, #tpu.memory_space<hbm>>, %arg4: memref<2x32x5x50x40xi32, #tpu.memory_space<hbm>>, %arg5: memref<632x128xf32, #tpu.memory_space<hbm>>, %arg6: memref<2x10112x128xf32, #tpu.memory_space<hbm>>, %arg7: memref<50x40xi32, #tpu.memory_space<vmem>>, %arg8: memref<50x40xi32, #tpu.memory_space<vmem>>, %arg9: memref<2x40x128xf32, #tpu.memory_space<vmem>>, %arg10: memref<2x40x128xf32, #tpu.memory_space<vmem>>, %arg11: memref<80x128xf32, #tpu.memory_space<vmem>>, %arg12: memref<80xi32, #tpu.memory_space<vmem>>, %arg13: memref<10112x128xf32, #tpu.memory_space<vmem_shared>>, %arg14: memref<!tpu.dma_semaphore, #tpu.memory_space<semaphore_mem>>, %arg15: memref<!tpu.dma_semaphore, #tpu.memory_space<semaphore_mem>>, %arg16: memref<!tpu.dma_semaphore, #tpu.memory_space<semaphore_mem>>, %arg17: memref<!tpu.dma_semaphore, #tpu.memory_space<semaphore_mem>>, %arg18: memref<!tpu.dma_semaphore, #tpu.memory_space<semaphore_mem>>, %arg19: memref<!tpu.dma_semaphore, #tpu.memory_space<semaphore_mem>>) attributes {dimension_semantics = [#tpu.dimension_semantics<core_parallel>, #tpu.dimension_semantics<subcore_parallel>], iteration_bounds = array<i64: 2, 16>, scalar_prefetch = 0 : i64, scratch_operands = 13 : i64, tpu.core_type = #tpu.core_type<sc_vector_subcore>, window_params = [{transform_indices = #map}, {transform_indices = #map}, {transform_indices = #map1}, {transform_indices = #map}, {transform_indices = #map2}]} {
    %mul3A = arith.constant 2 : i32
    %mul3A_0 = arith.muli %arg1, %mul3A : i32
    %add3A = arith.addi %mul3A_0, %arg0 : i32
    %mul3A_1 = arith.constant 632 : i32
    %mul3A_2 = arith.muli %arg1, %mul3A_1 : i32
    "tpu.region"() ({
      %run_scoped3A = tpu.sem_alloc : memref<!tpu.dma_semaphore, #tpu.memory_space<semaphore_mem>>
      %dma_start3A = arith.constant 0 : i32
      %dma_start3A_43 = tpu.memref_slice %arg13[%mul3A_2, %dma_start3A] : memref<10112x128xf32, #tpu.memory_space<vmem_shared>> -> memref<632x128xf32, #tpu.memory_space<vmem_shared>>
      tpu.enqueue_dma source(%arg5 : memref<632x128xf32, #tpu.memory_space<hbm>>) target(%dma_start3A_43 : memref<632x128xf32, #tpu.memory_space<vmem_shared>>) target_semaphore(%run_scoped3A : memref<!tpu.dma_semaphore, #tpu.memory_space<semaphore_mem>>)
      %dma_wait3A = arith.constant 0 : i32
      %dma_wait3A_44 = tpu.memref_slice %arg13[%mul3A_2, %dma_wait3A] : memref<10112x128xf32, #tpu.memory_space<vmem_shared>> -> memref<632x128xf32, #tpu.memory_space<vmem_shared>>
      tpu.wait_dma2 semaphore(%run_scoped3A : memref<!tpu.dma_semaphore, #tpu.memory_space<semaphore_mem>>) src(%arg5 : memref<632x128xf32, #tpu.memory_space<hbm>>) dst(%dma_wait3A_44 : memref<632x128xf32, #tpu.memory_space<vmem_shared>>)
      tpu.yield
    }) : () -> ()
    "tpu.region"() ({
      %run_scoped3A = tpu.sem_alloc : memref<!tpu.dma_semaphore, #tpu.memory_space<semaphore_mem>>
      %dma_start3A = arith.constant 0 : i32
      %dma_start3A_43 = arith.constant 0 : i32
      %dma_start3A_44 = tpu.memref_slice %arg5[%dma_start3A, %dma_start3A_43] : memref<632x128xf32, #tpu.memory_space<hbm>> -> memref<80x128xf32, #tpu.memory_space<hbm>>
      %dma_start3A_45 = arith.constant 0 : i32
      %dma_start3A_46 = arith.constant 0 : i32
      %dma_start3A_47 = tpu.memref_slice %arg5[%dma_start3A_45, %dma_start3A_46] : memref<632x128xf32, #tpu.memory_space<hbm>> -> memref<80x128xf32, #tpu.memory_space<hbm>>
      tpu.enqueue_dma source(%dma_start3A_47 : memref<80x128xf32, #tpu.memory_space<hbm>>) target(%arg11 : memref<80x128xf32, #tpu.memory_space<vmem>>) target_semaphore(%run_scoped3A : memref<!tpu.dma_semaphore, #tpu.memory_space<semaphore_mem>>)
      %dma_wait3A = arith.constant 0 : i32
      %dma_wait3A_48 = arith.constant 0 : i32
      %dma_wait3A_49 = tpu.memref_slice %arg5[%dma_wait3A, %dma_wait3A_48] : memref<632x128xf32, #tpu.memory_space<hbm>> -> memref<80x128xf32, #tpu.memory_space<hbm>>
      %dma_wait3A_50 = arith.constant 0 : i32
      %dma_wait3A_51 = arith.constant 0 : i32
      %dma_wait3A_52 = tpu.memref_slice %arg5[%dma_wait3A_50, %dma_wait3A_51] : memref<632x128xf32, #tpu.memory_space<hbm>> -> memref<80x128xf32, #tpu.memory_space<hbm>>
      tpu.wait_dma2 semaphore(%run_scoped3A : memref<!tpu.dma_semaphore, #tpu.memory_space<semaphore_mem>>) src(%dma_wait3A_52 : memref<80x128xf32, #tpu.memory_space<hbm>>) dst(%arg11 : memref<80x128xf32, #tpu.memory_space<vmem>>)
      tpu.yield
    }) : () -> ()
    %iota3A = tpu.iota {dimensions = array<i32: 0>} : vector<16xi32>
    %add3A_3 = arith.constant 10000 : i32
    %add3A_4 = vector.broadcast %add3A_3 : i32 to vector<16xi32>
    %add3A_5 = arith.addi %add3A_4, %iota3A : vector<16xi32>
    %swap3A = arith.constant 0 : index
    %swap3A_6 = tpu.vector_load %arg12[%swap3A] {strides = array<i32>} : memref<80xi32, #tpu.memory_space<vmem>>, vector<16xi32>,
    tpu.vector_store %arg12[%swap3A], %add3A_5 {strides = array<i32>} : memref<80xi32, #tpu.memory_space<vmem>>, vector<16xi32>,
    %add3A_7 = arith.constant 10016 : i32
    %add3A_8 = vector.broadcast %add3A_7 : i32 to vector<16xi32>
    %add3A_9 = arith.addi %add3A_8, %iota3A : vector<16xi32>
    %swap3A_10 = arith.constant 16 : index
    %swap3A_11 = tpu.vector_load %arg12[%swap3A_10] {strides = array<i32>} : memref<80xi32, #tpu.memory_space<vmem>>, vector<16xi32>,
    tpu.vector_store %arg12[%swap3A_10], %add3A_9 {strides = array<i32>} : memref<80xi32, #tpu.memory_space<vmem>>, vector<16xi32>,
    %add3A_12 = arith.constant 10032 : i32
    %add3A_13 = vector.broadcast %add3A_12 : i32 to vector<16xi32>
    %add3A_14 = arith.addi %add3A_13, %iota3A : vector<16xi32>
    %swap3A_15 = arith.constant 32 : index
    %swap3A_16 = tpu.vector_load %arg12[%swap3A_15] {strides = array<i32>} : memref<80xi32, #tpu.memory_space<vmem>>, vector<16xi32>,
    tpu.vector_store %arg12[%swap3A_15], %add3A_14 {strides = array<i32>} : memref<80xi32, #tpu.memory_space<vmem>>, vector<16xi32>,
    %add3A_17 = arith.constant 10048 : i32
    %add3A_18 = vector.broadcast %add3A_17 : i32 to vector<16xi32>
    %add3A_19 = arith.addi %add3A_18, %iota3A : vector<16xi32>
    %swap3A_20 = arith.constant 48 : index
    %swap3A_21 = tpu.vector_load %arg12[%swap3A_20] {strides = array<i32>} : memref<80xi32, #tpu.memory_space<vmem>>, vector<16xi32>,
    tpu.vector_store %arg12[%swap3A_20], %add3A_19 {strides = array<i32>} : memref<80xi32, #tpu.memory_space<vmem>>, vector<16xi32>,
    %add3A_22 = arith.constant 10064 : i32
    %add3A_23 = vector.broadcast %add3A_22 : i32 to vector<16xi32>
    %add3A_24 = arith.addi %add3A_23, %iota3A : vector<16xi32>
    %swap3A_25 = arith.constant 64 : index
    %swap3A_26 = tpu.vector_load %arg12[%swap3A_25] {strides = array<i32>} : memref<80xi32, #tpu.memory_space<vmem>>, vector<16xi32>,
    tpu.vector_store %arg12[%swap3A_25], %add3A_24 {strides = array<i32>} : memref<80xi32, #tpu.memory_space<vmem>>, vector<16xi32>,
    %barrier3A = arith.constant 0 : index
    tpu.barrier barrier_id(%barrier3A)
    %ge3A = arith.constant 8 : i32
    %ge3A_27 = vector.broadcast %ge3A : i32 to vector<16xi32>
    %ge3A_28 = arith.cmpi sge, %iota3A, %ge3A_27 : vector<16xi32>
    %scan3A = arith.constant 0 : i32
    %scan3A_29 = arith.constant 0 : i32
    %scan3A_30 = arith.constant 0 : i32
    %scan3A_31 = arith.constant 1 : i32
    %scan3A_32 = arith.constant 1 : i32
    %scan3A_33 = arith.constant 0 : i32
    %scan3A_34 = arith.constant 5 : i32
    %scan3A_35 = arith.addi %scan3A_33, %scan3A_34 : i32
    %scan3A_36 = arith.constant 1 : i32
    scf.for %scan3A_43 = %scan3A_33 to %scan3A_35 step %scan3A_36  : i32 {
      %run_scoped3A = arith.constant 0 : i32
      "tpu.region"() ({
        %run_scoped3A_85 = tpu.sem_alloc : memref<!tpu.dma_semaphore, #tpu.memory_space<semaphore_mem>>
        %dma_start3A_86 = arith.constant 0 : i32
        %dma_start3A_87 = arith.constant 0 : i32
        %dma_start3A_88 = tpu.memref_slice %arg4[%run_scoped3A, %add3A, %scan3A_43, %dma_start3A_86, %dma_start3A_87] : memref<2x32x5x50x40xi32, #tpu.memory_space<hbm>> -> memref<1x1x1x50x40xi32, #tpu.memory_space<hbm>>
        %dma_start3A_89 = tpu.memref_squeeze %dma_start3A_88 : memref<1x1x1x50x40xi32, #tpu.memory_space<hbm>> -> memref<50x40xi32, #tpu.memory_space<hbm>>
        %dma_start3A_90 = arith.constant 0 : i32
        %dma_start3A_91 = arith.constant 0 : i32
        %dma_start3A_92 = tpu.memref_slice %arg4[%run_scoped3A, %add3A, %scan3A_43, %dma_start3A_90, %dma_start3A_91] : memref<2x32x5x50x40xi32, #tpu.memory_space<hbm>> -> memref<1x1x1x50x40xi32, #tpu.memory_space<hbm>>
        %dma_start3A_93 = tpu.memref_squeeze %dma_start3A_92 : memref<1x1x1x50x40xi32, #tpu.memory_space<hbm>> -> memref<50x40xi32, #tpu.memory_space<hbm>>
        tpu.enqueue_dma source(%dma_start3A_93 : memref<50x40xi32, #tpu.memory_space<hbm>>) target(%arg7 : memref<50x40xi32, #tpu.memory_space<vmem>>) target_semaphore(%run_scoped3A_85 : memref<!tpu.dma_semaphore, #tpu.memory_space<semaphore_mem>>)
        %dma_wait3A_94 = arith.constant 0 : i32
        %dma_wait3A_95 = arith.constant 0 : i32
        %dma_wait3A_96 = tpu.memref_slice %arg4[%run_scoped3A, %add3A, %scan3A_43, %dma_wait3A_94, %dma_wait3A_95] : memref<2x32x5x50x40xi32, #tpu.memory_space<hbm>> -> memref<1x1x1x50x40xi32, #tpu.memory_space<hbm>>
        %dma_wait3A_97 = tpu.memref_squeeze %dma_wait3A_96 : memref<1x1x1x50x40xi32, #tpu.memory_space<hbm>> -> memref<50x40xi32, #tpu.memory_space<hbm>>
        %dma_wait3A_98 = arith.constant 0 : i32
        %dma_wait3A_99 = arith.constant 0 : i32
        %dma_wait3A_100 = tpu.memref_slice %arg4[%run_scoped3A, %add3A, %scan3A_43, %dma_wait3A_98, %dma_wait3A_99] : memref<2x32x5x50x40xi32, #tpu.memory_space<hbm>> -> memref<1x1x1x50x40xi32, #tpu.memory_space<hbm>>
        %dma_wait3A_101 = tpu.memref_squeeze %dma_wait3A_100 : memref<1x1x1x50x40xi32, #tpu.memory_space<hbm>> -> memref<50x40xi32, #tpu.memory_space<hbm>>
        tpu.wait_dma2 semaphore(%run_scoped3A_85 : memref<!tpu.dma_semaphore, #tpu.memory_space<semaphore_mem>>) src(%dma_wait3A_101 : memref<50x40xi32, #tpu.memory_space<hbm>>) dst(%arg7 : memref<50x40xi32, #tpu.memory_space<vmem>>)
        tpu.yield
      }) : () -> ()
      %run_scoped3A_44 = arith.constant 1 : i32
      "tpu.region"() ({
        %run_scoped3A_85 = tpu.sem_alloc : memref<!tpu.dma_semaphore, #tpu.memory_space<semaphore_mem>>
        %dma_start3A_86 = arith.constant 0 : i32
        %dma_start3A_87 = arith.constant 0 : i32
        %dma_start3A_88 = tpu.memref_slice %arg4[%run_scoped3A_44, %add3A, %scan3A_43, %dma_start3A_86, %dma_start3A_87] : memref<2x32x5x50x40xi32, #tpu.memory_space<hbm>> -> memref<1x1x1x50x40xi32, #tpu.memory_space<hbm>>
        %dma_start3A_89 = tpu.memref_squeeze %dma_start3A_88 : memref<1x1x1x50x40xi32, #tpu.memory_space<hbm>> -> memref<50x40xi32, #tpu.memory_space<hbm>>
        %dma_start3A_90 = arith.constant 0 : i32
        %dma_start3A_91 = arith.constant 0 : i32
        %dma_start3A_92 = tpu.memref_slice %arg4[%run_scoped3A_44, %add3A, %scan3A_43, %dma_start3A_90, %dma_start3A_91] : memref<2x32x5x50x40xi32, #tpu.memory_space<hbm>> -> memref<1x1x1x50x40xi32, #tpu.memory_space<hbm>>
        %dma_start3A_93 = tpu.memref_squeeze %dma_start3A_92 : memref<1x1x1x50x40xi32, #tpu.memory_space<hbm>> -> memref<50x40xi32, #tpu.memory_space<hbm>>
        tpu.enqueue_dma source(%dma_start3A_93 : memref<50x40xi32, #tpu.memory_space<hbm>>) target(%arg8 : memref<50x40xi32, #tpu.memory_space<vmem>>) target_semaphore(%run_scoped3A_85 : memref<!tpu.dma_semaphore, #tpu.memory_space<semaphore_mem>>)
        %dma_wait3A_94 = arith.constant 0 : i32
        %dma_wait3A_95 = arith.constant 0 : i32
        %dma_wait3A_96 = tpu.memref_slice %arg4[%run_scoped3A_44, %add3A, %scan3A_43, %dma_wait3A_94, %dma_wait3A_95] : memref<2x32x5x50x40xi32, #tpu.memory_space<hbm>> -> memref<1x1x1x50x40xi32, #tpu.memory_space<hbm>>
        %dma_wait3A_97 = tpu.memref_squeeze %dma_wait3A_96 : memref<1x1x1x50x40xi32, #tpu.memory_space<hbm>> -> memref<50x40xi32, #tpu.memory_space<hbm>>
        %dma_wait3A_98 = arith.constant 0 : i32
        %dma_wait3A_99 = arith.constant 0 : i32
        %dma_wait3A_100 = tpu.memref_slice %arg4[%run_scoped3A_44, %add3A, %scan3A_43, %dma_wait3A_98, %dma_wait3A_99] : memref<2x32x5x50x40xi32, #tpu.memory_space<hbm>> -> memref<1x1x1x50x40xi32, #tpu.memory_space<hbm>>
        %dma_wait3A_101 = tpu.memref_squeeze %dma_wait3A_100 : memref<1x1x1x50x40xi32, #tpu.memory_space<hbm>> -> memref<50x40xi32, #tpu.memory_space<hbm>>
        tpu.wait_dma2 semaphore(%run_scoped3A_85 : memref<!tpu.dma_semaphore, #tpu.memory_space<semaphore_mem>>) src(%dma_wait3A_101 : memref<50x40xi32, #tpu.memory_space<hbm>>) dst(%arg8 : memref<50x40xi32, #tpu.memory_space<vmem>>)
        tpu.yield
      }) : () -> ()
      %dma_start3A = arith.constant 0 : i32
      %dma_start3A_45 = arith.constant 0 : i32
      %dma_start3A_46 = arith.constant 0 : i32
      %dma_start3A_47 = arith.constant 0 : i32
      %dma_start3A_48 = tpu.memref_slice %arg9[%dma_start3A_45, %dma_start3A_46, %dma_start3A_47] : memref<2x40x128xf32, #tpu.memory_space<vmem>> -> memref<1x40x128xf32, #tpu.memory_space<vmem>>
      %dma_start3A_49 = tpu.memref_squeeze %dma_start3A_48 : memref<1x40x128xf32, #tpu.memory_space<vmem>> -> memref<40x128xf32, #tpu.memory_space<vmem>>
      %dma_start3A_50 = arith.constant 0 : i32
      %dma_start3A_51 = tpu.memref_slice %arg7[%dma_start3A, %dma_start3A_50] : memref<50x40xi32, #tpu.memory_space<vmem>> -> memref<1x40xi32, #tpu.memory_space<vmem>>
      %dma_start3A_52 = tpu.memref_squeeze %dma_start3A_51 : memref<1x40xi32, #tpu.memory_space<vmem>> -> memref<40xi32, #tpu.memory_space<vmem>>
      %dma_start3A_53 = arith.constant 0 : i32
      %dma_start3A_54 = arith.constant 0 : i32
      %dma_start3A_55 = tpu.memref_slice %arg2[%dma_start3A_53, %dma_start3A_54] : memref<10000x128xf32, #tpu.memory_space<hbm>> -> memref<10000x128xf32, #tpu.memory_space<hbm>>
      tpu.enqueue_indirect_dma source(%dma_start3A_55 : memref<10000x128xf32, #tpu.memory_space<hbm>>) target(%dma_start3A_49 : memref<40x128xf32, #tpu.memory_space<vmem>>) offsets(%dma_start3A_52 : memref<40xi32, #tpu.memory_space<vmem>>) semaphore(%arg14 : memref<!tpu.dma_semaphore, #tpu.memory_space<semaphore_mem>>)
      %dma_start3A_56 = arith.constant 0 : i32
      %dma_start3A_57 = arith.constant 0 : i32
      %dma_start3A_58 = arith.constant 0 : i32
      %dma_start3A_59 = arith.constant 0 : i32
      %dma_start3A_60 = tpu.memref_slice %arg10[%dma_start3A_57, %dma_start3A_58, %dma_start3A_59] : memref<2x40x128xf32, #tpu.memory_space<vmem>> -> memref<1x40x128xf32, #tpu.memory_space<vmem>>
      %dma_start3A_61 = tpu.memref_squeeze %dma_start3A_60 : memref<1x40x128xf32, #tpu.memory_space<vmem>> -> memref<40x128xf32, #tpu.memory_space<vmem>>
      %dma_start3A_62 = arith.constant 0 : i32
      %dma_start3A_63 = tpu.memref_slice %arg8[%dma_start3A_56, %dma_start3A_62] : memref<50x40xi32, #tpu.memory_space<vmem>> -> memref<1x40xi32, #tpu.memory_space<vmem>>
      %dma_start3A_64 = tpu.memref_squeeze %dma_start3A_63 : memref<1x40xi32, #tpu.memory_space<vmem>> -> memref<40xi32, #tpu.memory_space<vmem>>
      %dma_start3A_65 = arith.constant 0 : i32
      %dma_start3A_66 = arith.constant 0 : i32
      %dma_start3A_67 = tpu.memref_slice %arg3[%dma_start3A_65, %dma_start3A_66] : memref<10000x128xf32, #tpu.memory_space<hbm>> -> memref<10000x128xf32, #tpu.memory_space<hbm>>
      tpu.enqueue_indirect_dma source(%dma_start3A_67 : memref<10000x128xf32, #tpu.memory_space<hbm>>) target(%dma_start3A_61 : memref<40x128xf32, #tpu.memory_space<vmem>>) offsets(%dma_start3A_64 : memref<40xi32, #tpu.memory_space<vmem>>) semaphore(%arg16 : memref<!tpu.dma_semaphore, #tpu.memory_space<semaphore_mem>>)
      %scan3A_68 = arith.constant 0 : i32
      %scan3A_69 = arith.constant 0 : i32
      %scan3A_70 = arith.constant 25 : i32
      %scan3A_71 = arith.addi %scan3A_69, %scan3A_70 : i32
      %scan3A_72 = arith.constant 1 : i32
      scf.for %scan3A_85 = %scan3A_69 to %scan3A_71 step %scan3A_72  : i32 {
        %mul3A_86 = arith.constant 2 : i32
        %mul3A_87 = arith.muli %mul3A_86, %scan3A_85 : i32
        %add3A_88 = arith.constant 0 : i32
        %add3A_89 = arith.addi %mul3A_87, %add3A_88 : i32
        %dma_wait3A_90 = arith.constant 0 : i32
        %dma_wait3A_91 = arith.constant 0 : i32
        %dma_wait3A_92 = arith.constant 0 : i32
        %dma_wait3A_93 = tpu.memref_slice %arg9[%dma_wait3A_90, %dma_wait3A_91, %dma_wait3A_92] : memref<2x40x128xf32, #tpu.memory_space<vmem>> -> memref<1x40x128xf32, #tpu.memory_space<vmem>>
        %dma_wait3A_94 = tpu.memref_squeeze %dma_wait3A_93 : memref<1x40x128xf32, #tpu.memory_space<vmem>> -> memref<40x128xf32, #tpu.memory_space<vmem>>
        %dma_wait3A_95 = arith.constant 0 : i32
        %dma_wait3A_96 = tpu.memref_slice %arg7[%add3A_89, %dma_wait3A_95] : memref<50x40xi32, #tpu.memory_space<vmem>> -> memref<1x40xi32, #tpu.memory_space<vmem>>
        %dma_wait3A_97 = tpu.memref_squeeze %dma_wait3A_96 : memref<1x40xi32, #tpu.memory_space<vmem>> -> memref<40xi32, #tpu.memory_space<vmem>>
        %dma_wait3A_98 = arith.constant 0 : i32
        %dma_wait3A_99 = arith.constant 0 : i32
        %dma_wait3A_100 = tpu.memref_slice %arg2[%dma_wait3A_98, %dma_wait3A_99] : memref<10000x128xf32, #tpu.memory_space<hbm>> -> memref<10000x128xf32, #tpu.memory_space<hbm>>
        tpu.wait_indirect_dma semaphore(%arg14 : memref<!tpu.dma_semaphore, #tpu.memory_space<semaphore_mem>>) src(%dma_wait3A_100 : memref<10000x128xf32, #tpu.memory_space<hbm>>) dst(%dma_wait3A_94 : memref<40x128xf32, #tpu.memory_space<vmem>>)
        %dma_wait3A_101 = arith.constant 0 : i32
        %dma_wait3A_102 = arith.constant 0 : i32
        %dma_wait3A_103 = arith.constant 0 : i32
        %dma_wait3A_104 = tpu.memref_slice %arg10[%dma_wait3A_101, %dma_wait3A_102, %dma_wait3A_103] : memref<2x40x128xf32, #tpu.memory_space<vmem>> -> memref<1x40x128xf32, #tpu.memory_space<vmem>>
        %dma_wait3A_105 = tpu.memref_squeeze %dma_wait3A_104 : memref<1x40x128xf32, #tpu.memory_space<vmem>> -> memref<40x128xf32, #tpu.memory_space<vmem>>
        %dma_wait3A_106 = arith.constant 0 : i32
        %dma_wait3A_107 = tpu.memref_slice %arg8[%add3A_89, %dma_wait3A_106] : memref<50x40xi32, #tpu.memory_space<vmem>> -> memref<1x40xi32, #tpu.memory_space<vmem>>
        %dma_wait3A_108 = tpu.memref_squeeze %dma_wait3A_107 : memref<1x40xi32, #tpu.memory_space<vmem>> -> memref<40xi32, #tpu.memory_space<vmem>>
        %dma_wait3A_109 = arith.constant 0 : i32
        %dma_wait3A_110 = arith.constant 0 : i32
        %dma_wait3A_111 = tpu.memref_slice %arg3[%dma_wait3A_109, %dma_wait3A_110] : memref<10000x128xf32, #tpu.memory_space<hbm>> -> memref<10000x128xf32, #tpu.memory_space<hbm>>
        tpu.wait_indirect_dma semaphore(%arg16 : memref<!tpu.dma_semaphore, #tpu.memory_space<semaphore_mem>>) src(%dma_wait3A_111 : memref<10000x128xf32, #tpu.memory_space<hbm>>) dst(%dma_wait3A_105 : memref<40x128xf32, #tpu.memory_space<vmem>>)
        %ge3A_112 = arith.constant 1 : i32
        %ge3A_113 = arith.cmpi sge, %add3A_89, %ge3A_112 : i32
        %convert_element_type3A = arith.extui %ge3A_113 : i1 to i32
        %cond3A = arith.constant 0 : i32
        %cond3A_114 = arith.cmpi ne, %convert_element_type3A, %cond3A : i32
        scf.if %cond3A_114 {
          %sub3A = arith.constant 1 : i32
          %sub3A_266 = arith.subi %add3A_89, %sub3A : i32
          %dma_wait3A_267 = arith.constant 1 : i32
          %dma_wait3A_268 = arith.constant 0 : i32
          %dma_wait3A_269 = arith.constant 0 : i32
          %dma_wait3A_270 = tpu.memref_slice %arg10[%dma_wait3A_267, %dma_wait3A_268, %dma_wait3A_269] : memref<2x40x128xf32, #tpu.memory_space<vmem>> -> memref<1x40x128xf32, #tpu.memory_space<vmem>>
          %dma_wait3A_271 = tpu.memref_squeeze %dma_wait3A_270 : memref<1x40x128xf32, #tpu.memory_space<vmem>> -> memref<40x128xf32, #tpu.memory_space<vmem>>
          %dma_wait3A_272 = arith.constant 0 : i32
          %dma_wait3A_273 = tpu.memref_slice %arg8[%sub3A_266, %dma_wait3A_272] : memref<50x40xi32, #tpu.memory_space<vmem>> -> memref<1x40xi32, #tpu.memory_space<vmem>>
          %dma_wait3A_274 = tpu.memref_squeeze %dma_wait3A_273 : memref<1x40xi32, #tpu.memory_space<vmem>> -> memref<40xi32, #tpu.memory_space<vmem>>
          %dma_wait3A_275 = arith.constant 0 : i32
          %dma_wait3A_276 = arith.constant 0 : i32
          %dma_wait3A_277 = tpu.memref_slice %arg13[%dma_wait3A_275, %dma_wait3A_276] : memref<10112x128xf32, #tpu.memory_space<vmem_shared>> -> memref<10112x128xf32, #tpu.memory_space<vmem_shared>>
          tpu.wait_indirect_dma semaphore(%arg19 : memref<!tpu.dma_semaphore, #tpu.memory_space<semaphore_mem>>) src(%dma_wait3A_271 : memref<40x128xf32, #tpu.memory_space<vmem>>) dst(%dma_wait3A_277 : memref<10112x128xf32, #tpu.memory_space<vmem_shared>>)
        } else {
        }
        %lt3A = arith.constant 49 : i32
        %lt3A_115 = arith.cmpi slt, %add3A_89, %lt3A : i32
        %convert_element_type3A_116 = arith.extui %lt3A_115 : i1 to i32
        %cond3A_117 = arith.constant 0 : i32
        %cond3A_118 = arith.cmpi ne, %convert_element_type3A_116, %cond3A_117 : i32
        scf.if %cond3A_118 {
          %add3A_266 = arith.constant 1 : i32
          %add3A_267 = arith.addi %add3A_89, %add3A_266 : i32
          %dma_start3A_268 = arith.constant 1 : i32
          %dma_start3A_269 = arith.constant 0 : i32
          %dma_start3A_270 = arith.constant 0 : i32
          %dma_start3A_271 = tpu.memref_slice %arg9[%dma_start3A_268, %dma_start3A_269, %dma_start3A_270] : memref<2x40x128xf32, #tpu.memory_space<vmem>> -> memref<1x40x128xf32, #tpu.memory_space<vmem>>
          %dma_start3A_272 = tpu.memref_squeeze %dma_start3A_271 : memref<1x40x128xf32, #tpu.memory_space<vmem>> -> memref<40x128xf32, #tpu.memory_space<vmem>>
          %dma_start3A_273 = arith.constant 0 : i32
          %dma_start3A_274 = tpu.memref_slice %arg7[%add3A_267, %dma_start3A_273] : memref<50x40xi32, #tpu.memory_space<vmem>> -> memref<1x40xi32, #tpu.memory_space<vmem>>
          %dma_start3A_275 = tpu.memref_squeeze %dma_start3A_274 : memref<1x40xi32, #tpu.memory_space<vmem>> -> memref<40xi32, #tpu.memory_space<vmem>>
          %dma_start3A_276 = arith.constant 0 : i32
          %dma_start3A_277 = arith.constant 0 : i32
          %dma_start3A_278 = tpu.memref_slice %arg2[%dma_start3A_276, %dma_start3A_277] : memref<10000x128xf32, #tpu.memory_space<hbm>> -> memref<10000x128xf32, #tpu.memory_space<hbm>>
          tpu.enqueue_indirect_dma source(%dma_start3A_278 : memref<10000x128xf32, #tpu.memory_space<hbm>>) target(%dma_start3A_272 : memref<40x128xf32, #tpu.memory_space<vmem>>) offsets(%dma_start3A_275 : memref<40xi32, #tpu.memory_space<vmem>>) semaphore(%arg15 : memref<!tpu.dma_semaphore, #tpu.memory_space<semaphore_mem>>)
          %add3A_279 = arith.constant 1 : i32
          %add3A_280 = arith.addi %add3A_89, %add3A_279 : i32
          %dma_start3A_281 = arith.constant 1 : i32
          %dma_start3A_282 = arith.constant 0 : i32
          %dma_start3A_283 = arith.constant 0 : i32
          %dma_start3A_284 = tpu.memref_slice %arg10[%dma_start3A_281, %dma_start3A_282, %dma_start3A_283] : memref<2x40x128xf32, #tpu.memory_space<vmem>> -> memref<1x40x128xf32, #tpu.memory_space<vmem>>
          %dma_start3A_285 = tpu.memref_squeeze %dma_start3A_284 : memref<1x40x128xf32, #tpu.memory_space<vmem>> -> memref<40x128xf32, #tpu.memory_space<vmem>>
          %dma_start3A_286 = arith.constant 0 : i32
          %dma_start3A_287 = tpu.memref_slice %arg8[%add3A_280, %dma_start3A_286] : memref<50x40xi32, #tpu.memory_space<vmem>> -> memref<1x40xi32, #tpu.memory_space<vmem>>
          %dma_start3A_288 = tpu.memref_squeeze %dma_start3A_287 : memref<1x40xi32, #tpu.memory_space<vmem>> -> memref<40xi32, #tpu.memory_space<vmem>>
          %dma_start3A_289 = arith.constant 0 : i32
          %dma_start3A_290 = arith.constant 0 : i32
          %dma_start3A_291 = tpu.memref_slice %arg3[%dma_start3A_289, %dma_start3A_290] : memref<10000x128xf32, #tpu.memory_space<hbm>> -> memref<10000x128xf32, #tpu.memory_space<hbm>>
          tpu.enqueue_indirect_dma source(%dma_start3A_291 : memref<10000x128xf32, #tpu.memory_space<hbm>>) target(%dma_start3A_285 : memref<40x128xf32, #tpu.memory_space<vmem>>) offsets(%dma_start3A_288 : memref<40xi32, #tpu.memory_space<vmem>>) semaphore(%arg17 : memref<!tpu.dma_semaphore, #tpu.memory_space<semaphore_mem>>)
        } else {
        }
        %get3A = arith.index_cast %add3A_89 : i32 to index
        %get3A_119 = arith.constant 0 : index
        %get3A_120 = tpu.vector_load %arg8[%get3A, %get3A_119] {strides = array<i32>} : memref<50x40xi32, #tpu.memory_space<vmem>>, vector<16xi32>,
        %broadcast_in_dim3A = arith.constant true
        %broadcast_in_dim3A_121 = vector.broadcast %broadcast_in_dim3A : i1 to vector<16xi1>
        %unique3A, %unique3A_122 = tpu.scan_count mask(%broadcast_in_dim3A_121 : vector<16xi1>) value(%get3A_120 : vector<16xi32>) : vector<16xi1>, vector<16xi32>
        %shift_right_arithmetic3A = arith.constant 7 : i32
        %shift_right_arithmetic3A_123 = vector.broadcast %shift_right_arithmetic3A : i32 to vector<16xi32>
        %shift_right_arithmetic3A_124 = arith.shrsi %get3A_120, %shift_right_arithmetic3A_123 : vector<16xi32>
        %and3A = arith.constant 127 : i32
        %and3A_125 = vector.broadcast %and3A : i32 to vector<16xi32>
        %and3A_126 = arith.andi %get3A_120, %and3A_125 : vector<16xi32>
        %convert_element_type3A_127 = arith.sitofp %unique3A_122 : vector<16xi32> to vector<16xf32>
        tpu.vector_store_idx %arg11[%shift_right_arithmetic3A_124, %and3A_126], %convert_element_type3A_127 masked %unique3A {add = true} : memref<80x128xf32, #tpu.memory_space<vmem>>[vector<16xi32>, vector<16xi32>], vector<16xf32>, vector<16xi1>
        %get3A_128 = arith.index_cast %add3A_89 : i32 to index
        %get3A_129 = arith.constant 16 : index
        %get3A_130 = tpu.vector_load %arg8[%get3A_128, %get3A_129] {strides = array<i32>} : memref<50x40xi32, #tpu.memory_space<vmem>>, vector<16xi32>,
        %broadcast_in_dim3A_131 = arith.constant true
        %broadcast_in_dim3A_132 = vector.broadcast %broadcast_in_dim3A_131 : i1 to vector<16xi1>
        %unique3A_133, %unique3A_134 = tpu.scan_count mask(%broadcast_in_dim3A_132 : vector<16xi1>) value(%get3A_130 : vector<16xi32>) : vector<16xi1>, vector<16xi32>
        %shift_right_arithmetic3A_135 = arith.constant 7 : i32
        %shift_right_arithmetic3A_136 = vector.broadcast %shift_right_arithmetic3A_135 : i32 to vector<16xi32>
        %shift_right_arithmetic3A_137 = arith.shrsi %get3A_130, %shift_right_arithmetic3A_136 : vector<16xi32>
        %and3A_138 = arith.constant 127 : i32
        %and3A_139 = vector.broadcast %and3A_138 : i32 to vector<16xi32>
        %and3A_140 = arith.andi %get3A_130, %and3A_139 : vector<16xi32>
        %convert_element_type3A_141 = arith.sitofp %unique3A_134 : vector<16xi32> to vector<16xf32>
        tpu.vector_store_idx %arg11[%shift_right_arithmetic3A_137, %and3A_140], %convert_element_type3A_141 masked %unique3A_133 {add = true} : memref<80x128xf32, #tpu.memory_space<vmem>>[vector<16xi32>, vector<16xi32>], vector<16xf32>, vector<16xi1>
        %get3A_142 = arith.index_cast %add3A_89 : i32 to index
        %get3A_143 = arith.constant 24 : index
        %get3A_144 = tpu.vector_load %arg8[%get3A_142, %get3A_143] {strides = array<i32>} : memref<50x40xi32, #tpu.memory_space<vmem>>, vector<16xi32>,
        %unique3A_145, %unique3A_146 = tpu.scan_count mask(%ge3A_28 : vector<16xi1>) value(%get3A_144 : vector<16xi32>) : vector<16xi1>, vector<16xi32>
        %and3A_147 = arith.andi %unique3A_145, %ge3A_28 : vector<16xi1>
        %shift_right_arithmetic3A_148 = arith.constant 7 : i32
        %shift_right_arithmetic3A_149 = vector.broadcast %shift_right_arithmetic3A_148 : i32 to vector<16xi32>
        %shift_right_arithmetic3A_150 = arith.shrsi %get3A_144, %shift_right_arithmetic3A_149 : vector<16xi32>
        %and3A_151 = arith.constant 127 : i32
        %and3A_152 = vector.broadcast %and3A_151 : i32 to vector<16xi32>
        %and3A_153 = arith.andi %get3A_144, %and3A_152 : vector<16xi32>
        %convert_element_type3A_154 = arith.sitofp %unique3A_146 : vector<16xi32> to vector<16xf32>
        tpu.vector_store_idx %arg11[%shift_right_arithmetic3A_150, %and3A_153], %convert_element_type3A_154 masked %and3A_147 {add = true} : memref<80x128xf32, #tpu.memory_space<vmem>>[vector<16xi32>, vector<16xi32>], vector<16xf32>, vector<16xi1>
        %scan3A_155 = arith.constant 0 : i32
        %scan3A_156 = arith.constant 0 : i32
        %scan3A_157 = arith.constant 10 : i32
        %scan3A_158 = arith.addi %scan3A_156, %scan3A_157 : i32
        %scan3A_159 = arith.constant 1 : i32
        scf.for %scan3A_266 = %scan3A_156 to %scan3A_158 step %scan3A_159  : i32 {
          %mul3A_267 = arith.constant 4 : i32
          %mul3A_268 = arith.muli %scan3A_266, %mul3A_267 : i32
          %add3A_269 = arith.constant 1 : i32
          %add3A_270 = arith.addi %mul3A_268, %add3A_269 : i32
          %add3A_271 = arith.constant 2 : i32
          %add3A_272 = arith.addi %mul3A_268, %add3A_271 : i32
          %add3A_273 = arith.constant 3 : i32
          %add3A_274 = arith.addi %mul3A_268, %add3A_273 : i32
          %get3A_275 = arith.constant 0 : i32
          %get3A_276 = arith.constant 0 : i32
          %get3A_277 = tpu.memref_slice %arg9[%scan3A_29, %get3A_275, %get3A_276] : memref<2x40x128xf32, #tpu.memory_space<vmem>> -> memref<1x40x128xf32, #tpu.memory_space<vmem>>
          %get3A_278 = tpu.memref_squeeze %get3A_277 : memref<1x40x128xf32, #tpu.memory_space<vmem>> -> memref<40x128xf32, #tpu.memory_space<vmem>>
          %get3A_279 = arith.index_cast %mul3A_268 : i32 to index
          %get3A_280 = arith.constant 0 : index
          %get3A_281 = tpu.vector_load %get3A_278[%get3A_279, %get3A_280] {strides = array<i32>} : memref<40x128xf32, #tpu.memory_space<vmem>>, vector<16xf32>,
          %get3A_282 = arith.constant 0 : i32
          %get3A_283 = arith.constant 0 : i32
          %get3A_284 = tpu.memref_slice %arg10[%scan3A_30, %get3A_282, %get3A_283] : memref<2x40x128xf32, #tpu.memory_space<vmem>> -> memref<1x40x128xf32, #tpu.memory_space<vmem>>
          %get3A_285 = tpu.memref_squeeze %get3A_284 : memref<1x40x128xf32, #tpu.memory_space<vmem>> -> memref<40x128xf32, #tpu.memory_space<vmem>>
          %get3A_286 = arith.index_cast %mul3A_268 : i32 to index
          %get3A_287 = arith.constant 0 : index
          %get3A_288 = tpu.vector_load %get3A_285[%get3A_286, %get3A_287] {strides = array<i32>} : memref<40x128xf32, #tpu.memory_space<vmem>>, vector<16xf32>,
          %sub3A = arith.subf %get3A_281, %get3A_288 : vector<16xf32>
          %mul3A_289 = arith.mulf %sub3A, %sub3A : vector<16xf32>
          %get3A_290 = arith.constant 0 : i32
          %get3A_291 = arith.constant 0 : i32
          %get3A_292 = tpu.memref_slice %arg9[%scan3A_29, %get3A_290, %get3A_291] : memref<2x40x128xf32, #tpu.memory_space<vmem>> -> memref<1x40x128xf32, #tpu.memory_space<vmem>>
          %get3A_293 = tpu.memref_squeeze %get3A_292 : memref<1x40x128xf32, #tpu.memory_space<vmem>> -> memref<40x128xf32, #tpu.memory_space<vmem>>
          %get3A_294 = arith.index_cast %mul3A_268 : i32 to index
          %get3A_295 = arith.constant 16 : index
          %get3A_296 = tpu.vector_load %get3A_293[%get3A_294, %get3A_295] {strides = array<i32>} : memref<40x128xf32, #tpu.memory_space<vmem>>, vector<16xf32>,
          %get3A_297 = arith.constant 0 : i32
          %get3A_298 = arith.constant 0 : i32
          %get3A_299 = tpu.memref_slice %arg10[%scan3A_30, %get3A_297, %get3A_298] : memref<2x40x128xf32, #tpu.memory_space<vmem>> -> memref<1x40x128xf32, #tpu.memory_space<vmem>>
          %get3A_300 = tpu.memref_squeeze %get3A_299 : memref<1x40x128xf32, #tpu.memory_space<vmem>> -> memref<40x128xf32, #tpu.memory_space<vmem>>
          %get3A_301 = arith.index_cast %mul3A_268 : i32 to index
          %get3A_302 = arith.constant 16 : index
          %get3A_303 = tpu.vector_load %get3A_300[%get3A_301, %get3A_302] {strides = array<i32>} : memref<40x128xf32, #tpu.memory_space<vmem>>, vector<16xf32>,
          %sub3A_304 = arith.subf %get3A_296, %get3A_303 : vector<16xf32>
          %add3A_305 = arith.addf %sub3A, %sub3A_304 : vector<16xf32>
          %mul3A_306 = arith.mulf %sub3A_304, %sub3A_304 : vector<16xf32>
          %add3A_307 = arith.addf %mul3A_289, %mul3A_306 : vector<16xf32>
          %get3A_308 = arith.constant 0 : i32
          %get3A_309 = arith.constant 0 : i32
          %get3A_310 = tpu.memref_slice %arg9[%scan3A_29, %get3A_308, %get3A_309] : memref<2x40x128xf32, #tpu.memory_space<vmem>> -> memref<1x40x128xf32, #tpu.memory_space<vmem>>
          %get3A_311 = tpu.memref_squeeze %get3A_310 : memref<1x40x128xf32, #tpu.memory_space<vmem>> -> memref<40x128xf32, #tpu.memory_space<vmem>>
          %get3A_312 = arith.index_cast %mul3A_268 : i32 to index
          %get3A_313 = arith.constant 32 : index
          %get3A_314 = tpu.vector_load %get3A_311[%get3A_312, %get3A_313] {strides = array<i32>} : memref<40x128xf32, #tpu.memory_space<vmem>>, vector<16xf32>,
          %get3A_315 = arith.constant 0 : i32
          %get3A_316 = arith.constant 0 : i32
          %get3A_317 = tpu.memref_slice %arg10[%scan3A_30, %get3A_315, %get3A_316] : memref<2x40x128xf32, #tpu.memory_space<vmem>> -> memref<1x40x128xf32, #tpu.memory_space<vmem>>
          %get3A_318 = tpu.memref_squeeze %get3A_317 : memref<1x40x128xf32, #tpu.memory_space<vmem>> -> memref<40x128xf32, #tpu.memory_space<vmem>>
          %get3A_319 = arith.index_cast %mul3A_268 : i32 to index
          %get3A_320 = arith.constant 32 : index
          %get3A_321 = tpu.vector_load %get3A_318[%get3A_319, %get3A_320] {strides = array<i32>} : memref<40x128xf32, #tpu.memory_space<vmem>>, vector<16xf32>,
          %sub3A_322 = arith.subf %get3A_314, %get3A_321 : vector<16xf32>
          %add3A_323 = arith.addf %add3A_305, %sub3A_322 : vector<16xf32>
          %mul3A_324 = arith.mulf %sub3A_322, %sub3A_322 : vector<16xf32>
          %add3A_325 = arith.addf %add3A_307, %mul3A_324 : vector<16xf32>
          %get3A_326 = arith.constant 0 : i32
          %get3A_327 = arith.constant 0 : i32
          %get3A_328 = tpu.memref_slice %arg9[%scan3A_29, %get3A_326, %get3A_327] : memref<2x40x128xf32, #tpu.memory_space<vmem>> -> memref<1x40x128xf32, #tpu.memory_space<vmem>>
          %get3A_329 = tpu.memref_squeeze %get3A_328 : memref<1x40x128xf32, #tpu.memory_space<vmem>> -> memref<40x128xf32, #tpu.memory_space<vmem>>
          %get3A_330 = arith.index_cast %mul3A_268 : i32 to index
          %get3A_331 = arith.constant 48 : index
          %get3A_332 = tpu.vector_load %get3A_329[%get3A_330, %get3A_331] {strides = array<i32>} : memref<40x128xf32, #tpu.memory_space<vmem>>, vector<16xf32>,
          %get3A_333 = arith.constant 0 : i32
          %get3A_334 = arith.constant 0 : i32
          %get3A_335 = tpu.memref_slice %arg10[%scan3A_30, %get3A_333, %get3A_334] : memref<2x40x128xf32, #tpu.memory_space<vmem>> -> memref<1x40x128xf32, #tpu.memory_space<vmem>>
          %get3A_336 = tpu.memref_squeeze %get3A_335 : memref<1x40x128xf32, #tpu.memory_space<vmem>> -> memref<40x128xf32, #tpu.memory_space<vmem>>
          %get3A_337 = arith.index_cast %mul3A_268 : i32 to index
          %get3A_338 = arith.constant 48 : index
          %get3A_339 = tpu.vector_load %get3A_336[%get3A_337, %get3A_338] {strides = array<i32>} : memref<40x128xf32, #tpu.memory_space<vmem>>, vector<16xf32>,
          %sub3A_340 = arith.subf %get3A_332, %get3A_339 : vector<16xf32>
          %add3A_341 = arith.addf %add3A_323, %sub3A_340 : vector<16xf32>
          %mul3A_342 = arith.mulf %sub3A_340, %sub3A_340 : vector<16xf32>
          %add3A_343 = arith.addf %add3A_325, %mul3A_342 : vector<16xf32>
          %get3A_344 = arith.constant 0 : i32
          %get3A_345 = arith.constant 0 : i32
          %get3A_346 = tpu.memref_slice %arg9[%scan3A_29, %get3A_344, %get3A_345] : memref<2x40x128xf32, #tpu.memory_space<vmem>> -> memref<1x40x128xf32, #tpu.memory_space<vmem>>
          %get3A_347 = tpu.memref_squeeze %get3A_346 : memref<1x40x128xf32, #tpu.memory_space<vmem>> -> memref<40x128xf32, #tpu.memory_space<vmem>>
          %get3A_348 = arith.index_cast %mul3A_268 : i32 to index
          %get3A_349 = arith.constant 64 : index
          %get3A_350 = tpu.vector_load %get3A_347[%get3A_348, %get3A_349] {strides = array<i32>} : memref<40x128xf32, #tpu.memory_space<vmem>>, vector<16xf32>,
          %get3A_351 = arith.constant 0 : i32
          %get3A_352 = arith.constant 0 : i32
          %get3A_353 = tpu.memref_slice %arg10[%scan3A_30, %get3A_351, %get3A_352] : memref<2x40x128xf32, #tpu.memory_space<vmem>> -> memref<1x40x128xf32, #tpu.memory_space<vmem>>
          %get3A_354 = tpu.memref_squeeze %get3A_353 : memref<1x40x128xf32, #tpu.memory_space<vmem>> -> memref<40x128xf32, #tpu.memory_space<vmem>>
          %get3A_355 = arith.index_cast %mul3A_268 : i32 to index
          %get3A_356 = arith.constant 64 : index
          %get3A_357 = tpu.vector_load %get3A_354[%get3A_355, %get3A_356] {strides = array<i32>} : memref<40x128xf32, #tpu.memory_space<vmem>>, vector<16xf32>,
          %sub3A_358 = arith.subf %get3A_350, %get3A_357 : vector<16xf32>
          %add3A_359 = arith.addf %add3A_341, %sub3A_358 : vector<16xf32>
          %mul3A_360 = arith.mulf %sub3A_358, %sub3A_358 : vector<16xf32>
          %add3A_361 = arith.addf %add3A_343, %mul3A_360 : vector<16xf32>
          %get3A_362 = arith.constant 0 : i32
          %get3A_363 = arith.constant 0 : i32
          %get3A_364 = tpu.memref_slice %arg9[%scan3A_29, %get3A_362, %get3A_363] : memref<2x40x128xf32, #tpu.memory_space<vmem>> -> memref<1x40x128xf32, #tpu.memory_space<vmem>>
          %get3A_365 = tpu.memref_squeeze %get3A_364 : memref<1x40x128xf32, #tpu.memory_space<vmem>> -> memref<40x128xf32, #tpu.memory_space<vmem>>
          %get3A_366 = arith.index_cast %mul3A_268 : i32 to index
          %get3A_367 = arith.constant 80 : index
          %get3A_368 = tpu.vector_load %get3A_365[%get3A_366, %get3A_367] {strides = array<i32>} : memref<40x128xf32, #tpu.memory_space<vmem>>, vector<16xf32>,
          %get3A_369 = arith.constant 0 : i32
          %get3A_370 = arith.constant 0 : i32
          %get3A_371 = tpu.memref_slice %arg10[%scan3A_30, %get3A_369, %get3A_370] : memref<2x40x128xf32, #tpu.memory_space<vmem>> -> memref<1x40x128xf32, #tpu.memory_space<vmem>>
          %get3A_372 = tpu.memref_squeeze %get3A_371 : memref<1x40x128xf32, #tpu.memory_space<vmem>> -> memref<40x128xf32, #tpu.memory_space<vmem>>
          %get3A_373 = arith.index_cast %mul3A_268 : i32 to index
          %get3A_374 = arith.constant 80 : index
          %get3A_375 = tpu.vector_load %get3A_372[%get3A_373, %get3A_374] {strides = array<i32>} : memref<40x128xf32, #tpu.memory_space<vmem>>, vector<16xf32>,
          %sub3A_376 = arith.subf %get3A_368, %get3A_375 : vector<16xf32>
          %add3A_377 = arith.addf %add3A_359, %sub3A_376 : vector<16xf32>
          %mul3A_378 = arith.mulf %sub3A_376, %sub3A_376 : vector<16xf32>
          %add3A_379 = arith.addf %add3A_361, %mul3A_378 : vector<16xf32>
          %get3A_380 = arith.constant 0 : i32
          %get3A_381 = arith.constant 0 : i32
          %get3A_382 = tpu.memref_slice %arg9[%scan3A_29, %get3A_380, %get3A_381] : memref<2x40x128xf32, #tpu.memory_space<vmem>> -> memref<1x40x128xf32, #tpu.memory_space<vmem>>
          %get3A_383 = tpu.memref_squeeze %get3A_382 : memref<1x40x128xf32, #tpu.memory_space<vmem>> -> memref<40x128xf32, #tpu.memory_space<vmem>>
          %get3A_384 = arith.index_cast %mul3A_268 : i32 to index
          %get3A_385 = arith.constant 96 : index
          %get3A_386 = tpu.vector_load %get3A_383[%get3A_384, %get3A_385] {strides = array<i32>} : memref<40x128xf32, #tpu.memory_space<vmem>>, vector<16xf32>,
          %get3A_387 = arith.constant 0 : i32
          %get3A_388 = arith.constant 0 : i32
          %get3A_389 = tpu.memref_slice %arg10[%scan3A_30, %get3A_387, %get3A_388] : memref<2x40x128xf32, #tpu.memory_space<vmem>> -> memref<1x40x128xf32, #tpu.memory_space<vmem>>
          %get3A_390 = tpu.memref_squeeze %get3A_389 : memref<1x40x128xf32, #tpu.memory_space<vmem>> -> memref<40x128xf32, #tpu.memory_space<vmem>>
          %get3A_391 = arith.index_cast %mul3A_268 : i32 to index
          %get3A_392 = arith.constant 96 : index
          %get3A_393 = tpu.vector_load %get3A_390[%get3A_391, %get3A_392] {strides = array<i32>} : memref<40x128xf32, #tpu.memory_space<vmem>>, vector<16xf32>,
          %sub3A_394 = arith.subf %get3A_386, %get3A_393 : vector<16xf32>
          %add3A_395 = arith.addf %add3A_377, %sub3A_394 : vector<16xf32>
          %mul3A_396 = arith.mulf %sub3A_394, %sub3A_394 : vector<16xf32>
          %add3A_397 = arith.addf %add3A_379, %mul3A_396 : vector<16xf32>
          %get3A_398 = arith.constant 0 : i32
          %get3A_399 = arith.constant 0 : i32
          %get3A_400 = tpu.memref_slice %arg9[%scan3A_29, %get3A_398, %get3A_399] : memref<2x40x128xf32, #tpu.memory_space<vmem>> -> memref<1x40x128xf32, #tpu.memory_space<vmem>>
          %get3A_401 = tpu.memref_squeeze %get3A_400 : memref<1x40x128xf32, #tpu.memory_space<vmem>> -> memref<40x128xf32, #tpu.memory_space<vmem>>
          %get3A_402 = arith.index_cast %mul3A_268 : i32 to index
          %get3A_403 = arith.constant 112 : index
          %get3A_404 = tpu.vector_load %get3A_401[%get3A_402, %get3A_403] {strides = array<i32>} : memref<40x128xf32, #tpu.memory_space<vmem>>, vector<16xf32>,
          %get3A_405 = arith.constant 0 : i32
          %get3A_406 = arith.constant 0 : i32
          %get3A_407 = tpu.memref_slice %arg10[%scan3A_30, %get3A_405, %get3A_406] : memref<2x40x128xf32, #tpu.memory_space<vmem>> -> memref<1x40x128xf32, #tpu.memory_space<vmem>>
          %get3A_408 = tpu.memref_squeeze %get3A_407 : memref<1x40x128xf32, #tpu.memory_space<vmem>> -> memref<40x128xf32, #tpu.memory_space<vmem>>
          %get3A_409 = arith.index_cast %mul3A_268 : i32 to index
          %get3A_410 = arith.constant 112 : index
          %get3A_411 = tpu.vector_load %get3A_408[%get3A_409, %get3A_410] {strides = array<i32>} : memref<40x128xf32, #tpu.memory_space<vmem>>, vector<16xf32>,
          %sub3A_412 = arith.subf %get3A_404, %get3A_411 : vector<16xf32>
          %add3A_413 = arith.addf %add3A_395, %sub3A_412 : vector<16xf32>
          %mul3A_414 = arith.mulf %sub3A_412, %sub3A_412 : vector<16xf32>
          %add3A_415 = arith.addf %add3A_397, %mul3A_414 : vector<16xf32>
          %get3A_416 = arith.constant 0 : i32
          %get3A_417 = arith.constant 0 : i32
          %get3A_418 = tpu.memref_slice %arg9[%scan3A_29, %get3A_416, %get3A_417] : memref<2x40x128xf32, #tpu.memory_space<vmem>> -> memref<1x40x128xf32, #tpu.memory_space<vmem>>
          %get3A_419 = tpu.memref_squeeze %get3A_418 : memref<1x40x128xf32, #tpu.memory_space<vmem>> -> memref<40x128xf32, #tpu.memory_space<vmem>>
          %get3A_420 = arith.index_cast %add3A_270 : i32 to index
          %get3A_421 = arith.constant 0 : index
          %get3A_422 = tpu.vector_load %get3A_419[%get3A_420, %get3A_421] {strides = array<i32>} : memref<40x128xf32, #tpu.memory_space<vmem>>, vector<16xf32>,
          %get3A_423 = arith.constant 0 : i32
          %get3A_424 = arith.constant 0 : i32
          %get3A_425 = tpu.memref_slice %arg10[%scan3A_30, %get3A_423, %get3A_424] : memref<2x40x128xf32, #tpu.memory_space<vmem>> -> memref<1x40x128xf32, #tpu.memory_space<vmem>>
          %get3A_426 = tpu.memref_squeeze %get3A_425 : memref<1x40x128xf32, #tpu.memory_space<vmem>> -> memref<40x128xf32, #tpu.memory_space<vmem>>
          %get3A_427 = arith.index_cast %add3A_270 : i32 to index
          %get3A_428 = arith.constant 0 : index
          %get3A_429 = tpu.vector_load %get3A_426[%get3A_427, %get3A_428] {strides = array<i32>} : memref<40x128xf32, #tpu.memory_space<vmem>>, vector<16xf32>,
          %sub3A_430 = arith.subf %get3A_422, %get3A_429 : vector<16xf32>
          %mul3A_431 = arith.mulf %sub3A_430, %sub3A_430 : vector<16xf32>
          %get3A_432 = arith.constant 0 : i32
          %get3A_433 = arith.constant 0 : i32
          %get3A_434 = tpu.memref_slice %arg9[%scan3A_29, %get3A_432, %get3A_433] : memref<2x40x128xf32, #tpu.memory_space<vmem>> -> memref<1x40x128xf32, #tpu.memory_space<vmem>>
          %get3A_435 = tpu.memref_squeeze %get3A_434 : memref<1x40x128xf32, #tpu.memory_space<vmem>> -> memref<40x128xf32, #tpu.memory_space<vmem>>
          %get3A_436 = arith.index_cast %add3A_270 : i32 to index
          %get3A_437 = arith.constant 16 : index
          %get3A_438 = tpu.vector_load %get3A_435[%get3A_436, %get3A_437] {strides = array<i32>} : memref<40x128xf32, #tpu.memory_space<vmem>>, vector<16xf32>,
          %get3A_439 = arith.constant 0 : i32
          %get3A_440 = arith.constant 0 : i32
          %get3A_441 = tpu.memref_slice %arg10[%scan3A_30, %get3A_439, %get3A_440] : memref<2x40x128xf32, #tpu.memory_space<vmem>> -> memref<1x40x128xf32, #tpu.memory_space<vmem>>
          %get3A_442 = tpu.memref_squeeze %get3A_441 : memref<1x40x128xf32, #tpu.memory_space<vmem>> -> memref<40x128xf32, #tpu.memory_space<vmem>>
          %get3A_443 = arith.index_cast %add3A_270 : i32 to index
          %get3A_444 = arith.constant 16 : index
          %get3A_445 = tpu.vector_load %get3A_442[%get3A_443, %get3A_444] {strides = array<i32>} : memref<40x128xf32, #tpu.memory_space<vmem>>, vector<16xf32>,
          %sub3A_446 = arith.subf %get3A_438, %get3A_445 : vector<16xf32>
          %add3A_447 = arith.addf %sub3A_430, %sub3A_446 : vector<16xf32>
          %mul3A_448 = arith.mulf %sub3A_446, %sub3A_446 : vector<16xf32>
          %add3A_449 = arith.addf %mul3A_431, %mul3A_448 : vector<16xf32>
          %get3A_450 = arith.constant 0 : i32
          %get3A_451 = arith.constant 0 : i32
          %get3A_452 = tpu.memref_slice %arg9[%scan3A_29, %get3A_450, %get3A_451] : memref<2x40x128xf32, #tpu.memory_space<vmem>> -> memref<1x40x128xf32, #tpu.memory_space<vmem>>
          %get3A_453 = tpu.memref_squeeze %get3A_452 : memref<1x40x128xf32, #tpu.memory_space<vmem>> -> memref<40x128xf32, #tpu.memory_space<vmem>>
          %get3A_454 = arith.index_cast %add3A_270 : i32 to index
          %get3A_455 = arith.constant 32 : index
          %get3A_456 = tpu.vector_load %get3A_453[%get3A_454, %get3A_455] {strides = array<i32>} : memref<40x128xf32, #tpu.memory_space<vmem>>, vector<16xf32>,
          %get3A_457 = arith.constant 0 : i32
          %get3A_458 = arith.constant 0 : i32
          %get3A_459 = tpu.memref_slice %arg10[%scan3A_30, %get3A_457, %get3A_458] : memref<2x40x128xf32, #tpu.memory_space<vmem>> -> memref<1x40x128xf32, #tpu.memory_space<vmem>>
          %get3A_460 = tpu.memref_squeeze %get3A_459 : memref<1x40x128xf32, #tpu.memory_space<vmem>> -> memref<40x128xf32, #tpu.memory_space<vmem>>
          %get3A_461 = arith.index_cast %add3A_270 : i32 to index
          %get3A_462 = arith.constant 32 : index
          %get3A_463 = tpu.vector_load %get3A_460[%get3A_461, %get3A_462] {strides = array<i32>} : memref<40x128xf32, #tpu.memory_space<vmem>>, vector<16xf32>,
          %sub3A_464 = arith.subf %get3A_456, %get3A_463 : vector<16xf32>
          %add3A_465 = arith.addf %add3A_447, %sub3A_464 : vector<16xf32>
          %mul3A_466 = arith.mulf %sub3A_464, %sub3A_464 : vector<16xf32>
          %add3A_467 = arith.addf %add3A_449, %mul3A_466 : vector<16xf32>
          %get3A_468 = arith.constant 0 : i32
          %get3A_469 = arith.constant 0 : i32
          %get3A_470 = tpu.memref_slice %arg9[%scan3A_29, %get3A_468, %get3A_469] : memref<2x40x128xf32, #tpu.memory_space<vmem>> -> memref<1x40x128xf32, #tpu.memory_space<vmem>>
          %get3A_471 = tpu.memref_squeeze %get3A_470 : memref<1x40x128xf32, #tpu.memory_space<vmem>> -> memref<40x128xf32, #tpu.memory_space<vmem>>
          %get3A_472 = arith.index_cast %add3A_270 : i32 to index
          %get3A_473 = arith.constant 48 : index
          %get3A_474 = tpu.vector_load %get3A_471[%get3A_472, %get3A_473] {strides = array<i32>} : memref<40x128xf32, #tpu.memory_space<vmem>>, vector<16xf32>,
          %get3A_475 = arith.constant 0 : i32
          %get3A_476 = arith.constant 0 : i32
          %get3A_477 = tpu.memref_slice %arg10[%scan3A_30, %get3A_475, %get3A_476] : memref<2x40x128xf32, #tpu.memory_space<vmem>> -> memref<1x40x128xf32, #tpu.memory_space<vmem>>
          %get3A_478 = tpu.memref_squeeze %get3A_477 : memref<1x40x128xf32, #tpu.memory_space<vmem>> -> memref<40x128xf32, #tpu.memory_space<vmem>>
          %get3A_479 = arith.index_cast %add3A_270 : i32 to index
          %get3A_480 = arith.constant 48 : index
          %get3A_481 = tpu.vector_load %get3A_478[%get3A_479, %get3A_480] {strides = array<i32>} : memref<40x128xf32, #tpu.memory_space<vmem>>, vector<16xf32>,
          %sub3A_482 = arith.subf %get3A_474, %get3A_481 : vector<16xf32>
          %add3A_483 = arith.addf %add3A_465, %sub3A_482 : vector<16xf32>
          %mul3A_484 = arith.mulf %sub3A_482, %sub3A_482 : vector<16xf32>
          %add3A_485 = arith.addf %add3A_467, %mul3A_484 : vector<16xf32>
          %get3A_486 = arith.constant 0 : i32
          %get3A_487 = arith.constant 0 : i32
          %get3A_488 = tpu.memref_slice %arg9[%scan3A_29, %get3A_486, %get3A_487] : memref<2x40x128xf32, #tpu.memory_space<vmem>> -> memref<1x40x128xf32, #tpu.memory_space<vmem>>
          %get3A_489 = tpu.memref_squeeze %get3A_488 : memref<1x40x128xf32, #tpu.memory_space<vmem>> -> memref<40x128xf32, #tpu.memory_space<vmem>>
          %get3A_490 = arith.index_cast %add3A_270 : i32 to index
          %get3A_491 = arith.constant 64 : index
          %get3A_492 = tpu.vector_load %get3A_489[%get3A_490, %get3A_491] {strides = array<i32>} : memref<40x128xf32, #tpu.memory_space<vmem>>, vector<16xf32>,
          %get3A_493 = arith.constant 0 : i32
          %get3A_494 = arith.constant 0 : i32
          %get3A_495 = tpu.memref_slice %arg10[%scan3A_30, %get3A_493, %get3A_494] : memref<2x40x128xf32, #tpu.memory_space<vmem>> -> memref<1x40x128xf32, #tpu.memory_space<vmem>>
          %get3A_496 = tpu.memref_squeeze %get3A_495 : memref<1x40x128xf32, #tpu.memory_space<vmem>> -> memref<40x128xf32, #tpu.memory_space<vmem>>
          %get3A_497 = arith.index_cast %add3A_270 : i32 to index
          %get3A_498 = arith.constant 64 : index
          %get3A_499 = tpu.vector_load %get3A_496[%get3A_497, %get3A_498] {strides = array<i32>} : memref<40x128xf32, #tpu.memory_space<vmem>>, vector<16xf32>,
          %sub3A_500 = arith.subf %get3A_492, %get3A_499 : vector<16xf32>
          %add3A_501 = arith.addf %add3A_483, %sub3A_500 : vector<16xf32>
          %mul3A_502 = arith.mulf %sub3A_500, %sub3A_500 : vector<16xf32>
          %add3A_503 = arith.addf %add3A_485, %mul3A_502 : vector<16xf32>
          %get3A_504 = arith.constant 0 : i32
          %get3A_505 = arith.constant 0 : i32
          %get3A_506 = tpu.memref_slice %arg9[%scan3A_29, %get3A_504, %get3A_505] : memref<2x40x128xf32, #tpu.memory_space<vmem>> -> memref<1x40x128xf32, #tpu.memory_space<vmem>>
          %get3A_507 = tpu.memref_squeeze %get3A_506 : memref<1x40x128xf32, #tpu.memory_space<vmem>> -> memref<40x128xf32, #tpu.memory_space<vmem>>
          %get3A_508 = arith.index_cast %add3A_270 : i32 to index
          %get3A_509 = arith.constant 80 : index
          %get3A_510 = tpu.vector_load %get3A_507[%get3A_508, %get3A_509] {strides = array<i32>} : memref<40x128xf32, #tpu.memory_space<vmem>>, vector<16xf32>,
          %get3A_511 = arith.constant 0 : i32
          %get3A_512 = arith.constant 0 : i32
          %get3A_513 = tpu.memref_slice %arg10[%scan3A_30, %get3A_511, %get3A_512] : memref<2x40x128xf32, #tpu.memory_space<vmem>> -> memref<1x40x128xf32, #tpu.memory_space<vmem>>
          %get3A_514 = tpu.memref_squeeze %get3A_513 : memref<1x40x128xf32, #tpu.memory_space<vmem>> -> memref<40x128xf32, #tpu.memory_space<vmem>>
          %get3A_515 = arith.index_cast %add3A_270 : i32 to index
          %get3A_516 = arith.constant 80 : index
          %get3A_517 = tpu.vector_load %get3A_514[%get3A_515, %get3A_516] {strides = array<i32>} : memref<40x128xf32, #tpu.memory_space<vmem>>, vector<16xf32>,
          %sub3A_518 = arith.subf %get3A_510, %get3A_517 : vector<16xf32>
          %add3A_519 = arith.addf %add3A_501, %sub3A_518 : vector<16xf32>
          %mul3A_520 = arith.mulf %sub3A_518, %sub3A_518 : vector<16xf32>
          %add3A_521 = arith.addf %add3A_503, %mul3A_520 : vector<16xf32>
          %get3A_522 = arith.constant 0 : i32
          %get3A_523 = arith.constant 0 : i32
          %get3A_524 = tpu.memref_slice %arg9[%scan3A_29, %get3A_522, %get3A_523] : memref<2x40x128xf32, #tpu.memory_space<vmem>> -> memref<1x40x128xf32, #tpu.memory_space<vmem>>
          %get3A_525 = tpu.memref_squeeze %get3A_524 : memref<1x40x128xf32, #tpu.memory_space<vmem>> -> memref<40x128xf32, #tpu.memory_space<vmem>>
          %get3A_526 = arith.index_cast %add3A_270 : i32 to index
          %get3A_527 = arith.constant 96 : index
          %get3A_528 = tpu.vector_load %get3A_525[%get3A_526, %get3A_527] {strides = array<i32>} : memref<40x128xf32, #tpu.memory_space<vmem>>, vector<16xf32>,
          %get3A_529 = arith.constant 0 : i32
          %get3A_530 = arith.constant 0 : i32
          %get3A_531 = tpu.memref_slice %arg10[%scan3A_30, %get3A_529, %get3A_530] : memref<2x40x128xf32, #tpu.memory_space<vmem>> -> memref<1x40x128xf32, #tpu.memory_space<vmem>>
          %get3A_532 = tpu.memref_squeeze %get3A_531 : memref<1x40x128xf32, #tpu.memory_space<vmem>> -> memref<40x128xf32, #tpu.memory_space<vmem>>
          %get3A_533 = arith.index_cast %add3A_270 : i32 to index
          %get3A_534 = arith.constant 96 : index
          %get3A_535 = tpu.vector_load %get3A_532[%get3A_533, %get3A_534] {strides = array<i32>} : memref<40x128xf32, #tpu.memory_space<vmem>>, vector<16xf32>,
          %sub3A_536 = arith.subf %get3A_528, %get3A_535 : vector<16xf32>
          %add3A_537 = arith.addf %add3A_519, %sub3A_536 : vector<16xf32>
          %mul3A_538 = arith.mulf %sub3A_536, %sub3A_536 : vector<16xf32>
          %add3A_539 = arith.addf %add3A_521, %mul3A_538 : vector<16xf32>
          %get3A_540 = arith.constant 0 : i32
          %get3A_541 = arith.constant 0 : i32
          %get3A_542 = tpu.memref_slice %arg9[%scan3A_29, %get3A_540, %get3A_541] : memref<2x40x128xf32, #tpu.memory_space<vmem>> -> memref<1x40x128xf32, #tpu.memory_space<vmem>>
          %get3A_543 = tpu.memref_squeeze %get3A_542 : memref<1x40x128xf32, #tpu.memory_space<vmem>> -> memref<40x128xf32, #tpu.memory_space<vmem>>
          %get3A_544 = arith.index_cast %add3A_270 : i32 to index
          %get3A_545 = arith.constant 112 : index
          %get3A_546 = tpu.vector_load %get3A_543[%get3A_544, %get3A_545] {strides = array<i32>} : memref<40x128xf32, #tpu.memory_space<vmem>>, vector<16xf32>,
          %get3A_547 = arith.constant 0 : i32
          %get3A_548 = arith.constant 0 : i32
          %get3A_549 = tpu.memref_slice %arg10[%scan3A_30, %get3A_547, %get3A_548] : memref<2x40x128xf32, #tpu.memory_space<vmem>> -> memref<1x40x128xf32, #tpu.memory_space<vmem>>
          %get3A_550 = tpu.memref_squeeze %get3A_549 : memref<1x40x128xf32, #tpu.memory_space<vmem>> -> memref<40x128xf32, #tpu.memory_space<vmem>>
          %get3A_551 = arith.index_cast %add3A_270 : i32 to index
          %get3A_552 = arith.constant 112 : index
          %get3A_553 = tpu.vector_load %get3A_550[%get3A_551, %get3A_552] {strides = array<i32>} : memref<40x128xf32, #tpu.memory_space<vmem>>, vector<16xf32>,
          %sub3A_554 = arith.subf %get3A_546, %get3A_553 : vector<16xf32>
          %add3A_555 = arith.addf %add3A_537, %sub3A_554 : vector<16xf32>
          %mul3A_556 = arith.mulf %sub3A_554, %sub3A_554 : vector<16xf32>
          %add3A_557 = arith.addf %add3A_539, %mul3A_556 : vector<16xf32>
          %get3A_558 = arith.constant 0 : i32
          %get3A_559 = arith.constant 0 : i32
          %get3A_560 = tpu.memref_slice %arg9[%scan3A_29, %get3A_558, %get3A_559] : memref<2x40x128xf32, #tpu.memory_space<vmem>> -> memref<1x40x128xf32, #tpu.memory_space<vmem>>
          %get3A_561 = tpu.memref_squeeze %get3A_560 : memref<1x40x128xf32, #tpu.memory_space<vmem>> -> memref<40x128xf32, #tpu.memory_space<vmem>>
          %get3A_562 = arith.index_cast %add3A_272 : i32 to index
          %get3A_563 = arith.constant 0 : index
          %get3A_564 = tpu.vector_load %get3A_561[%get3A_562, %get3A_563] {strides = array<i32>} : memref<40x128xf32, #tpu.memory_space<vmem>>, vector<16xf32>,
          %get3A_565 = arith.constant 0 : i32
          %get3A_566 = arith.constant 0 : i32
          %get3A_567 = tpu.memref_slice %arg10[%scan3A_30, %get3A_565, %get3A_566] : memref<2x40x128xf32, #tpu.memory_space<vmem>> -> memref<1x40x128xf32, #tpu.memory_space<vmem>>
          %get3A_568 = tpu.memref_squeeze %get3A_567 : memref<1x40x128xf32, #tpu.memory_space<vmem>> -> memref<40x128xf32, #tpu.memory_space<vmem>>
          %get3A_569 = arith.index_cast %add3A_272 : i32 to index
          %get3A_570 = arith.constant 0 : index
          %get3A_571 = tpu.vector_load %get3A_568[%get3A_569, %get3A_570] {strides = array<i32>} : memref<40x128xf32, #tpu.memory_space<vmem>>, vector<16xf32>,
          %sub3A_572 = arith.subf %get3A_564, %get3A_571 : vector<16xf32>
          %mul3A_573 = arith.mulf %sub3A_572, %sub3A_572 : vector<16xf32>
          %get3A_574 = arith.constant 0 : i32
          %get3A_575 = arith.constant 0 : i32
          %get3A_576 = tpu.memref_slice %arg9[%scan3A_29, %get3A_574, %get3A_575] : memref<2x40x128xf32, #tpu.memory_space<vmem>> -> memref<1x40x128xf32, #tpu.memory_space<vmem>>
          %get3A_577 = tpu.memref_squeeze %get3A_576 : memref<1x40x128xf32, #tpu.memory_space<vmem>> -> memref<40x128xf32, #tpu.memory_space<vmem>>
          %get3A_578 = arith.index_cast %add3A_272 : i32 to index
          %get3A_579 = arith.constant 16 : index
          %get3A_580 = tpu.vector_load %get3A_577[%get3A_578, %get3A_579] {strides = array<i32>} : memref<40x128xf32, #tpu.memory_space<vmem>>, vector<16xf32>,
          %get3A_581 = arith.constant 0 : i32
          %get3A_582 = arith.constant 0 : i32
          %get3A_583 = tpu.memref_slice %arg10[%scan3A_30, %get3A_581, %get3A_582] : memref<2x40x128xf32, #tpu.memory_space<vmem>> -> memref<1x40x128xf32, #tpu.memory_space<vmem>>
          %get3A_584 = tpu.memref_squeeze %get3A_583 : memref<1x40x128xf32, #tpu.memory_space<vmem>> -> memref<40x128xf32, #tpu.memory_space<vmem>>
          %get3A_585 = arith.index_cast %add3A_272 : i32 to index
          %get3A_586 = arith.constant 16 : index
          %get3A_587 = tpu.vector_load %get3A_584[%get3A_585, %get3A_586] {strides = array<i32>} : memref<40x128xf32, #tpu.memory_space<vmem>>, vector<16xf32>,
          %sub3A_588 = arith.subf %get3A_580, %get3A_587 : vector<16xf32>
          %add3A_589 = arith.addf %sub3A_572, %sub3A_588 : vector<16xf32>
          %mul3A_590 = arith.mulf %sub3A_588, %sub3A_588 : vector<16xf32>
          %add3A_591 = arith.addf %mul3A_573, %mul3A_590 : vector<16xf32>
          %get3A_592 = arith.constant 0 : i32
          %get3A_593 = arith.constant 0 : i32
          %get3A_594 = tpu.memref_slice %arg9[%scan3A_29, %get3A_592, %get3A_593] : memref<2x40x128xf32, #tpu.memory_space<vmem>> -> memref<1x40x128xf32, #tpu.memory_space<vmem>>
          %get3A_595 = tpu.memref_squeeze %get3A_594 : memref<1x40x128xf32, #tpu.memory_space<vmem>> -> memref<40x128xf32, #tpu.memory_space<vmem>>
          %get3A_596 = arith.index_cast %add3A_272 : i32 to index
          %get3A_597 = arith.constant 32 : index
          %get3A_598 = tpu.vector_load %get3A_595[%get3A_596, %get3A_597] {strides = array<i32>} : memref<40x128xf32, #tpu.memory_space<vmem>>, vector<16xf32>,
          %get3A_599 = arith.constant 0 : i32
          %get3A_600 = arith.constant 0 : i32
          %get3A_601 = tpu.memref_slice %arg10[%scan3A_30, %get3A_599, %get3A_600] : memref<2x40x128xf32, #tpu.memory_space<vmem>> -> memref<1x40x128xf32, #tpu.memory_space<vmem>>
          %get3A_602 = tpu.memref_squeeze %get3A_601 : memref<1x40x128xf32, #tpu.memory_space<vmem>> -> memref<40x128xf32, #tpu.memory_space<vmem>>
          %get3A_603 = arith.index_cast %add3A_272 : i32 to index
          %get3A_604 = arith.constant 32 : index
          %get3A_605 = tpu.vector_load %get3A_602[%get3A_603, %get3A_604] {strides = array<i32>} : memref<40x128xf32, #tpu.memory_space<vmem>>, vector<16xf32>,
          %sub3A_606 = arith.subf %get3A_598, %get3A_605 : vector<16xf32>
          %add3A_607 = arith.addf %add3A_589, %sub3A_606 : vector<16xf32>
          %mul3A_608 = arith.mulf %sub3A_606, %sub3A_606 : vector<16xf32>
          %add3A_609 = arith.addf %add3A_591, %mul3A_608 : vector<16xf32>
          %get3A_610 = arith.constant 0 : i32
          %get3A_611 = arith.constant 0 : i32
          %get3A_612 = tpu.memref_slice %arg9[%scan3A_29, %get3A_610, %get3A_611] : memref<2x40x128xf32, #tpu.memory_space<vmem>> -> memref<1x40x128xf32, #tpu.memory_space<vmem>>
          %get3A_613 = tpu.memref_squeeze %get3A_612 : memref<1x40x128xf32, #tpu.memory_space<vmem>> -> memref<40x128xf32, #tpu.memory_space<vmem>>
          %get3A_614 = arith.index_cast %add3A_272 : i32 to index
          %get3A_615 = arith.constant 48 : index
          %get3A_616 = tpu.vector_load %get3A_613[%get3A_614, %get3A_615] {strides = array<i32>} : memref<40x128xf32, #tpu.memory_space<vmem>>, vector<16xf32>,
          %get3A_617 = arith.constant 0 : i32
          %get3A_618 = arith.constant 0 : i32
          %get3A_619 = tpu.memref_slice %arg10[%scan3A_30, %get3A_617, %get3A_618] : memref<2x40x128xf32, #tpu.memory_space<vmem>> -> memref<1x40x128xf32, #tpu.memory_space<vmem>>
          %get3A_620 = tpu.memref_squeeze %get3A_619 : memref<1x40x128xf32, #tpu.memory_space<vmem>> -> memref<40x128xf32, #tpu.memory_space<vmem>>
          %get3A_621 = arith.index_cast %add3A_272 : i32 to index
          %get3A_622 = arith.constant 48 : index
          %get3A_623 = tpu.vector_load %get3A_620[%get3A_621, %get3A_622] {strides = array<i32>} : memref<40x128xf32, #tpu.memory_space<vmem>>, vector<16xf32>,
          %sub3A_624 = arith.subf %get3A_616, %get3A_623 : vector<16xf32>
          %add3A_625 = arith.addf %add3A_607, %sub3A_624 : vector<16xf32>
          %mul3A_626 = arith.mulf %sub3A_624, %sub3A_624 : vector<16xf32>
          %add3A_627 = arith.addf %add3A_609, %mul3A_626 : vector<16xf32>
          %get3A_628 = arith.constant 0 : i32
          %get3A_629 = arith.constant 0 : i32
          %get3A_630 = tpu.memref_slice %arg9[%scan3A_29, %get3A_628, %get3A_629] : memref<2x40x128xf32, #tpu.memory_space<vmem>> -> memref<1x40x128xf32, #tpu.memory_space<vmem>>
          %get3A_631 = tpu.memref_squeeze %get3A_630 : memref<1x40x128xf32, #tpu.memory_space<vmem>> -> memref<40x128xf32, #tpu.memory_space<vmem>>
          %get3A_632 = arith.index_cast %add3A_272 : i32 to index
          %get3A_633 = arith.constant 64 : index
          %get3A_634 = tpu.vector_load %get3A_631[%get3A_632, %get3A_633] {strides = array<i32>} : memref<40x128xf32, #tpu.memory_space<vmem>>, vector<16xf32>,
          %get3A_635 = arith.constant 0 : i32
          %get3A_636 = arith.constant 0 : i32
          %get3A_637 = tpu.memref_slice %arg10[%scan3A_30, %get3A_635, %get3A_636] : memref<2x40x128xf32, #tpu.memory_space<vmem>> -> memref<1x40x128xf32, #tpu.memory_space<vmem>>
          %get3A_638 = tpu.memref_squeeze %get3A_637 : memref<1x40x128xf32, #tpu.memory_space<vmem>> -> memref<40x128xf32, #tpu.memory_space<vmem>>
          %get3A_639 = arith.index_cast %add3A_272 : i32 to index
          %get3A_640 = arith.constant 64 : index
          %get3A_641 = tpu.vector_load %get3A_638[%get3A_639, %get3A_640] {strides = array<i32>} : memref<40x128xf32, #tpu.memory_space<vmem>>, vector<16xf32>,
          %sub3A_642 = arith.subf %get3A_634, %get3A_641 : vector<16xf32>
          %add3A_643 = arith.addf %add3A_625, %sub3A_642 : vector<16xf32>
          %mul3A_644 = arith.mulf %sub3A_642, %sub3A_642 : vector<16xf32>
          %add3A_645 = arith.addf %add3A_627, %mul3A_644 : vector<16xf32>
          %get3A_646 = arith.constant 0 : i32
          %get3A_647 = arith.constant 0 : i32
          %get3A_648 = tpu.memref_slice %arg9[%scan3A_29, %get3A_646, %get3A_647] : memref<2x40x128xf32, #tpu.memory_space<vmem>> -> memref<1x40x128xf32, #tpu.memory_space<vmem>>
          %get3A_649 = tpu.memref_squeeze %get3A_648 : memref<1x40x128xf32, #tpu.memory_space<vmem>> -> memref<40x128xf32, #tpu.memory_space<vmem>>
          %get3A_650 = arith.index_cast %add3A_272 : i32 to index
          %get3A_651 = arith.constant 80 : index
          %get3A_652 = tpu.vector_load %get3A_649[%get3A_650, %get3A_651] {strides = array<i32>} : memref<40x128xf32, #tpu.memory_space<vmem>>, vector<16xf32>,
          %get3A_653 = arith.constant 0 : i32
          %get3A_654 = arith.constant 0 : i32
          %get3A_655 = tpu.memref_slice %arg10[%scan3A_30, %get3A_653, %get3A_654] : memref<2x40x128xf32, #tpu.memory_space<vmem>> -> memref<1x40x128xf32, #tpu.memory_space<vmem>>
          %get3A_656 = tpu.memref_squeeze %get3A_655 : memref<1x40x128xf32, #tpu.memory_space<vmem>> -> memref<40x128xf32, #tpu.memory_space<vmem>>
          %get3A_657 = arith.index_cast %add3A_272 : i32 to index
          %get3A_658 = arith.constant 80 : index
          %get3A_659 = tpu.vector_load %get3A_656[%get3A_657, %get3A_658] {strides = array<i32>} : memref<40x128xf32, #tpu.memory_space<vmem>>, vector<16xf32>,
          %sub3A_660 = arith.subf %get3A_652, %get3A_659 : vector<16xf32>
          %add3A_661 = arith.addf %add3A_643, %sub3A_660 : vector<16xf32>
          %mul3A_662 = arith.mulf %sub3A_660, %sub3A_660 : vector<16xf32>
          %add3A_663 = arith.addf %add3A_645, %mul3A_662 : vector<16xf32>
          %get3A_664 = arith.constant 0 : i32
          %get3A_665 = arith.constant 0 : i32
          %get3A_666 = tpu.memref_slice %arg9[%scan3A_29, %get3A_664, %get3A_665] : memref<2x40x128xf32, #tpu.memory_space<vmem>> -> memref<1x40x128xf32, #tpu.memory_space<vmem>>
          %get3A_667 = tpu.memref_squeeze %get3A_666 : memref<1x40x128xf32, #tpu.memory_space<vmem>> -> memref<40x128xf32, #tpu.memory_space<vmem>>
          %get3A_668 = arith.index_cast %add3A_272 : i32 to index
          %get3A_669 = arith.constant 96 : index
          %get3A_670 = tpu.vector_load %get3A_667[%get3A_668, %get3A_669] {strides = array<i32>} : memref<40x128xf32, #tpu.memory_space<vmem>>, vector<16xf32>,
          %get3A_671 = arith.constant 0 : i32
          %get3A_672 = arith.constant 0 : i32
          %get3A_673 = tpu.memref_slice %arg10[%scan3A_30, %get3A_671, %get3A_672] : memref<2x40x128xf32, #tpu.memory_space<vmem>> -> memref<1x40x128xf32, #tpu.memory_space<vmem>>
          %get3A_674 = tpu.memref_squeeze %get3A_673 : memref<1x40x128xf32, #tpu.memory_space<vmem>> -> memref<40x128xf32, #tpu.memory_space<vmem>>
          %get3A_675 = arith.index_cast %add3A_272 : i32 to index
          %get3A_676 = arith.constant 96 : index
          %get3A_677 = tpu.vector_load %get3A_674[%get3A_675, %get3A_676] {strides = array<i32>} : memref<40x128xf32, #tpu.memory_space<vmem>>, vector<16xf32>,
          %sub3A_678 = arith.subf %get3A_670, %get3A_677 : vector<16xf32>
          %add3A_679 = arith.addf %add3A_661, %sub3A_678 : vector<16xf32>
          %mul3A_680 = arith.mulf %sub3A_678, %sub3A_678 : vector<16xf32>
          %add3A_681 = arith.addf %add3A_663, %mul3A_680 : vector<16xf32>
          %get3A_682 = arith.constant 0 : i32
          %get3A_683 = arith.constant 0 : i32
          %get3A_684 = tpu.memref_slice %arg9[%scan3A_29, %get3A_682, %get3A_683] : memref<2x40x128xf32, #tpu.memory_space<vmem>> -> memref<1x40x128xf32, #tpu.memory_space<vmem>>
          %get3A_685 = tpu.memref_squeeze %get3A_684 : memref<1x40x128xf32, #tpu.memory_space<vmem>> -> memref<40x128xf32, #tpu.memory_space<vmem>>
          %get3A_686 = arith.index_cast %add3A_272 : i32 to index
          %get3A_687 = arith.constant 112 : index
          %get3A_688 = tpu.vector_load %get3A_685[%get3A_686, %get3A_687] {strides = array<i32>} : memref<40x128xf32, #tpu.memory_space<vmem>>, vector<16xf32>,
          %get3A_689 = arith.constant 0 : i32
          %get3A_690 = arith.constant 0 : i32
          %get3A_691 = tpu.memref_slice %arg10[%scan3A_30, %get3A_689, %get3A_690] : memref<2x40x128xf32, #tpu.memory_space<vmem>> -> memref<1x40x128xf32, #tpu.memory_space<vmem>>
          %get3A_692 = tpu.memref_squeeze %get3A_691 : memref<1x40x128xf32, #tpu.memory_space<vmem>> -> memref<40x128xf32, #tpu.memory_space<vmem>>
          %get3A_693 = arith.index_cast %add3A_272 : i32 to index
          %get3A_694 = arith.constant 112 : index
          %get3A_695 = tpu.vector_load %get3A_692[%get3A_693, %get3A_694] {strides = array<i32>} : memref<40x128xf32, #tpu.memory_space<vmem>>, vector<16xf32>,
          %sub3A_696 = arith.subf %get3A_688, %get3A_695 : vector<16xf32>
          %add3A_697 = arith.addf %add3A_679, %sub3A_696 : vector<16xf32>
          %mul3A_698 = arith.mulf %sub3A_696, %sub3A_696 : vector<16xf32>
          %add3A_699 = arith.addf %add3A_681, %mul3A_698 : vector<16xf32>
          %get3A_700 = arith.constant 0 : i32
          %get3A_701 = arith.constant 0 : i32
          %get3A_702 = tpu.memref_slice %arg9[%scan3A_29, %get3A_700, %get3A_701] : memref<2x40x128xf32, #tpu.memory_space<vmem>> -> memref<1x40x128xf32, #tpu.memory_space<vmem>>
          %get3A_703 = tpu.memref_squeeze %get3A_702 : memref<1x40x128xf32, #tpu.memory_space<vmem>> -> memref<40x128xf32, #tpu.memory_space<vmem>>
          %get3A_704 = arith.index_cast %add3A_274 : i32 to index
          %get3A_705 = arith.constant 0 : index
          %get3A_706 = tpu.vector_load %get3A_703[%get3A_704, %get3A_705] {strides = array<i32>} : memref<40x128xf32, #tpu.memory_space<vmem>>, vector<16xf32>,
          %get3A_707 = arith.constant 0 : i32
          %get3A_708 = arith.constant 0 : i32
          %get3A_709 = tpu.memref_slice %arg10[%scan3A_30, %get3A_707, %get3A_708] : memref<2x40x128xf32, #tpu.memory_space<vmem>> -> memref<1x40x128xf32, #tpu.memory_space<vmem>>
          %get3A_710 = tpu.memref_squeeze %get3A_709 : memref<1x40x128xf32, #tpu.memory_space<vmem>> -> memref<40x128xf32, #tpu.memory_space<vmem>>
          %get3A_711 = arith.index_cast %add3A_274 : i32 to index
          %get3A_712 = arith.constant 0 : index
          %get3A_713 = tpu.vector_load %get3A_710[%get3A_711, %get3A_712] {strides = array<i32>} : memref<40x128xf32, #tpu.memory_space<vmem>>, vector<16xf32>,
          %sub3A_714 = arith.subf %get3A_706, %get3A_713 : vector<16xf32>
          %mul3A_715 = arith.mulf %sub3A_714, %sub3A_714 : vector<16xf32>
          %get3A_716 = arith.constant 0 : i32
          %get3A_717 = arith.constant 0 : i32
          %get3A_718 = tpu.memref_slice %arg9[%scan3A_29, %get3A_716, %get3A_717] : memref<2x40x128xf32, #tpu.memory_space<vmem>> -> memref<1x40x128xf32, #tpu.memory_space<vmem>>
          %get3A_719 = tpu.memref_squeeze %get3A_718 : memref<1x40x128xf32, #tpu.memory_space<vmem>> -> memref<40x128xf32, #tpu.memory_space<vmem>>
          %get3A_720 = arith.index_cast %add3A_274 : i32 to index
          %get3A_721 = arith.constant 16 : index
          %get3A_722 = tpu.vector_load %get3A_719[%get3A_720, %get3A_721] {strides = array<i32>} : memref<40x128xf32, #tpu.memory_space<vmem>>, vector<16xf32>,
          %get3A_723 = arith.constant 0 : i32
          %get3A_724 = arith.constant 0 : i32
          %get3A_725 = tpu.memref_slice %arg10[%scan3A_30, %get3A_723, %get3A_724] : memref<2x40x128xf32, #tpu.memory_space<vmem>> -> memref<1x40x128xf32, #tpu.memory_space<vmem>>
          %get3A_726 = tpu.memref_squeeze %get3A_725 : memref<1x40x128xf32, #tpu.memory_space<vmem>> -> memref<40x128xf32, #tpu.memory_space<vmem>>
          %get3A_727 = arith.index_cast %add3A_274 : i32 to index
          %get3A_728 = arith.constant 16 : index
          %get3A_729 = tpu.vector_load %get3A_726[%get3A_727, %get3A_728] {strides = array<i32>} : memref<40x128xf32, #tpu.memory_space<vmem>>, vector<16xf32>,
          %sub3A_730 = arith.subf %get3A_722, %get3A_729 : vector<16xf32>
          %add3A_731 = arith.addf %sub3A_714, %sub3A_730 : vector<16xf32>
          %mul3A_732 = arith.mulf %sub3A_730, %sub3A_730 : vector<16xf32>
          %add3A_733 = arith.addf %mul3A_715, %mul3A_732 : vector<16xf32>
          %get3A_734 = arith.constant 0 : i32
          %get3A_735 = arith.constant 0 : i32
          %get3A_736 = tpu.memref_slice %arg9[%scan3A_29, %get3A_734, %get3A_735] : memref<2x40x128xf32, #tpu.memory_space<vmem>> -> memref<1x40x128xf32, #tpu.memory_space<vmem>>
          %get3A_737 = tpu.memref_squeeze %get3A_736 : memref<1x40x128xf32, #tpu.memory_space<vmem>> -> memref<40x128xf32, #tpu.memory_space<vmem>>
          %get3A_738 = arith.index_cast %add3A_274 : i32 to index
          %get3A_739 = arith.constant 32 : index
          %get3A_740 = tpu.vector_load %get3A_737[%get3A_738, %get3A_739] {strides = array<i32>} : memref<40x128xf32, #tpu.memory_space<vmem>>, vector<16xf32>,
          %get3A_741 = arith.constant 0 : i32
          %get3A_742 = arith.constant 0 : i32
          %get3A_743 = tpu.memref_slice %arg10[%scan3A_30, %get3A_741, %get3A_742] : memref<2x40x128xf32, #tpu.memory_space<vmem>> -> memref<1x40x128xf32, #tpu.memory_space<vmem>>
          %get3A_744 = tpu.memref_squeeze %get3A_743 : memref<1x40x128xf32, #tpu.memory_space<vmem>> -> memref<40x128xf32, #tpu.memory_space<vmem>>
          %get3A_745 = arith.index_cast %add3A_274 : i32 to index
          %get3A_746 = arith.constant 32 : index
          %get3A_747 = tpu.vector_load %get3A_744[%get3A_745, %get3A_746] {strides = array<i32>} : memref<40x128xf32, #tpu.memory_space<vmem>>, vector<16xf32>,
          %sub3A_748 = arith.subf %get3A_740, %get3A_747 : vector<16xf32>
          %add3A_749 = arith.addf %add3A_731, %sub3A_748 : vector<16xf32>
          %mul3A_750 = arith.mulf %sub3A_748, %sub3A_748 : vector<16xf32>
          %add3A_751 = arith.addf %add3A_733, %mul3A_750 : vector<16xf32>
          %get3A_752 = arith.constant 0 : i32
          %get3A_753 = arith.constant 0 : i32
          %get3A_754 = tpu.memref_slice %arg9[%scan3A_29, %get3A_752, %get3A_753] : memref<2x40x128xf32, #tpu.memory_space<vmem>> -> memref<1x40x128xf32, #tpu.memory_space<vmem>>
          %get3A_755 = tpu.memref_squeeze %get3A_754 : memref<1x40x128xf32, #tpu.memory_space<vmem>> -> memref<40x128xf32, #tpu.memory_space<vmem>>
          %get3A_756 = arith.index_cast %add3A_274 : i32 to index
          %get3A_757 = arith.constant 48 : index
          %get3A_758 = tpu.vector_load %get3A_755[%get3A_756, %get3A_757] {strides = array<i32>} : memref<40x128xf32, #tpu.memory_space<vmem>>, vector<16xf32>,
          %get3A_759 = arith.constant 0 : i32
          %get3A_760 = arith.constant 0 : i32
          %get3A_761 = tpu.memref_slice %arg10[%scan3A_30, %get3A_759, %get3A_760] : memref<2x40x128xf32, #tpu.memory_space<vmem>> -> memref<1x40x128xf32, #tpu.memory_space<vmem>>
          %get3A_762 = tpu.memref_squeeze %get3A_761 : memref<1x40x128xf32, #tpu.memory_space<vmem>> -> memref<40x128xf32, #tpu.memory_space<vmem>>
          %get3A_763 = arith.index_cast %add3A_274 : i32 to index
          %get3A_764 = arith.constant 48 : index
          %get3A_765 = tpu.vector_load %get3A_762[%get3A_763, %get3A_764] {strides = array<i32>} : memref<40x128xf32, #tpu.memory_space<vmem>>, vector<16xf32>,
          %sub3A_766 = arith.subf %get3A_758, %get3A_765 : vector<16xf32>
          %add3A_767 = arith.addf %add3A_749, %sub3A_766 : vector<16xf32>
          %mul3A_768 = arith.mulf %sub3A_766, %sub3A_766 : vector<16xf32>
          %add3A_769 = arith.addf %add3A_751, %mul3A_768 : vector<16xf32>
          %get3A_770 = arith.constant 0 : i32
          %get3A_771 = arith.constant 0 : i32
          %get3A_772 = tpu.memref_slice %arg9[%scan3A_29, %get3A_770, %get3A_771] : memref<2x40x128xf32, #tpu.memory_space<vmem>> -> memref<1x40x128xf32, #tpu.memory_space<vmem>>
          %get3A_773 = tpu.memref_squeeze %get3A_772 : memref<1x40x128xf32, #tpu.memory_space<vmem>> -> memref<40x128xf32, #tpu.memory_space<vmem>>
          %get3A_774 = arith.index_cast %add3A_274 : i32 to index
          %get3A_775 = arith.constant 64 : index
          %get3A_776 = tpu.vector_load %get3A_773[%get3A_774, %get3A_775] {strides = array<i32>} : memref<40x128xf32, #tpu.memory_space<vmem>>, vector<16xf32>,
          %get3A_777 = arith.constant 0 : i32
          %get3A_778 = arith.constant 0 : i32
          %get3A_779 = tpu.memref_slice %arg10[%scan3A_30, %get3A_777, %get3A_778] : memref<2x40x128xf32, #tpu.memory_space<vmem>> -> memref<1x40x128xf32, #tpu.memory_space<vmem>>
          %get3A_780 = tpu.memref_squeeze %get3A_779 : memref<1x40x128xf32, #tpu.memory_space<vmem>> -> memref<40x128xf32, #tpu.memory_space<vmem>>
          %get3A_781 = arith.index_cast %add3A_274 : i32 to index
          %get3A_782 = arith.constant 64 : index
          %get3A_783 = tpu.vector_load %get3A_780[%get3A_781, %get3A_782] {strides = array<i32>} : memref<40x128xf32, #tpu.memory_space<vmem>>, vector<16xf32>,
          %sub3A_784 = arith.subf %get3A_776, %get3A_783 : vector<16xf32>
          %add3A_785 = arith.addf %add3A_767, %sub3A_784 : vector<16xf32>
          %mul3A_786 = arith.mulf %sub3A_784, %sub3A_784 : vector<16xf32>
          %add3A_787 = arith.addf %add3A_769, %mul3A_786 : vector<16xf32>
          %get3A_788 = arith.constant 0 : i32
          %get3A_789 = arith.constant 0 : i32
          %get3A_790 = tpu.memref_slice %arg9[%scan3A_29, %get3A_788, %get3A_789] : memref<2x40x128xf32, #tpu.memory_space<vmem>> -> memref<1x40x128xf32, #tpu.memory_space<vmem>>
          %get3A_791 = tpu.memref_squeeze %get3A_790 : memref<1x40x128xf32, #tpu.memory_space<vmem>> -> memref<40x128xf32, #tpu.memory_space<vmem>>
          %get3A_792 = arith.index_cast %add3A_274 : i32 to index
          %get3A_793 = arith.constant 80 : index
          %get3A_794 = tpu.vector_load %get3A_791[%get3A_792, %get3A_793] {strides = array<i32>} : memref<40x128xf32, #tpu.memory_space<vmem>>, vector<16xf32>,
          %get3A_795 = arith.constant 0 : i32
          %get3A_796 = arith.constant 0 : i32
          %get3A_797 = tpu.memref_slice %arg10[%scan3A_30, %get3A_795, %get3A_796] : memref<2x40x128xf32, #tpu.memory_space<vmem>> -> memref<1x40x128xf32, #tpu.memory_space<vmem>>
          %get3A_798 = tpu.memref_squeeze %get3A_797 : memref<1x40x128xf32, #tpu.memory_space<vmem>> -> memref<40x128xf32, #tpu.memory_space<vmem>>
          %get3A_799 = arith.index_cast %add3A_274 : i32 to index
          %get3A_800 = arith.constant 80 : index
          %get3A_801 = tpu.vector_load %get3A_798[%get3A_799, %get3A_800] {strides = array<i32>} : memref<40x128xf32, #tpu.memory_space<vmem>>, vector<16xf32>,
          %sub3A_802 = arith.subf %get3A_794, %get3A_801 : vector<16xf32>
          %add3A_803 = arith.addf %add3A_785, %sub3A_802 : vector<16xf32>
          %mul3A_804 = arith.mulf %sub3A_802, %sub3A_802 : vector<16xf32>
          %add3A_805 = arith.addf %add3A_787, %mul3A_804 : vector<16xf32>
          %get3A_806 = arith.constant 0 : i32
          %get3A_807 = arith.constant 0 : i32
          %get3A_808 = tpu.memref_slice %arg9[%scan3A_29, %get3A_806, %get3A_807] : memref<2x40x128xf32, #tpu.memory_space<vmem>> -> memref<1x40x128xf32, #tpu.memory_space<vmem>>
          %get3A_809 = tpu.memref_squeeze %get3A_808 : memref<1x40x128xf32, #tpu.memory_space<vmem>> -> memref<40x128xf32, #tpu.memory_space<vmem>>
          %get3A_810 = arith.index_cast %add3A_274 : i32 to index
          %get3A_811 = arith.constant 96 : index
          %get3A_812 = tpu.vector_load %get3A_809[%get3A_810, %get3A_811] {strides = array<i32>} : memref<40x128xf32, #tpu.memory_space<vmem>>, vector<16xf32>,
          %get3A_813 = arith.constant 0 : i32
          %get3A_814 = arith.constant 0 : i32
          %get3A_815 = tpu.memref_slice %arg10[%scan3A_30, %get3A_813, %get3A_814] : memref<2x40x128xf32, #tpu.memory_space<vmem>> -> memref<1x40x128xf32, #tpu.memory_space<vmem>>
          %get3A_816 = tpu.memref_squeeze %get3A_815 : memref<1x40x128xf32, #tpu.memory_space<vmem>> -> memref<40x128xf32, #tpu.memory_space<vmem>>
          %get3A_817 = arith.index_cast %add3A_274 : i32 to index
          %get3A_818 = arith.constant 96 : index
          %get3A_819 = tpu.vector_load %get3A_816[%get3A_817, %get3A_818] {strides = array<i32>} : memref<40x128xf32, #tpu.memory_space<vmem>>, vector<16xf32>,
          %sub3A_820 = arith.subf %get3A_812, %get3A_819 : vector<16xf32>
          %add3A_821 = arith.addf %add3A_803, %sub3A_820 : vector<16xf32>
          %mul3A_822 = arith.mulf %sub3A_820, %sub3A_820 : vector<16xf32>
          %add3A_823 = arith.addf %add3A_805, %mul3A_822 : vector<16xf32>
          %get3A_824 = arith.constant 0 : i32
          %get3A_825 = arith.constant 0 : i32
          %get3A_826 = tpu.memref_slice %arg9[%scan3A_29, %get3A_824, %get3A_825] : memref<2x40x128xf32, #tpu.memory_space<vmem>> -> memref<1x40x128xf32, #tpu.memory_space<vmem>>
          %get3A_827 = tpu.memref_squeeze %get3A_826 : memref<1x40x128xf32, #tpu.memory_space<vmem>> -> memref<40x128xf32, #tpu.memory_space<vmem>>
          %get3A_828 = arith.index_cast %add3A_274 : i32 to index
          %get3A_829 = arith.constant 112 : index
          %get3A_830 = tpu.vector_load %get3A_827[%get3A_828, %get3A_829] {strides = array<i32>} : memref<40x128xf32, #tpu.memory_space<vmem>>, vector<16xf32>,
          %get3A_831 = arith.constant 0 : i32
          %get3A_832 = arith.constant 0 : i32
          %get3A_833 = tpu.memref_slice %arg10[%scan3A_30, %get3A_831, %get3A_832] : memref<2x40x128xf32, #tpu.memory_space<vmem>> -> memref<1x40x128xf32, #tpu.memory_space<vmem>>
          %get3A_834 = tpu.memref_squeeze %get3A_833 : memref<1x40x128xf32, #tpu.memory_space<vmem>> -> memref<40x128xf32, #tpu.memory_space<vmem>>
          %get3A_835 = arith.index_cast %add3A_274 : i32 to index
          %get3A_836 = arith.constant 112 : index
          %get3A_837 = tpu.vector_load %get3A_834[%get3A_835, %get3A_836] {strides = array<i32>} : memref<40x128xf32, #tpu.memory_space<vmem>>, vector<16xf32>,
          %sub3A_838 = arith.subf %get3A_830, %get3A_837 : vector<16xf32>
          %add3A_839 = arith.addf %add3A_821, %sub3A_838 : vector<16xf32>
          %mul3A_840 = arith.mulf %sub3A_838, %sub3A_838 : vector<16xf32>
          %add3A_841 = arith.addf %add3A_823, %mul3A_840 : vector<16xf32>
          %xor3A = arith.constant 8 : i32
          %xor3A_842 = vector.broadcast %xor3A : i32 to vector<16xi32>
          %xor3A_843 = arith.xori %iota3A, %xor3A_842 : vector<16xi32>
          %lt3A_844 = arith.constant 0 : i32
          %lt3A_845 = vector.broadcast %lt3A_844 : i32 to vector<16xi32>
          %lt3A_846 = arith.cmpi slt, %xor3A_843, %lt3A_845 : vector<16xi32>
          %add3A_847 = arith.constant 16 : i32
          %add3A_848 = vector.broadcast %add3A_847 : i32 to vector<16xi32>
          %add3A_849 = arith.addi %xor3A_843, %add3A_848 : vector<16xi32>
          %select_n3A = arith.select %lt3A_846, %add3A_849, %xor3A_843 : vector<16xi1>, vector<16xi32>
          %broadcast_in_dim3A_850 = vector.shape_cast %select_n3A : vector<16xi32> to vector<16x1xi32>
          %gather3A = vector.shape_cast %broadcast_in_dim3A_850 : vector<16x1xi32> to vector<16xi32>
          %gather3A_851 = tpu.dynamic_gather %add3A_413[%gather3A] in [0] : vector<16xf32>, vector<16xi32> -> vector<16xf32>
          %add3A_852 = arith.addf %add3A_413, %gather3A_851 : vector<16xf32>
          %xor3A_853 = arith.constant 4 : i32
          %xor3A_854 = vector.broadcast %xor3A_853 : i32 to vector<16xi32>
          %xor3A_855 = arith.xori %iota3A, %xor3A_854 : vector<16xi32>
          %lt3A_856 = arith.constant 0 : i32
          %lt3A_857 = vector.broadcast %lt3A_856 : i32 to vector<16xi32>
          %lt3A_858 = arith.cmpi slt, %xor3A_855, %lt3A_857 : vector<16xi32>
          %add3A_859 = arith.constant 16 : i32
          %add3A_860 = vector.broadcast %add3A_859 : i32 to vector<16xi32>
          %add3A_861 = arith.addi %xor3A_855, %add3A_860 : vector<16xi32>
          %select_n3A_862 = arith.select %lt3A_858, %add3A_861, %xor3A_855 : vector<16xi1>, vector<16xi32>
          %broadcast_in_dim3A_863 = vector.shape_cast %select_n3A_862 : vector<16xi32> to vector<16x1xi32>
          %gather3A_864 = vector.shape_cast %broadcast_in_dim3A_863 : vector<16x1xi32> to vector<16xi32>
          %gather3A_865 = tpu.dynamic_gather %add3A_852[%gather3A_864] in [0] : vector<16xf32>, vector<16xi32> -> vector<16xf32>
          %add3A_866 = arith.addf %add3A_852, %gather3A_865 : vector<16xf32>
          %xor3A_867 = arith.constant 2 : i32
          %xor3A_868 = vector.broadcast %xor3A_867 : i32 to vector<16xi32>
          %xor3A_869 = arith.xori %iota3A, %xor3A_868 : vector<16xi32>
          %lt3A_870 = arith.constant 0 : i32
          %lt3A_871 = vector.broadcast %lt3A_870 : i32 to vector<16xi32>
          %lt3A_872 = arith.cmpi slt, %xor3A_869, %lt3A_871 : vector<16xi32>
          %add3A_873 = arith.constant 16 : i32
          %add3A_874 = vector.broadcast %add3A_873 : i32 to vector<16xi32>
          %add3A_875 = arith.addi %xor3A_869, %add3A_874 : vector<16xi32>
          %select_n3A_876 = arith.select %lt3A_872, %add3A_875, %xor3A_869 : vector<16xi1>, vector<16xi32>
          %broadcast_in_dim3A_877 = vector.shape_cast %select_n3A_876 : vector<16xi32> to vector<16x1xi32>
          %gather3A_878 = vector.shape_cast %broadcast_in_dim3A_877 : vector<16x1xi32> to vector<16xi32>
          %gather3A_879 = tpu.dynamic_gather %add3A_866[%gather3A_878] in [0] : vector<16xf32>, vector<16xi32> -> vector<16xf32>
          %add3A_880 = arith.addf %add3A_866, %gather3A_879 : vector<16xf32>
          %xor3A_881 = arith.constant 1 : i32
          %xor3A_882 = vector.broadcast %xor3A_881 : i32 to vector<16xi32>
          %xor3A_883 = arith.xori %iota3A, %xor3A_882 : vector<16xi32>
          %lt3A_884 = arith.constant 0 : i32
          %lt3A_885 = vector.broadcast %lt3A_884 : i32 to vector<16xi32>
          %lt3A_886 = arith.cmpi slt, %xor3A_883, %lt3A_885 : vector<16xi32>
          %add3A_887 = arith.constant 16 : i32
          %add3A_888 = vector.broadcast %add3A_887 : i32 to vector<16xi32>
          %add3A_889 = arith.addi %xor3A_883, %add3A_888 : vector<16xi32>
          %select_n3A_890 = arith.select %lt3A_886, %add3A_889, %xor3A_883 : vector<16xi1>, vector<16xi32>
          %broadcast_in_dim3A_891 = vector.shape_cast %select_n3A_890 : vector<16xi32> to vector<16x1xi32>
          %gather3A_892 = vector.shape_cast %broadcast_in_dim3A_891 : vector<16x1xi32> to vector<16xi32>
          %gather3A_893 = tpu.dynamic_gather %add3A_880[%gather3A_892] in [0] : vector<16xf32>, vector<16xi32> -> vector<16xf32>
          %add3A_894 = arith.addf %add3A_880, %gather3A_893 : vector<16xf32>
          %mul3A_895 = arith.constant 7.812500e-03 : f32
          %mul3A_896 = vector.broadcast %mul3A_895 : f32 to vector<16xf32>
          %mul3A_897 = arith.mulf %add3A_894, %mul3A_896 : vector<16xf32>
          %xor3A_898 = arith.constant 8 : i32
          %xor3A_899 = vector.broadcast %xor3A_898 : i32 to vector<16xi32>
          %xor3A_900 = arith.xori %iota3A, %xor3A_899 : vector<16xi32>
          %lt3A_901 = arith.constant 0 : i32
          %lt3A_902 = vector.broadcast %lt3A_901 : i32 to vector<16xi32>
          %lt3A_903 = arith.cmpi slt, %xor3A_900, %lt3A_902 : vector<16xi32>
          %add3A_904 = arith.constant 16 : i32
          %add3A_905 = vector.broadcast %add3A_904 : i32 to vector<16xi32>
          %add3A_906 = arith.addi %xor3A_900, %add3A_905 : vector<16xi32>
          %select_n3A_907 = arith.select %lt3A_903, %add3A_906, %xor3A_900 : vector<16xi1>, vector<16xi32>
          %broadcast_in_dim3A_908 = vector.shape_cast %select_n3A_907 : vector<16xi32> to vector<16x1xi32>
          %gather3A_909 = vector.shape_cast %broadcast_in_dim3A_908 : vector<16x1xi32> to vector<16xi32>
          %gather3A_910 = tpu.dynamic_gather %add3A_415[%gather3A_909] in [0] : vector<16xf32>, vector<16xi32> -> vector<16xf32>
          %add3A_911 = arith.addf %add3A_415, %gather3A_910 : vector<16xf32>
          %xor3A_912 = arith.constant 4 : i32
          %xor3A_913 = vector.broadcast %xor3A_912 : i32 to vector<16xi32>
          %xor3A_914 = arith.xori %iota3A, %xor3A_913 : vector<16xi32>
          %lt3A_915 = arith.constant 0 : i32
          %lt3A_916 = vector.broadcast %lt3A_915 : i32 to vector<16xi32>
          %lt3A_917 = arith.cmpi slt, %xor3A_914, %lt3A_916 : vector<16xi32>
          %add3A_918 = arith.constant 16 : i32
          %add3A_919 = vector.broadcast %add3A_918 : i32 to vector<16xi32>
          %add3A_920 = arith.addi %xor3A_914, %add3A_919 : vector<16xi32>
          %select_n3A_921 = arith.select %lt3A_917, %add3A_920, %xor3A_914 : vector<16xi1>, vector<16xi32>
          %broadcast_in_dim3A_922 = vector.shape_cast %select_n3A_921 : vector<16xi32> to vector<16x1xi32>
          %gather3A_923 = vector.shape_cast %broadcast_in_dim3A_922 : vector<16x1xi32> to vector<16xi32>
          %gather3A_924 = tpu.dynamic_gather %add3A_911[%gather3A_923] in [0] : vector<16xf32>, vector<16xi32> -> vector<16xf32>
          %add3A_925 = arith.addf %add3A_911, %gather3A_924 : vector<16xf32>
          %xor3A_926 = arith.constant 2 : i32
          %xor3A_927 = vector.broadcast %xor3A_926 : i32 to vector<16xi32>
          %xor3A_928 = arith.xori %iota3A, %xor3A_927 : vector<16xi32>
          %lt3A_929 = arith.constant 0 : i32
          %lt3A_930 = vector.broadcast %lt3A_929 : i32 to vector<16xi32>
          %lt3A_931 = arith.cmpi slt, %xor3A_928, %lt3A_930 : vector<16xi32>
          %add3A_932 = arith.constant 16 : i32
          %add3A_933 = vector.broadcast %add3A_932 : i32 to vector<16xi32>
          %add3A_934 = arith.addi %xor3A_928, %add3A_933 : vector<16xi32>
          %select_n3A_935 = arith.select %lt3A_931, %add3A_934, %xor3A_928 : vector<16xi1>, vector<16xi32>
          %broadcast_in_dim3A_936 = vector.shape_cast %select_n3A_935 : vector<16xi32> to vector<16x1xi32>
          %gather3A_937 = vector.shape_cast %broadcast_in_dim3A_936 : vector<16x1xi32> to vector<16xi32>
          %gather3A_938 = tpu.dynamic_gather %add3A_925[%gather3A_937] in [0] : vector<16xf32>, vector<16xi32> -> vector<16xf32>
          %add3A_939 = arith.addf %add3A_925, %gather3A_938 : vector<16xf32>
          %xor3A_940 = arith.constant 1 : i32
          %xor3A_941 = vector.broadcast %xor3A_940 : i32 to vector<16xi32>
          %xor3A_942 = arith.xori %iota3A, %xor3A_941 : vector<16xi32>
          %lt3A_943 = arith.constant 0 : i32
          %lt3A_944 = vector.broadcast %lt3A_943 : i32 to vector<16xi32>
          %lt3A_945 = arith.cmpi slt, %xor3A_942, %lt3A_944 : vector<16xi32>
          %add3A_946 = arith.constant 16 : i32
          %add3A_947 = vector.broadcast %add3A_946 : i32 to vector<16xi32>
          %add3A_948 = arith.addi %xor3A_942, %add3A_947 : vector<16xi32>
          %select_n3A_949 = arith.select %lt3A_945, %add3A_948, %xor3A_942 : vector<16xi1>, vector<16xi32>
          %broadcast_in_dim3A_950 = vector.shape_cast %select_n3A_949 : vector<16xi32> to vector<16x1xi32>
          %gather3A_951 = vector.shape_cast %broadcast_in_dim3A_950 : vector<16x1xi32> to vector<16xi32>
          %gather3A_952 = tpu.dynamic_gather %add3A_939[%gather3A_951] in [0] : vector<16xf32>, vector<16xi32> -> vector<16xf32>
          %add3A_953 = arith.addf %add3A_939, %gather3A_952 : vector<16xf32>
          %mul3A_954 = arith.constant 7.812500e-03 : f32
          %mul3A_955 = vector.broadcast %mul3A_954 : f32 to vector<16xf32>
          %mul3A_956 = arith.mulf %add3A_953, %mul3A_955 : vector<16xf32>
          %mul3A_957 = arith.mulf %mul3A_897, %mul3A_897 : vector<16xf32>
          %sub3A_958 = arith.subf %mul3A_956, %mul3A_957 : vector<16xf32>
          %add3A_959 = arith.constant 9.99999974E-6 : f32
          %add3A_960 = vector.broadcast %add3A_959 : f32 to vector<16xf32>
          %add3A_961 = arith.addf %sub3A_958, %add3A_960 : vector<16xf32>
          %bitcast3A = vector.bitcast %add3A_961 : vector<16xf32> to vector<16xi32>
          %shift_right_arithmetic3A_962 = arith.constant 1 : i32
          %shift_right_arithmetic3A_963 = vector.broadcast %shift_right_arithmetic3A_962 : i32 to vector<16xi32>
          %shift_right_arithmetic3A_964 = arith.shrsi %bitcast3A, %shift_right_arithmetic3A_963 : vector<16xi32>
          %sub3A_965 = arith.constant 1597463007 : i32
          %sub3A_966 = vector.broadcast %sub3A_965 : i32 to vector<16xi32>
          %sub3A_967 = arith.subi %sub3A_966, %shift_right_arithmetic3A_964 : vector<16xi32>
          %bitcast3A_968 = vector.bitcast %sub3A_967 : vector<16xi32> to vector<16xf32>
          %mul3A_969 = arith.constant 5.000000e-01 : f32
          %mul3A_970 = vector.broadcast %mul3A_969 : f32 to vector<16xf32>
          %mul3A_971 = arith.mulf %mul3A_970, %add3A_961 : vector<16xf32>
          %mul3A_972 = arith.mulf %mul3A_971, %bitcast3A_968 : vector<16xf32>
          %mul3A_973 = arith.mulf %mul3A_972, %bitcast3A_968 : vector<16xf32>
          %sub3A_974 = arith.constant 1.500000e+00 : f32
          %sub3A_975 = vector.broadcast %sub3A_974 : f32 to vector<16xf32>
          %sub3A_976 = arith.subf %sub3A_975, %mul3A_973 : vector<16xf32>
          %mul3A_977 = arith.mulf %bitcast3A_968, %sub3A_976 : vector<16xf32>
          %mul3A_978 = arith.constant 5.000000e-01 : f32
          %mul3A_979 = vector.broadcast %mul3A_978 : f32 to vector<16xf32>
          %mul3A_980 = arith.mulf %mul3A_979, %add3A_961 : vector<16xf32>
          %mul3A_981 = arith.mulf %mul3A_980, %mul3A_977 : vector<16xf32>
          %mul3A_982 = arith.mulf %mul3A_981, %mul3A_977 : vector<16xf32>
          %sub3A_983 = arith.constant 1.500000e+00 : f32
          %sub3A_984 = vector.broadcast %sub3A_983 : f32 to vector<16xf32>
          %sub3A_985 = arith.subf %sub3A_984, %mul3A_982 : vector<16xf32>
          %mul3A_986 = arith.mulf %mul3A_977, %sub3A_985 : vector<16xf32>
          %sub3A_987 = arith.subf %sub3A, %mul3A_897 : vector<16xf32>
          %mul3A_988 = arith.mulf %sub3A_987, %mul3A_986 : vector<16xf32>
          %swap3A_989 = arith.constant 0 : i32
          %swap3A_990 = arith.constant 0 : i32
          %swap3A_991 = tpu.memref_slice %arg10[%scan3A_30, %swap3A_989, %swap3A_990] : memref<2x40x128xf32, #tpu.memory_space<vmem>> -> memref<1x40x128xf32, #tpu.memory_space<vmem>>
          %swap3A_992 = tpu.memref_squeeze %swap3A_991 : memref<1x40x128xf32, #tpu.memory_space<vmem>> -> memref<40x128xf32, #tpu.memory_space<vmem>>
          %swap3A_993 = arith.index_cast %mul3A_268 : i32 to index
          %swap3A_994 = arith.constant 0 : index
          %swap3A_995 = tpu.vector_load %swap3A_992[%swap3A_993, %swap3A_994] {strides = array<i32>} : memref<40x128xf32, #tpu.memory_space<vmem>>, vector<16xf32>,
          tpu.vector_store %swap3A_992[%swap3A_993, %swap3A_994], %mul3A_988 {strides = array<i32>} : memref<40x128xf32, #tpu.memory_space<vmem>>, vector<16xf32>,
          %sub3A_996 = arith.subf %sub3A_304, %mul3A_897 : vector<16xf32>
          %mul3A_997 = arith.mulf %sub3A_996, %mul3A_986 : vector<16xf32>
          %swap3A_998 = arith.constant 0 : i32
          %swap3A_999 = arith.constant 0 : i32
          %swap3A_1000 = tpu.memref_slice %arg10[%scan3A_30, %swap3A_998, %swap3A_999] : memref<2x40x128xf32, #tpu.memory_space<vmem>> -> memref<1x40x128xf32, #tpu.memory_space<vmem>>
          %swap3A_1001 = tpu.memref_squeeze %swap3A_1000 : memref<1x40x128xf32, #tpu.memory_space<vmem>> -> memref<40x128xf32, #tpu.memory_space<vmem>>
          %swap3A_1002 = arith.index_cast %mul3A_268 : i32 to index
          %swap3A_1003 = arith.constant 16 : index
          %swap3A_1004 = tpu.vector_load %swap3A_1001[%swap3A_1002, %swap3A_1003] {strides = array<i32>} : memref<40x128xf32, #tpu.memory_space<vmem>>, vector<16xf32>,
          tpu.vector_store %swap3A_1001[%swap3A_1002, %swap3A_1003], %mul3A_997 {strides = array<i32>} : memref<40x128xf32, #tpu.memory_space<vmem>>, vector<16xf32>,
          %sub3A_1005 = arith.subf %sub3A_322, %mul3A_897 : vector<16xf32>
          %mul3A_1006 = arith.mulf %sub3A_1005, %mul3A_986 : vector<16xf32>
          %swap3A_1007 = arith.constant 0 : i32
          %swap3A_1008 = arith.constant 0 : i32
          %swap3A_1009 = tpu.memref_slice %arg10[%scan3A_30, %swap3A_1007, %swap3A_1008] : memref<2x40x128xf32, #tpu.memory_space<vmem>> -> memref<1x40x128xf32, #tpu.memory_space<vmem>>
          %swap3A_1010 = tpu.memref_squeeze %swap3A_1009 : memref<1x40x128xf32, #tpu.memory_space<vmem>> -> memref<40x128xf32, #tpu.memory_space<vmem>>
          %swap3A_1011 = arith.index_cast %mul3A_268 : i32 to index
          %swap3A_1012 = arith.constant 32 : index
          %swap3A_1013 = tpu.vector_load %swap3A_1010[%swap3A_1011, %swap3A_1012] {strides = array<i32>} : memref<40x128xf32, #tpu.memory_space<vmem>>, vector<16xf32>,
          tpu.vector_store %swap3A_1010[%swap3A_1011, %swap3A_1012], %mul3A_1006 {strides = array<i32>} : memref<40x128xf32, #tpu.memory_space<vmem>>, vector<16xf32>,
          %sub3A_1014 = arith.subf %sub3A_340, %mul3A_897 : vector<16xf32>
          %mul3A_1015 = arith.mulf %sub3A_1014, %mul3A_986 : vector<16xf32>
          %swap3A_1016 = arith.constant 0 : i32
          %swap3A_1017 = arith.constant 0 : i32
          %swap3A_1018 = tpu.memref_slice %arg10[%scan3A_30, %swap3A_1016, %swap3A_1017] : memref<2x40x128xf32, #tpu.memory_space<vmem>> -> memref<1x40x128xf32, #tpu.memory_space<vmem>>
          %swap3A_1019 = tpu.memref_squeeze %swap3A_1018 : memref<1x40x128xf32, #tpu.memory_space<vmem>> -> memref<40x128xf32, #tpu.memory_space<vmem>>
          %swap3A_1020 = arith.index_cast %mul3A_268 : i32 to index
          %swap3A_1021 = arith.constant 48 : index
          %swap3A_1022 = tpu.vector_load %swap3A_1019[%swap3A_1020, %swap3A_1021] {strides = array<i32>} : memref<40x128xf32, #tpu.memory_space<vmem>>, vector<16xf32>,
          tpu.vector_store %swap3A_1019[%swap3A_1020, %swap3A_1021], %mul3A_1015 {strides = array<i32>} : memref<40x128xf32, #tpu.memory_space<vmem>>, vector<16xf32>,
          %sub3A_1023 = arith.subf %sub3A_358, %mul3A_897 : vector<16xf32>
          %mul3A_1024 = arith.mulf %sub3A_1023, %mul3A_986 : vector<16xf32>
          %swap3A_1025 = arith.constant 0 : i32
          %swap3A_1026 = arith.constant 0 : i32
          %swap3A_1027 = tpu.memref_slice %arg10[%scan3A_30, %swap3A_1025, %swap3A_1026] : memref<2x40x128xf32, #tpu.memory_space<vmem>> -> memref<1x40x128xf32, #tpu.memory_space<vmem>>
          %swap3A_1028 = tpu.memref_squeeze %swap3A_1027 : memref<1x40x128xf32, #tpu.memory_space<vmem>> -> memref<40x128xf32, #tpu.memory_space<vmem>>
          %swap3A_1029 = arith.index_cast %mul3A_268 : i32 to index
          %swap3A_1030 = arith.constant 64 : index
          %swap3A_1031 = tpu.vector_load %swap3A_1028[%swap3A_1029, %swap3A_1030] {strides = array<i32>} : memref<40x128xf32, #tpu.memory_space<vmem>>, vector<16xf32>,
          tpu.vector_store %swap3A_1028[%swap3A_1029, %swap3A_1030], %mul3A_1024 {strides = array<i32>} : memref<40x128xf32, #tpu.memory_space<vmem>>, vector<16xf32>,
          %sub3A_1032 = arith.subf %sub3A_376, %mul3A_897 : vector<16xf32>
          %mul3A_1033 = arith.mulf %sub3A_1032, %mul3A_986 : vector<16xf32>
          %swap3A_1034 = arith.constant 0 : i32
          %swap3A_1035 = arith.constant 0 : i32
          %swap3A_1036 = tpu.memref_slice %arg10[%scan3A_30, %swap3A_1034, %swap3A_1035] : memref<2x40x128xf32, #tpu.memory_space<vmem>> -> memref<1x40x128xf32, #tpu.memory_space<vmem>>
          %swap3A_1037 = tpu.memref_squeeze %swap3A_1036 : memref<1x40x128xf32, #tpu.memory_space<vmem>> -> memref<40x128xf32, #tpu.memory_space<vmem>>
          %swap3A_1038 = arith.index_cast %mul3A_268 : i32 to index
          %swap3A_1039 = arith.constant 80 : index
          %swap3A_1040 = tpu.vector_load %swap3A_1037[%swap3A_1038, %swap3A_1039] {strides = array<i32>} : memref<40x128xf32, #tpu.memory_space<vmem>>, vector<16xf32>,
          tpu.vector_store %swap3A_1037[%swap3A_1038, %swap3A_1039], %mul3A_1033 {strides = array<i32>} : memref<40x128xf32, #tpu.memory_space<vmem>>, vector<16xf32>,
          %sub3A_1041 = arith.subf %sub3A_394, %mul3A_897 : vector<16xf32>
          %mul3A_1042 = arith.mulf %sub3A_1041, %mul3A_986 : vector<16xf32>
          %swap3A_1043 = arith.constant 0 : i32
          %swap3A_1044 = arith.constant 0 : i32
          %swap3A_1045 = tpu.memref_slice %arg10[%scan3A_30, %swap3A_1043, %swap3A_1044] : memref<2x40x128xf32, #tpu.memory_space<vmem>> -> memref<1x40x128xf32, #tpu.memory_space<vmem>>
          %swap3A_1046 = tpu.memref_squeeze %swap3A_1045 : memref<1x40x128xf32, #tpu.memory_space<vmem>> -> memref<40x128xf32, #tpu.memory_space<vmem>>
          %swap3A_1047 = arith.index_cast %mul3A_268 : i32 to index
          %swap3A_1048 = arith.constant 96 : index
          %swap3A_1049 = tpu.vector_load %swap3A_1046[%swap3A_1047, %swap3A_1048] {strides = array<i32>} : memref<40x128xf32, #tpu.memory_space<vmem>>, vector<16xf32>,
          tpu.vector_store %swap3A_1046[%swap3A_1047, %swap3A_1048], %mul3A_1042 {strides = array<i32>} : memref<40x128xf32, #tpu.memory_space<vmem>>, vector<16xf32>,
          %sub3A_1050 = arith.subf %sub3A_412, %mul3A_897 : vector<16xf32>
          %mul3A_1051 = arith.mulf %sub3A_1050, %mul3A_986 : vector<16xf32>
          %swap3A_1052 = arith.constant 0 : i32
          %swap3A_1053 = arith.constant 0 : i32
          %swap3A_1054 = tpu.memref_slice %arg10[%scan3A_30, %swap3A_1052, %swap3A_1053] : memref<2x40x128xf32, #tpu.memory_space<vmem>> -> memref<1x40x128xf32, #tpu.memory_space<vmem>>
          %swap3A_1055 = tpu.memref_squeeze %swap3A_1054 : memref<1x40x128xf32, #tpu.memory_space<vmem>> -> memref<40x128xf32, #tpu.memory_space<vmem>>
          %swap3A_1056 = arith.index_cast %mul3A_268 : i32 to index
          %swap3A_1057 = arith.constant 112 : index
          %swap3A_1058 = tpu.vector_load %swap3A_1055[%swap3A_1056, %swap3A_1057] {strides = array<i32>} : memref<40x128xf32, #tpu.memory_space<vmem>>, vector<16xf32>,
          tpu.vector_store %swap3A_1055[%swap3A_1056, %swap3A_1057], %mul3A_1051 {strides = array<i32>} : memref<40x128xf32, #tpu.memory_space<vmem>>, vector<16xf32>,
          %xor3A_1059 = arith.constant 8 : i32
          %xor3A_1060 = vector.broadcast %xor3A_1059 : i32 to vector<16xi32>
          %xor3A_1061 = arith.xori %iota3A, %xor3A_1060 : vector<16xi32>
          %lt3A_1062 = arith.constant 0 : i32
          %lt3A_1063 = vector.broadcast %lt3A_1062 : i32 to vector<16xi32>
          %lt3A_1064 = arith.cmpi slt, %xor3A_1061, %lt3A_1063 : vector<16xi32>
          %add3A_1065 = arith.constant 16 : i32
          %add3A_1066 = vector.broadcast %add3A_1065 : i32 to vector<16xi32>
          %add3A_1067 = arith.addi %xor3A_1061, %add3A_1066 : vector<16xi32>
          %select_n3A_1068 = arith.select %lt3A_1064, %add3A_1067, %xor3A_1061 : vector<16xi1>, vector<16xi32>
          %broadcast_in_dim3A_1069 = vector.shape_cast %select_n3A_1068 : vector<16xi32> to vector<16x1xi32>
          %gather3A_1070 = vector.shape_cast %broadcast_in_dim3A_1069 : vector<16x1xi32> to vector<16xi32>
          %gather3A_1071 = tpu.dynamic_gather %add3A_555[%gather3A_1070] in [0] : vector<16xf32>, vector<16xi32> -> vector<16xf32>
          %add3A_1072 = arith.addf %add3A_555, %gather3A_1071 : vector<16xf32>
          %xor3A_1073 = arith.constant 4 : i32
          %xor3A_1074 = vector.broadcast %xor3A_1073 : i32 to vector<16xi32>
          %xor3A_1075 = arith.xori %iota3A, %xor3A_1074 : vector<16xi32>
          %lt3A_1076 = arith.constant 0 : i32
          %lt3A_1077 = vector.broadcast %lt3A_1076 : i32 to vector<16xi32>
          %lt3A_1078 = arith.cmpi slt, %xor3A_1075, %lt3A_1077 : vector<16xi32>
          %add3A_1079 = arith.constant 16 : i32
          %add3A_1080 = vector.broadcast %add3A_1079 : i32 to vector<16xi32>
          %add3A_1081 = arith.addi %xor3A_1075, %add3A_1080 : vector<16xi32>
          %select_n3A_1082 = arith.select %lt3A_1078, %add3A_1081, %xor3A_1075 : vector<16xi1>, vector<16xi32>
          %broadcast_in_dim3A_1083 = vector.shape_cast %select_n3A_1082 : vector<16xi32> to vector<16x1xi32>
          %gather3A_1084 = vector.shape_cast %broadcast_in_dim3A_1083 : vector<16x1xi32> to vector<16xi32>
          %gather3A_1085 = tpu.dynamic_gather %add3A_1072[%gather3A_1084] in [0] : vector<16xf32>, vector<16xi32> -> vector<16xf32>
          %add3A_1086 = arith.addf %add3A_1072, %gather3A_1085 : vector<16xf32>
          %xor3A_1087 = arith.constant 2 : i32
          %xor3A_1088 = vector.broadcast %xor3A_1087 : i32 to vector<16xi32>
          %xor3A_1089 = arith.xori %iota3A, %xor3A_1088 : vector<16xi32>
          %lt3A_1090 = arith.constant 0 : i32
          %lt3A_1091 = vector.broadcast %lt3A_1090 : i32 to vector<16xi32>
          %lt3A_1092 = arith.cmpi slt, %xor3A_1089, %lt3A_1091 : vector<16xi32>
          %add3A_1093 = arith.constant 16 : i32
          %add3A_1094 = vector.broadcast %add3A_1093 : i32 to vector<16xi32>
          %add3A_1095 = arith.addi %xor3A_1089, %add3A_1094 : vector<16xi32>
          %select_n3A_1096 = arith.select %lt3A_1092, %add3A_1095, %xor3A_1089 : vector<16xi1>, vector<16xi32>
          %broadcast_in_dim3A_1097 = vector.shape_cast %select_n3A_1096 : vector<16xi32> to vector<16x1xi32>
          %gather3A_1098 = vector.shape_cast %broadcast_in_dim3A_1097 : vector<16x1xi32> to vector<16xi32>
          %gather3A_1099 = tpu.dynamic_gather %add3A_1086[%gather3A_1098] in [0] : vector<16xf32>, vector<16xi32> -> vector<16xf32>
          %add3A_1100 = arith.addf %add3A_1086, %gather3A_1099 : vector<16xf32>
          %xor3A_1101 = arith.constant 1 : i32
          %xor3A_1102 = vector.broadcast %xor3A_1101 : i32 to vector<16xi32>
          %xor3A_1103 = arith.xori %iota3A, %xor3A_1102 : vector<16xi32>
          %lt3A_1104 = arith.constant 0 : i32
          %lt3A_1105 = vector.broadcast %lt3A_1104 : i32 to vector<16xi32>
          %lt3A_1106 = arith.cmpi slt, %xor3A_1103, %lt3A_1105 : vector<16xi32>
          %add3A_1107 = arith.constant 16 : i32
          %add3A_1108 = vector.broadcast %add3A_1107 : i32 to vector<16xi32>
          %add3A_1109 = arith.addi %xor3A_1103, %add3A_1108 : vector<16xi32>
          %select_n3A_1110 = arith.select %lt3A_1106, %add3A_1109, %xor3A_1103 : vector<16xi1>, vector<16xi32>
          %broadcast_in_dim3A_1111 = vector.shape_cast %select_n3A_1110 : vector<16xi32> to vector<16x1xi32>
          %gather3A_1112 = vector.shape_cast %broadcast_in_dim3A_1111 : vector<16x1xi32> to vector<16xi32>
          %gather3A_1113 = tpu.dynamic_gather %add3A_1100[%gather3A_1112] in [0] : vector<16xf32>, vector<16xi32> -> vector<16xf32>
          %add3A_1114 = arith.addf %add3A_1100, %gather3A_1113 : vector<16xf32>
          %mul3A_1115 = arith.constant 7.812500e-03 : f32
          %mul3A_1116 = vector.broadcast %mul3A_1115 : f32 to vector<16xf32>
          %mul3A_1117 = arith.mulf %add3A_1114, %mul3A_1116 : vector<16xf32>
          %xor3A_1118 = arith.constant 8 : i32
          %xor3A_1119 = vector.broadcast %xor3A_1118 : i32 to vector<16xi32>
          %xor3A_1120 = arith.xori %iota3A, %xor3A_1119 : vector<16xi32>
          %lt3A_1121 = arith.constant 0 : i32
          %lt3A_1122 = vector.broadcast %lt3A_1121 : i32 to vector<16xi32>
          %lt3A_1123 = arith.cmpi slt, %xor3A_1120, %lt3A_1122 : vector<16xi32>
          %add3A_1124 = arith.constant 16 : i32
          %add3A_1125 = vector.broadcast %add3A_1124 : i32 to vector<16xi32>
          %add3A_1126 = arith.addi %xor3A_1120, %add3A_1125 : vector<16xi32>
          %select_n3A_1127 = arith.select %lt3A_1123, %add3A_1126, %xor3A_1120 : vector<16xi1>, vector<16xi32>
          %broadcast_in_dim3A_1128 = vector.shape_cast %select_n3A_1127 : vector<16xi32> to vector<16x1xi32>
          %gather3A_1129 = vector.shape_cast %broadcast_in_dim3A_1128 : vector<16x1xi32> to vector<16xi32>
          %gather3A_1130 = tpu.dynamic_gather %add3A_557[%gather3A_1129] in [0] : vector<16xf32>, vector<16xi32> -> vector<16xf32>
          %add3A_1131 = arith.addf %add3A_557, %gather3A_1130 : vector<16xf32>
          %xor3A_1132 = arith.constant 4 : i32
          %xor3A_1133 = vector.broadcast %xor3A_1132 : i32 to vector<16xi32>
          %xor3A_1134 = arith.xori %iota3A, %xor3A_1133 : vector<16xi32>
          %lt3A_1135 = arith.constant 0 : i32
          %lt3A_1136 = vector.broadcast %lt3A_1135 : i32 to vector<16xi32>
          %lt3A_1137 = arith.cmpi slt, %xor3A_1134, %lt3A_1136 : vector<16xi32>
          %add3A_1138 = arith.constant 16 : i32
          %add3A_1139 = vector.broadcast %add3A_1138 : i32 to vector<16xi32>
          %add3A_1140 = arith.addi %xor3A_1134, %add3A_1139 : vector<16xi32>
          %select_n3A_1141 = arith.select %lt3A_1137, %add3A_1140, %xor3A_1134 : vector<16xi1>, vector<16xi32>
          %broadcast_in_dim3A_1142 = vector.shape_cast %select_n3A_1141 : vector<16xi32> to vector<16x1xi32>
          %gather3A_1143 = vector.shape_cast %broadcast_in_dim3A_1142 : vector<16x1xi32> to vector<16xi32>
          %gather3A_1144 = tpu.dynamic_gather %add3A_1131[%gather3A_1143] in [0] : vector<16xf32>, vector<16xi32> -> vector<16xf32>
          %add3A_1145 = arith.addf %add3A_1131, %gather3A_1144 : vector<16xf32>
          %xor3A_1146 = arith.constant 2 : i32
          %xor3A_1147 = vector.broadcast %xor3A_1146 : i32 to vector<16xi32>
          %xor3A_1148 = arith.xori %iota3A, %xor3A_1147 : vector<16xi32>
          %lt3A_1149 = arith.constant 0 : i32
          %lt3A_1150 = vector.broadcast %lt3A_1149 : i32 to vector<16xi32>
          %lt3A_1151 = arith.cmpi slt, %xor3A_1148, %lt3A_1150 : vector<16xi32>
          %add3A_1152 = arith.constant 16 : i32
          %add3A_1153 = vector.broadcast %add3A_1152 : i32 to vector<16xi32>
          %add3A_1154 = arith.addi %xor3A_1148, %add3A_1153 : vector<16xi32>
          %select_n3A_1155 = arith.select %lt3A_1151, %add3A_1154, %xor3A_1148 : vector<16xi1>, vector<16xi32>
          %broadcast_in_dim3A_1156 = vector.shape_cast %select_n3A_1155 : vector<16xi32> to vector<16x1xi32>
          %gather3A_1157 = vector.shape_cast %broadcast_in_dim3A_1156 : vector<16x1xi32> to vector<16xi32>
          %gather3A_1158 = tpu.dynamic_gather %add3A_1145[%gather3A_1157] in [0] : vector<16xf32>, vector<16xi32> -> vector<16xf32>
          %add3A_1159 = arith.addf %add3A_1145, %gather3A_1158 : vector<16xf32>
          %xor3A_1160 = arith.constant 1 : i32
          %xor3A_1161 = vector.broadcast %xor3A_1160 : i32 to vector<16xi32>
          %xor3A_1162 = arith.xori %iota3A, %xor3A_1161 : vector<16xi32>
          %lt3A_1163 = arith.constant 0 : i32
          %lt3A_1164 = vector.broadcast %lt3A_1163 : i32 to vector<16xi32>
          %lt3A_1165 = arith.cmpi slt, %xor3A_1162, %lt3A_1164 : vector<16xi32>
          %add3A_1166 = arith.constant 16 : i32
          %add3A_1167 = vector.broadcast %add3A_1166 : i32 to vector<16xi32>
          %add3A_1168 = arith.addi %xor3A_1162, %add3A_1167 : vector<16xi32>
          %select_n3A_1169 = arith.select %lt3A_1165, %add3A_1168, %xor3A_1162 : vector<16xi1>, vector<16xi32>
          %broadcast_in_dim3A_1170 = vector.shape_cast %select_n3A_1169 : vector<16xi32> to vector<16x1xi32>
          %gather3A_1171 = vector.shape_cast %broadcast_in_dim3A_1170 : vector<16x1xi32> to vector<16xi32>
          %gather3A_1172 = tpu.dynamic_gather %add3A_1159[%gather3A_1171] in [0] : vector<16xf32>, vector<16xi32> -> vector<16xf32>
          %add3A_1173 = arith.addf %add3A_1159, %gather3A_1172 : vector<16xf32>
          %mul3A_1174 = arith.constant 7.812500e-03 : f32
          %mul3A_1175 = vector.broadcast %mul3A_1174 : f32 to vector<16xf32>
          %mul3A_1176 = arith.mulf %add3A_1173, %mul3A_1175 : vector<16xf32>
          %mul3A_1177 = arith.mulf %mul3A_1117, %mul3A_1117 : vector<16xf32>
          %sub3A_1178 = arith.subf %mul3A_1176, %mul3A_1177 : vector<16xf32>
          %add3A_1179 = arith.constant 9.99999974E-6 : f32
          %add3A_1180 = vector.broadcast %add3A_1179 : f32 to vector<16xf32>
          %add3A_1181 = arith.addf %sub3A_1178, %add3A_1180 : vector<16xf32>
          %bitcast3A_1182 = vector.bitcast %add3A_1181 : vector<16xf32> to vector<16xi32>
          %shift_right_arithmetic3A_1183 = arith.constant 1 : i32
          %shift_right_arithmetic3A_1184 = vector.broadcast %shift_right_arithmetic3A_1183 : i32 to vector<16xi32>
          %shift_right_arithmetic3A_1185 = arith.shrsi %bitcast3A_1182, %shift_right_arithmetic3A_1184 : vector<16xi32>
          %sub3A_1186 = arith.constant 1597463007 : i32
          %sub3A_1187 = vector.broadcast %sub3A_1186 : i32 to vector<16xi32>
          %sub3A_1188 = arith.subi %sub3A_1187, %shift_right_arithmetic3A_1185 : vector<16xi32>
          %bitcast3A_1189 = vector.bitcast %sub3A_1188 : vector<16xi32> to vector<16xf32>
          %mul3A_1190 = arith.constant 5.000000e-01 : f32
          %mul3A_1191 = vector.broadcast %mul3A_1190 : f32 to vector<16xf32>
          %mul3A_1192 = arith.mulf %mul3A_1191, %add3A_1181 : vector<16xf32>
          %mul3A_1193 = arith.mulf %mul3A_1192, %bitcast3A_1189 : vector<16xf32>
          %mul3A_1194 = arith.mulf %mul3A_1193, %bitcast3A_1189 : vector<16xf32>
          %sub3A_1195 = arith.constant 1.500000e+00 : f32
          %sub3A_1196 = vector.broadcast %sub3A_1195 : f32 to vector<16xf32>
          %sub3A_1197 = arith.subf %sub3A_1196, %mul3A_1194 : vector<16xf32>
          %mul3A_1198 = arith.mulf %bitcast3A_1189, %sub3A_1197 : vector<16xf32>
          %mul3A_1199 = arith.constant 5.000000e-01 : f32
          %mul3A_1200 = vector.broadcast %mul3A_1199 : f32 to vector<16xf32>
          %mul3A_1201 = arith.mulf %mul3A_1200, %add3A_1181 : vector<16xf32>
          %mul3A_1202 = arith.mulf %mul3A_1201, %mul3A_1198 : vector<16xf32>
          %mul3A_1203 = arith.mulf %mul3A_1202, %mul3A_1198 : vector<16xf32>
          %sub3A_1204 = arith.constant 1.500000e+00 : f32
          %sub3A_1205 = vector.broadcast %sub3A_1204 : f32 to vector<16xf32>
          %sub3A_1206 = arith.subf %sub3A_1205, %mul3A_1203 : vector<16xf32>
          %mul3A_1207 = arith.mulf %mul3A_1198, %sub3A_1206 : vector<16xf32>
          %sub3A_1208 = arith.subf %sub3A_430, %mul3A_1117 : vector<16xf32>
          %mul3A_1209 = arith.mulf %sub3A_1208, %mul3A_1207 : vector<16xf32>
          %swap3A_1210 = arith.constant 0 : i32
          %swap3A_1211 = arith.constant 0 : i32
          %swap3A_1212 = tpu.memref_slice %arg10[%scan3A_30, %swap3A_1210, %swap3A_1211] : memref<2x40x128xf32, #tpu.memory_space<vmem>> -> memref<1x40x128xf32, #tpu.memory_space<vmem>>
          %swap3A_1213 = tpu.memref_squeeze %swap3A_1212 : memref<1x40x128xf32, #tpu.memory_space<vmem>> -> memref<40x128xf32, #tpu.memory_space<vmem>>
          %swap3A_1214 = arith.index_cast %add3A_270 : i32 to index
          %swap3A_1215 = arith.constant 0 : index
          %swap3A_1216 = tpu.vector_load %swap3A_1213[%swap3A_1214, %swap3A_1215] {strides = array<i32>} : memref<40x128xf32, #tpu.memory_space<vmem>>, vector<16xf32>,
          tpu.vector_store %swap3A_1213[%swap3A_1214, %swap3A_1215], %mul3A_1209 {strides = array<i32>} : memref<40x128xf32, #tpu.memory_space<vmem>>, vector<16xf32>,
          %sub3A_1217 = arith.subf %sub3A_446, %mul3A_1117 : vector<16xf32>
          %mul3A_1218 = arith.mulf %sub3A_1217, %mul3A_1207 : vector<16xf32>
          %swap3A_1219 = arith.constant 0 : i32
          %swap3A_1220 = arith.constant 0 : i32
          %swap3A_1221 = tpu.memref_slice %arg10[%scan3A_30, %swap3A_1219, %swap3A_1220] : memref<2x40x128xf32, #tpu.memory_space<vmem>> -> memref<1x40x128xf32, #tpu.memory_space<vmem>>
          %swap3A_1222 = tpu.memref_squeeze %swap3A_1221 : memref<1x40x128xf32, #tpu.memory_space<vmem>> -> memref<40x128xf32, #tpu.memory_space<vmem>>
          %swap3A_1223 = arith.index_cast %add3A_270 : i32 to index
          %swap3A_1224 = arith.constant 16 : index
          %swap3A_1225 = tpu.vector_load %swap3A_1222[%swap3A_1223, %swap3A_1224] {strides = array<i32>} : memref<40x128xf32, #tpu.memory_space<vmem>>, vector<16xf32>,
          tpu.vector_store %swap3A_1222[%swap3A_1223, %swap3A_1224], %mul3A_1218 {strides = array<i32>} : memref<40x128xf32, #tpu.memory_space<vmem>>, vector<16xf32>,
          %sub3A_1226 = arith.subf %sub3A_464, %mul3A_1117 : vector<16xf32>
          %mul3A_1227 = arith.mulf %sub3A_1226, %mul3A_1207 : vector<16xf32>
          %swap3A_1228 = arith.constant 0 : i32
          %swap3A_1229 = arith.constant 0 : i32
          %swap3A_1230 = tpu.memref_slice %arg10[%scan3A_30, %swap3A_1228, %swap3A_1229] : memref<2x40x128xf32, #tpu.memory_space<vmem>> -> memref<1x40x128xf32, #tpu.memory_space<vmem>>
          %swap3A_1231 = tpu.memref_squeeze %swap3A_1230 : memref<1x40x128xf32, #tpu.memory_space<vmem>> -> memref<40x128xf32, #tpu.memory_space<vmem>>
          %swap3A_1232 = arith.index_cast %add3A_270 : i32 to index
          %swap3A_1233 = arith.constant 32 : index
          %swap3A_1234 = tpu.vector_load %swap3A_1231[%swap3A_1232, %swap3A_1233] {strides = array<i32>} : memref<40x128xf32, #tpu.memory_space<vmem>>, vector<16xf32>,
          tpu.vector_store %swap3A_1231[%swap3A_1232, %swap3A_1233], %mul3A_1227 {strides = array<i32>} : memref<40x128xf32, #tpu.memory_space<vmem>>, vector<16xf32>,
          %sub3A_1235 = arith.subf %sub3A_482, %mul3A_1117 : vector<16xf32>
          %mul3A_1236 = arith.mulf %sub3A_1235, %mul3A_1207 : vector<16xf32>
          %swap3A_1237 = arith.constant 0 : i32
          %swap3A_1238 = arith.constant 0 : i32
          %swap3A_1239 = tpu.memref_slice %arg10[%scan3A_30, %swap3A_1237, %swap3A_1238] : memref<2x40x128xf32, #tpu.memory_space<vmem>> -> memref<1x40x128xf32, #tpu.memory_space<vmem>>
          %swap3A_1240 = tpu.memref_squeeze %swap3A_1239 : memref<1x40x128xf32, #tpu.memory_space<vmem>> -> memref<40x128xf32, #tpu.memory_space<vmem>>
          %swap3A_1241 = arith.index_cast %add3A_270 : i32 to index
          %swap3A_1242 = arith.constant 48 : index
          %swap3A_1243 = tpu.vector_load %swap3A_1240[%swap3A_1241, %swap3A_1242] {strides = array<i32>} : memref<40x128xf32, #tpu.memory_space<vmem>>, vector<16xf32>,
          tpu.vector_store %swap3A_1240[%swap3A_1241, %swap3A_1242], %mul3A_1236 {strides = array<i32>} : memref<40x128xf32, #tpu.memory_space<vmem>>, vector<16xf32>,
          %sub3A_1244 = arith.subf %sub3A_500, %mul3A_1117 : vector<16xf32>
          %mul3A_1245 = arith.mulf %sub3A_1244, %mul3A_1207 : vector<16xf32>
          %swap3A_1246 = arith.constant 0 : i32
          %swap3A_1247 = arith.constant 0 : i32
          %swap3A_1248 = tpu.memref_slice %arg10[%scan3A_30, %swap3A_1246, %swap3A_1247] : memref<2x40x128xf32, #tpu.memory_space<vmem>> -> memref<1x40x128xf32, #tpu.memory_space<vmem>>
          %swap3A_1249 = tpu.memref_squeeze %swap3A_1248 : memref<1x40x128xf32, #tpu.memory_space<vmem>> -> memref<40x128xf32, #tpu.memory_space<vmem>>
          %swap3A_1250 = arith.index_cast %add3A_270 : i32 to index
          %swap3A_1251 = arith.constant 64 : index
          %swap3A_1252 = tpu.vector_load %swap3A_1249[%swap3A_1250, %swap3A_1251] {strides = array<i32>} : memref<40x128xf32, #tpu.memory_space<vmem>>, vector<16xf32>,
          tpu.vector_store %swap3A_1249[%swap3A_1250, %swap3A_1251], %mul3A_1245 {strides = array<i32>} : memref<40x128xf32, #tpu.memory_space<vmem>>, vector<16xf32>,
          %sub3A_1253 = arith.subf %sub3A_518, %mul3A_1117 : vector<16xf32>
          %mul3A_1254 = arith.mulf %sub3A_1253, %mul3A_1207 : vector<16xf32>
          %swap3A_1255 = arith.constant 0 : i32
          %swap3A_1256 = arith.constant 0 : i32
          %swap3A_1257 = tpu.memref_slice %arg10[%scan3A_30, %swap3A_1255, %swap3A_1256] : memref<2x40x128xf32, #tpu.memory_space<vmem>> -> memref<1x40x128xf32, #tpu.memory_space<vmem>>
          %swap3A_1258 = tpu.memref_squeeze %swap3A_1257 : memref<1x40x128xf32, #tpu.memory_space<vmem>> -> memref<40x128xf32, #tpu.memory_space<vmem>>
          %swap3A_1259 = arith.index_cast %add3A_270 : i32 to index
          %swap3A_1260 = arith.constant 80 : index
          %swap3A_1261 = tpu.vector_load %swap3A_1258[%swap3A_1259, %swap3A_1260] {strides = array<i32>} : memref<40x128xf32, #tpu.memory_space<vmem>>, vector<16xf32>,
          tpu.vector_store %swap3A_1258[%swap3A_1259, %swap3A_1260], %mul3A_1254 {strides = array<i32>} : memref<40x128xf32, #tpu.memory_space<vmem>>, vector<16xf32>,
          %sub3A_1262 = arith.subf %sub3A_536, %mul3A_1117 : vector<16xf32>
          %mul3A_1263 = arith.mulf %sub3A_1262, %mul3A_1207 : vector<16xf32>
          %swap3A_1264 = arith.constant 0 : i32
          %swap3A_1265 = arith.constant 0 : i32
          %swap3A_1266 = tpu.memref_slice %arg10[%scan3A_30, %swap3A_1264, %swap3A_1265] : memref<2x40x128xf32, #tpu.memory_space<vmem>> -> memref<1x40x128xf32, #tpu.memory_space<vmem>>
          %swap3A_1267 = tpu.memref_squeeze %swap3A_1266 : memref<1x40x128xf32, #tpu.memory_space<vmem>> -> memref<40x128xf32, #tpu.memory_space<vmem>>
          %swap3A_1268 = arith.index_cast %add3A_270 : i32 to index
          %swap3A_1269 = arith.constant 96 : index
          %swap3A_1270 = tpu.vector_load %swap3A_1267[%swap3A_1268, %swap3A_1269] {strides = array<i32>} : memref<40x128xf32, #tpu.memory_space<vmem>>, vector<16xf32>,
          tpu.vector_store %swap3A_1267[%swap3A_1268, %swap3A_1269], %mul3A_1263 {strides = array<i32>} : memref<40x128xf32, #tpu.memory_space<vmem>>, vector<16xf32>,
          %sub3A_1271 = arith.subf %sub3A_554, %mul3A_1117 : vector<16xf32>
          %mul3A_1272 = arith.mulf %sub3A_1271, %mul3A_1207 : vector<16xf32>
          %swap3A_1273 = arith.constant 0 : i32
          %swap3A_1274 = arith.constant 0 : i32
          %swap3A_1275 = tpu.memref_slice %arg10[%scan3A_30, %swap3A_1273, %swap3A_1274] : memref<2x40x128xf32, #tpu.memory_space<vmem>> -> memref<1x40x128xf32, #tpu.memory_space<vmem>>
          %swap3A_1276 = tpu.memref_squeeze %swap3A_1275 : memref<1x40x128xf32, #tpu.memory_space<vmem>> -> memref<40x128xf32, #tpu.memory_space<vmem>>
          %swap3A_1277 = arith.index_cast %add3A_270 : i32 to index
          %swap3A_1278 = arith.constant 112 : index
          %swap3A_1279 = tpu.vector_load %swap3A_1276[%swap3A_1277, %swap3A_1278] {strides = array<i32>} : memref<40x128xf32, #tpu.memory_space<vmem>>, vector<16xf32>,
          tpu.vector_store %swap3A_1276[%swap3A_1277, %swap3A_1278], %mul3A_1272 {strides = array<i32>} : memref<40x128xf32, #tpu.memory_space<vmem>>, vector<16xf32>,
          %xor3A_1280 = arith.constant 8 : i32
          %xor3A_1281 = vector.broadcast %xor3A_1280 : i32 to vector<16xi32>
          %xor3A_1282 = arith.xori %iota3A, %xor3A_1281 : vector<16xi32>
          %lt3A_1283 = arith.constant 0 : i32
          %lt3A_1284 = vector.broadcast %lt3A_1283 : i32 to vector<16xi32>
          %lt3A_1285 = arith.cmpi slt, %xor3A_1282, %lt3A_1284 : vector<16xi32>
          %add3A_1286 = arith.constant 16 : i32
          %add3A_1287 = vector.broadcast %add3A_1286 : i32 to vector<16xi32>
          %add3A_1288 = arith.addi %xor3A_1282, %add3A_1287 : vector<16xi32>
          %select_n3A_1289 = arith.select %lt3A_1285, %add3A_1288, %xor3A_1282 : vector<16xi1>, vector<16xi32>
          %broadcast_in_dim3A_1290 = vector.shape_cast %select_n3A_1289 : vector<16xi32> to vector<16x1xi32>
          %gather3A_1291 = vector.shape_cast %broadcast_in_dim3A_1290 : vector<16x1xi32> to vector<16xi32>
          %gather3A_1292 = tpu.dynamic_gather %add3A_697[%gather3A_1291] in [0] : vector<16xf32>, vector<16xi32> -> vector<16xf32>
          %add3A_1293 = arith.addf %add3A_697, %gather3A_1292 : vector<16xf32>
          %xor3A_1294 = arith.constant 4 : i32
          %xor3A_1295 = vector.broadcast %xor3A_1294 : i32 to vector<16xi32>
          %xor3A_1296 = arith.xori %iota3A, %xor3A_1295 : vector<16xi32>
          %lt3A_1297 = arith.constant 0 : i32
          %lt3A_1298 = vector.broadcast %lt3A_1297 : i32 to vector<16xi32>
          %lt3A_1299 = arith.cmpi slt, %xor3A_1296, %lt3A_1298 : vector<16xi32>
          %add3A_1300 = arith.constant 16 : i32
          %add3A_1301 = vector.broadcast %add3A_1300 : i32 to vector<16xi32>
          %add3A_1302 = arith.addi %xor3A_1296, %add3A_1301 : vector<16xi32>
          %select_n3A_1303 = arith.select %lt3A_1299, %add3A_1302, %xor3A_1296 : vector<16xi1>, vector<16xi32>
          %broadcast_in_dim3A_1304 = vector.shape_cast %select_n3A_1303 : vector<16xi32> to vector<16x1xi32>
          %gather3A_1305 = vector.shape_cast %broadcast_in_dim3A_1304 : vector<16x1xi32> to vector<16xi32>
          %gather3A_1306 = tpu.dynamic_gather %add3A_1293[%gather3A_1305] in [0] : vector<16xf32>, vector<16xi32> -> vector<16xf32>
          %add3A_1307 = arith.addf %add3A_1293, %gather3A_1306 : vector<16xf32>
          %xor3A_1308 = arith.constant 2 : i32
          %xor3A_1309 = vector.broadcast %xor3A_1308 : i32 to vector<16xi32>
          %xor3A_1310 = arith.xori %iota3A, %xor3A_1309 : vector<16xi32>
          %lt3A_1311 = arith.constant 0 : i32
          %lt3A_1312 = vector.broadcast %lt3A_1311 : i32 to vector<16xi32>
          %lt3A_1313 = arith.cmpi slt, %xor3A_1310, %lt3A_1312 : vector<16xi32>
          %add3A_1314 = arith.constant 16 : i32
          %add3A_1315 = vector.broadcast %add3A_1314 : i32 to vector<16xi32>
          %add3A_1316 = arith.addi %xor3A_1310, %add3A_1315 : vector<16xi32>
          %select_n3A_1317 = arith.select %lt3A_1313, %add3A_1316, %xor3A_1310 : vector<16xi1>, vector<16xi32>
          %broadcast_in_dim3A_1318 = vector.shape_cast %select_n3A_1317 : vector<16xi32> to vector<16x1xi32>
          %gather3A_1319 = vector.shape_cast %broadcast_in_dim3A_1318 : vector<16x1xi32> to vector<16xi32>
          %gather3A_1320 = tpu.dynamic_gather %add3A_1307[%gather3A_1319] in [0] : vector<16xf32>, vector<16xi32> -> vector<16xf32>
          %add3A_1321 = arith.addf %add3A_1307, %gather3A_1320 : vector<16xf32>
          %xor3A_1322 = arith.constant 1 : i32
          %xor3A_1323 = vector.broadcast %xor3A_1322 : i32 to vector<16xi32>
          %xor3A_1324 = arith.xori %iota3A, %xor3A_1323 : vector<16xi32>
          %lt3A_1325 = arith.constant 0 : i32
          %lt3A_1326 = vector.broadcast %lt3A_1325 : i32 to vector<16xi32>
          %lt3A_1327 = arith.cmpi slt, %xor3A_1324, %lt3A_1326 : vector<16xi32>
          %add3A_1328 = arith.constant 16 : i32
          %add3A_1329 = vector.broadcast %add3A_1328 : i32 to vector<16xi32>
          %add3A_1330 = arith.addi %xor3A_1324, %add3A_1329 : vector<16xi32>
          %select_n3A_1331 = arith.select %lt3A_1327, %add3A_1330, %xor3A_1324 : vector<16xi1>, vector<16xi32>
          %broadcast_in_dim3A_1332 = vector.shape_cast %select_n3A_1331 : vector<16xi32> to vector<16x1xi32>
          %gather3A_1333 = vector.shape_cast %broadcast_in_dim3A_1332 : vector<16x1xi32> to vector<16xi32>
          %gather3A_1334 = tpu.dynamic_gather %add3A_1321[%gather3A_1333] in [0] : vector<16xf32>, vector<16xi32> -> vector<16xf32>
          %add3A_1335 = arith.addf %add3A_1321, %gather3A_1334 : vector<16xf32>
          %mul3A_1336 = arith.constant 7.812500e-03 : f32
          %mul3A_1337 = vector.broadcast %mul3A_1336 : f32 to vector<16xf32>
          %mul3A_1338 = arith.mulf %add3A_1335, %mul3A_1337 : vector<16xf32>
          %xor3A_1339 = arith.constant 8 : i32
          %xor3A_1340 = vector.broadcast %xor3A_1339 : i32 to vector<16xi32>
          %xor3A_1341 = arith.xori %iota3A, %xor3A_1340 : vector<16xi32>
          %lt3A_1342 = arith.constant 0 : i32
          %lt3A_1343 = vector.broadcast %lt3A_1342 : i32 to vector<16xi32>
          %lt3A_1344 = arith.cmpi slt, %xor3A_1341, %lt3A_1343 : vector<16xi32>
          %add3A_1345 = arith.constant 16 : i32
          %add3A_1346 = vector.broadcast %add3A_1345 : i32 to vector<16xi32>
          %add3A_1347 = arith.addi %xor3A_1341, %add3A_1346 : vector<16xi32>
          %select_n3A_1348 = arith.select %lt3A_1344, %add3A_1347, %xor3A_1341 : vector<16xi1>, vector<16xi32>
          %broadcast_in_dim3A_1349 = vector.shape_cast %select_n3A_1348 : vector<16xi32> to vector<16x1xi32>
          %gather3A_1350 = vector.shape_cast %broadcast_in_dim3A_1349 : vector<16x1xi32> to vector<16xi32>
          %gather3A_1351 = tpu.dynamic_gather %add3A_699[%gather3A_1350] in [0] : vector<16xf32>, vector<16xi32> -> vector<16xf32>
          %add3A_1352 = arith.addf %add3A_699, %gather3A_1351 : vector<16xf32>
          %xor3A_1353 = arith.constant 4 : i32
          %xor3A_1354 = vector.broadcast %xor3A_1353 : i32 to vector<16xi32>
          %xor3A_1355 = arith.xori %iota3A, %xor3A_1354 : vector<16xi32>
          %lt3A_1356 = arith.constant 0 : i32
          %lt3A_1357 = vector.broadcast %lt3A_1356 : i32 to vector<16xi32>
          %lt3A_1358 = arith.cmpi slt, %xor3A_1355, %lt3A_1357 : vector<16xi32>
          %add3A_1359 = arith.constant 16 : i32
          %add3A_1360 = vector.broadcast %add3A_1359 : i32 to vector<16xi32>
          %add3A_1361 = arith.addi %xor3A_1355, %add3A_1360 : vector<16xi32>
          %select_n3A_1362 = arith.select %lt3A_1358, %add3A_1361, %xor3A_1355 : vector<16xi1>, vector<16xi32>
          %broadcast_in_dim3A_1363 = vector.shape_cast %select_n3A_1362 : vector<16xi32> to vector<16x1xi32>
          %gather3A_1364 = vector.shape_cast %broadcast_in_dim3A_1363 : vector<16x1xi32> to vector<16xi32>
          %gather3A_1365 = tpu.dynamic_gather %add3A_1352[%gather3A_1364] in [0] : vector<16xf32>, vector<16xi32> -> vector<16xf32>
          %add3A_1366 = arith.addf %add3A_1352, %gather3A_1365 : vector<16xf32>
          %xor3A_1367 = arith.constant 2 : i32
          %xor3A_1368 = vector.broadcast %xor3A_1367 : i32 to vector<16xi32>
          %xor3A_1369 = arith.xori %iota3A, %xor3A_1368 : vector<16xi32>
          %lt3A_1370 = arith.constant 0 : i32
          %lt3A_1371 = vector.broadcast %lt3A_1370 : i32 to vector<16xi32>
          %lt3A_1372 = arith.cmpi slt, %xor3A_1369, %lt3A_1371 : vector<16xi32>
          %add3A_1373 = arith.constant 16 : i32
          %add3A_1374 = vector.broadcast %add3A_1373 : i32 to vector<16xi32>
          %add3A_1375 = arith.addi %xor3A_1369, %add3A_1374 : vector<16xi32>
          %select_n3A_1376 = arith.select %lt3A_1372, %add3A_1375, %xor3A_1369 : vector<16xi1>, vector<16xi32>
          %broadcast_in_dim3A_1377 = vector.shape_cast %select_n3A_1376 : vector<16xi32> to vector<16x1xi32>
          %gather3A_1378 = vector.shape_cast %broadcast_in_dim3A_1377 : vector<16x1xi32> to vector<16xi32>
          %gather3A_1379 = tpu.dynamic_gather %add3A_1366[%gather3A_1378] in [0] : vector<16xf32>, vector<16xi32> -> vector<16xf32>
          %add3A_1380 = arith.addf %add3A_1366, %gather3A_1379 : vector<16xf32>
          %xor3A_1381 = arith.constant 1 : i32
          %xor3A_1382 = vector.broadcast %xor3A_1381 : i32 to vector<16xi32>
          %xor3A_1383 = arith.xori %iota3A, %xor3A_1382 : vector<16xi32>
          %lt3A_1384 = arith.constant 0 : i32
          %lt3A_1385 = vector.broadcast %lt3A_1384 : i32 to vector<16xi32>
          %lt3A_1386 = arith.cmpi slt, %xor3A_1383, %lt3A_1385 : vector<16xi32>
          %add3A_1387 = arith.constant 16 : i32
          %add3A_1388 = vector.broadcast %add3A_1387 : i32 to vector<16xi32>
          %add3A_1389 = arith.addi %xor3A_1383, %add3A_1388 : vector<16xi32>
          %select_n3A_1390 = arith.select %lt3A_1386, %add3A_1389, %xor3A_1383 : vector<16xi1>, vector<16xi32>
          %broadcast_in_dim3A_1391 = vector.shape_cast %select_n3A_1390 : vector<16xi32> to vector<16x1xi32>
          %gather3A_1392 = vector.shape_cast %broadcast_in_dim3A_1391 : vector<16x1xi32> to vector<16xi32>
          %gather3A_1393 = tpu.dynamic_gather %add3A_1380[%gather3A_1392] in [0] : vector<16xf32>, vector<16xi32> -> vector<16xf32>
          %add3A_1394 = arith.addf %add3A_1380, %gather3A_1393 : vector<16xf32>
          %mul3A_1395 = arith.constant 7.812500e-03 : f32
          %mul3A_1396 = vector.broadcast %mul3A_1395 : f32 to vector<16xf32>
          %mul3A_1397 = arith.mulf %add3A_1394, %mul3A_1396 : vector<16xf32>
          %mul3A_1398 = arith.mulf %mul3A_1338, %mul3A_1338 : vector<16xf32>
          %sub3A_1399 = arith.subf %mul3A_1397, %mul3A_1398 : vector<16xf32>
          %add3A_1400 = arith.constant 9.99999974E-6 : f32
          %add3A_1401 = vector.broadcast %add3A_1400 : f32 to vector<16xf32>
          %add3A_1402 = arith.addf %sub3A_1399, %add3A_1401 : vector<16xf32>
          %bitcast3A_1403 = vector.bitcast %add3A_1402 : vector<16xf32> to vector<16xi32>
          %shift_right_arithmetic3A_1404 = arith.constant 1 : i32
          %shift_right_arithmetic3A_1405 = vector.broadcast %shift_right_arithmetic3A_1404 : i32 to vector<16xi32>
          %shift_right_arithmetic3A_1406 = arith.shrsi %bitcast3A_1403, %shift_right_arithmetic3A_1405 : vector<16xi32>
          %sub3A_1407 = arith.constant 1597463007 : i32
          %sub3A_1408 = vector.broadcast %sub3A_1407 : i32 to vector<16xi32>
          %sub3A_1409 = arith.subi %sub3A_1408, %shift_right_arithmetic3A_1406 : vector<16xi32>
          %bitcast3A_1410 = vector.bitcast %sub3A_1409 : vector<16xi32> to vector<16xf32>
          %mul3A_1411 = arith.constant 5.000000e-01 : f32
          %mul3A_1412 = vector.broadcast %mul3A_1411 : f32 to vector<16xf32>
          %mul3A_1413 = arith.mulf %mul3A_1412, %add3A_1402 : vector<16xf32>
          %mul3A_1414 = arith.mulf %mul3A_1413, %bitcast3A_1410 : vector<16xf32>
          %mul3A_1415 = arith.mulf %mul3A_1414, %bitcast3A_1410 : vector<16xf32>
          %sub3A_1416 = arith.constant 1.500000e+00 : f32
          %sub3A_1417 = vector.broadcast %sub3A_1416 : f32 to vector<16xf32>
          %sub3A_1418 = arith.subf %sub3A_1417, %mul3A_1415 : vector<16xf32>
          %mul3A_1419 = arith.mulf %bitcast3A_1410, %sub3A_1418 : vector<16xf32>
          %mul3A_1420 = arith.constant 5.000000e-01 : f32
          %mul3A_1421 = vector.broadcast %mul3A_1420 : f32 to vector<16xf32>
          %mul3A_1422 = arith.mulf %mul3A_1421, %add3A_1402 : vector<16xf32>
          %mul3A_1423 = arith.mulf %mul3A_1422, %mul3A_1419 : vector<16xf32>
          %mul3A_1424 = arith.mulf %mul3A_1423, %mul3A_1419 : vector<16xf32>
          %sub3A_1425 = arith.constant 1.500000e+00 : f32
          %sub3A_1426 = vector.broadcast %sub3A_1425 : f32 to vector<16xf32>
          %sub3A_1427 = arith.subf %sub3A_1426, %mul3A_1424 : vector<16xf32>
          %mul3A_1428 = arith.mulf %mul3A_1419, %sub3A_1427 : vector<16xf32>
          %sub3A_1429 = arith.subf %sub3A_572, %mul3A_1338 : vector<16xf32>
          %mul3A_1430 = arith.mulf %sub3A_1429, %mul3A_1428 : vector<16xf32>
          %swap3A_1431 = arith.constant 0 : i32
          %swap3A_1432 = arith.constant 0 : i32
          %swap3A_1433 = tpu.memref_slice %arg10[%scan3A_30, %swap3A_1431, %swap3A_1432] : memref<2x40x128xf32, #tpu.memory_space<vmem>> -> memref<1x40x128xf32, #tpu.memory_space<vmem>>
          %swap3A_1434 = tpu.memref_squeeze %swap3A_1433 : memref<1x40x128xf32, #tpu.memory_space<vmem>> -> memref<40x128xf32, #tpu.memory_space<vmem>>
          %swap3A_1435 = arith.index_cast %add3A_272 : i32 to index
          %swap3A_1436 = arith.constant 0 : index
          %swap3A_1437 = tpu.vector_load %swap3A_1434[%swap3A_1435, %swap3A_1436] {strides = array<i32>} : memref<40x128xf32, #tpu.memory_space<vmem>>, vector<16xf32>,
          tpu.vector_store %swap3A_1434[%swap3A_1435, %swap3A_1436], %mul3A_1430 {strides = array<i32>} : memref<40x128xf32, #tpu.memory_space<vmem>>, vector<16xf32>,
          %sub3A_1438 = arith.subf %sub3A_588, %mul3A_1338 : vector<16xf32>
          %mul3A_1439 = arith.mulf %sub3A_1438, %mul3A_1428 : vector<16xf32>
          %swap3A_1440 = arith.constant 0 : i32
          %swap3A_1441 = arith.constant 0 : i32
          %swap3A_1442 = tpu.memref_slice %arg10[%scan3A_30, %swap3A_1440, %swap3A_1441] : memref<2x40x128xf32, #tpu.memory_space<vmem>> -> memref<1x40x128xf32, #tpu.memory_space<vmem>>
          %swap3A_1443 = tpu.memref_squeeze %swap3A_1442 : memref<1x40x128xf32, #tpu.memory_space<vmem>> -> memref<40x128xf32, #tpu.memory_space<vmem>>
          %swap3A_1444 = arith.index_cast %add3A_272 : i32 to index
          %swap3A_1445 = arith.constant 16 : index
          %swap3A_1446 = tpu.vector_load %swap3A_1443[%swap3A_1444, %swap3A_1445] {strides = array<i32>} : memref<40x128xf32, #tpu.memory_space<vmem>>, vector<16xf32>,
          tpu.vector_store %swap3A_1443[%swap3A_1444, %swap3A_1445], %mul3A_1439 {strides = array<i32>} : memref<40x128xf32, #tpu.memory_space<vmem>>, vector<16xf32>,
          %sub3A_1447 = arith.subf %sub3A_606, %mul3A_1338 : vector<16xf32>
          %mul3A_1448 = arith.mulf %sub3A_1447, %mul3A_1428 : vector<16xf32>
          %swap3A_1449 = arith.constant 0 : i32
          %swap3A_1450 = arith.constant 0 : i32
          %swap3A_1451 = tpu.memref_slice %arg10[%scan3A_30, %swap3A_1449, %swap3A_1450] : memref<2x40x128xf32, #tpu.memory_space<vmem>> -> memref<1x40x128xf32, #tpu.memory_space<vmem>>
          %swap3A_1452 = tpu.memref_squeeze %swap3A_1451 : memref<1x40x128xf32, #tpu.memory_space<vmem>> -> memref<40x128xf32, #tpu.memory_space<vmem>>
          %swap3A_1453 = arith.index_cast %add3A_272 : i32 to index
          %swap3A_1454 = arith.constant 32 : index
          %swap3A_1455 = tpu.vector_load %swap3A_1452[%swap3A_1453, %swap3A_1454] {strides = array<i32>} : memref<40x128xf32, #tpu.memory_space<vmem>>, vector<16xf32>,
          tpu.vector_store %swap3A_1452[%swap3A_1453, %swap3A_1454], %mul3A_1448 {strides = array<i32>} : memref<40x128xf32, #tpu.memory_space<vmem>>, vector<16xf32>,
          %sub3A_1456 = arith.subf %sub3A_624, %mul3A_1338 : vector<16xf32>
          %mul3A_1457 = arith.mulf %sub3A_1456, %mul3A_1428 : vector<16xf32>
          %swap3A_1458 = arith.constant 0 : i32
          %swap3A_1459 = arith.constant 0 : i32
          %swap3A_1460 = tpu.memref_slice %arg10[%scan3A_30, %swap3A_1458, %swap3A_1459] : memref<2x40x128xf32, #tpu.memory_space<vmem>> -> memref<1x40x128xf32, #tpu.memory_space<vmem>>
          %swap3A_1461 = tpu.memref_squeeze %swap3A_1460 : memref<1x40x128xf32, #tpu.memory_space<vmem>> -> memref<40x128xf32, #tpu.memory_space<vmem>>
          %swap3A_1462 = arith.index_cast %add3A_272 : i32 to index
          %swap3A_1463 = arith.constant 48 : index
          %swap3A_1464 = tpu.vector_load %swap3A_1461[%swap3A_1462, %swap3A_1463] {strides = array<i32>} : memref<40x128xf32, #tpu.memory_space<vmem>>, vector<16xf32>,
          tpu.vector_store %swap3A_1461[%swap3A_1462, %swap3A_1463], %mul3A_1457 {strides = array<i32>} : memref<40x128xf32, #tpu.memory_space<vmem>>, vector<16xf32>,
          %sub3A_1465 = arith.subf %sub3A_642, %mul3A_1338 : vector<16xf32>
          %mul3A_1466 = arith.mulf %sub3A_1465, %mul3A_1428 : vector<16xf32>
          %swap3A_1467 = arith.constant 0 : i32
          %swap3A_1468 = arith.constant 0 : i32
          %swap3A_1469 = tpu.memref_slice %arg10[%scan3A_30, %swap3A_1467, %swap3A_1468] : memref<2x40x128xf32, #tpu.memory_space<vmem>> -> memref<1x40x128xf32, #tpu.memory_space<vmem>>
          %swap3A_1470 = tpu.memref_squeeze %swap3A_1469 : memref<1x40x128xf32, #tpu.memory_space<vmem>> -> memref<40x128xf32, #tpu.memory_space<vmem>>
          %swap3A_1471 = arith.index_cast %add3A_272 : i32 to index
          %swap3A_1472 = arith.constant 64 : index
          %swap3A_1473 = tpu.vector_load %swap3A_1470[%swap3A_1471, %swap3A_1472] {strides = array<i32>} : memref<40x128xf32, #tpu.memory_space<vmem>>, vector<16xf32>,
          tpu.vector_store %swap3A_1470[%swap3A_1471, %swap3A_1472], %mul3A_1466 {strides = array<i32>} : memref<40x128xf32, #tpu.memory_space<vmem>>, vector<16xf32>,
          %sub3A_1474 = arith.subf %sub3A_660, %mul3A_1338 : vector<16xf32>
          %mul3A_1475 = arith.mulf %sub3A_1474, %mul3A_1428 : vector<16xf32>
          %swap3A_1476 = arith.constant 0 : i32
          %swap3A_1477 = arith.constant 0 : i32
          %swap3A_1478 = tpu.memref_slice %arg10[%scan3A_30, %swap3A_1476, %swap3A_1477] : memref<2x40x128xf32, #tpu.memory_space<vmem>> -> memref<1x40x128xf32, #tpu.memory_space<vmem>>
          %swap3A_1479 = tpu.memref_squeeze %swap3A_1478 : memref<1x40x128xf32, #tpu.memory_space<vmem>> -> memref<40x128xf32, #tpu.memory_space<vmem>>
          %swap3A_1480 = arith.index_cast %add3A_272 : i32 to index
          %swap3A_1481 = arith.constant 80 : index
          %swap3A_1482 = tpu.vector_load %swap3A_1479[%swap3A_1480, %swap3A_1481] {strides = array<i32>} : memref<40x128xf32, #tpu.memory_space<vmem>>, vector<16xf32>,
          tpu.vector_store %swap3A_1479[%swap3A_1480, %swap3A_1481], %mul3A_1475 {strides = array<i32>} : memref<40x128xf32, #tpu.memory_space<vmem>>, vector<16xf32>,
          %sub3A_1483 = arith.subf %sub3A_678, %mul3A_1338 : vector<16xf32>
          %mul3A_1484 = arith.mulf %sub3A_1483, %mul3A_1428 : vector<16xf32>
          %swap3A_1485 = arith.constant 0 : i32
          %swap3A_1486 = arith.constant 0 : i32
          %swap3A_1487 = tpu.memref_slice %arg10[%scan3A_30, %swap3A_1485, %swap3A_1486] : memref<2x40x128xf32, #tpu.memory_space<vmem>> -> memref<1x40x128xf32, #tpu.memory_space<vmem>>
          %swap3A_1488 = tpu.memref_squeeze %swap3A_1487 : memref<1x40x128xf32, #tpu.memory_space<vmem>> -> memref<40x128xf32, #tpu.memory_space<vmem>>
          %swap3A_1489 = arith.index_cast %add3A_272 : i32 to index
          %swap3A_1490 = arith.constant 96 : index
          %swap3A_1491 = tpu.vector_load %swap3A_1488[%swap3A_1489, %swap3A_1490] {strides = array<i32>} : memref<40x128xf32, #tpu.memory_space<vmem>>, vector<16xf32>,
          tpu.vector_store %swap3A_1488[%swap3A_1489, %swap3A_1490], %mul3A_1484 {strides = array<i32>} : memref<40x128xf32, #tpu.memory_space<vmem>>, vector<16xf32>,
          %sub3A_1492 = arith.subf %sub3A_696, %mul3A_1338 : vector<16xf32>
          %mul3A_1493 = arith.mulf %sub3A_1492, %mul3A_1428 : vector<16xf32>
          %swap3A_1494 = arith.constant 0 : i32
          %swap3A_1495 = arith.constant 0 : i32
          %swap3A_1496 = tpu.memref_slice %arg10[%scan3A_30, %swap3A_1494, %swap3A_1495] : memref<2x40x128xf32, #tpu.memory_space<vmem>> -> memref<1x40x128xf32, #tpu.memory_space<vmem>>
          %swap3A_1497 = tpu.memref_squeeze %swap3A_1496 : memref<1x40x128xf32, #tpu.memory_space<vmem>> -> memref<40x128xf32, #tpu.memory_space<vmem>>
          %swap3A_1498 = arith.index_cast %add3A_272 : i32 to index
          %swap3A_1499 = arith.constant 112 : index
          %swap3A_1500 = tpu.vector_load %swap3A_1497[%swap3A_1498, %swap3A_1499] {strides = array<i32>} : memref<40x128xf32, #tpu.memory_space<vmem>>, vector<16xf32>,
          tpu.vector_store %swap3A_1497[%swap3A_1498, %swap3A_1499], %mul3A_1493 {strides = array<i32>} : memref<40x128xf32, #tpu.memory_space<vmem>>, vector<16xf32>,
          %xor3A_1501 = arith.constant 8 : i32
          %xor3A_1502 = vector.broadcast %xor3A_1501 : i32 to vector<16xi32>
          %xor3A_1503 = arith.xori %iota3A, %xor3A_1502 : vector<16xi32>
          %lt3A_1504 = arith.constant 0 : i32
          %lt3A_1505 = vector.broadcast %lt3A_1504 : i32 to vector<16xi32>
          %lt3A_1506 = arith.cmpi slt, %xor3A_1503, %lt3A_1505 : vector<16xi32>
          %add3A_1507 = arith.constant 16 : i32
          %add3A_1508 = vector.broadcast %add3A_1507 : i32 to vector<16xi32>
          %add3A_1509 = arith.addi %xor3A_1503, %add3A_1508 : vector<16xi32>
          %select_n3A_1510 = arith.select %lt3A_1506, %add3A_1509, %xor3A_1503 : vector<16xi1>, vector<16xi32>
          %broadcast_in_dim3A_1511 = vector.shape_cast %select_n3A_1510 : vector<16xi32> to vector<16x1xi32>
          %gather3A_1512 = vector.shape_cast %broadcast_in_dim3A_1511 : vector<16x1xi32> to vector<16xi32>
          %gather3A_1513 = tpu.dynamic_gather %add3A_839[%gather3A_1512] in [0] : vector<16xf32>, vector<16xi32> -> vector<16xf32>
          %add3A_1514 = arith.addf %add3A_839, %gather3A_1513 : vector<16xf32>
          %xor3A_1515 = arith.constant 4 : i32
          %xor3A_1516 = vector.broadcast %xor3A_1515 : i32 to vector<16xi32>
          %xor3A_1517 = arith.xori %iota3A, %xor3A_1516 : vector<16xi32>
          %lt3A_1518 = arith.constant 0 : i32
          %lt3A_1519 = vector.broadcast %lt3A_1518 : i32 to vector<16xi32>
          %lt3A_1520 = arith.cmpi slt, %xor3A_1517, %lt3A_1519 : vector<16xi32>
          %add3A_1521 = arith.constant 16 : i32
          %add3A_1522 = vector.broadcast %add3A_1521 : i32 to vector<16xi32>
          %add3A_1523 = arith.addi %xor3A_1517, %add3A_1522 : vector<16xi32>
          %select_n3A_1524 = arith.select %lt3A_1520, %add3A_1523, %xor3A_1517 : vector<16xi1>, vector<16xi32>
          %broadcast_in_dim3A_1525 = vector.shape_cast %select_n3A_1524 : vector<16xi32> to vector<16x1xi32>
          %gather3A_1526 = vector.shape_cast %broadcast_in_dim3A_1525 : vector<16x1xi32> to vector<16xi32>
          %gather3A_1527 = tpu.dynamic_gather %add3A_1514[%gather3A_1526] in [0] : vector<16xf32>, vector<16xi32> -> vector<16xf32>
          %add3A_1528 = arith.addf %add3A_1514, %gather3A_1527 : vector<16xf32>
          %xor3A_1529 = arith.constant 2 : i32
          %xor3A_1530 = vector.broadcast %xor3A_1529 : i32 to vector<16xi32>
          %xor3A_1531 = arith.xori %iota3A, %xor3A_1530 : vector<16xi32>
          %lt3A_1532 = arith.constant 0 : i32
          %lt3A_1533 = vector.broadcast %lt3A_1532 : i32 to vector<16xi32>
          %lt3A_1534 = arith.cmpi slt, %xor3A_1531, %lt3A_1533 : vector<16xi32>
          %add3A_1535 = arith.constant 16 : i32
          %add3A_1536 = vector.broadcast %add3A_1535 : i32 to vector<16xi32>
          %add3A_1537 = arith.addi %xor3A_1531, %add3A_1536 : vector<16xi32>
          %select_n3A_1538 = arith.select %lt3A_1534, %add3A_1537, %xor3A_1531 : vector<16xi1>, vector<16xi32>
          %broadcast_in_dim3A_1539 = vector.shape_cast %select_n3A_1538 : vector<16xi32> to vector<16x1xi32>
          %gather3A_1540 = vector.shape_cast %broadcast_in_dim3A_1539 : vector<16x1xi32> to vector<16xi32>
          %gather3A_1541 = tpu.dynamic_gather %add3A_1528[%gather3A_1540] in [0] : vector<16xf32>, vector<16xi32> -> vector<16xf32>
          %add3A_1542 = arith.addf %add3A_1528, %gather3A_1541 : vector<16xf32>
          %xor3A_1543 = arith.constant 1 : i32
          %xor3A_1544 = vector.broadcast %xor3A_1543 : i32 to vector<16xi32>
          %xor3A_1545 = arith.xori %iota3A, %xor3A_1544 : vector<16xi32>
          %lt3A_1546 = arith.constant 0 : i32
          %lt3A_1547 = vector.broadcast %lt3A_1546 : i32 to vector<16xi32>
          %lt3A_1548 = arith.cmpi slt, %xor3A_1545, %lt3A_1547 : vector<16xi32>
          %add3A_1549 = arith.constant 16 : i32
          %add3A_1550 = vector.broadcast %add3A_1549 : i32 to vector<16xi32>
          %add3A_1551 = arith.addi %xor3A_1545, %add3A_1550 : vector<16xi32>
          %select_n3A_1552 = arith.select %lt3A_1548, %add3A_1551, %xor3A_1545 : vector<16xi1>, vector<16xi32>
          %broadcast_in_dim3A_1553 = vector.shape_cast %select_n3A_1552 : vector<16xi32> to vector<16x1xi32>
          %gather3A_1554 = vector.shape_cast %broadcast_in_dim3A_1553 : vector<16x1xi32> to vector<16xi32>
          %gather3A_1555 = tpu.dynamic_gather %add3A_1542[%gather3A_1554] in [0] : vector<16xf32>, vector<16xi32> -> vector<16xf32>
          %add3A_1556 = arith.addf %add3A_1542, %gather3A_1555 : vector<16xf32>
          %mul3A_1557 = arith.constant 7.812500e-03 : f32
          %mul3A_1558 = vector.broadcast %mul3A_1557 : f32 to vector<16xf32>
          %mul3A_1559 = arith.mulf %add3A_1556, %mul3A_1558 : vector<16xf32>
          %xor3A_1560 = arith.constant 8 : i32
          %xor3A_1561 = vector.broadcast %xor3A_1560 : i32 to vector<16xi32>
          %xor3A_1562 = arith.xori %iota3A, %xor3A_1561 : vector<16xi32>
          %lt3A_1563 = arith.constant 0 : i32
          %lt3A_1564 = vector.broadcast %lt3A_1563 : i32 to vector<16xi32>
          %lt3A_1565 = arith.cmpi slt, %xor3A_1562, %lt3A_1564 : vector<16xi32>
          %add3A_1566 = arith.constant 16 : i32
          %add3A_1567 = vector.broadcast %add3A_1566 : i32 to vector<16xi32>
          %add3A_1568 = arith.addi %xor3A_1562, %add3A_1567 : vector<16xi32>
          %select_n3A_1569 = arith.select %lt3A_1565, %add3A_1568, %xor3A_1562 : vector<16xi1>, vector<16xi32>
          %broadcast_in_dim3A_1570 = vector.shape_cast %select_n3A_1569 : vector<16xi32> to vector<16x1xi32>
          %gather3A_1571 = vector.shape_cast %broadcast_in_dim3A_1570 : vector<16x1xi32> to vector<16xi32>
          %gather3A_1572 = tpu.dynamic_gather %add3A_841[%gather3A_1571] in [0] : vector<16xf32>, vector<16xi32> -> vector<16xf32>
          %add3A_1573 = arith.addf %add3A_841, %gather3A_1572 : vector<16xf32>
          %xor3A_1574 = arith.constant 4 : i32
          %xor3A_1575 = vector.broadcast %xor3A_1574 : i32 to vector<16xi32>
          %xor3A_1576 = arith.xori %iota3A, %xor3A_1575 : vector<16xi32>
          %lt3A_1577 = arith.constant 0 : i32
          %lt3A_1578 = vector.broadcast %lt3A_1577 : i32 to vector<16xi32>
          %lt3A_1579 = arith.cmpi slt, %xor3A_1576, %lt3A_1578 : vector<16xi32>
          %add3A_1580 = arith.constant 16 : i32
          %add3A_1581 = vector.broadcast %add3A_1580 : i32 to vector<16xi32>
          %add3A_1582 = arith.addi %xor3A_1576, %add3A_1581 : vector<16xi32>
          %select_n3A_1583 = arith.select %lt3A_1579, %add3A_1582, %xor3A_1576 : vector<16xi1>, vector<16xi32>
          %broadcast_in_dim3A_1584 = vector.shape_cast %select_n3A_1583 : vector<16xi32> to vector<16x1xi32>
          %gather3A_1585 = vector.shape_cast %broadcast_in_dim3A_1584 : vector<16x1xi32> to vector<16xi32>
          %gather3A_1586 = tpu.dynamic_gather %add3A_1573[%gather3A_1585] in [0] : vector<16xf32>, vector<16xi32> -> vector<16xf32>
          %add3A_1587 = arith.addf %add3A_1573, %gather3A_1586 : vector<16xf32>
          %xor3A_1588 = arith.constant 2 : i32
          %xor3A_1589 = vector.broadcast %xor3A_1588 : i32 to vector<16xi32>
          %xor3A_1590 = arith.xori %iota3A, %xor3A_1589 : vector<16xi32>
          %lt3A_1591 = arith.constant 0 : i32
          %lt3A_1592 = vector.broadcast %lt3A_1591 : i32 to vector<16xi32>
          %lt3A_1593 = arith.cmpi slt, %xor3A_1590, %lt3A_1592 : vector<16xi32>
          %add3A_1594 = arith.constant 16 : i32
          %add3A_1595 = vector.broadcast %add3A_1594 : i32 to vector<16xi32>
          %add3A_1596 = arith.addi %xor3A_1590, %add3A_1595 : vector<16xi32>
          %select_n3A_1597 = arith.select %lt3A_1593, %add3A_1596, %xor3A_1590 : vector<16xi1>, vector<16xi32>
          %broadcast_in_dim3A_1598 = vector.shape_cast %select_n3A_1597 : vector<16xi32> to vector<16x1xi32>
          %gather3A_1599 = vector.shape_cast %broadcast_in_dim3A_1598 : vector<16x1xi32> to vector<16xi32>
          %gather3A_1600 = tpu.dynamic_gather %add3A_1587[%gather3A_1599] in [0] : vector<16xf32>, vector<16xi32> -> vector<16xf32>
          %add3A_1601 = arith.addf %add3A_1587, %gather3A_1600 : vector<16xf32>
          %xor3A_1602 = arith.constant 1 : i32
          %xor3A_1603 = vector.broadcast %xor3A_1602 : i32 to vector<16xi32>
          %xor3A_1604 = arith.xori %iota3A, %xor3A_1603 : vector<16xi32>
          %lt3A_1605 = arith.constant 0 : i32
          %lt3A_1606 = vector.broadcast %lt3A_1605 : i32 to vector<16xi32>
          %lt3A_1607 = arith.cmpi slt, %xor3A_1604, %lt3A_1606 : vector<16xi32>
          %add3A_1608 = arith.constant 16 : i32
          %add3A_1609 = vector.broadcast %add3A_1608 : i32 to vector<16xi32>
          %add3A_1610 = arith.addi %xor3A_1604, %add3A_1609 : vector<16xi32>
          %select_n3A_1611 = arith.select %lt3A_1607, %add3A_1610, %xor3A_1604 : vector<16xi1>, vector<16xi32>
          %broadcast_in_dim3A_1612 = vector.shape_cast %select_n3A_1611 : vector<16xi32> to vector<16x1xi32>
          %gather3A_1613 = vector.shape_cast %broadcast_in_dim3A_1612 : vector<16x1xi32> to vector<16xi32>
          %gather3A_1614 = tpu.dynamic_gather %add3A_1601[%gather3A_1613] in [0] : vector<16xf32>, vector<16xi32> -> vector<16xf32>
          %add3A_1615 = arith.addf %add3A_1601, %gather3A_1614 : vector<16xf32>
          %mul3A_1616 = arith.constant 7.812500e-03 : f32
          %mul3A_1617 = vector.broadcast %mul3A_1616 : f32 to vector<16xf32>
          %mul3A_1618 = arith.mulf %add3A_1615, %mul3A_1617 : vector<16xf32>
          %mul3A_1619 = arith.mulf %mul3A_1559, %mul3A_1559 : vector<16xf32>
          %sub3A_1620 = arith.subf %mul3A_1618, %mul3A_1619 : vector<16xf32>
          %add3A_1621 = arith.constant 9.99999974E-6 : f32
          %add3A_1622 = vector.broadcast %add3A_1621 : f32 to vector<16xf32>
          %add3A_1623 = arith.addf %sub3A_1620, %add3A_1622 : vector<16xf32>
          %bitcast3A_1624 = vector.bitcast %add3A_1623 : vector<16xf32> to vector<16xi32>
          %shift_right_arithmetic3A_1625 = arith.constant 1 : i32
          %shift_right_arithmetic3A_1626 = vector.broadcast %shift_right_arithmetic3A_1625 : i32 to vector<16xi32>
          %shift_right_arithmetic3A_1627 = arith.shrsi %bitcast3A_1624, %shift_right_arithmetic3A_1626 : vector<16xi32>
          %sub3A_1628 = arith.constant 1597463007 : i32
          %sub3A_1629 = vector.broadcast %sub3A_1628 : i32 to vector<16xi32>
          %sub3A_1630 = arith.subi %sub3A_1629, %shift_right_arithmetic3A_1627 : vector<16xi32>
          %bitcast3A_1631 = vector.bitcast %sub3A_1630 : vector<16xi32> to vector<16xf32>
          %mul3A_1632 = arith.constant 5.000000e-01 : f32
          %mul3A_1633 = vector.broadcast %mul3A_1632 : f32 to vector<16xf32>
          %mul3A_1634 = arith.mulf %mul3A_1633, %add3A_1623 : vector<16xf32>
          %mul3A_1635 = arith.mulf %mul3A_1634, %bitcast3A_1631 : vector<16xf32>
          %mul3A_1636 = arith.mulf %mul3A_1635, %bitcast3A_1631 : vector<16xf32>
          %sub3A_1637 = arith.constant 1.500000e+00 : f32
          %sub3A_1638 = vector.broadcast %sub3A_1637 : f32 to vector<16xf32>
          %sub3A_1639 = arith.subf %sub3A_1638, %mul3A_1636 : vector<16xf32>
          %mul3A_1640 = arith.mulf %bitcast3A_1631, %sub3A_1639 : vector<16xf32>
          %mul3A_1641 = arith.constant 5.000000e-01 : f32
          %mul3A_1642 = vector.broadcast %mul3A_1641 : f32 to vector<16xf32>
          %mul3A_1643 = arith.mulf %mul3A_1642, %add3A_1623 : vector<16xf32>
          %mul3A_1644 = arith.mulf %mul3A_1643, %mul3A_1640 : vector<16xf32>
          %mul3A_1645 = arith.mulf %mul3A_1644, %mul3A_1640 : vector<16xf32>
          %sub3A_1646 = arith.constant 1.500000e+00 : f32
          %sub3A_1647 = vector.broadcast %sub3A_1646 : f32 to vector<16xf32>
          %sub3A_1648 = arith.subf %sub3A_1647, %mul3A_1645 : vector<16xf32>
          %mul3A_1649 = arith.mulf %mul3A_1640, %sub3A_1648 : vector<16xf32>
          %sub3A_1650 = arith.subf %sub3A_714, %mul3A_1559 : vector<16xf32>
          %mul3A_1651 = arith.mulf %sub3A_1650, %mul3A_1649 : vector<16xf32>
          %swap3A_1652 = arith.constant 0 : i32
          %swap3A_1653 = arith.constant 0 : i32
          %swap3A_1654 = tpu.memref_slice %arg10[%scan3A_30, %swap3A_1652, %swap3A_1653] : memref<2x40x128xf32, #tpu.memory_space<vmem>> -> memref<1x40x128xf32, #tpu.memory_space<vmem>>
          %swap3A_1655 = tpu.memref_squeeze %swap3A_1654 : memref<1x40x128xf32, #tpu.memory_space<vmem>> -> memref<40x128xf32, #tpu.memory_space<vmem>>
          %swap3A_1656 = arith.index_cast %add3A_274 : i32 to index
          %swap3A_1657 = arith.constant 0 : index
          %swap3A_1658 = tpu.vector_load %swap3A_1655[%swap3A_1656, %swap3A_1657] {strides = array<i32>} : memref<40x128xf32, #tpu.memory_space<vmem>>, vector<16xf32>,
          tpu.vector_store %swap3A_1655[%swap3A_1656, %swap3A_1657], %mul3A_1651 {strides = array<i32>} : memref<40x128xf32, #tpu.memory_space<vmem>>, vector<16xf32>,
          %sub3A_1659 = arith.subf %sub3A_730, %mul3A_1559 : vector<16xf32>
          %mul3A_1660 = arith.mulf %sub3A_1659, %mul3A_1649 : vector<16xf32>
          %swap3A_1661 = arith.constant 0 : i32
          %swap3A_1662 = arith.constant 0 : i32
          %swap3A_1663 = tpu.memref_slice %arg10[%scan3A_30, %swap3A_1661, %swap3A_1662] : memref<2x40x128xf32, #tpu.memory_space<vmem>> -> memref<1x40x128xf32, #tpu.memory_space<vmem>>
          %swap3A_1664 = tpu.memref_squeeze %swap3A_1663 : memref<1x40x128xf32, #tpu.memory_space<vmem>> -> memref<40x128xf32, #tpu.memory_space<vmem>>
          %swap3A_1665 = arith.index_cast %add3A_274 : i32 to index
          %swap3A_1666 = arith.constant 16 : index
          %swap3A_1667 = tpu.vector_load %swap3A_1664[%swap3A_1665, %swap3A_1666] {strides = array<i32>} : memref<40x128xf32, #tpu.memory_space<vmem>>, vector<16xf32>,
          tpu.vector_store %swap3A_1664[%swap3A_1665, %swap3A_1666], %mul3A_1660 {strides = array<i32>} : memref<40x128xf32, #tpu.memory_space<vmem>>, vector<16xf32>,
          %sub3A_1668 = arith.subf %sub3A_748, %mul3A_1559 : vector<16xf32>
          %mul3A_1669 = arith.mulf %sub3A_1668, %mul3A_1649 : vector<16xf32>
          %swap3A_1670 = arith.constant 0 : i32
          %swap3A_1671 = arith.constant 0 : i32
          %swap3A_1672 = tpu.memref_slice %arg10[%scan3A_30, %swap3A_1670, %swap3A_1671] : memref<2x40x128xf32, #tpu.memory_space<vmem>> -> memref<1x40x128xf32, #tpu.memory_space<vmem>>
          %swap3A_1673 = tpu.memref_squeeze %swap3A_1672 : memref<1x40x128xf32, #tpu.memory_space<vmem>> -> memref<40x128xf32, #tpu.memory_space<vmem>>
          %swap3A_1674 = arith.index_cast %add3A_274 : i32 to index
          %swap3A_1675 = arith.constant 32 : index
          %swap3A_1676 = tpu.vector_load %swap3A_1673[%swap3A_1674, %swap3A_1675] {strides = array<i32>} : memref<40x128xf32, #tpu.memory_space<vmem>>, vector<16xf32>,
          tpu.vector_store %swap3A_1673[%swap3A_1674, %swap3A_1675], %mul3A_1669 {strides = array<i32>} : memref<40x128xf32, #tpu.memory_space<vmem>>, vector<16xf32>,
          %sub3A_1677 = arith.subf %sub3A_766, %mul3A_1559 : vector<16xf32>
          %mul3A_1678 = arith.mulf %sub3A_1677, %mul3A_1649 : vector<16xf32>
          %swap3A_1679 = arith.constant 0 : i32
          %swap3A_1680 = arith.constant 0 : i32
          %swap3A_1681 = tpu.memref_slice %arg10[%scan3A_30, %swap3A_1679, %swap3A_1680] : memref<2x40x128xf32, #tpu.memory_space<vmem>> -> memref<1x40x128xf32, #tpu.memory_space<vmem>>
          %swap3A_1682 = tpu.memref_squeeze %swap3A_1681 : memref<1x40x128xf32, #tpu.memory_space<vmem>> -> memref<40x128xf32, #tpu.memory_space<vmem>>
          %swap3A_1683 = arith.index_cast %add3A_274 : i32 to index
          %swap3A_1684 = arith.constant 48 : index
          %swap3A_1685 = tpu.vector_load %swap3A_1682[%swap3A_1683, %swap3A_1684] {strides = array<i32>} : memref<40x128xf32, #tpu.memory_space<vmem>>, vector<16xf32>,
          tpu.vector_store %swap3A_1682[%swap3A_1683, %swap3A_1684], %mul3A_1678 {strides = array<i32>} : memref<40x128xf32, #tpu.memory_space<vmem>>, vector<16xf32>,
          %sub3A_1686 = arith.subf %sub3A_784, %mul3A_1559 : vector<16xf32>
          %mul3A_1687 = arith.mulf %sub3A_1686, %mul3A_1649 : vector<16xf32>
          %swap3A_1688 = arith.constant 0 : i32
          %swap3A_1689 = arith.constant 0 : i32
          %swap3A_1690 = tpu.memref_slice %arg10[%scan3A_30, %swap3A_1688, %swap3A_1689] : memref<2x40x128xf32, #tpu.memory_space<vmem>> -> memref<1x40x128xf32, #tpu.memory_space<vmem>>
          %swap3A_1691 = tpu.memref_squeeze %swap3A_1690 : memref<1x40x128xf32, #tpu.memory_space<vmem>> -> memref<40x128xf32, #tpu.memory_space<vmem>>
          %swap3A_1692 = arith.index_cast %add3A_274 : i32 to index
          %swap3A_1693 = arith.constant 64 : index
          %swap3A_1694 = tpu.vector_load %swap3A_1691[%swap3A_1692, %swap3A_1693] {strides = array<i32>} : memref<40x128xf32, #tpu.memory_space<vmem>>, vector<16xf32>,
          tpu.vector_store %swap3A_1691[%swap3A_1692, %swap3A_1693], %mul3A_1687 {strides = array<i32>} : memref<40x128xf32, #tpu.memory_space<vmem>>, vector<16xf32>,
          %sub3A_1695 = arith.subf %sub3A_802, %mul3A_1559 : vector<16xf32>
          %mul3A_1696 = arith.mulf %sub3A_1695, %mul3A_1649 : vector<16xf32>
          %swap3A_1697 = arith.constant 0 : i32
          %swap3A_1698 = arith.constant 0 : i32
          %swap3A_1699 = tpu.memref_slice %arg10[%scan3A_30, %swap3A_1697, %swap3A_1698] : memref<2x40x128xf32, #tpu.memory_space<vmem>> -> memref<1x40x128xf32, #tpu.memory_space<vmem>>
          %swap3A_1700 = tpu.memref_squeeze %swap3A_1699 : memref<1x40x128xf32, #tpu.memory_space<vmem>> -> memref<40x128xf32, #tpu.memory_space<vmem>>
          %swap3A_1701 = arith.index_cast %add3A_274 : i32 to index
          %swap3A_1702 = arith.constant 80 : index
          %swap3A_1703 = tpu.vector_load %swap3A_1700[%swap3A_1701, %swap3A_1702] {strides = array<i32>} : memref<40x128xf32, #tpu.memory_space<vmem>>, vector<16xf32>,
          tpu.vector_store %swap3A_1700[%swap3A_1701, %swap3A_1702], %mul3A_1696 {strides = array<i32>} : memref<40x128xf32, #tpu.memory_space<vmem>>, vector<16xf32>,
          %sub3A_1704 = arith.subf %sub3A_820, %mul3A_1559 : vector<16xf32>
          %mul3A_1705 = arith.mulf %sub3A_1704, %mul3A_1649 : vector<16xf32>
          %swap3A_1706 = arith.constant 0 : i32
          %swap3A_1707 = arith.constant 0 : i32
          %swap3A_1708 = tpu.memref_slice %arg10[%scan3A_30, %swap3A_1706, %swap3A_1707] : memref<2x40x128xf32, #tpu.memory_space<vmem>> -> memref<1x40x128xf32, #tpu.memory_space<vmem>>
          %swap3A_1709 = tpu.memref_squeeze %swap3A_1708 : memref<1x40x128xf32, #tpu.memory_space<vmem>> -> memref<40x128xf32, #tpu.memory_space<vmem>>
          %swap3A_1710 = arith.index_cast %add3A_274 : i32 to index
          %swap3A_1711 = arith.constant 96 : index
          %swap3A_1712 = tpu.vector_load %swap3A_1709[%swap3A_1710, %swap3A_1711] {strides = array<i32>} : memref<40x128xf32, #tpu.memory_space<vmem>>, vector<16xf32>,
          tpu.vector_store %swap3A_1709[%swap3A_1710, %swap3A_1711], %mul3A_1705 {strides = array<i32>} : memref<40x128xf32, #tpu.memory_space<vmem>>, vector<16xf32>,
          %sub3A_1713 = arith.subf %sub3A_838, %mul3A_1559 : vector<16xf32>
          %mul3A_1714 = arith.mulf %sub3A_1713, %mul3A_1649 : vector<16xf32>
          %swap3A_1715 = arith.constant 0 : i32
          %swap3A_1716 = arith.constant 0 : i32
          %swap3A_1717 = tpu.memref_slice %arg10[%scan3A_30, %swap3A_1715, %swap3A_1716] : memref<2x40x128xf32, #tpu.memory_space<vmem>> -> memref<1x40x128xf32, #tpu.memory_space<vmem>>
          %swap3A_1718 = tpu.memref_squeeze %swap3A_1717 : memref<1x40x128xf32, #tpu.memory_space<vmem>> -> memref<40x128xf32, #tpu.memory_space<vmem>>
          %swap3A_1719 = arith.index_cast %add3A_274 : i32 to index
          %swap3A_1720 = arith.constant 112 : index
          %swap3A_1721 = tpu.vector_load %swap3A_1718[%swap3A_1719, %swap3A_1720] {strides = array<i32>} : memref<40x128xf32, #tpu.memory_space<vmem>>, vector<16xf32>,
          tpu.vector_store %swap3A_1718[%swap3A_1719, %swap3A_1720], %mul3A_1714 {strides = array<i32>} : memref<40x128xf32, #tpu.memory_space<vmem>>, vector<16xf32>,
        }
        %scan3A_160 = arith.constant 10 : i32
        %dma_start3A_161 = arith.constant 0 : i32
        %dma_start3A_162 = arith.constant 0 : i32
        %dma_start3A_163 = arith.constant 0 : i32
        %dma_start3A_164 = tpu.memref_slice %arg10[%dma_start3A_161, %dma_start3A_162, %dma_start3A_163] : memref<2x40x128xf32, #tpu.memory_space<vmem>> -> memref<1x40x128xf32, #tpu.memory_space<vmem>>
        %dma_start3A_165 = tpu.memref_squeeze %dma_start3A_164 : memref<1x40x128xf32, #tpu.memory_space<vmem>> -> memref<40x128xf32, #tpu.memory_space<vmem>>
        %dma_start3A_166 = arith.constant 0 : i32
        %dma_start3A_167 = tpu.memref_slice %arg8[%add3A_89, %dma_start3A_166] : memref<50x40xi32, #tpu.memory_space<vmem>> -> memref<1x40xi32, #tpu.memory_space<vmem>>
        %dma_start3A_168 = tpu.memref_squeeze %dma_start3A_167 : memref<1x40xi32, #tpu.memory_space<vmem>> -> memref<40xi32, #tpu.memory_space<vmem>>
        %dma_start3A_169 = arith.constant 0 : i32
        %dma_start3A_170 = arith.constant 0 : i32
        %dma_start3A_171 = tpu.memref_slice %arg13[%dma_start3A_169, %dma_start3A_170] : memref<10112x128xf32, #tpu.memory_space<vmem_shared>> -> memref<10112x128xf32, #tpu.memory_space<vmem_shared>>
        tpu.enqueue_indirect_dma source(%dma_start3A_165 : memref<40x128xf32, #tpu.memory_space<vmem>>) target(%dma_start3A_171 : memref<10112x128xf32, #tpu.memory_space<vmem_shared>>) offsets(%dma_start3A_168 : memref<40xi32, #tpu.memory_space<vmem>>) semaphore(%arg18 : memref<!tpu.dma_semaphore, #tpu.memory_space<semaphore_mem>>) {add = true}
        %mul3A_172 = arith.constant 2 : i32
        %mul3A_173 = arith.muli %mul3A_172, %scan3A_85 : i32
        %add3A_174 = arith.constant 1 : i32
        %add3A_175 = arith.addi %mul3A_173, %add3A_174 : i32
        %dma_wait3A_176 = arith.constant 1 : i32
        %dma_wait3A_177 = arith.constant 0 : i32
        %dma_wait3A_178 = arith.constant 0 : i32
        %dma_wait3A_179 = tpu.memref_slice %arg9[%dma_wait3A_176, %dma_wait3A_177, %dma_wait3A_178] : memref<2x40x128xf32, #tpu.memory_space<vmem>> -> memref<1x40x128xf32, #tpu.memory_space<vmem>>
        %dma_wait3A_180 = tpu.memref_squeeze %dma_wait3A_179 : memref<1x40x128xf32, #tpu.memory_space<vmem>> -> memref<40x128xf32, #tpu.memory_space<vmem>>
        %dma_wait3A_181 = arith.constant 0 : i32
        %dma_wait3A_182 = tpu.memref_slice %arg7[%add3A_175, %dma_wait3A_181] : memref<50x40xi32, #tpu.memory_space<vmem>> -> memref<1x40xi32, #tpu.memory_space<vmem>>
        %dma_wait3A_183 = tpu.memref_squeeze %dma_wait3A_182 : memref<1x40xi32, #tpu.memory_space<vmem>> -> memref<40xi32, #tpu.memory_space<vmem>>
        %dma_wait3A_184 = arith.constant 0 : i32
        %dma_wait3A_185 = arith.constant 0 : i32
        %dma_wait3A_186 = tpu.memref_slice %arg2[%dma_wait3A_184, %dma_wait3A_185] : memref<10000x128xf32, #tpu.memory_space<hbm>> -> memref<10000x128xf32, #tpu.memory_space<hbm>>
        tpu.wait_indirect_dma semaphore(%arg15 : memref<!tpu.dma_semaphore, #tpu.memory_space<semaphore_mem>>) src(%dma_wait3A_186 : memref<10000x128xf32, #tpu.memory_space<hbm>>) dst(%dma_wait3A_180 : memref<40x128xf32, #tpu.memory_space<vmem>>)
        %dma_wait3A_187 = arith.constant 1 : i32
        %dma_wait3A_188 = arith.constant 0 : i32
        %dma_wait3A_189 = arith.constant 0 : i32
        %dma_wait3A_190 = tpu.memref_slice %arg10[%dma_wait3A_187, %dma_wait3A_188, %dma_wait3A_189] : memref<2x40x128xf32, #tpu.memory_space<vmem>> -> memref<1x40x128xf32, #tpu.memory_space<vmem>>
        %dma_wait3A_191 = tpu.memref_squeeze %dma_wait3A_190 : memref<1x40x128xf32, #tpu.memory_space<vmem>> -> memref<40x128xf32, #tpu.memory_space<vmem>>
        %dma_wait3A_192 = arith.constant 0 : i32
        %dma_wait3A_193 = tpu.memref_slice %arg8[%add3A_175, %dma_wait3A_192] : memref<50x40xi32, #tpu.memory_space<vmem>> -> memref<1x40xi32, #tpu.memory_space<vmem>>
        %dma_wait3A_194 = tpu.memref_squeeze %dma_wait3A_193 : memref<1x40xi32, #tpu.memory_space<vmem>> -> memref<40xi32, #tpu.memory_space<vmem>>
        %dma_wait3A_195 = arith.constant 0 : i32
        %dma_wait3A_196 = arith.constant 0 : i32
        %dma_wait3A_197 = tpu.memref_slice %arg3[%dma_wait3A_195, %dma_wait3A_196] : memref<10000x128xf32, #tpu.memory_space<hbm>> -> memref<10000x128xf32, #tpu.memory_space<hbm>>
        tpu.wait_indirect_dma semaphore(%arg17 : memref<!tpu.dma_semaphore, #tpu.memory_space<semaphore_mem>>) src(%dma_wait3A_197 : memref<10000x128xf32, #tpu.memory_space<hbm>>) dst(%dma_wait3A_191 : memref<40x128xf32, #tpu.memory_space<vmem>>)
        %ge3A_198 = arith.constant 1 : i32
        %ge3A_199 = arith.cmpi sge, %add3A_175, %ge3A_198 : i32
        %convert_element_type3A_200 = arith.extui %ge3A_199 : i1 to i32
        %cond3A_201 = arith.constant 0 : i32
        %cond3A_202 = arith.cmpi ne, %convert_element_type3A_200, %cond3A_201 : i32
        scf.if %cond3A_202 {
          %sub3A = arith.constant 1 : i32
          %sub3A_266 = arith.subi %add3A_175, %sub3A : i32
          %dma_wait3A_267 = arith.constant 0 : i32
          %dma_wait3A_268 = arith.constant 0 : i32
          %dma_wait3A_269 = arith.constant 0 : i32
          %dma_wait3A_270 = tpu.memref_slice %arg10[%dma_wait3A_267, %dma_wait3A_268, %dma_wait3A_269] : memref<2x40x128xf32, #tpu.memory_space<vmem>> -> memref<1x40x128xf32, #tpu.memory_space<vmem>>
          %dma_wait3A_271 = tpu.memref_squeeze %dma_wait3A_270 : memref<1x40x128xf32, #tpu.memory_space<vmem>> -> memref<40x128xf32, #tpu.memory_space<vmem>>
          %dma_wait3A_272 = arith.constant 0 : i32
          %dma_wait3A_273 = tpu.memref_slice %arg8[%sub3A_266, %dma_wait3A_272] : memref<50x40xi32, #tpu.memory_space<vmem>> -> memref<1x40xi32, #tpu.memory_space<vmem>>
          %dma_wait3A_274 = tpu.memref_squeeze %dma_wait3A_273 : memref<1x40xi32, #tpu.memory_space<vmem>> -> memref<40xi32, #tpu.memory_space<vmem>>
          %dma_wait3A_275 = arith.constant 0 : i32
          %dma_wait3A_276 = arith.constant 0 : i32
          %dma_wait3A_277 = tpu.memref_slice %arg13[%dma_wait3A_275, %dma_wait3A_276] : memref<10112x128xf32, #tpu.memory_space<vmem_shared>> -> memref<10112x128xf32, #tpu.memory_space<vmem_shared>>
          tpu.wait_indirect_dma semaphore(%arg18 : memref<!tpu.dma_semaphore, #tpu.memory_space<semaphore_mem>>) src(%dma_wait3A_271 : memref<40x128xf32, #tpu.memory_space<vmem>>) dst(%dma_wait3A_277 : memref<10112x128xf32, #tpu.memory_space<vmem_shared>>)
        } else {
        }
        %lt3A_203 = arith.constant 49 : i32
        %lt3A_204 = arith.cmpi slt, %add3A_175, %lt3A_203 : i32
        %convert_element_type3A_205 = arith.extui %lt3A_204 : i1 to i32
        %cond3A_206 = arith.constant 0 : i32
        %cond3A_207 = arith.cmpi ne, %convert_element_type3A_205, %cond3A_206 : i32
        scf.if %cond3A_207 {
          %add3A_266 = arith.constant 1 : i32
          %add3A_267 = arith.addi %add3A_175, %add3A_266 : i32
          %dma_start3A_268 = arith.constant 0 : i32
          %dma_start3A_269 = arith.constant 0 : i32
          %dma_start3A_270 = arith.constant 0 : i32
          %dma_start3A_271 = tpu.memref_slice %arg9[%dma_start3A_268, %dma_start3A_269, %dma_start3A_270] : memref<2x40x128xf32, #tpu.memory_space<vmem>> -> memref<1x40x128xf32, #tpu.memory_space<vmem>>
          %dma_start3A_272 = tpu.memref_squeeze %dma_start3A_271 : memref<1x40x128xf32, #tpu.memory_space<vmem>> -> memref<40x128xf32, #tpu.memory_space<vmem>>
          %dma_start3A_273 = arith.constant 0 : i32
          %dma_start3A_274 = tpu.memref_slice %arg7[%add3A_267, %dma_start3A_273] : memref<50x40xi32, #tpu.memory_space<vmem>> -> memref<1x40xi32, #tpu.memory_space<vmem>>
          %dma_start3A_275 = tpu.memref_squeeze %dma_start3A_274 : memref<1x40xi32, #tpu.memory_space<vmem>> -> memref<40xi32, #tpu.memory_space<vmem>>
          %dma_start3A_276 = arith.constant 0 : i32
          %dma_start3A_277 = arith.constant 0 : i32
          %dma_start3A_278 = tpu.memref_slice %arg2[%dma_start3A_276, %dma_start3A_277] : memref<10000x128xf32, #tpu.memory_space<hbm>> -> memref<10000x128xf32, #tpu.memory_space<hbm>>
          tpu.enqueue_indirect_dma source(%dma_start3A_278 : memref<10000x128xf32, #tpu.memory_space<hbm>>) target(%dma_start3A_272 : memref<40x128xf32, #tpu.memory_space<vmem>>) offsets(%dma_start3A_275 : memref<40xi32, #tpu.memory_space<vmem>>) semaphore(%arg14 : memref<!tpu.dma_semaphore, #tpu.memory_space<semaphore_mem>>)
          %add3A_279 = arith.constant 1 : i32
          %add3A_280 = arith.addi %add3A_175, %add3A_279 : i32
          %dma_start3A_281 = arith.constant 0 : i32
          %dma_start3A_282 = arith.constant 0 : i32
          %dma_start3A_283 = arith.constant 0 : i32
          %dma_start3A_284 = tpu.memref_slice %arg10[%dma_start3A_281, %dma_start3A_282, %dma_start3A_283] : memref<2x40x128xf32, #tpu.memory_space<vmem>> -> memref<1x40x128xf32, #tpu.memory_space<vmem>>
          %dma_start3A_285 = tpu.memref_squeeze %dma_start3A_284 : memref<1x40x128xf32, #tpu.memory_space<vmem>> -> memref<40x128xf32, #tpu.memory_space<vmem>>
          %dma_start3A_286 = arith.constant 0 : i32
          %dma_start3A_287 = tpu.memref_slice %arg8[%add3A_280, %dma_start3A_286] : memref<50x40xi32, #tpu.memory_space<vmem>> -> memref<1x40xi32, #tpu.memory_space<vmem>>
          %dma_start3A_288 = tpu.memref_squeeze %dma_start3A_287 : memref<1x40xi32, #tpu.memory_space<vmem>> -> memref<40xi32, #tpu.memory_space<vmem>>
          %dma_start3A_289 = arith.constant 0 : i32
          %dma_start3A_290 = arith.constant 0 : i32
          %dma_start3A_291 = tpu.memref_slice %arg3[%dma_start3A_289, %dma_start3A_290] : memref<10000x128xf32, #tpu.memory_space<hbm>> -> memref<10000x128xf32, #tpu.memory_space<hbm>>
          tpu.enqueue_indirect_dma source(%dma_start3A_291 : memref<10000x128xf32, #tpu.memory_space<hbm>>) target(%dma_start3A_285 : memref<40x128xf32, #tpu.memory_space<vmem>>) offsets(%dma_start3A_288 : memref<40xi32, #tpu.memory_space<vmem>>) semaphore(%arg16 : memref<!tpu.dma_semaphore, #tpu.memory_space<semaphore_mem>>)
        } else {
        }
        %get3A_208 = arith.index_cast %add3A_175 : i32 to index
        %get3A_209 = arith.constant 0 : index
        %get3A_210 = tpu.vector_load %arg8[%get3A_208, %get3A_209] {strides = array<i32>} : memref<50x40xi32, #tpu.memory_space<vmem>>, vector<16xi32>,
        %broadcast_in_dim3A_211 = arith.constant true
        %broadcast_in_dim3A_212 = vector.broadcast %broadcast_in_dim3A_211 : i1 to vector<16xi1>
        %unique3A_213, %unique3A_214 = tpu.scan_count mask(%broadcast_in_dim3A_212 : vector<16xi1>) value(%get3A_210 : vector<16xi32>) : vector<16xi1>, vector<16xi32>
        %shift_right_arithmetic3A_215 = arith.constant 7 : i32
        %shift_right_arithmetic3A_216 = vector.broadcast %shift_right_arithmetic3A_215 : i32 to vector<16xi32>
        %shift_right_arithmetic3A_217 = arith.shrsi %get3A_210, %shift_right_arithmetic3A_216 : vector<16xi32>
        %and3A_218 = arith.constant 127 : i32
        %and3A_219 = vector.broadcast %and3A_218 : i32 to vector<16xi32>
        %and3A_220 = arith.andi %get3A_210, %and3A_219 : vector<16xi32>
        %convert_element_type3A_221 = arith.sitofp %unique3A_214 : vector<16xi32> to vector<16xf32>
        tpu.vector_store_idx %arg11[%shift_right_arithmetic3A_217, %and3A_220], %convert_element_type3A_221 masked %unique3A_213 {add = true} : memref<80x128xf32, #tpu.memory_space<vmem>>[vector<16xi32>, vector<16xi32>], vector<16xf32>, vector<16xi1>
        %get3A_222 = arith.index_cast %add3A_175 : i32 to index
        %get3A_223 = arith.constant 16 : index
        %get3A_224 = tpu.vector_load %arg8[%get3A_222, %get3A_223] {strides = array<i32>} : memref<50x40xi32, #tpu.memory_space<vmem>>, vector<16xi32>,
        %broadcast_in_dim3A_225 = arith.constant true
        %broadcast_in_dim3A_226 = vector.broadcast %broadcast_in_dim3A_225 : i1 to vector<16xi1>
        %unique3A_227, %unique3A_228 = tpu.scan_count mask(%broadcast_in_dim3A_226 : vector<16xi1>) value(%get3A_224 : vector<16xi32>) : vector<16xi1>, vector<16xi32>
        %shift_right_arithmetic3A_229 = arith.constant 7 : i32
        %shift_right_arithmetic3A_230 = vector.broadcast %shift_right_arithmetic3A_229 : i32 to vector<16xi32>
        %shift_right_arithmetic3A_231 = arith.shrsi %get3A_224, %shift_right_arithmetic3A_230 : vector<16xi32>
        %and3A_232 = arith.constant 127 : i32
        %and3A_233 = vector.broadcast %and3A_232 : i32 to vector<16xi32>
        %and3A_234 = arith.andi %get3A_224, %and3A_233 : vector<16xi32>
        %convert_element_type3A_235 = arith.sitofp %unique3A_228 : vector<16xi32> to vector<16xf32>
        tpu.vector_store_idx %arg11[%shift_right_arithmetic3A_231, %and3A_234], %convert_element_type3A_235 masked %unique3A_227 {add = true} : memref<80x128xf32, #tpu.memory_space<vmem>>[vector<16xi32>, vector<16xi32>], vector<16xf32>, vector<16xi1>
        %get3A_236 = arith.index_cast %add3A_175 : i32 to index
        %get3A_237 = arith.constant 24 : index
        %get3A_238 = tpu.vector_load %arg8[%get3A_236, %get3A_237] {strides = array<i32>} : memref<50x40xi32, #tpu.memory_space<vmem>>, vector<16xi32>,
        %unique3A_239, %unique3A_240 = tpu.scan_count mask(%ge3A_28 : vector<16xi1>) value(%get3A_238 : vector<16xi32>) : vector<16xi1>, vector<16xi32>
        %and3A_241 = arith.andi %unique3A_239, %ge3A_28 : vector<16xi1>
        %shift_right_arithmetic3A_242 = arith.constant 7 : i32
        %shift_right_arithmetic3A_243 = vector.broadcast %shift_right_arithmetic3A_242 : i32 to vector<16xi32>
        %shift_right_arithmetic3A_244 = arith.shrsi %get3A_238, %shift_right_arithmetic3A_243 : vector<16xi32>
        %and3A_245 = arith.constant 127 : i32
        %and3A_246 = vector.broadcast %and3A_245 : i32 to vector<16xi32>
        %and3A_247 = arith.andi %get3A_238, %and3A_246 : vector<16xi32>
        %convert_element_type3A_248 = arith.sitofp %unique3A_240 : vector<16xi32> to vector<16xf32>
        tpu.vector_store_idx %arg11[%shift_right_arithmetic3A_244, %and3A_247], %convert_element_type3A_248 masked %and3A_241 {add = true} : memref<80x128xf32, #tpu.memory_space<vmem>>[vector<16xi32>, vector<16xi32>], vector<16xf32>, vector<16xi1>
        %scan3A_249 = arith.constant 0 : i32
        %scan3A_250 = arith.constant 0 : i32
        %scan3A_251 = arith.constant 10 : i32
        %scan3A_252 = arith.addi %scan3A_250, %scan3A_251 : i32
        %scan3A_253 = arith.constant 1 : i32
        scf.for %scan3A_266 = %scan3A_250 to %scan3A_252 step %scan3A_253  : i32 {
          %mul3A_267 = arith.constant 4 : i32
          %mul3A_268 = arith.muli %scan3A_266, %mul3A_267 : i32
          %add3A_269 = arith.constant 1 : i32
          %add3A_270 = arith.addi %mul3A_268, %add3A_269 : i32
          %add3A_271 = arith.constant 2 : i32
          %add3A_272 = arith.addi %mul3A_268, %add3A_271 : i32
          %add3A_273 = arith.constant 3 : i32
          %add3A_274 = arith.addi %mul3A_268, %add3A_273 : i32
          %get3A_275 = arith.constant 0 : i32
          %get3A_276 = arith.constant 0 : i32
          %get3A_277 = tpu.memref_slice %arg9[%scan3A_31, %get3A_275, %get3A_276] : memref<2x40x128xf32, #tpu.memory_space<vmem>> -> memref<1x40x128xf32, #tpu.memory_space<vmem>>
          %get3A_278 = tpu.memref_squeeze %get3A_277 : memref<1x40x128xf32, #tpu.memory_space<vmem>> -> memref<40x128xf32, #tpu.memory_space<vmem>>
          %get3A_279 = arith.index_cast %mul3A_268 : i32 to index
          %get3A_280 = arith.constant 0 : index
          %get3A_281 = tpu.vector_load %get3A_278[%get3A_279, %get3A_280] {strides = array<i32>} : memref<40x128xf32, #tpu.memory_space<vmem>>, vector<16xf32>,
          %get3A_282 = arith.constant 0 : i32
          %get3A_283 = arith.constant 0 : i32
          %get3A_284 = tpu.memref_slice %arg10[%scan3A_32, %get3A_282, %get3A_283] : memref<2x40x128xf32, #tpu.memory_space<vmem>> -> memref<1x40x128xf32, #tpu.memory_space<vmem>>
          %get3A_285 = tpu.memref_squeeze %get3A_284 : memref<1x40x128xf32, #tpu.memory_space<vmem>> -> memref<40x128xf32, #tpu.memory_space<vmem>>
          %get3A_286 = arith.index_cast %mul3A_268 : i32 to index
          %get3A_287 = arith.constant 0 : index
          %get3A_288 = tpu.vector_load %get3A_285[%get3A_286, %get3A_287] {strides = array<i32>} : memref<40x128xf32, #tpu.memory_space<vmem>>, vector<16xf32>,
          %sub3A = arith.subf %get3A_281, %get3A_288 : vector<16xf32>
          %mul3A_289 = arith.mulf %sub3A, %sub3A : vector<16xf32>
          %get3A_290 = arith.constant 0 : i32
          %get3A_291 = arith.constant 0 : i32
          %get3A_292 = tpu.memref_slice %arg9[%scan3A_31, %get3A_290, %get3A_291] : memref<2x40x128xf32, #tpu.memory_space<vmem>> -> memref<1x40x128xf32, #tpu.memory_space<vmem>>
          %get3A_293 = tpu.memref_squeeze %get3A_292 : memref<1x40x128xf32, #tpu.memory_space<vmem>> -> memref<40x128xf32, #tpu.memory_space<vmem>>
          %get3A_294 = arith.index_cast %mul3A_268 : i32 to index
          %get3A_295 = arith.constant 16 : index
          %get3A_296 = tpu.vector_load %get3A_293[%get3A_294, %get3A_295] {strides = array<i32>} : memref<40x128xf32, #tpu.memory_space<vmem>>, vector<16xf32>,
          %get3A_297 = arith.constant 0 : i32
          %get3A_298 = arith.constant 0 : i32
          %get3A_299 = tpu.memref_slice %arg10[%scan3A_32, %get3A_297, %get3A_298] : memref<2x40x128xf32, #tpu.memory_space<vmem>> -> memref<1x40x128xf32, #tpu.memory_space<vmem>>
          %get3A_300 = tpu.memref_squeeze %get3A_299 : memref<1x40x128xf32, #tpu.memory_space<vmem>> -> memref<40x128xf32, #tpu.memory_space<vmem>>
          %get3A_301 = arith.index_cast %mul3A_268 : i32 to index
          %get3A_302 = arith.constant 16 : index
          %get3A_303 = tpu.vector_load %get3A_300[%get3A_301, %get3A_302] {strides = array<i32>} : memref<40x128xf32, #tpu.memory_space<vmem>>, vector<16xf32>,
          %sub3A_304 = arith.subf %get3A_296, %get3A_303 : vector<16xf32>
          %add3A_305 = arith.addf %sub3A, %sub3A_304 : vector<16xf32>
          %mul3A_306 = arith.mulf %sub3A_304, %sub3A_304 : vector<16xf32>
          %add3A_307 = arith.addf %mul3A_289, %mul3A_306 : vector<16xf32>
          %get3A_308 = arith.constant 0 : i32
          %get3A_309 = arith.constant 0 : i32
          %get3A_310 = tpu.memref_slice %arg9[%scan3A_31, %get3A_308, %get3A_309] : memref<2x40x128xf32, #tpu.memory_space<vmem>> -> memref<1x40x128xf32, #tpu.memory_space<vmem>>
          %get3A_311 = tpu.memref_squeeze %get3A_310 : memref<1x40x128xf32, #tpu.memory_space<vmem>> -> memref<40x128xf32, #tpu.memory_space<vmem>>
          %get3A_312 = arith.index_cast %mul3A_268 : i32 to index
          %get3A_313 = arith.constant 32 : index
          %get3A_314 = tpu.vector_load %get3A_311[%get3A_312, %get3A_313] {strides = array<i32>} : memref<40x128xf32, #tpu.memory_space<vmem>>, vector<16xf32>,
          %get3A_315 = arith.constant 0 : i32
          %get3A_316 = arith.constant 0 : i32
          %get3A_317 = tpu.memref_slice %arg10[%scan3A_32, %get3A_315, %get3A_316] : memref<2x40x128xf32, #tpu.memory_space<vmem>> -> memref<1x40x128xf32, #tpu.memory_space<vmem>>
          %get3A_318 = tpu.memref_squeeze %get3A_317 : memref<1x40x128xf32, #tpu.memory_space<vmem>> -> memref<40x128xf32, #tpu.memory_space<vmem>>
          %get3A_319 = arith.index_cast %mul3A_268 : i32 to index
          %get3A_320 = arith.constant 32 : index
          %get3A_321 = tpu.vector_load %get3A_318[%get3A_319, %get3A_320] {strides = array<i32>} : memref<40x128xf32, #tpu.memory_space<vmem>>, vector<16xf32>,
          %sub3A_322 = arith.subf %get3A_314, %get3A_321 : vector<16xf32>
          %add3A_323 = arith.addf %add3A_305, %sub3A_322 : vector<16xf32>
          %mul3A_324 = arith.mulf %sub3A_322, %sub3A_322 : vector<16xf32>
          %add3A_325 = arith.addf %add3A_307, %mul3A_324 : vector<16xf32>
          %get3A_326 = arith.constant 0 : i32
          %get3A_327 = arith.constant 0 : i32
          %get3A_328 = tpu.memref_slice %arg9[%scan3A_31, %get3A_326, %get3A_327] : memref<2x40x128xf32, #tpu.memory_space<vmem>> -> memref<1x40x128xf32, #tpu.memory_space<vmem>>
          %get3A_329 = tpu.memref_squeeze %get3A_328 : memref<1x40x128xf32, #tpu.memory_space<vmem>> -> memref<40x128xf32, #tpu.memory_space<vmem>>
          %get3A_330 = arith.index_cast %mul3A_268 : i32 to index
          %get3A_331 = arith.constant 48 : index
          %get3A_332 = tpu.vector_load %get3A_329[%get3A_330, %get3A_331] {strides = array<i32>} : memref<40x128xf32, #tpu.memory_space<vmem>>, vector<16xf32>,
          %get3A_333 = arith.constant 0 : i32
          %get3A_334 = arith.constant 0 : i32
          %get3A_335 = tpu.memref_slice %arg10[%scan3A_32, %get3A_333, %get3A_334] : memref<2x40x128xf32, #tpu.memory_space<vmem>> -> memref<1x40x128xf32, #tpu.memory_space<vmem>>
          %get3A_336 = tpu.memref_squeeze %get3A_335 : memref<1x40x128xf32, #tpu.memory_space<vmem>> -> memref<40x128xf32, #tpu.memory_space<vmem>>
          %get3A_337 = arith.index_cast %mul3A_268 : i32 to index
          %get3A_338 = arith.constant 48 : index
          %get3A_339 = tpu.vector_load %get3A_336[%get3A_337, %get3A_338] {strides = array<i32>} : memref<40x128xf32, #tpu.memory_space<vmem>>, vector<16xf32>,
          %sub3A_340 = arith.subf %get3A_332, %get3A_339 : vector<16xf32>
          %add3A_341 = arith.addf %add3A_323, %sub3A_340 : vector<16xf32>
          %mul3A_342 = arith.mulf %sub3A_340, %sub3A_340 : vector<16xf32>
          %add3A_343 = arith.addf %add3A_325, %mul3A_342 : vector<16xf32>
          %get3A_344 = arith.constant 0 : i32
          %get3A_345 = arith.constant 0 : i32
          %get3A_346 = tpu.memref_slice %arg9[%scan3A_31, %get3A_344, %get3A_345] : memref<2x40x128xf32, #tpu.memory_space<vmem>> -> memref<1x40x128xf32, #tpu.memory_space<vmem>>
          %get3A_347 = tpu.memref_squeeze %get3A_346 : memref<1x40x128xf32, #tpu.memory_space<vmem>> -> memref<40x128xf32, #tpu.memory_space<vmem>>
          %get3A_348 = arith.index_cast %mul3A_268 : i32 to index
          %get3A_349 = arith.constant 64 : index
          %get3A_350 = tpu.vector_load %get3A_347[%get3A_348, %get3A_349] {strides = array<i32>} : memref<40x128xf32, #tpu.memory_space<vmem>>, vector<16xf32>,
          %get3A_351 = arith.constant 0 : i32
          %get3A_352 = arith.constant 0 : i32
          %get3A_353 = tpu.memref_slice %arg10[%scan3A_32, %get3A_351, %get3A_352] : memref<2x40x128xf32, #tpu.memory_space<vmem>> -> memref<1x40x128xf32, #tpu.memory_space<vmem>>
          %get3A_354 = tpu.memref_squeeze %get3A_353 : memref<1x40x128xf32, #tpu.memory_space<vmem>> -> memref<40x128xf32, #tpu.memory_space<vmem>>
          %get3A_355 = arith.index_cast %mul3A_268 : i32 to index
          %get3A_356 = arith.constant 64 : index
          %get3A_357 = tpu.vector_load %get3A_354[%get3A_355, %get3A_356] {strides = array<i32>} : memref<40x128xf32, #tpu.memory_space<vmem>>, vector<16xf32>,
          %sub3A_358 = arith.subf %get3A_350, %get3A_357 : vector<16xf32>
          %add3A_359 = arith.addf %add3A_341, %sub3A_358 : vector<16xf32>
          %mul3A_360 = arith.mulf %sub3A_358, %sub3A_358 : vector<16xf32>
          %add3A_361 = arith.addf %add3A_343, %mul3A_360 : vector<16xf32>
          %get3A_362 = arith.constant 0 : i32
          %get3A_363 = arith.constant 0 : i32
          %get3A_364 = tpu.memref_slice %arg9[%scan3A_31, %get3A_362, %get3A_363] : memref<2x40x128xf32, #tpu.memory_space<vmem>> -> memref<1x40x128xf32, #tpu.memory_space<vmem>>
          %get3A_365 = tpu.memref_squeeze %get3A_364 : memref<1x40x128xf32, #tpu.memory_space<vmem>> -> memref<40x128xf32, #tpu.memory_space<vmem>>
          %get3A_366 = arith.index_cast %mul3A_268 : i32 to index
          %get3A_367 = arith.constant 80 : index
          %get3A_368 = tpu.vector_load %get3A_365[%get3A_366, %get3A_367] {strides = array<i32>} : memref<40x128xf32, #tpu.memory_space<vmem>>, vector<16xf32>,
          %get3A_369 = arith.constant 0 : i32
          %get3A_370 = arith.constant 0 : i32
          %get3A_371 = tpu.memref_slice %arg10[%scan3A_32, %get3A_369, %get3A_370] : memref<2x40x128xf32, #tpu.memory_space<vmem>> -> memref<1x40x128xf32, #tpu.memory_space<vmem>>
          %get3A_372 = tpu.memref_squeeze %get3A_371 : memref<1x40x128xf32, #tpu.memory_space<vmem>> -> memref<40x128xf32, #tpu.memory_space<vmem>>
          %get3A_373 = arith.index_cast %mul3A_268 : i32 to index
          %get3A_374 = arith.constant 80 : index
          %get3A_375 = tpu.vector_load %get3A_372[%get3A_373, %get3A_374] {strides = array<i32>} : memref<40x128xf32, #tpu.memory_space<vmem>>, vector<16xf32>,
          %sub3A_376 = arith.subf %get3A_368, %get3A_375 : vector<16xf32>
          %add3A_377 = arith.addf %add3A_359, %sub3A_376 : vector<16xf32>
          %mul3A_378 = arith.mulf %sub3A_376, %sub3A_376 : vector<16xf32>
          %add3A_379 = arith.addf %add3A_361, %mul3A_378 : vector<16xf32>
          %get3A_380 = arith.constant 0 : i32
          %get3A_381 = arith.constant 0 : i32
          %get3A_382 = tpu.memref_slice %arg9[%scan3A_31, %get3A_380, %get3A_381] : memref<2x40x128xf32, #tpu.memory_space<vmem>> -> memref<1x40x128xf32, #tpu.memory_space<vmem>>
          %get3A_383 = tpu.memref_squeeze %get3A_382 : memref<1x40x128xf32, #tpu.memory_space<vmem>> -> memref<40x128xf32, #tpu.memory_space<vmem>>
          %get3A_384 = arith.index_cast %mul3A_268 : i32 to index
          %get3A_385 = arith.constant 96 : index
          %get3A_386 = tpu.vector_load %get3A_383[%get3A_384, %get3A_385] {strides = array<i32>} : memref<40x128xf32, #tpu.memory_space<vmem>>, vector<16xf32>,
          %get3A_387 = arith.constant 0 : i32
          %get3A_388 = arith.constant 0 : i32
          %get3A_389 = tpu.memref_slice %arg10[%scan3A_32, %get3A_387, %get3A_388] : memref<2x40x128xf32, #tpu.memory_space<vmem>> -> memref<1x40x128xf32, #tpu.memory_space<vmem>>
          %get3A_390 = tpu.memref_squeeze %get3A_389 : memref<1x40x128xf32, #tpu.memory_space<vmem>> -> memref<40x128xf32, #tpu.memory_space<vmem>>
          %get3A_391 = arith.index_cast %mul3A_268 : i32 to index
          %get3A_392 = arith.constant 96 : index
          %get3A_393 = tpu.vector_load %get3A_390[%get3A_391, %get3A_392] {strides = array<i32>} : memref<40x128xf32, #tpu.memory_space<vmem>>, vector<16xf32>,
          %sub3A_394 = arith.subf %get3A_386, %get3A_393 : vector<16xf32>
          %add3A_395 = arith.addf %add3A_377, %sub3A_394 : vector<16xf32>
          %mul3A_396 = arith.mulf %sub3A_394, %sub3A_394 : vector<16xf32>
          %add3A_397 = arith.addf %add3A_379, %mul3A_396 : vector<16xf32>
          %get3A_398 = arith.constant 0 : i32
          %get3A_399 = arith.constant 0 : i32
          %get3A_400 = tpu.memref_slice %arg9[%scan3A_31, %get3A_398, %get3A_399] : memref<2x40x128xf32, #tpu.memory_space<vmem>> -> memref<1x40x128xf32, #tpu.memory_space<vmem>>
          %get3A_401 = tpu.memref_squeeze %get3A_400 : memref<1x40x128xf32, #tpu.memory_space<vmem>> -> memref<40x128xf32, #tpu.memory_space<vmem>>
          %get3A_402 = arith.index_cast %mul3A_268 : i32 to index
          %get3A_403 = arith.constant 112 : index
          %get3A_404 = tpu.vector_load %get3A_401[%get3A_402, %get3A_403] {strides = array<i32>} : memref<40x128xf32, #tpu.memory_space<vmem>>, vector<16xf32>,
          %get3A_405 = arith.constant 0 : i32
          %get3A_406 = arith.constant 0 : i32
          %get3A_407 = tpu.memref_slice %arg10[%scan3A_32, %get3A_405, %get3A_406] : memref<2x40x128xf32, #tpu.memory_space<vmem>> -> memref<1x40x128xf32, #tpu.memory_space<vmem>>
          %get3A_408 = tpu.memref_squeeze %get3A_407 : memref<1x40x128xf32, #tpu.memory_space<vmem>> -> memref<40x128xf32, #tpu.memory_space<vmem>>
          %get3A_409 = arith.index_cast %mul3A_268 : i32 to index
          %get3A_410 = arith.constant 112 : index
          %get3A_411 = tpu.vector_load %get3A_408[%get3A_409, %get3A_410] {strides = array<i32>} : memref<40x128xf32, #tpu.memory_space<vmem>>, vector<16xf32>,
          %sub3A_412 = arith.subf %get3A_404, %get3A_411 : vector<16xf32>
          %add3A_413 = arith.addf %add3A_395, %sub3A_412 : vector<16xf32>
          %mul3A_414 = arith.mulf %sub3A_412, %sub3A_412 : vector<16xf32>
          %add3A_415 = arith.addf %add3A_397, %mul3A_414 : vector<16xf32>
          %get3A_416 = arith.constant 0 : i32
          %get3A_417 = arith.constant 0 : i32
          %get3A_418 = tpu.memref_slice %arg9[%scan3A_31, %get3A_416, %get3A_417] : memref<2x40x128xf32, #tpu.memory_space<vmem>> -> memref<1x40x128xf32, #tpu.memory_space<vmem>>
          %get3A_419 = tpu.memref_squeeze %get3A_418 : memref<1x40x128xf32, #tpu.memory_space<vmem>> -> memref<40x128xf32, #tpu.memory_space<vmem>>
          %get3A_420 = arith.index_cast %add3A_270 : i32 to index
          %get3A_421 = arith.constant 0 : index
          %get3A_422 = tpu.vector_load %get3A_419[%get3A_420, %get3A_421] {strides = array<i32>} : memref<40x128xf32, #tpu.memory_space<vmem>>, vector<16xf32>,
          %get3A_423 = arith.constant 0 : i32
          %get3A_424 = arith.constant 0 : i32
          %get3A_425 = tpu.memref_slice %arg10[%scan3A_32, %get3A_423, %get3A_424] : memref<2x40x128xf32, #tpu.memory_space<vmem>> -> memref<1x40x128xf32, #tpu.memory_space<vmem>>
          %get3A_426 = tpu.memref_squeeze %get3A_425 : memref<1x40x128xf32, #tpu.memory_space<vmem>> -> memref<40x128xf32, #tpu.memory_space<vmem>>
          %get3A_427 = arith.index_cast %add3A_270 : i32 to index
          %get3A_428 = arith.constant 0 : index
          %get3A_429 = tpu.vector_load %get3A_426[%get3A_427, %get3A_428] {strides = array<i32>} : memref<40x128xf32, #tpu.memory_space<vmem>>, vector<16xf32>,
          %sub3A_430 = arith.subf %get3A_422, %get3A_429 : vector<16xf32>
          %mul3A_431 = arith.mulf %sub3A_430, %sub3A_430 : vector<16xf32>
          %get3A_432 = arith.constant 0 : i32
          %get3A_433 = arith.constant 0 : i32
          %get3A_434 = tpu.memref_slice %arg9[%scan3A_31, %get3A_432, %get3A_433] : memref<2x40x128xf32, #tpu.memory_space<vmem>> -> memref<1x40x128xf32, #tpu.memory_space<vmem>>
          %get3A_435 = tpu.memref_squeeze %get3A_434 : memref<1x40x128xf32, #tpu.memory_space<vmem>> -> memref<40x128xf32, #tpu.memory_space<vmem>>
          %get3A_436 = arith.index_cast %add3A_270 : i32 to index
          %get3A_437 = arith.constant 16 : index
          %get3A_438 = tpu.vector_load %get3A_435[%get3A_436, %get3A_437] {strides = array<i32>} : memref<40x128xf32, #tpu.memory_space<vmem>>, vector<16xf32>,
          %get3A_439 = arith.constant 0 : i32
          %get3A_440 = arith.constant 0 : i32
          %get3A_441 = tpu.memref_slice %arg10[%scan3A_32, %get3A_439, %get3A_440] : memref<2x40x128xf32, #tpu.memory_space<vmem>> -> memref<1x40x128xf32, #tpu.memory_space<vmem>>
          %get3A_442 = tpu.memref_squeeze %get3A_441 : memref<1x40x128xf32, #tpu.memory_space<vmem>> -> memref<40x128xf32, #tpu.memory_space<vmem>>
          %get3A_443 = arith.index_cast %add3A_270 : i32 to index
          %get3A_444 = arith.constant 16 : index
          %get3A_445 = tpu.vector_load %get3A_442[%get3A_443, %get3A_444] {strides = array<i32>} : memref<40x128xf32, #tpu.memory_space<vmem>>, vector<16xf32>,
          %sub3A_446 = arith.subf %get3A_438, %get3A_445 : vector<16xf32>
          %add3A_447 = arith.addf %sub3A_430, %sub3A_446 : vector<16xf32>
          %mul3A_448 = arith.mulf %sub3A_446, %sub3A_446 : vector<16xf32>
          %add3A_449 = arith.addf %mul3A_431, %mul3A_448 : vector<16xf32>
          %get3A_450 = arith.constant 0 : i32
          %get3A_451 = arith.constant 0 : i32
          %get3A_452 = tpu.memref_slice %arg9[%scan3A_31, %get3A_450, %get3A_451] : memref<2x40x128xf32, #tpu.memory_space<vmem>> -> memref<1x40x128xf32, #tpu.memory_space<vmem>>
          %get3A_453 = tpu.memref_squeeze %get3A_452 : memref<1x40x128xf32, #tpu.memory_space<vmem>> -> memref<40x128xf32, #tpu.memory_space<vmem>>
          %get3A_454 = arith.index_cast %add3A_270 : i32 to index
          %get3A_455 = arith.constant 32 : index
          %get3A_456 = tpu.vector_load %get3A_453[%get3A_454, %get3A_455] {strides = array<i32>} : memref<40x128xf32, #tpu.memory_space<vmem>>, vector<16xf32>,
          %get3A_457 = arith.constant 0 : i32
          %get3A_458 = arith.constant 0 : i32
          %get3A_459 = tpu.memref_slice %arg10[%scan3A_32, %get3A_457, %get3A_458] : memref<2x40x128xf32, #tpu.memory_space<vmem>> -> memref<1x40x128xf32, #tpu.memory_space<vmem>>
          %get3A_460 = tpu.memref_squeeze %get3A_459 : memref<1x40x128xf32, #tpu.memory_space<vmem>> -> memref<40x128xf32, #tpu.memory_space<vmem>>
          %get3A_461 = arith.index_cast %add3A_270 : i32 to index
          %get3A_462 = arith.constant 32 : index
          %get3A_463 = tpu.vector_load %get3A_460[%get3A_461, %get3A_462] {strides = array<i32>} : memref<40x128xf32, #tpu.memory_space<vmem>>, vector<16xf32>,
          %sub3A_464 = arith.subf %get3A_456, %get3A_463 : vector<16xf32>
          %add3A_465 = arith.addf %add3A_447, %sub3A_464 : vector<16xf32>
          %mul3A_466 = arith.mulf %sub3A_464, %sub3A_464 : vector<16xf32>
          %add3A_467 = arith.addf %add3A_449, %mul3A_466 : vector<16xf32>
          %get3A_468 = arith.constant 0 : i32
          %get3A_469 = arith.constant 0 : i32
          %get3A_470 = tpu.memref_slice %arg9[%scan3A_31, %get3A_468, %get3A_469] : memref<2x40x128xf32, #tpu.memory_space<vmem>> -> memref<1x40x128xf32, #tpu.memory_space<vmem>>
          %get3A_471 = tpu.memref_squeeze %get3A_470 : memref<1x40x128xf32, #tpu.memory_space<vmem>> -> memref<40x128xf32, #tpu.memory_space<vmem>>
          %get3A_472 = arith.index_cast %add3A_270 : i32 to index
          %get3A_473 = arith.constant 48 : index
          %get3A_474 = tpu.vector_load %get3A_471[%get3A_472, %get3A_473] {strides = array<i32>} : memref<40x128xf32, #tpu.memory_space<vmem>>, vector<16xf32>,
          %get3A_475 = arith.constant 0 : i32
          %get3A_476 = arith.constant 0 : i32
          %get3A_477 = tpu.memref_slice %arg10[%scan3A_32, %get3A_475, %get3A_476] : memref<2x40x128xf32, #tpu.memory_space<vmem>> -> memref<1x40x128xf32, #tpu.memory_space<vmem>>
          %get3A_478 = tpu.memref_squeeze %get3A_477 : memref<1x40x128xf32, #tpu.memory_space<vmem>> -> memref<40x128xf32, #tpu.memory_space<vmem>>
          %get3A_479 = arith.index_cast %add3A_270 : i32 to index
          %get3A_480 = arith.constant 48 : index
          %get3A_481 = tpu.vector_load %get3A_478[%get3A_479, %get3A_480] {strides = array<i32>} : memref<40x128xf32, #tpu.memory_space<vmem>>, vector<16xf32>,
          %sub3A_482 = arith.subf %get3A_474, %get3A_481 : vector<16xf32>
          %add3A_483 = arith.addf %add3A_465, %sub3A_482 : vector<16xf32>
          %mul3A_484 = arith.mulf %sub3A_482, %sub3A_482 : vector<16xf32>
          %add3A_485 = arith.addf %add3A_467, %mul3A_484 : vector<16xf32>
          %get3A_486 = arith.constant 0 : i32
          %get3A_487 = arith.constant 0 : i32
          %get3A_488 = tpu.memref_slice %arg9[%scan3A_31, %get3A_486, %get3A_487] : memref<2x40x128xf32, #tpu.memory_space<vmem>> -> memref<1x40x128xf32, #tpu.memory_space<vmem>>
          %get3A_489 = tpu.memref_squeeze %get3A_488 : memref<1x40x128xf32, #tpu.memory_space<vmem>> -> memref<40x128xf32, #tpu.memory_space<vmem>>
          %get3A_490 = arith.index_cast %add3A_270 : i32 to index
          %get3A_491 = arith.constant 64 : index
          %get3A_492 = tpu.vector_load %get3A_489[%get3A_490, %get3A_491] {strides = array<i32>} : memref<40x128xf32, #tpu.memory_space<vmem>>, vector<16xf32>,
          %get3A_493 = arith.constant 0 : i32
          %get3A_494 = arith.constant 0 : i32
          %get3A_495 = tpu.memref_slice %arg10[%scan3A_32, %get3A_493, %get3A_494] : memref<2x40x128xf32, #tpu.memory_space<vmem>> -> memref<1x40x128xf32, #tpu.memory_space<vmem>>
          %get3A_496 = tpu.memref_squeeze %get3A_495 : memref<1x40x128xf32, #tpu.memory_space<vmem>> -> memref<40x128xf32, #tpu.memory_space<vmem>>
          %get3A_497 = arith.index_cast %add3A_270 : i32 to index
          %get3A_498 = arith.constant 64 : index
          %get3A_499 = tpu.vector_load %get3A_496[%get3A_497, %get3A_498] {strides = array<i32>} : memref<40x128xf32, #tpu.memory_space<vmem>>, vector<16xf32>,
          %sub3A_500 = arith.subf %get3A_492, %get3A_499 : vector<16xf32>
          %add3A_501 = arith.addf %add3A_483, %sub3A_500 : vector<16xf32>
          %mul3A_502 = arith.mulf %sub3A_500, %sub3A_500 : vector<16xf32>
          %add3A_503 = arith.addf %add3A_485, %mul3A_502 : vector<16xf32>
          %get3A_504 = arith.constant 0 : i32
          %get3A_505 = arith.constant 0 : i32
          %get3A_506 = tpu.memref_slice %arg9[%scan3A_31, %get3A_504, %get3A_505] : memref<2x40x128xf32, #tpu.memory_space<vmem>> -> memref<1x40x128xf32, #tpu.memory_space<vmem>>
          %get3A_507 = tpu.memref_squeeze %get3A_506 : memref<1x40x128xf32, #tpu.memory_space<vmem>> -> memref<40x128xf32, #tpu.memory_space<vmem>>
          %get3A_508 = arith.index_cast %add3A_270 : i32 to index
          %get3A_509 = arith.constant 80 : index
          %get3A_510 = tpu.vector_load %get3A_507[%get3A_508, %get3A_509] {strides = array<i32>} : memref<40x128xf32, #tpu.memory_space<vmem>>, vector<16xf32>,
          %get3A_511 = arith.constant 0 : i32
          %get3A_512 = arith.constant 0 : i32
          %get3A_513 = tpu.memref_slice %arg10[%scan3A_32, %get3A_511, %get3A_512] : memref<2x40x128xf32, #tpu.memory_space<vmem>> -> memref<1x40x128xf32, #tpu.memory_space<vmem>>
          %get3A_514 = tpu.memref_squeeze %get3A_513 : memref<1x40x128xf32, #tpu.memory_space<vmem>> -> memref<40x128xf32, #tpu.memory_space<vmem>>
          %get3A_515 = arith.index_cast %add3A_270 : i32 to index
          %get3A_516 = arith.constant 80 : index
          %get3A_517 = tpu.vector_load %get3A_514[%get3A_515, %get3A_516] {strides = array<i32>} : memref<40x128xf32, #tpu.memory_space<vmem>>, vector<16xf32>,
          %sub3A_518 = arith.subf %get3A_510, %get3A_517 : vector<16xf32>
          %add3A_519 = arith.addf %add3A_501, %sub3A_518 : vector<16xf32>
          %mul3A_520 = arith.mulf %sub3A_518, %sub3A_518 : vector<16xf32>
          %add3A_521 = arith.addf %add3A_503, %mul3A_520 : vector<16xf32>
          %get3A_522 = arith.constant 0 : i32
          %get3A_523 = arith.constant 0 : i32
          %get3A_524 = tpu.memref_slice %arg9[%scan3A_31, %get3A_522, %get3A_523] : memref<2x40x128xf32, #tpu.memory_space<vmem>> -> memref<1x40x128xf32, #tpu.memory_space<vmem>>
          %get3A_525 = tpu.memref_squeeze %get3A_524 : memref<1x40x128xf32, #tpu.memory_space<vmem>> -> memref<40x128xf32, #tpu.memory_space<vmem>>
          %get3A_526 = arith.index_cast %add3A_270 : i32 to index
          %get3A_527 = arith.constant 96 : index
          %get3A_528 = tpu.vector_load %get3A_525[%get3A_526, %get3A_527] {strides = array<i32>} : memref<40x128xf32, #tpu.memory_space<vmem>>, vector<16xf32>,
          %get3A_529 = arith.constant 0 : i32
          %get3A_530 = arith.constant 0 : i32
          %get3A_531 = tpu.memref_slice %arg10[%scan3A_32, %get3A_529, %get3A_530] : memref<2x40x128xf32, #tpu.memory_space<vmem>> -> memref<1x40x128xf32, #tpu.memory_space<vmem>>
          %get3A_532 = tpu.memref_squeeze %get3A_531 : memref<1x40x128xf32, #tpu.memory_space<vmem>> -> memref<40x128xf32, #tpu.memory_space<vmem>>
          %get3A_533 = arith.index_cast %add3A_270 : i32 to index
          %get3A_534 = arith.constant 96 : index
          %get3A_535 = tpu.vector_load %get3A_532[%get3A_533, %get3A_534] {strides = array<i32>} : memref<40x128xf32, #tpu.memory_space<vmem>>, vector<16xf32>,
          %sub3A_536 = arith.subf %get3A_528, %get3A_535 : vector<16xf32>
          %add3A_537 = arith.addf %add3A_519, %sub3A_536 : vector<16xf32>
          %mul3A_538 = arith.mulf %sub3A_536, %sub3A_536 : vector<16xf32>
          %add3A_539 = arith.addf %add3A_521, %mul3A_538 : vector<16xf32>
          %get3A_540 = arith.constant 0 : i32
          %get3A_541 = arith.constant 0 : i32
          %get3A_542 = tpu.memref_slice %arg9[%scan3A_31, %get3A_540, %get3A_541] : memref<2x40x128xf32, #tpu.memory_space<vmem>> -> memref<1x40x128xf32, #tpu.memory_space<vmem>>
          %get3A_543 = tpu.memref_squeeze %get3A_542 : memref<1x40x128xf32, #tpu.memory_space<vmem>> -> memref<40x128xf32, #tpu.memory_space<vmem>>
          %get3A_544 = arith.index_cast %add3A_270 : i32 to index
          %get3A_545 = arith.constant 112 : index
          %get3A_546 = tpu.vector_load %get3A_543[%get3A_544, %get3A_545] {strides = array<i32>} : memref<40x128xf32, #tpu.memory_space<vmem>>, vector<16xf32>,
          %get3A_547 = arith.constant 0 : i32
          %get3A_548 = arith.constant 0 : i32
          %get3A_549 = tpu.memref_slice %arg10[%scan3A_32, %get3A_547, %get3A_548] : memref<2x40x128xf32, #tpu.memory_space<vmem>> -> memref<1x40x128xf32, #tpu.memory_space<vmem>>
          %get3A_550 = tpu.memref_squeeze %get3A_549 : memref<1x40x128xf32, #tpu.memory_space<vmem>> -> memref<40x128xf32, #tpu.memory_space<vmem>>
          %get3A_551 = arith.index_cast %add3A_270 : i32 to index
          %get3A_552 = arith.constant 112 : index
          %get3A_553 = tpu.vector_load %get3A_550[%get3A_551, %get3A_552] {strides = array<i32>} : memref<40x128xf32, #tpu.memory_space<vmem>>, vector<16xf32>,
          %sub3A_554 = arith.subf %get3A_546, %get3A_553 : vector<16xf32>
          %add3A_555 = arith.addf %add3A_537, %sub3A_554 : vector<16xf32>
          %mul3A_556 = arith.mulf %sub3A_554, %sub3A_554 : vector<16xf32>
          %add3A_557 = arith.addf %add3A_539, %mul3A_556 : vector<16xf32>
          %get3A_558 = arith.constant 0 : i32
          %get3A_559 = arith.constant 0 : i32
          %get3A_560 = tpu.memref_slice %arg9[%scan3A_31, %get3A_558, %get3A_559] : memref<2x40x128xf32, #tpu.memory_space<vmem>> -> memref<1x40x128xf32, #tpu.memory_space<vmem>>
          %get3A_561 = tpu.memref_squeeze %get3A_560 : memref<1x40x128xf32, #tpu.memory_space<vmem>> -> memref<40x128xf32, #tpu.memory_space<vmem>>
          %get3A_562 = arith.index_cast %add3A_272 : i32 to index
          %get3A_563 = arith.constant 0 : index
          %get3A_564 = tpu.vector_load %get3A_561[%get3A_562, %get3A_563] {strides = array<i32>} : memref<40x128xf32, #tpu.memory_space<vmem>>, vector<16xf32>,
          %get3A_565 = arith.constant 0 : i32
          %get3A_566 = arith.constant 0 : i32
          %get3A_567 = tpu.memref_slice %arg10[%scan3A_32, %get3A_565, %get3A_566] : memref<2x40x128xf32, #tpu.memory_space<vmem>> -> memref<1x40x128xf32, #tpu.memory_space<vmem>>
          %get3A_568 = tpu.memref_squeeze %get3A_567 : memref<1x40x128xf32, #tpu.memory_space<vmem>> -> memref<40x128xf32, #tpu.memory_space<vmem>>
          %get3A_569 = arith.index_cast %add3A_272 : i32 to index
          %get3A_570 = arith.constant 0 : index
          %get3A_571 = tpu.vector_load %get3A_568[%get3A_569, %get3A_570] {strides = array<i32>} : memref<40x128xf32, #tpu.memory_space<vmem>>, vector<16xf32>,
          %sub3A_572 = arith.subf %get3A_564, %get3A_571 : vector<16xf32>
          %mul3A_573 = arith.mulf %sub3A_572, %sub3A_572 : vector<16xf32>
          %get3A_574 = arith.constant 0 : i32
          %get3A_575 = arith.constant 0 : i32
          %get3A_576 = tpu.memref_slice %arg9[%scan3A_31, %get3A_574, %get3A_575] : memref<2x40x128xf32, #tpu.memory_space<vmem>> -> memref<1x40x128xf32, #tpu.memory_space<vmem>>
          %get3A_577 = tpu.memref_squeeze %get3A_576 : memref<1x40x128xf32, #tpu.memory_space<vmem>> -> memref<40x128xf32, #tpu.memory_space<vmem>>
          %get3A_578 = arith.index_cast %add3A_272 : i32 to index
          %get3A_579 = arith.constant 16 : index
          %get3A_580 = tpu.vector_load %get3A_577[%get3A_578, %get3A_579] {strides = array<i32>} : memref<40x128xf32, #tpu.memory_space<vmem>>, vector<16xf32>,
          %get3A_581 = arith.constant 0 : i32
          %get3A_582 = arith.constant 0 : i32
          %get3A_583 = tpu.memref_slice %arg10[%scan3A_32, %get3A_581, %get3A_582] : memref<2x40x128xf32, #tpu.memory_space<vmem>> -> memref<1x40x128xf32, #tpu.memory_space<vmem>>
          %get3A_584 = tpu.memref_squeeze %get3A_583 : memref<1x40x128xf32, #tpu.memory_space<vmem>> -> memref<40x128xf32, #tpu.memory_space<vmem>>
          %get3A_585 = arith.index_cast %add3A_272 : i32 to index
          %get3A_586 = arith.constant 16 : index
          %get3A_587 = tpu.vector_load %get3A_584[%get3A_585, %get3A_586] {strides = array<i32>} : memref<40x128xf32, #tpu.memory_space<vmem>>, vector<16xf32>,
          %sub3A_588 = arith.subf %get3A_580, %get3A_587 : vector<16xf32>
          %add3A_589 = arith.addf %sub3A_572, %sub3A_588 : vector<16xf32>
          %mul3A_590 = arith.mulf %sub3A_588, %sub3A_588 : vector<16xf32>
          %add3A_591 = arith.addf %mul3A_573, %mul3A_590 : vector<16xf32>
          %get3A_592 = arith.constant 0 : i32
          %get3A_593 = arith.constant 0 : i32
          %get3A_594 = tpu.memref_slice %arg9[%scan3A_31, %get3A_592, %get3A_593] : memref<2x40x128xf32, #tpu.memory_space<vmem>> -> memref<1x40x128xf32, #tpu.memory_space<vmem>>
          %get3A_595 = tpu.memref_squeeze %get3A_594 : memref<1x40x128xf32, #tpu.memory_space<vmem>> -> memref<40x128xf32, #tpu.memory_space<vmem>>
          %get3A_596 = arith.index_cast %add3A_272 : i32 to index
          %get3A_597 = arith.constant 32 : index
          %get3A_598 = tpu.vector_load %get3A_595[%get3A_596, %get3A_597] {strides = array<i32>} : memref<40x128xf32, #tpu.memory_space<vmem>>, vector<16xf32>,
          %get3A_599 = arith.constant 0 : i32
          %get3A_600 = arith.constant 0 : i32
          %get3A_601 = tpu.memref_slice %arg10[%scan3A_32, %get3A_599, %get3A_600] : memref<2x40x128xf32, #tpu.memory_space<vmem>> -> memref<1x40x128xf32, #tpu.memory_space<vmem>>
          %get3A_602 = tpu.memref_squeeze %get3A_601 : memref<1x40x128xf32, #tpu.memory_space<vmem>> -> memref<40x128xf32, #tpu.memory_space<vmem>>
          %get3A_603 = arith.index_cast %add3A_272 : i32 to index
          %get3A_604 = arith.constant 32 : index
          %get3A_605 = tpu.vector_load %get3A_602[%get3A_603, %get3A_604] {strides = array<i32>} : memref<40x128xf32, #tpu.memory_space<vmem>>, vector<16xf32>,
          %sub3A_606 = arith.subf %get3A_598, %get3A_605 : vector<16xf32>
          %add3A_607 = arith.addf %add3A_589, %sub3A_606 : vector<16xf32>
          %mul3A_608 = arith.mulf %sub3A_606, %sub3A_606 : vector<16xf32>
          %add3A_609 = arith.addf %add3A_591, %mul3A_608 : vector<16xf32>
          %get3A_610 = arith.constant 0 : i32
          %get3A_611 = arith.constant 0 : i32
          %get3A_612 = tpu.memref_slice %arg9[%scan3A_31, %get3A_610, %get3A_611] : memref<2x40x128xf32, #tpu.memory_space<vmem>> -> memref<1x40x128xf32, #tpu.memory_space<vmem>>
          %get3A_613 = tpu.memref_squeeze %get3A_612 : memref<1x40x128xf32, #tpu.memory_space<vmem>> -> memref<40x128xf32, #tpu.memory_space<vmem>>
          %get3A_614 = arith.index_cast %add3A_272 : i32 to index
          %get3A_615 = arith.constant 48 : index
          %get3A_616 = tpu.vector_load %get3A_613[%get3A_614, %get3A_615] {strides = array<i32>} : memref<40x128xf32, #tpu.memory_space<vmem>>, vector<16xf32>,
          %get3A_617 = arith.constant 0 : i32
          %get3A_618 = arith.constant 0 : i32
          %get3A_619 = tpu.memref_slice %arg10[%scan3A_32, %get3A_617, %get3A_618] : memref<2x40x128xf32, #tpu.memory_space<vmem>> -> memref<1x40x128xf32, #tpu.memory_space<vmem>>
          %get3A_620 = tpu.memref_squeeze %get3A_619 : memref<1x40x128xf32, #tpu.memory_space<vmem>> -> memref<40x128xf32, #tpu.memory_space<vmem>>
          %get3A_621 = arith.index_cast %add3A_272 : i32 to index
          %get3A_622 = arith.constant 48 : index
          %get3A_623 = tpu.vector_load %get3A_620[%get3A_621, %get3A_622] {strides = array<i32>} : memref<40x128xf32, #tpu.memory_space<vmem>>, vector<16xf32>,
          %sub3A_624 = arith.subf %get3A_616, %get3A_623 : vector<16xf32>
          %add3A_625 = arith.addf %add3A_607, %sub3A_624 : vector<16xf32>
          %mul3A_626 = arith.mulf %sub3A_624, %sub3A_624 : vector<16xf32>
          %add3A_627 = arith.addf %add3A_609, %mul3A_626 : vector<16xf32>
          %get3A_628 = arith.constant 0 : i32
          %get3A_629 = arith.constant 0 : i32
          %get3A_630 = tpu.memref_slice %arg9[%scan3A_31, %get3A_628, %get3A_629] : memref<2x40x128xf32, #tpu.memory_space<vmem>> -> memref<1x40x128xf32, #tpu.memory_space<vmem>>
          %get3A_631 = tpu.memref_squeeze %get3A_630 : memref<1x40x128xf32, #tpu.memory_space<vmem>> -> memref<40x128xf32, #tpu.memory_space<vmem>>
          %get3A_632 = arith.index_cast %add3A_272 : i32 to index
          %get3A_633 = arith.constant 64 : index
          %get3A_634 = tpu.vector_load %get3A_631[%get3A_632, %get3A_633] {strides = array<i32>} : memref<40x128xf32, #tpu.memory_space<vmem>>, vector<16xf32>,
          %get3A_635 = arith.constant 0 : i32
          %get3A_636 = arith.constant 0 : i32
          %get3A_637 = tpu.memref_slice %arg10[%scan3A_32, %get3A_635, %get3A_636] : memref<2x40x128xf32, #tpu.memory_space<vmem>> -> memref<1x40x128xf32, #tpu.memory_space<vmem>>
          %get3A_638 = tpu.memref_squeeze %get3A_637 : memref<1x40x128xf32, #tpu.memory_space<vmem>> -> memref<40x128xf32, #tpu.memory_space<vmem>>
          %get3A_639 = arith.index_cast %add3A_272 : i32 to index
          %get3A_640 = arith.constant 64 : index
          %get3A_641 = tpu.vector_load %get3A_638[%get3A_639, %get3A_640] {strides = array<i32>} : memref<40x128xf32, #tpu.memory_space<vmem>>, vector<16xf32>,
          %sub3A_642 = arith.subf %get3A_634, %get3A_641 : vector<16xf32>
          %add3A_643 = arith.addf %add3A_625, %sub3A_642 : vector<16xf32>
          %mul3A_644 = arith.mulf %sub3A_642, %sub3A_642 : vector<16xf32>
          %add3A_645 = arith.addf %add3A_627, %mul3A_644 : vector<16xf32>
          %get3A_646 = arith.constant 0 : i32
          %get3A_647 = arith.constant 0 : i32
          %get3A_648 = tpu.memref_slice %arg9[%scan3A_31, %get3A_646, %get3A_647] : memref<2x40x128xf32, #tpu.memory_space<vmem>> -> memref<1x40x128xf32, #tpu.memory_space<vmem>>
          %get3A_649 = tpu.memref_squeeze %get3A_648 : memref<1x40x128xf32, #tpu.memory_space<vmem>> -> memref<40x128xf32, #tpu.memory_space<vmem>>
          %get3A_650 = arith.index_cast %add3A_272 : i32 to index
          %get3A_651 = arith.constant 80 : index
          %get3A_652 = tpu.vector_load %get3A_649[%get3A_650, %get3A_651] {strides = array<i32>} : memref<40x128xf32, #tpu.memory_space<vmem>>, vector<16xf32>,
          %get3A_653 = arith.constant 0 : i32
          %get3A_654 = arith.constant 0 : i32
          %get3A_655 = tpu.memref_slice %arg10[%scan3A_32, %get3A_653, %get3A_654] : memref<2x40x128xf32, #tpu.memory_space<vmem>> -> memref<1x40x128xf32, #tpu.memory_space<vmem>>
          %get3A_656 = tpu.memref_squeeze %get3A_655 : memref<1x40x128xf32, #tpu.memory_space<vmem>> -> memref<40x128xf32, #tpu.memory_space<vmem>>
          %get3A_657 = arith.index_cast %add3A_272 : i32 to index
          %get3A_658 = arith.constant 80 : index
          %get3A_659 = tpu.vector_load %get3A_656[%get3A_657, %get3A_658] {strides = array<i32>} : memref<40x128xf32, #tpu.memory_space<vmem>>, vector<16xf32>,
          %sub3A_660 = arith.subf %get3A_652, %get3A_659 : vector<16xf32>
          %add3A_661 = arith.addf %add3A_643, %sub3A_660 : vector<16xf32>
          %mul3A_662 = arith.mulf %sub3A_660, %sub3A_660 : vector<16xf32>
          %add3A_663 = arith.addf %add3A_645, %mul3A_662 : vector<16xf32>
          %get3A_664 = arith.constant 0 : i32
          %get3A_665 = arith.constant 0 : i32
          %get3A_666 = tpu.memref_slice %arg9[%scan3A_31, %get3A_664, %get3A_665] : memref<2x40x128xf32, #tpu.memory_space<vmem>> -> memref<1x40x128xf32, #tpu.memory_space<vmem>>
          %get3A_667 = tpu.memref_squeeze %get3A_666 : memref<1x40x128xf32, #tpu.memory_space<vmem>> -> memref<40x128xf32, #tpu.memory_space<vmem>>
          %get3A_668 = arith.index_cast %add3A_272 : i32 to index
          %get3A_669 = arith.constant 96 : index
          %get3A_670 = tpu.vector_load %get3A_667[%get3A_668, %get3A_669] {strides = array<i32>} : memref<40x128xf32, #tpu.memory_space<vmem>>, vector<16xf32>,
          %get3A_671 = arith.constant 0 : i32
          %get3A_672 = arith.constant 0 : i32
          %get3A_673 = tpu.memref_slice %arg10[%scan3A_32, %get3A_671, %get3A_672] : memref<2x40x128xf32, #tpu.memory_space<vmem>> -> memref<1x40x128xf32, #tpu.memory_space<vmem>>
          %get3A_674 = tpu.memref_squeeze %get3A_673 : memref<1x40x128xf32, #tpu.memory_space<vmem>> -> memref<40x128xf32, #tpu.memory_space<vmem>>
          %get3A_675 = arith.index_cast %add3A_272 : i32 to index
          %get3A_676 = arith.constant 96 : index
          %get3A_677 = tpu.vector_load %get3A_674[%get3A_675, %get3A_676] {strides = array<i32>} : memref<40x128xf32, #tpu.memory_space<vmem>>, vector<16xf32>,
          %sub3A_678 = arith.subf %get3A_670, %get3A_677 : vector<16xf32>
          %add3A_679 = arith.addf %add3A_661, %sub3A_678 : vector<16xf32>
          %mul3A_680 = arith.mulf %sub3A_678, %sub3A_678 : vector<16xf32>
          %add3A_681 = arith.addf %add3A_663, %mul3A_680 : vector<16xf32>
          %get3A_682 = arith.constant 0 : i32
          %get3A_683 = arith.constant 0 : i32
          %get3A_684 = tpu.memref_slice %arg9[%scan3A_31, %get3A_682, %get3A_683] : memref<2x40x128xf32, #tpu.memory_space<vmem>> -> memref<1x40x128xf32, #tpu.memory_space<vmem>>
          %get3A_685 = tpu.memref_squeeze %get3A_684 : memref<1x40x128xf32, #tpu.memory_space<vmem>> -> memref<40x128xf32, #tpu.memory_space<vmem>>
          %get3A_686 = arith.index_cast %add3A_272 : i32 to index
          %get3A_687 = arith.constant 112 : index
          %get3A_688 = tpu.vector_load %get3A_685[%get3A_686, %get3A_687] {strides = array<i32>} : memref<40x128xf32, #tpu.memory_space<vmem>>, vector<16xf32>,
          %get3A_689 = arith.constant 0 : i32
          %get3A_690 = arith.constant 0 : i32
          %get3A_691 = tpu.memref_slice %arg10[%scan3A_32, %get3A_689, %get3A_690] : memref<2x40x128xf32, #tpu.memory_space<vmem>> -> memref<1x40x128xf32, #tpu.memory_space<vmem>>
          %get3A_692 = tpu.memref_squeeze %get3A_691 : memref<1x40x128xf32, #tpu.memory_space<vmem>> -> memref<40x128xf32, #tpu.memory_space<vmem>>
          %get3A_693 = arith.index_cast %add3A_272 : i32 to index
          %get3A_694 = arith.constant 112 : index
          %get3A_695 = tpu.vector_load %get3A_692[%get3A_693, %get3A_694] {strides = array<i32>} : memref<40x128xf32, #tpu.memory_space<vmem>>, vector<16xf32>,
          %sub3A_696 = arith.subf %get3A_688, %get3A_695 : vector<16xf32>
          %add3A_697 = arith.addf %add3A_679, %sub3A_696 : vector<16xf32>
          %mul3A_698 = arith.mulf %sub3A_696, %sub3A_696 : vector<16xf32>
          %add3A_699 = arith.addf %add3A_681, %mul3A_698 : vector<16xf32>
          %get3A_700 = arith.constant 0 : i32
          %get3A_701 = arith.constant 0 : i32
          %get3A_702 = tpu.memref_slice %arg9[%scan3A_31, %get3A_700, %get3A_701] : memref<2x40x128xf32, #tpu.memory_space<vmem>> -> memref<1x40x128xf32, #tpu.memory_space<vmem>>
          %get3A_703 = tpu.memref_squeeze %get3A_702 : memref<1x40x128xf32, #tpu.memory_space<vmem>> -> memref<40x128xf32, #tpu.memory_space<vmem>>
          %get3A_704 = arith.index_cast %add3A_274 : i32 to index
          %get3A_705 = arith.constant 0 : index
          %get3A_706 = tpu.vector_load %get3A_703[%get3A_704, %get3A_705] {strides = array<i32>} : memref<40x128xf32, #tpu.memory_space<vmem>>, vector<16xf32>,
          %get3A_707 = arith.constant 0 : i32
          %get3A_708 = arith.constant 0 : i32
          %get3A_709 = tpu.memref_slice %arg10[%scan3A_32, %get3A_707, %get3A_708] : memref<2x40x128xf32, #tpu.memory_space<vmem>> -> memref<1x40x128xf32, #tpu.memory_space<vmem>>
          %get3A_710 = tpu.memref_squeeze %get3A_709 : memref<1x40x128xf32, #tpu.memory_space<vmem>> -> memref<40x128xf32, #tpu.memory_space<vmem>>
          %get3A_711 = arith.index_cast %add3A_274 : i32 to index
          %get3A_712 = arith.constant 0 : index
          %get3A_713 = tpu.vector_load %get3A_710[%get3A_711, %get3A_712] {strides = array<i32>} : memref<40x128xf32, #tpu.memory_space<vmem>>, vector<16xf32>,
          %sub3A_714 = arith.subf %get3A_706, %get3A_713 : vector<16xf32>
          %mul3A_715 = arith.mulf %sub3A_714, %sub3A_714 : vector<16xf32>
          %get3A_716 = arith.constant 0 : i32
          %get3A_717 = arith.constant 0 : i32
          %get3A_718 = tpu.memref_slice %arg9[%scan3A_31, %get3A_716, %get3A_717] : memref<2x40x128xf32, #tpu.memory_space<vmem>> -> memref<1x40x128xf32, #tpu.memory_space<vmem>>
          %get3A_719 = tpu.memref_squeeze %get3A_718 : memref<1x40x128xf32, #tpu.memory_space<vmem>> -> memref<40x128xf32, #tpu.memory_space<vmem>>
          %get3A_720 = arith.index_cast %add3A_274 : i32 to index
          %get3A_721 = arith.constant 16 : index
          %get3A_722 = tpu.vector_load %get3A_719[%get3A_720, %get3A_721] {strides = array<i32>} : memref<40x128xf32, #tpu.memory_space<vmem>>, vector<16xf32>,
          %get3A_723 = arith.constant 0 : i32
          %get3A_724 = arith.constant 0 : i32
          %get3A_725 = tpu.memref_slice %arg10[%scan3A_32, %get3A_723, %get3A_724] : memref<2x40x128xf32, #tpu.memory_space<vmem>> -> memref<1x40x128xf32, #tpu.memory_space<vmem>>
          %get3A_726 = tpu.memref_squeeze %get3A_725 : memref<1x40x128xf32, #tpu.memory_space<vmem>> -> memref<40x128xf32, #tpu.memory_space<vmem>>
          %get3A_727 = arith.index_cast %add3A_274 : i32 to index
          %get3A_728 = arith.constant 16 : index
          %get3A_729 = tpu.vector_load %get3A_726[%get3A_727, %get3A_728] {strides = array<i32>} : memref<40x128xf32, #tpu.memory_space<vmem>>, vector<16xf32>,
          %sub3A_730 = arith.subf %get3A_722, %get3A_729 : vector<16xf32>
          %add3A_731 = arith.addf %sub3A_714, %sub3A_730 : vector<16xf32>
          %mul3A_732 = arith.mulf %sub3A_730, %sub3A_730 : vector<16xf32>
          %add3A_733 = arith.addf %mul3A_715, %mul3A_732 : vector<16xf32>
          %get3A_734 = arith.constant 0 : i32
          %get3A_735 = arith.constant 0 : i32
          %get3A_736 = tpu.memref_slice %arg9[%scan3A_31, %get3A_734, %get3A_735] : memref<2x40x128xf32, #tpu.memory_space<vmem>> -> memref<1x40x128xf32, #tpu.memory_space<vmem>>
          %get3A_737 = tpu.memref_squeeze %get3A_736 : memref<1x40x128xf32, #tpu.memory_space<vmem>> -> memref<40x128xf32, #tpu.memory_space<vmem>>
          %get3A_738 = arith.index_cast %add3A_274 : i32 to index
          %get3A_739 = arith.constant 32 : index
          %get3A_740 = tpu.vector_load %get3A_737[%get3A_738, %get3A_739] {strides = array<i32>} : memref<40x128xf32, #tpu.memory_space<vmem>>, vector<16xf32>,
          %get3A_741 = arith.constant 0 : i32
          %get3A_742 = arith.constant 0 : i32
          %get3A_743 = tpu.memref_slice %arg10[%scan3A_32, %get3A_741, %get3A_742] : memref<2x40x128xf32, #tpu.memory_space<vmem>> -> memref<1x40x128xf32, #tpu.memory_space<vmem>>
          %get3A_744 = tpu.memref_squeeze %get3A_743 : memref<1x40x128xf32, #tpu.memory_space<vmem>> -> memref<40x128xf32, #tpu.memory_space<vmem>>
          %get3A_745 = arith.index_cast %add3A_274 : i32 to index
          %get3A_746 = arith.constant 32 : index
          %get3A_747 = tpu.vector_load %get3A_744[%get3A_745, %get3A_746] {strides = array<i32>} : memref<40x128xf32, #tpu.memory_space<vmem>>, vector<16xf32>,
          %sub3A_748 = arith.subf %get3A_740, %get3A_747 : vector<16xf32>
          %add3A_749 = arith.addf %add3A_731, %sub3A_748 : vector<16xf32>
          %mul3A_750 = arith.mulf %sub3A_748, %sub3A_748 : vector<16xf32>
          %add3A_751 = arith.addf %add3A_733, %mul3A_750 : vector<16xf32>
          %get3A_752 = arith.constant 0 : i32
          %get3A_753 = arith.constant 0 : i32
          %get3A_754 = tpu.memref_slice %arg9[%scan3A_31, %get3A_752, %get3A_753] : memref<2x40x128xf32, #tpu.memory_space<vmem>> -> memref<1x40x128xf32, #tpu.memory_space<vmem>>
          %get3A_755 = tpu.memref_squeeze %get3A_754 : memref<1x40x128xf32, #tpu.memory_space<vmem>> -> memref<40x128xf32, #tpu.memory_space<vmem>>
          %get3A_756 = arith.index_cast %add3A_274 : i32 to index
          %get3A_757 = arith.constant 48 : index
          %get3A_758 = tpu.vector_load %get3A_755[%get3A_756, %get3A_757] {strides = array<i32>} : memref<40x128xf32, #tpu.memory_space<vmem>>, vector<16xf32>,
          %get3A_759 = arith.constant 0 : i32
          %get3A_760 = arith.constant 0 : i32
          %get3A_761 = tpu.memref_slice %arg10[%scan3A_32, %get3A_759, %get3A_760] : memref<2x40x128xf32, #tpu.memory_space<vmem>> -> memref<1x40x128xf32, #tpu.memory_space<vmem>>
          %get3A_762 = tpu.memref_squeeze %get3A_761 : memref<1x40x128xf32, #tpu.memory_space<vmem>> -> memref<40x128xf32, #tpu.memory_space<vmem>>
          %get3A_763 = arith.index_cast %add3A_274 : i32 to index
          %get3A_764 = arith.constant 48 : index
          %get3A_765 = tpu.vector_load %get3A_762[%get3A_763, %get3A_764] {strides = array<i32>} : memref<40x128xf32, #tpu.memory_space<vmem>>, vector<16xf32>,
          %sub3A_766 = arith.subf %get3A_758, %get3A_765 : vector<16xf32>
          %add3A_767 = arith.addf %add3A_749, %sub3A_766 : vector<16xf32>
          %mul3A_768 = arith.mulf %sub3A_766, %sub3A_766 : vector<16xf32>
          %add3A_769 = arith.addf %add3A_751, %mul3A_768 : vector<16xf32>
          %get3A_770 = arith.constant 0 : i32
          %get3A_771 = arith.constant 0 : i32
          %get3A_772 = tpu.memref_slice %arg9[%scan3A_31, %get3A_770, %get3A_771] : memref<2x40x128xf32, #tpu.memory_space<vmem>> -> memref<1x40x128xf32, #tpu.memory_space<vmem>>
          %get3A_773 = tpu.memref_squeeze %get3A_772 : memref<1x40x128xf32, #tpu.memory_space<vmem>> -> memref<40x128xf32, #tpu.memory_space<vmem>>
          %get3A_774 = arith.index_cast %add3A_274 : i32 to index
          %get3A_775 = arith.constant 64 : index
          %get3A_776 = tpu.vector_load %get3A_773[%get3A_774, %get3A_775] {strides = array<i32>} : memref<40x128xf32, #tpu.memory_space<vmem>>, vector<16xf32>,
          %get3A_777 = arith.constant 0 : i32
          %get3A_778 = arith.constant 0 : i32
          %get3A_779 = tpu.memref_slice %arg10[%scan3A_32, %get3A_777, %get3A_778] : memref<2x40x128xf32, #tpu.memory_space<vmem>> -> memref<1x40x128xf32, #tpu.memory_space<vmem>>
          %get3A_780 = tpu.memref_squeeze %get3A_779 : memref<1x40x128xf32, #tpu.memory_space<vmem>> -> memref<40x128xf32, #tpu.memory_space<vmem>>
          %get3A_781 = arith.index_cast %add3A_274 : i32 to index
          %get3A_782 = arith.constant 64 : index
          %get3A_783 = tpu.vector_load %get3A_780[%get3A_781, %get3A_782] {strides = array<i32>} : memref<40x128xf32, #tpu.memory_space<vmem>>, vector<16xf32>,
          %sub3A_784 = arith.subf %get3A_776, %get3A_783 : vector<16xf32>
          %add3A_785 = arith.addf %add3A_767, %sub3A_784 : vector<16xf32>
          %mul3A_786 = arith.mulf %sub3A_784, %sub3A_784 : vector<16xf32>
          %add3A_787 = arith.addf %add3A_769, %mul3A_786 : vector<16xf32>
          %get3A_788 = arith.constant 0 : i32
          %get3A_789 = arith.constant 0 : i32
          %get3A_790 = tpu.memref_slice %arg9[%scan3A_31, %get3A_788, %get3A_789] : memref<2x40x128xf32, #tpu.memory_space<vmem>> -> memref<1x40x128xf32, #tpu.memory_space<vmem>>
          %get3A_791 = tpu.memref_squeeze %get3A_790 : memref<1x40x128xf32, #tpu.memory_space<vmem>> -> memref<40x128xf32, #tpu.memory_space<vmem>>
          %get3A_792 = arith.index_cast %add3A_274 : i32 to index
          %get3A_793 = arith.constant 80 : index
          %get3A_794 = tpu.vector_load %get3A_791[%get3A_792, %get3A_793] {strides = array<i32>} : memref<40x128xf32, #tpu.memory_space<vmem>>, vector<16xf32>,
          %get3A_795 = arith.constant 0 : i32
          %get3A_796 = arith.constant 0 : i32
          %get3A_797 = tpu.memref_slice %arg10[%scan3A_32, %get3A_795, %get3A_796] : memref<2x40x128xf32, #tpu.memory_space<vmem>> -> memref<1x40x128xf32, #tpu.memory_space<vmem>>
          %get3A_798 = tpu.memref_squeeze %get3A_797 : memref<1x40x128xf32, #tpu.memory_space<vmem>> -> memref<40x128xf32, #tpu.memory_space<vmem>>
          %get3A_799 = arith.index_cast %add3A_274 : i32 to index
          %get3A_800 = arith.constant 80 : index
          %get3A_801 = tpu.vector_load %get3A_798[%get3A_799, %get3A_800] {strides = array<i32>} : memref<40x128xf32, #tpu.memory_space<vmem>>, vector<16xf32>,
          %sub3A_802 = arith.subf %get3A_794, %get3A_801 : vector<16xf32>
          %add3A_803 = arith.addf %add3A_785, %sub3A_802 : vector<16xf32>
          %mul3A_804 = arith.mulf %sub3A_802, %sub3A_802 : vector<16xf32>
          %add3A_805 = arith.addf %add3A_787, %mul3A_804 : vector<16xf32>
          %get3A_806 = arith.constant 0 : i32
          %get3A_807 = arith.constant 0 : i32
          %get3A_808 = tpu.memref_slice %arg9[%scan3A_31, %get3A_806, %get3A_807] : memref<2x40x128xf32, #tpu.memory_space<vmem>> -> memref<1x40x128xf32, #tpu.memory_space<vmem>>
          %get3A_809 = tpu.memref_squeeze %get3A_808 : memref<1x40x128xf32, #tpu.memory_space<vmem>> -> memref<40x128xf32, #tpu.memory_space<vmem>>
          %get3A_810 = arith.index_cast %add3A_274 : i32 to index
          %get3A_811 = arith.constant 96 : index
          %get3A_812 = tpu.vector_load %get3A_809[%get3A_810, %get3A_811] {strides = array<i32>} : memref<40x128xf32, #tpu.memory_space<vmem>>, vector<16xf32>,
          %get3A_813 = arith.constant 0 : i32
          %get3A_814 = arith.constant 0 : i32
          %get3A_815 = tpu.memref_slice %arg10[%scan3A_32, %get3A_813, %get3A_814] : memref<2x40x128xf32, #tpu.memory_space<vmem>> -> memref<1x40x128xf32, #tpu.memory_space<vmem>>
          %get3A_816 = tpu.memref_squeeze %get3A_815 : memref<1x40x128xf32, #tpu.memory_space<vmem>> -> memref<40x128xf32, #tpu.memory_space<vmem>>
          %get3A_817 = arith.index_cast %add3A_274 : i32 to index
          %get3A_818 = arith.constant 96 : index
          %get3A_819 = tpu.vector_load %get3A_816[%get3A_817, %get3A_818] {strides = array<i32>} : memref<40x128xf32, #tpu.memory_space<vmem>>, vector<16xf32>,
          %sub3A_820 = arith.subf %get3A_812, %get3A_819 : vector<16xf32>
          %add3A_821 = arith.addf %add3A_803, %sub3A_820 : vector<16xf32>
          %mul3A_822 = arith.mulf %sub3A_820, %sub3A_820 : vector<16xf32>
          %add3A_823 = arith.addf %add3A_805, %mul3A_822 : vector<16xf32>
          %get3A_824 = arith.constant 0 : i32
          %get3A_825 = arith.constant 0 : i32
          %get3A_826 = tpu.memref_slice %arg9[%scan3A_31, %get3A_824, %get3A_825] : memref<2x40x128xf32, #tpu.memory_space<vmem>> -> memref<1x40x128xf32, #tpu.memory_space<vmem>>
          %get3A_827 = tpu.memref_squeeze %get3A_826 : memref<1x40x128xf32, #tpu.memory_space<vmem>> -> memref<40x128xf32, #tpu.memory_space<vmem>>
          %get3A_828 = arith.index_cast %add3A_274 : i32 to index
          %get3A_829 = arith.constant 112 : index
          %get3A_830 = tpu.vector_load %get3A_827[%get3A_828, %get3A_829] {strides = array<i32>} : memref<40x128xf32, #tpu.memory_space<vmem>>, vector<16xf32>,
          %get3A_831 = arith.constant 0 : i32
          %get3A_832 = arith.constant 0 : i32
          %get3A_833 = tpu.memref_slice %arg10[%scan3A_32, %get3A_831, %get3A_832] : memref<2x40x128xf32, #tpu.memory_space<vmem>> -> memref<1x40x128xf32, #tpu.memory_space<vmem>>
          %get3A_834 = tpu.memref_squeeze %get3A_833 : memref<1x40x128xf32, #tpu.memory_space<vmem>> -> memref<40x128xf32, #tpu.memory_space<vmem>>
          %get3A_835 = arith.index_cast %add3A_274 : i32 to index
          %get3A_836 = arith.constant 112 : index
          %get3A_837 = tpu.vector_load %get3A_834[%get3A_835, %get3A_836] {strides = array<i32>} : memref<40x128xf32, #tpu.memory_space<vmem>>, vector<16xf32>,
          %sub3A_838 = arith.subf %get3A_830, %get3A_837 : vector<16xf32>
          %add3A_839 = arith.addf %add3A_821, %sub3A_838 : vector<16xf32>
          %mul3A_840 = arith.mulf %sub3A_838, %sub3A_838 : vector<16xf32>
          %add3A_841 = arith.addf %add3A_823, %mul3A_840 : vector<16xf32>
          %xor3A = arith.constant 8 : i32
          %xor3A_842 = vector.broadcast %xor3A : i32 to vector<16xi32>
          %xor3A_843 = arith.xori %iota3A, %xor3A_842 : vector<16xi32>
          %lt3A_844 = arith.constant 0 : i32
          %lt3A_845 = vector.broadcast %lt3A_844 : i32 to vector<16xi32>
          %lt3A_846 = arith.cmpi slt, %xor3A_843, %lt3A_845 : vector<16xi32>
          %add3A_847 = arith.constant 16 : i32
          %add3A_848 = vector.broadcast %add3A_847 : i32 to vector<16xi32>
          %add3A_849 = arith.addi %xor3A_843, %add3A_848 : vector<16xi32>
          %select_n3A = arith.select %lt3A_846, %add3A_849, %xor3A_843 : vector<16xi1>, vector<16xi32>
          %broadcast_in_dim3A_850 = vector.shape_cast %select_n3A : vector<16xi32> to vector<16x1xi32>
          %gather3A = vector.shape_cast %broadcast_in_dim3A_850 : vector<16x1xi32> to vector<16xi32>
          %gather3A_851 = tpu.dynamic_gather %add3A_413[%gather3A] in [0] : vector<16xf32>, vector<16xi32> -> vector<16xf32>
          %add3A_852 = arith.addf %add3A_413, %gather3A_851 : vector<16xf32>
          %xor3A_853 = arith.constant 4 : i32
          %xor3A_854 = vector.broadcast %xor3A_853 : i32 to vector<16xi32>
          %xor3A_855 = arith.xori %iota3A, %xor3A_854 : vector<16xi32>
          %lt3A_856 = arith.constant 0 : i32
          %lt3A_857 = vector.broadcast %lt3A_856 : i32 to vector<16xi32>
          %lt3A_858 = arith.cmpi slt, %xor3A_855, %lt3A_857 : vector<16xi32>
          %add3A_859 = arith.constant 16 : i32
          %add3A_860 = vector.broadcast %add3A_859 : i32 to vector<16xi32>
          %add3A_861 = arith.addi %xor3A_855, %add3A_860 : vector<16xi32>
          %select_n3A_862 = arith.select %lt3A_858, %add3A_861, %xor3A_855 : vector<16xi1>, vector<16xi32>
          %broadcast_in_dim3A_863 = vector.shape_cast %select_n3A_862 : vector<16xi32> to vector<16x1xi32>
          %gather3A_864 = vector.shape_cast %broadcast_in_dim3A_863 : vector<16x1xi32> to vector<16xi32>
          %gather3A_865 = tpu.dynamic_gather %add3A_852[%gather3A_864] in [0] : vector<16xf32>, vector<16xi32> -> vector<16xf32>
          %add3A_866 = arith.addf %add3A_852, %gather3A_865 : vector<16xf32>
          %xor3A_867 = arith.constant 2 : i32
          %xor3A_868 = vector.broadcast %xor3A_867 : i32 to vector<16xi32>
          %xor3A_869 = arith.xori %iota3A, %xor3A_868 : vector<16xi32>
          %lt3A_870 = arith.constant 0 : i32
          %lt3A_871 = vector.broadcast %lt3A_870 : i32 to vector<16xi32>
          %lt3A_872 = arith.cmpi slt, %xor3A_869, %lt3A_871 : vector<16xi32>
          %add3A_873 = arith.constant 16 : i32
          %add3A_874 = vector.broadcast %add3A_873 : i32 to vector<16xi32>
          %add3A_875 = arith.addi %xor3A_869, %add3A_874 : vector<16xi32>
          %select_n3A_876 = arith.select %lt3A_872, %add3A_875, %xor3A_869 : vector<16xi1>, vector<16xi32>
          %broadcast_in_dim3A_877 = vector.shape_cast %select_n3A_876 : vector<16xi32> to vector<16x1xi32>
          %gather3A_878 = vector.shape_cast %broadcast_in_dim3A_877 : vector<16x1xi32> to vector<16xi32>
          %gather3A_879 = tpu.dynamic_gather %add3A_866[%gather3A_878] in [0] : vector<16xf32>, vector<16xi32> -> vector<16xf32>
          %add3A_880 = arith.addf %add3A_866, %gather3A_879 : vector<16xf32>
          %xor3A_881 = arith.constant 1 : i32
          %xor3A_882 = vector.broadcast %xor3A_881 : i32 to vector<16xi32>
          %xor3A_883 = arith.xori %iota3A, %xor3A_882 : vector<16xi32>
          %lt3A_884 = arith.constant 0 : i32
          %lt3A_885 = vector.broadcast %lt3A_884 : i32 to vector<16xi32>
          %lt3A_886 = arith.cmpi slt, %xor3A_883, %lt3A_885 : vector<16xi32>
          %add3A_887 = arith.constant 16 : i32
          %add3A_888 = vector.broadcast %add3A_887 : i32 to vector<16xi32>
          %add3A_889 = arith.addi %xor3A_883, %add3A_888 : vector<16xi32>
          %select_n3A_890 = arith.select %lt3A_886, %add3A_889, %xor3A_883 : vector<16xi1>, vector<16xi32>
          %broadcast_in_dim3A_891 = vector.shape_cast %select_n3A_890 : vector<16xi32> to vector<16x1xi32>
          %gather3A_892 = vector.shape_cast %broadcast_in_dim3A_891 : vector<16x1xi32> to vector<16xi32>
          %gather3A_893 = tpu.dynamic_gather %add3A_880[%gather3A_892] in [0] : vector<16xf32>, vector<16xi32> -> vector<16xf32>
          %add3A_894 = arith.addf %add3A_880, %gather3A_893 : vector<16xf32>
          %mul3A_895 = arith.constant 7.812500e-03 : f32
          %mul3A_896 = vector.broadcast %mul3A_895 : f32 to vector<16xf32>
          %mul3A_897 = arith.mulf %add3A_894, %mul3A_896 : vector<16xf32>
          %xor3A_898 = arith.constant 8 : i32
          %xor3A_899 = vector.broadcast %xor3A_898 : i32 to vector<16xi32>
          %xor3A_900 = arith.xori %iota3A, %xor3A_899 : vector<16xi32>
          %lt3A_901 = arith.constant 0 : i32
          %lt3A_902 = vector.broadcast %lt3A_901 : i32 to vector<16xi32>
          %lt3A_903 = arith.cmpi slt, %xor3A_900, %lt3A_902 : vector<16xi32>
          %add3A_904 = arith.constant 16 : i32
          %add3A_905 = vector.broadcast %add3A_904 : i32 to vector<16xi32>
          %add3A_906 = arith.addi %xor3A_900, %add3A_905 : vector<16xi32>
          %select_n3A_907 = arith.select %lt3A_903, %add3A_906, %xor3A_900 : vector<16xi1>, vector<16xi32>
          %broadcast_in_dim3A_908 = vector.shape_cast %select_n3A_907 : vector<16xi32> to vector<16x1xi32>
          %gather3A_909 = vector.shape_cast %broadcast_in_dim3A_908 : vector<16x1xi32> to vector<16xi32>
          %gather3A_910 = tpu.dynamic_gather %add3A_415[%gather3A_909] in [0] : vector<16xf32>, vector<16xi32> -> vector<16xf32>
          %add3A_911 = arith.addf %add3A_415, %gather3A_910 : vector<16xf32>
          %xor3A_912 = arith.constant 4 : i32
          %xor3A_913 = vector.broadcast %xor3A_912 : i32 to vector<16xi32>
          %xor3A_914 = arith.xori %iota3A, %xor3A_913 : vector<16xi32>
          %lt3A_915 = arith.constant 0 : i32
          %lt3A_916 = vector.broadcast %lt3A_915 : i32 to vector<16xi32>
          %lt3A_917 = arith.cmpi slt, %xor3A_914, %lt3A_916 : vector<16xi32>
          %add3A_918 = arith.constant 16 : i32
          %add3A_919 = vector.broadcast %add3A_918 : i32 to vector<16xi32>
          %add3A_920 = arith.addi %xor3A_914, %add3A_919 : vector<16xi32>
          %select_n3A_921 = arith.select %lt3A_917, %add3A_920, %xor3A_914 : vector<16xi1>, vector<16xi32>
          %broadcast_in_dim3A_922 = vector.shape_cast %select_n3A_921 : vector<16xi32> to vector<16x1xi32>
          %gather3A_923 = vector.shape_cast %broadcast_in_dim3A_922 : vector<16x1xi32> to vector<16xi32>
          %gather3A_924 = tpu.dynamic_gather %add3A_911[%gather3A_923] in [0] : vector<16xf32>, vector<16xi32> -> vector<16xf32>
          %add3A_925 = arith.addf %add3A_911, %gather3A_924 : vector<16xf32>
          %xor3A_926 = arith.constant 2 : i32
          %xor3A_927 = vector.broadcast %xor3A_926 : i32 to vector<16xi32>
          %xor3A_928 = arith.xori %iota3A, %xor3A_927 : vector<16xi32>
          %lt3A_929 = arith.constant 0 : i32
          %lt3A_930 = vector.broadcast %lt3A_929 : i32 to vector<16xi32>
          %lt3A_931 = arith.cmpi slt, %xor3A_928, %lt3A_930 : vector<16xi32>
          %add3A_932 = arith.constant 16 : i32
          %add3A_933 = vector.broadcast %add3A_932 : i32 to vector<16xi32>
          %add3A_934 = arith.addi %xor3A_928, %add3A_933 : vector<16xi32>
          %select_n3A_935 = arith.select %lt3A_931, %add3A_934, %xor3A_928 : vector<16xi1>, vector<16xi32>
          %broadcast_in_dim3A_936 = vector.shape_cast %select_n3A_935 : vector<16xi32> to vector<16x1xi32>
          %gather3A_937 = vector.shape_cast %broadcast_in_dim3A_936 : vector<16x1xi32> to vector<16xi32>
          %gather3A_938 = tpu.dynamic_gather %add3A_925[%gather3A_937] in [0] : vector<16xf32>, vector<16xi32> -> vector<16xf32>
          %add3A_939 = arith.addf %add3A_925, %gather3A_938 : vector<16xf32>
          %xor3A_940 = arith.constant 1 : i32
          %xor3A_941 = vector.broadcast %xor3A_940 : i32 to vector<16xi32>
          %xor3A_942 = arith.xori %iota3A, %xor3A_941 : vector<16xi32>
          %lt3A_943 = arith.constant 0 : i32
          %lt3A_944 = vector.broadcast %lt3A_943 : i32 to vector<16xi32>
          %lt3A_945 = arith.cmpi slt, %xor3A_942, %lt3A_944 : vector<16xi32>
          %add3A_946 = arith.constant 16 : i32
          %add3A_947 = vector.broadcast %add3A_946 : i32 to vector<16xi32>
          %add3A_948 = arith.addi %xor3A_942, %add3A_947 : vector<16xi32>
          %select_n3A_949 = arith.select %lt3A_945, %add3A_948, %xor3A_942 : vector<16xi1>, vector<16xi32>
          %broadcast_in_dim3A_950 = vector.shape_cast %select_n3A_949 : vector<16xi32> to vector<16x1xi32>
          %gather3A_951 = vector.shape_cast %broadcast_in_dim3A_950 : vector<16x1xi32> to vector<16xi32>
          %gather3A_952 = tpu.dynamic_gather %add3A_939[%gather3A_951] in [0] : vector<16xf32>, vector<16xi32> -> vector<16xf32>
          %add3A_953 = arith.addf %add3A_939, %gather3A_952 : vector<16xf32>
          %mul3A_954 = arith.constant 7.812500e-03 : f32
          %mul3A_955 = vector.broadcast %mul3A_954 : f32 to vector<16xf32>
          %mul3A_956 = arith.mulf %add3A_953, %mul3A_955 : vector<16xf32>
          %mul3A_957 = arith.mulf %mul3A_897, %mul3A_897 : vector<16xf32>
          %sub3A_958 = arith.subf %mul3A_956, %mul3A_957 : vector<16xf32>
          %add3A_959 = arith.constant 9.99999974E-6 : f32
          %add3A_960 = vector.broadcast %add3A_959 : f32 to vector<16xf32>
          %add3A_961 = arith.addf %sub3A_958, %add3A_960 : vector<16xf32>
          %bitcast3A = vector.bitcast %add3A_961 : vector<16xf32> to vector<16xi32>
          %shift_right_arithmetic3A_962 = arith.constant 1 : i32
          %shift_right_arithmetic3A_963 = vector.broadcast %shift_right_arithmetic3A_962 : i32 to vector<16xi32>
          %shift_right_arithmetic3A_964 = arith.shrsi %bitcast3A, %shift_right_arithmetic3A_963 : vector<16xi32>
          %sub3A_965 = arith.constant 1597463007 : i32
          %sub3A_966 = vector.broadcast %sub3A_965 : i32 to vector<16xi32>
          %sub3A_967 = arith.subi %sub3A_966, %shift_right_arithmetic3A_964 : vector<16xi32>
          %bitcast3A_968 = vector.bitcast %sub3A_967 : vector<16xi32> to vector<16xf32>
          %mul3A_969 = arith.constant 5.000000e-01 : f32
          %mul3A_970 = vector.broadcast %mul3A_969 : f32 to vector<16xf32>
          %mul3A_971 = arith.mulf %mul3A_970, %add3A_961 : vector<16xf32>
          %mul3A_972 = arith.mulf %mul3A_971, %bitcast3A_968 : vector<16xf32>
          %mul3A_973 = arith.mulf %mul3A_972, %bitcast3A_968 : vector<16xf32>
          %sub3A_974 = arith.constant 1.500000e+00 : f32
          %sub3A_975 = vector.broadcast %sub3A_974 : f32 to vector<16xf32>
          %sub3A_976 = arith.subf %sub3A_975, %mul3A_973 : vector<16xf32>
          %mul3A_977 = arith.mulf %bitcast3A_968, %sub3A_976 : vector<16xf32>
          %mul3A_978 = arith.constant 5.000000e-01 : f32
          %mul3A_979 = vector.broadcast %mul3A_978 : f32 to vector<16xf32>
          %mul3A_980 = arith.mulf %mul3A_979, %add3A_961 : vector<16xf32>
          %mul3A_981 = arith.mulf %mul3A_980, %mul3A_977 : vector<16xf32>
          %mul3A_982 = arith.mulf %mul3A_981, %mul3A_977 : vector<16xf32>
          %sub3A_983 = arith.constant 1.500000e+00 : f32
          %sub3A_984 = vector.broadcast %sub3A_983 : f32 to vector<16xf32>
          %sub3A_985 = arith.subf %sub3A_984, %mul3A_982 : vector<16xf32>
          %mul3A_986 = arith.mulf %mul3A_977, %sub3A_985 : vector<16xf32>
          %sub3A_987 = arith.subf %sub3A, %mul3A_897 : vector<16xf32>
          %mul3A_988 = arith.mulf %sub3A_987, %mul3A_986 : vector<16xf32>
          %swap3A_989 = arith.constant 0 : i32
          %swap3A_990 = arith.constant 0 : i32
          %swap3A_991 = tpu.memref_slice %arg10[%scan3A_32, %swap3A_989, %swap3A_990] : memref<2x40x128xf32, #tpu.memory_space<vmem>> -> memref<1x40x128xf32, #tpu.memory_space<vmem>>
          %swap3A_992 = tpu.memref_squeeze %swap3A_991 : memref<1x40x128xf32, #tpu.memory_space<vmem>> -> memref<40x128xf32, #tpu.memory_space<vmem>>
          %swap3A_993 = arith.index_cast %mul3A_268 : i32 to index
          %swap3A_994 = arith.constant 0 : index
          %swap3A_995 = tpu.vector_load %swap3A_992[%swap3A_993, %swap3A_994] {strides = array<i32>} : memref<40x128xf32, #tpu.memory_space<vmem>>, vector<16xf32>,
          tpu.vector_store %swap3A_992[%swap3A_993, %swap3A_994], %mul3A_988 {strides = array<i32>} : memref<40x128xf32, #tpu.memory_space<vmem>>, vector<16xf32>,
          %sub3A_996 = arith.subf %sub3A_304, %mul3A_897 : vector<16xf32>
          %mul3A_997 = arith.mulf %sub3A_996, %mul3A_986 : vector<16xf32>
          %swap3A_998 = arith.constant 0 : i32
          %swap3A_999 = arith.constant 0 : i32
          %swap3A_1000 = tpu.memref_slice %arg10[%scan3A_32, %swap3A_998, %swap3A_999] : memref<2x40x128xf32, #tpu.memory_space<vmem>> -> memref<1x40x128xf32, #tpu.memory_space<vmem>>
          %swap3A_1001 = tpu.memref_squeeze %swap3A_1000 : memref<1x40x128xf32, #tpu.memory_space<vmem>> -> memref<40x128xf32, #tpu.memory_space<vmem>>
          %swap3A_1002 = arith.index_cast %mul3A_268 : i32 to index
          %swap3A_1003 = arith.constant 16 : index
          %swap3A_1004 = tpu.vector_load %swap3A_1001[%swap3A_1002, %swap3A_1003] {strides = array<i32>} : memref<40x128xf32, #tpu.memory_space<vmem>>, vector<16xf32>,
          tpu.vector_store %swap3A_1001[%swap3A_1002, %swap3A_1003], %mul3A_997 {strides = array<i32>} : memref<40x128xf32, #tpu.memory_space<vmem>>, vector<16xf32>,
          %sub3A_1005 = arith.subf %sub3A_322, %mul3A_897 : vector<16xf32>
          %mul3A_1006 = arith.mulf %sub3A_1005, %mul3A_986 : vector<16xf32>
          %swap3A_1007 = arith.constant 0 : i32
          %swap3A_1008 = arith.constant 0 : i32
          %swap3A_1009 = tpu.memref_slice %arg10[%scan3A_32, %swap3A_1007, %swap3A_1008] : memref<2x40x128xf32, #tpu.memory_space<vmem>> -> memref<1x40x128xf32, #tpu.memory_space<vmem>>
          %swap3A_1010 = tpu.memref_squeeze %swap3A_1009 : memref<1x40x128xf32, #tpu.memory_space<vmem>> -> memref<40x128xf32, #tpu.memory_space<vmem>>
          %swap3A_1011 = arith.index_cast %mul3A_268 : i32 to index
          %swap3A_1012 = arith.constant 32 : index
          %swap3A_1013 = tpu.vector_load %swap3A_1010[%swap3A_1011, %swap3A_1012] {strides = array<i32>} : memref<40x128xf32, #tpu.memory_space<vmem>>, vector<16xf32>,
          tpu.vector_store %swap3A_1010[%swap3A_1011, %swap3A_1012], %mul3A_1006 {strides = array<i32>} : memref<40x128xf32, #tpu.memory_space<vmem>>, vector<16xf32>,
          %sub3A_1014 = arith.subf %sub3A_340, %mul3A_897 : vector<16xf32>
          %mul3A_1015 = arith.mulf %sub3A_1014, %mul3A_986 : vector<16xf32>
          %swap3A_1016 = arith.constant 0 : i32
          %swap3A_1017 = arith.constant 0 : i32
          %swap3A_1018 = tpu.memref_slice %arg10[%scan3A_32, %swap3A_1016, %swap3A_1017] : memref<2x40x128xf32, #tpu.memory_space<vmem>> -> memref<1x40x128xf32, #tpu.memory_space<vmem>>
          %swap3A_1019 = tpu.memref_squeeze %swap3A_1018 : memref<1x40x128xf32, #tpu.memory_space<vmem>> -> memref<40x128xf32, #tpu.memory_space<vmem>>
          %swap3A_1020 = arith.index_cast %mul3A_268 : i32 to index
          %swap3A_1021 = arith.constant 48 : index
          %swap3A_1022 = tpu.vector_load %swap3A_1019[%swap3A_1020, %swap3A_1021] {strides = array<i32>} : memref<40x128xf32, #tpu.memory_space<vmem>>, vector<16xf32>,
          tpu.vector_store %swap3A_1019[%swap3A_1020, %swap3A_1021], %mul3A_1015 {strides = array<i32>} : memref<40x128xf32, #tpu.memory_space<vmem>>, vector<16xf32>,
          %sub3A_1023 = arith.subf %sub3A_358, %mul3A_897 : vector<16xf32>
          %mul3A_1024 = arith.mulf %sub3A_1023, %mul3A_986 : vector<16xf32>
          %swap3A_1025 = arith.constant 0 : i32
          %swap3A_1026 = arith.constant 0 : i32
          %swap3A_1027 = tpu.memref_slice %arg10[%scan3A_32, %swap3A_1025, %swap3A_1026] : memref<2x40x128xf32, #tpu.memory_space<vmem>> -> memref<1x40x128xf32, #tpu.memory_space<vmem>>
          %swap3A_1028 = tpu.memref_squeeze %swap3A_1027 : memref<1x40x128xf32, #tpu.memory_space<vmem>> -> memref<40x128xf32, #tpu.memory_space<vmem>>
          %swap3A_1029 = arith.index_cast %mul3A_268 : i32 to index
          %swap3A_1030 = arith.constant 64 : index
          %swap3A_1031 = tpu.vector_load %swap3A_1028[%swap3A_1029, %swap3A_1030] {strides = array<i32>} : memref<40x128xf32, #tpu.memory_space<vmem>>, vector<16xf32>,
          tpu.vector_store %swap3A_1028[%swap3A_1029, %swap3A_1030], %mul3A_1024 {strides = array<i32>} : memref<40x128xf32, #tpu.memory_space<vmem>>, vector<16xf32>,
          %sub3A_1032 = arith.subf %sub3A_376, %mul3A_897 : vector<16xf32>
          %mul3A_1033 = arith.mulf %sub3A_1032, %mul3A_986 : vector<16xf32>
          %swap3A_1034 = arith.constant 0 : i32
          %swap3A_1035 = arith.constant 0 : i32
          %swap3A_1036 = tpu.memref_slice %arg10[%scan3A_32, %swap3A_1034, %swap3A_1035] : memref<2x40x128xf32, #tpu.memory_space<vmem>> -> memref<1x40x128xf32, #tpu.memory_space<vmem>>
          %swap3A_1037 = tpu.memref_squeeze %swap3A_1036 : memref<1x40x128xf32, #tpu.memory_space<vmem>> -> memref<40x128xf32, #tpu.memory_space<vmem>>
          %swap3A_1038 = arith.index_cast %mul3A_268 : i32 to index
          %swap3A_1039 = arith.constant 80 : index
          %swap3A_1040 = tpu.vector_load %swap3A_1037[%swap3A_1038, %swap3A_1039] {strides = array<i32>} : memref<40x128xf32, #tpu.memory_space<vmem>>, vector<16xf32>,
          tpu.vector_store %swap3A_1037[%swap3A_1038, %swap3A_1039], %mul3A_1033 {strides = array<i32>} : memref<40x128xf32, #tpu.memory_space<vmem>>, vector<16xf32>,
          %sub3A_1041 = arith.subf %sub3A_394, %mul3A_897 : vector<16xf32>
          %mul3A_1042 = arith.mulf %sub3A_1041, %mul3A_986 : vector<16xf32>
          %swap3A_1043 = arith.constant 0 : i32
          %swap3A_1044 = arith.constant 0 : i32
          %swap3A_1045 = tpu.memref_slice %arg10[%scan3A_32, %swap3A_1043, %swap3A_1044] : memref<2x40x128xf32, #tpu.memory_space<vmem>> -> memref<1x40x128xf32, #tpu.memory_space<vmem>>
          %swap3A_1046 = tpu.memref_squeeze %swap3A_1045 : memref<1x40x128xf32, #tpu.memory_space<vmem>> -> memref<40x128xf32, #tpu.memory_space<vmem>>
          %swap3A_1047 = arith.index_cast %mul3A_268 : i32 to index
          %swap3A_1048 = arith.constant 96 : index
          %swap3A_1049 = tpu.vector_load %swap3A_1046[%swap3A_1047, %swap3A_1048] {strides = array<i32>} : memref<40x128xf32, #tpu.memory_space<vmem>>, vector<16xf32>,
          tpu.vector_store %swap3A_1046[%swap3A_1047, %swap3A_1048], %mul3A_1042 {strides = array<i32>} : memref<40x128xf32, #tpu.memory_space<vmem>>, vector<16xf32>,
          %sub3A_1050 = arith.subf %sub3A_412, %mul3A_897 : vector<16xf32>
          %mul3A_1051 = arith.mulf %sub3A_1050, %mul3A_986 : vector<16xf32>
          %swap3A_1052 = arith.constant 0 : i32
          %swap3A_1053 = arith.constant 0 : i32
          %swap3A_1054 = tpu.memref_slice %arg10[%scan3A_32, %swap3A_1052, %swap3A_1053] : memref<2x40x128xf32, #tpu.memory_space<vmem>> -> memref<1x40x128xf32, #tpu.memory_space<vmem>>
          %swap3A_1055 = tpu.memref_squeeze %swap3A_1054 : memref<1x40x128xf32, #tpu.memory_space<vmem>> -> memref<40x128xf32, #tpu.memory_space<vmem>>
          %swap3A_1056 = arith.index_cast %mul3A_268 : i32 to index
          %swap3A_1057 = arith.constant 112 : index
          %swap3A_1058 = tpu.vector_load %swap3A_1055[%swap3A_1056, %swap3A_1057] {strides = array<i32>} : memref<40x128xf32, #tpu.memory_space<vmem>>, vector<16xf32>,
          tpu.vector_store %swap3A_1055[%swap3A_1056, %swap3A_1057], %mul3A_1051 {strides = array<i32>} : memref<40x128xf32, #tpu.memory_space<vmem>>, vector<16xf32>,
          %xor3A_1059 = arith.constant 8 : i32
          %xor3A_1060 = vector.broadcast %xor3A_1059 : i32 to vector<16xi32>
          %xor3A_1061 = arith.xori %iota3A, %xor3A_1060 : vector<16xi32>
          %lt3A_1062 = arith.constant 0 : i32
          %lt3A_1063 = vector.broadcast %lt3A_1062 : i32 to vector<16xi32>
          %lt3A_1064 = arith.cmpi slt, %xor3A_1061, %lt3A_1063 : vector<16xi32>
          %add3A_1065 = arith.constant 16 : i32
          %add3A_1066 = vector.broadcast %add3A_1065 : i32 to vector<16xi32>
          %add3A_1067 = arith.addi %xor3A_1061, %add3A_1066 : vector<16xi32>
          %select_n3A_1068 = arith.select %lt3A_1064, %add3A_1067, %xor3A_1061 : vector<16xi1>, vector<16xi32>
          %broadcast_in_dim3A_1069 = vector.shape_cast %select_n3A_1068 : vector<16xi32> to vector<16x1xi32>
          %gather3A_1070 = vector.shape_cast %broadcast_in_dim3A_1069 : vector<16x1xi32> to vector<16xi32>
          %gather3A_1071 = tpu.dynamic_gather %add3A_555[%gather3A_1070] in [0] : vector<16xf32>, vector<16xi32> -> vector<16xf32>
          %add3A_1072 = arith.addf %add3A_555, %gather3A_1071 : vector<16xf32>
          %xor3A_1073 = arith.constant 4 : i32
          %xor3A_1074 = vector.broadcast %xor3A_1073 : i32 to vector<16xi32>
          %xor3A_1075 = arith.xori %iota3A, %xor3A_1074 : vector<16xi32>
          %lt3A_1076 = arith.constant 0 : i32
          %lt3A_1077 = vector.broadcast %lt3A_1076 : i32 to vector<16xi32>
          %lt3A_1078 = arith.cmpi slt, %xor3A_1075, %lt3A_1077 : vector<16xi32>
          %add3A_1079 = arith.constant 16 : i32
          %add3A_1080 = vector.broadcast %add3A_1079 : i32 to vector<16xi32>
          %add3A_1081 = arith.addi %xor3A_1075, %add3A_1080 : vector<16xi32>
          %select_n3A_1082 = arith.select %lt3A_1078, %add3A_1081, %xor3A_1075 : vector<16xi1>, vector<16xi32>
          %broadcast_in_dim3A_1083 = vector.shape_cast %select_n3A_1082 : vector<16xi32> to vector<16x1xi32>
          %gather3A_1084 = vector.shape_cast %broadcast_in_dim3A_1083 : vector<16x1xi32> to vector<16xi32>
          %gather3A_1085 = tpu.dynamic_gather %add3A_1072[%gather3A_1084] in [0] : vector<16xf32>, vector<16xi32> -> vector<16xf32>
          %add3A_1086 = arith.addf %add3A_1072, %gather3A_1085 : vector<16xf32>
          %xor3A_1087 = arith.constant 2 : i32
          %xor3A_1088 = vector.broadcast %xor3A_1087 : i32 to vector<16xi32>
          %xor3A_1089 = arith.xori %iota3A, %xor3A_1088 : vector<16xi32>
          %lt3A_1090 = arith.constant 0 : i32
          %lt3A_1091 = vector.broadcast %lt3A_1090 : i32 to vector<16xi32>
          %lt3A_1092 = arith.cmpi slt, %xor3A_1089, %lt3A_1091 : vector<16xi32>
          %add3A_1093 = arith.constant 16 : i32
          %add3A_1094 = vector.broadcast %add3A_1093 : i32 to vector<16xi32>
          %add3A_1095 = arith.addi %xor3A_1089, %add3A_1094 : vector<16xi32>
          %select_n3A_1096 = arith.select %lt3A_1092, %add3A_1095, %xor3A_1089 : vector<16xi1>, vector<16xi32>
          %broadcast_in_dim3A_1097 = vector.shape_cast %select_n3A_1096 : vector<16xi32> to vector<16x1xi32>
          %gather3A_1098 = vector.shape_cast %broadcast_in_dim3A_1097 : vector<16x1xi32> to vector<16xi32>
          %gather3A_1099 = tpu.dynamic_gather %add3A_1086[%gather3A_1098] in [0] : vector<16xf32>, vector<16xi32> -> vector<16xf32>
          %add3A_1100 = arith.addf %add3A_1086, %gather3A_1099 : vector<16xf32>
          %xor3A_1101 = arith.constant 1 : i32
          %xor3A_1102 = vector.broadcast %xor3A_1101 : i32 to vector<16xi32>
          %xor3A_1103 = arith.xori %iota3A, %xor3A_1102 : vector<16xi32>
          %lt3A_1104 = arith.constant 0 : i32
          %lt3A_1105 = vector.broadcast %lt3A_1104 : i32 to vector<16xi32>
          %lt3A_1106 = arith.cmpi slt, %xor3A_1103, %lt3A_1105 : vector<16xi32>
          %add3A_1107 = arith.constant 16 : i32
          %add3A_1108 = vector.broadcast %add3A_1107 : i32 to vector<16xi32>
          %add3A_1109 = arith.addi %xor3A_1103, %add3A_1108 : vector<16xi32>
          %select_n3A_1110 = arith.select %lt3A_1106, %add3A_1109, %xor3A_1103 : vector<16xi1>, vector<16xi32>
          %broadcast_in_dim3A_1111 = vector.shape_cast %select_n3A_1110 : vector<16xi32> to vector<16x1xi32>
          %gather3A_1112 = vector.shape_cast %broadcast_in_dim3A_1111 : vector<16x1xi32> to vector<16xi32>
          %gather3A_1113 = tpu.dynamic_gather %add3A_1100[%gather3A_1112] in [0] : vector<16xf32>, vector<16xi32> -> vector<16xf32>
          %add3A_1114 = arith.addf %add3A_1100, %gather3A_1113 : vector<16xf32>
          %mul3A_1115 = arith.constant 7.812500e-03 : f32
          %mul3A_1116 = vector.broadcast %mul3A_1115 : f32 to vector<16xf32>
          %mul3A_1117 = arith.mulf %add3A_1114, %mul3A_1116 : vector<16xf32>
          %xor3A_1118 = arith.constant 8 : i32
          %xor3A_1119 = vector.broadcast %xor3A_1118 : i32 to vector<16xi32>
          %xor3A_1120 = arith.xori %iota3A, %xor3A_1119 : vector<16xi32>
          %lt3A_1121 = arith.constant 0 : i32
          %lt3A_1122 = vector.broadcast %lt3A_1121 : i32 to vector<16xi32>
          %lt3A_1123 = arith.cmpi slt, %xor3A_1120, %lt3A_1122 : vector<16xi32>
          %add3A_1124 = arith.constant 16 : i32
          %add3A_1125 = vector.broadcast %add3A_1124 : i32 to vector<16xi32>
          %add3A_1126 = arith.addi %xor3A_1120, %add3A_1125 : vector<16xi32>
          %select_n3A_1127 = arith.select %lt3A_1123, %add3A_1126, %xor3A_1120 : vector<16xi1>, vector<16xi32>
          %broadcast_in_dim3A_1128 = vector.shape_cast %select_n3A_1127 : vector<16xi32> to vector<16x1xi32>
          %gather3A_1129 = vector.shape_cast %broadcast_in_dim3A_1128 : vector<16x1xi32> to vector<16xi32>
          %gather3A_1130 = tpu.dynamic_gather %add3A_557[%gather3A_1129] in [0] : vector<16xf32>, vector<16xi32> -> vector<16xf32>
          %add3A_1131 = arith.addf %add3A_557, %gather3A_1130 : vector<16xf32>
          %xor3A_1132 = arith.constant 4 : i32
          %xor3A_1133 = vector.broadcast %xor3A_1132 : i32 to vector<16xi32>
          %xor3A_1134 = arith.xori %iota3A, %xor3A_1133 : vector<16xi32>
          %lt3A_1135 = arith.constant 0 : i32
          %lt3A_1136 = vector.broadcast %lt3A_1135 : i32 to vector<16xi32>
          %lt3A_1137 = arith.cmpi slt, %xor3A_1134, %lt3A_1136 : vector<16xi32>
          %add3A_1138 = arith.constant 16 : i32
          %add3A_1139 = vector.broadcast %add3A_1138 : i32 to vector<16xi32>
          %add3A_1140 = arith.addi %xor3A_1134, %add3A_1139 : vector<16xi32>
          %select_n3A_1141 = arith.select %lt3A_1137, %add3A_1140, %xor3A_1134 : vector<16xi1>, vector<16xi32>
          %broadcast_in_dim3A_1142 = vector.shape_cast %select_n3A_1141 : vector<16xi32> to vector<16x1xi32>
          %gather3A_1143 = vector.shape_cast %broadcast_in_dim3A_1142 : vector<16x1xi32> to vector<16xi32>
          %gather3A_1144 = tpu.dynamic_gather %add3A_1131[%gather3A_1143] in [0] : vector<16xf32>, vector<16xi32> -> vector<16xf32>
          %add3A_1145 = arith.addf %add3A_1131, %gather3A_1144 : vector<16xf32>
          %xor3A_1146 = arith.constant 2 : i32
          %xor3A_1147 = vector.broadcast %xor3A_1146 : i32 to vector<16xi32>
          %xor3A_1148 = arith.xori %iota3A, %xor3A_1147 : vector<16xi32>
          %lt3A_1149 = arith.constant 0 : i32
          %lt3A_1150 = vector.broadcast %lt3A_1149 : i32 to vector<16xi32>
          %lt3A_1151 = arith.cmpi slt, %xor3A_1148, %lt3A_1150 : vector<16xi32>
          %add3A_1152 = arith.constant 16 : i32
          %add3A_1153 = vector.broadcast %add3A_1152 : i32 to vector<16xi32>
          %add3A_1154 = arith.addi %xor3A_1148, %add3A_1153 : vector<16xi32>
          %select_n3A_1155 = arith.select %lt3A_1151, %add3A_1154, %xor3A_1148 : vector<16xi1>, vector<16xi32>
          %broadcast_in_dim3A_1156 = vector.shape_cast %select_n3A_1155 : vector<16xi32> to vector<16x1xi32>
          %gather3A_1157 = vector.shape_cast %broadcast_in_dim3A_1156 : vector<16x1xi32> to vector<16xi32>
          %gather3A_1158 = tpu.dynamic_gather %add3A_1145[%gather3A_1157] in [0] : vector<16xf32>, vector<16xi32> -> vector<16xf32>
          %add3A_1159 = arith.addf %add3A_1145, %gather3A_1158 : vector<16xf32>
          %xor3A_1160 = arith.constant 1 : i32
          %xor3A_1161 = vector.broadcast %xor3A_1160 : i32 to vector<16xi32>
          %xor3A_1162 = arith.xori %iota3A, %xor3A_1161 : vector<16xi32>
          %lt3A_1163 = arith.constant 0 : i32
          %lt3A_1164 = vector.broadcast %lt3A_1163 : i32 to vector<16xi32>
          %lt3A_1165 = arith.cmpi slt, %xor3A_1162, %lt3A_1164 : vector<16xi32>
          %add3A_1166 = arith.constant 16 : i32
          %add3A_1167 = vector.broadcast %add3A_1166 : i32 to vector<16xi32>
          %add3A_1168 = arith.addi %xor3A_1162, %add3A_1167 : vector<16xi32>
          %select_n3A_1169 = arith.select %lt3A_1165, %add3A_1168, %xor3A_1162 : vector<16xi1>, vector<16xi32>
          %broadcast_in_dim3A_1170 = vector.shape_cast %select_n3A_1169 : vector<16xi32> to vector<16x1xi32>
          %gather3A_1171 = vector.shape_cast %broadcast_in_dim3A_1170 : vector<16x1xi32> to vector<16xi32>
          %gather3A_1172 = tpu.dynamic_gather %add3A_1159[%gather3A_1171] in [0] : vector<16xf32>, vector<16xi32> -> vector<16xf32>
          %add3A_1173 = arith.addf %add3A_1159, %gather3A_1172 : vector<16xf32>
          %mul3A_1174 = arith.constant 7.812500e-03 : f32
          %mul3A_1175 = vector.broadcast %mul3A_1174 : f32 to vector<16xf32>
          %mul3A_1176 = arith.mulf %add3A_1173, %mul3A_1175 : vector<16xf32>
          %mul3A_1177 = arith.mulf %mul3A_1117, %mul3A_1117 : vector<16xf32>
          %sub3A_1178 = arith.subf %mul3A_1176, %mul3A_1177 : vector<16xf32>
          %add3A_1179 = arith.constant 9.99999974E-6 : f32
          %add3A_1180 = vector.broadcast %add3A_1179 : f32 to vector<16xf32>
          %add3A_1181 = arith.addf %sub3A_1178, %add3A_1180 : vector<16xf32>
          %bitcast3A_1182 = vector.bitcast %add3A_1181 : vector<16xf32> to vector<16xi32>
          %shift_right_arithmetic3A_1183 = arith.constant 1 : i32
          %shift_right_arithmetic3A_1184 = vector.broadcast %shift_right_arithmetic3A_1183 : i32 to vector<16xi32>
          %shift_right_arithmetic3A_1185 = arith.shrsi %bitcast3A_1182, %shift_right_arithmetic3A_1184 : vector<16xi32>
          %sub3A_1186 = arith.constant 1597463007 : i32
          %sub3A_1187 = vector.broadcast %sub3A_1186 : i32 to vector<16xi32>
          %sub3A_1188 = arith.subi %sub3A_1187, %shift_right_arithmetic3A_1185 : vector<16xi32>
          %bitcast3A_1189 = vector.bitcast %sub3A_1188 : vector<16xi32> to vector<16xf32>
          %mul3A_1190 = arith.constant 5.000000e-01 : f32
          %mul3A_1191 = vector.broadcast %mul3A_1190 : f32 to vector<16xf32>
          %mul3A_1192 = arith.mulf %mul3A_1191, %add3A_1181 : vector<16xf32>
          %mul3A_1193 = arith.mulf %mul3A_1192, %bitcast3A_1189 : vector<16xf32>
          %mul3A_1194 = arith.mulf %mul3A_1193, %bitcast3A_1189 : vector<16xf32>
          %sub3A_1195 = arith.constant 1.500000e+00 : f32
          %sub3A_1196 = vector.broadcast %sub3A_1195 : f32 to vector<16xf32>
          %sub3A_1197 = arith.subf %sub3A_1196, %mul3A_1194 : vector<16xf32>
          %mul3A_1198 = arith.mulf %bitcast3A_1189, %sub3A_1197 : vector<16xf32>
          %mul3A_1199 = arith.constant 5.000000e-01 : f32
          %mul3A_1200 = vector.broadcast %mul3A_1199 : f32 to vector<16xf32>
          %mul3A_1201 = arith.mulf %mul3A_1200, %add3A_1181 : vector<16xf32>
          %mul3A_1202 = arith.mulf %mul3A_1201, %mul3A_1198 : vector<16xf32>
          %mul3A_1203 = arith.mulf %mul3A_1202, %mul3A_1198 : vector<16xf32>
          %sub3A_1204 = arith.constant 1.500000e+00 : f32
          %sub3A_1205 = vector.broadcast %sub3A_1204 : f32 to vector<16xf32>
          %sub3A_1206 = arith.subf %sub3A_1205, %mul3A_1203 : vector<16xf32>
          %mul3A_1207 = arith.mulf %mul3A_1198, %sub3A_1206 : vector<16xf32>
          %sub3A_1208 = arith.subf %sub3A_430, %mul3A_1117 : vector<16xf32>
          %mul3A_1209 = arith.mulf %sub3A_1208, %mul3A_1207 : vector<16xf32>
          %swap3A_1210 = arith.constant 0 : i32
          %swap3A_1211 = arith.constant 0 : i32
          %swap3A_1212 = tpu.memref_slice %arg10[%scan3A_32, %swap3A_1210, %swap3A_1211] : memref<2x40x128xf32, #tpu.memory_space<vmem>> -> memref<1x40x128xf32, #tpu.memory_space<vmem>>
          %swap3A_1213 = tpu.memref_squeeze %swap3A_1212 : memref<1x40x128xf32, #tpu.memory_space<vmem>> -> memref<40x128xf32, #tpu.memory_space<vmem>>
          %swap3A_1214 = arith.index_cast %add3A_270 : i32 to index
          %swap3A_1215 = arith.constant 0 : index
          %swap3A_1216 = tpu.vector_load %swap3A_1213[%swap3A_1214, %swap3A_1215] {strides = array<i32>} : memref<40x128xf32, #tpu.memory_space<vmem>>, vector<16xf32>,
          tpu.vector_store %swap3A_1213[%swap3A_1214, %swap3A_1215], %mul3A_1209 {strides = array<i32>} : memref<40x128xf32, #tpu.memory_space<vmem>>, vector<16xf32>,
          %sub3A_1217 = arith.subf %sub3A_446, %mul3A_1117 : vector<16xf32>
          %mul3A_1218 = arith.mulf %sub3A_1217, %mul3A_1207 : vector<16xf32>
          %swap3A_1219 = arith.constant 0 : i32
          %swap3A_1220 = arith.constant 0 : i32
          %swap3A_1221 = tpu.memref_slice %arg10[%scan3A_32, %swap3A_1219, %swap3A_1220] : memref<2x40x128xf32, #tpu.memory_space<vmem>> -> memref<1x40x128xf32, #tpu.memory_space<vmem>>
          %swap3A_1222 = tpu.memref_squeeze %swap3A_1221 : memref<1x40x128xf32, #tpu.memory_space<vmem>> -> memref<40x128xf32, #tpu.memory_space<vmem>>
          %swap3A_1223 = arith.index_cast %add3A_270 : i32 to index
          %swap3A_1224 = arith.constant 16 : index
          %swap3A_1225 = tpu.vector_load %swap3A_1222[%swap3A_1223, %swap3A_1224] {strides = array<i32>} : memref<40x128xf32, #tpu.memory_space<vmem>>, vector<16xf32>,
          tpu.vector_store %swap3A_1222[%swap3A_1223, %swap3A_1224], %mul3A_1218 {strides = array<i32>} : memref<40x128xf32, #tpu.memory_space<vmem>>, vector<16xf32>,
          %sub3A_1226 = arith.subf %sub3A_464, %mul3A_1117 : vector<16xf32>
          %mul3A_1227 = arith.mulf %sub3A_1226, %mul3A_1207 : vector<16xf32>
          %swap3A_1228 = arith.constant 0 : i32
          %swap3A_1229 = arith.constant 0 : i32
          %swap3A_1230 = tpu.memref_slice %arg10[%scan3A_32, %swap3A_1228, %swap3A_1229] : memref<2x40x128xf32, #tpu.memory_space<vmem>> -> memref<1x40x128xf32, #tpu.memory_space<vmem>>
          %swap3A_1231 = tpu.memref_squeeze %swap3A_1230 : memref<1x40x128xf32, #tpu.memory_space<vmem>> -> memref<40x128xf32, #tpu.memory_space<vmem>>
          %swap3A_1232 = arith.index_cast %add3A_270 : i32 to index
          %swap3A_1233 = arith.constant 32 : index
          %swap3A_1234 = tpu.vector_load %swap3A_1231[%swap3A_1232, %swap3A_1233] {strides = array<i32>} : memref<40x128xf32, #tpu.memory_space<vmem>>, vector<16xf32>,
          tpu.vector_store %swap3A_1231[%swap3A_1232, %swap3A_1233], %mul3A_1227 {strides = array<i32>} : memref<40x128xf32, #tpu.memory_space<vmem>>, vector<16xf32>,
          %sub3A_1235 = arith.subf %sub3A_482, %mul3A_1117 : vector<16xf32>
          %mul3A_1236 = arith.mulf %sub3A_1235, %mul3A_1207 : vector<16xf32>
          %swap3A_1237 = arith.constant 0 : i32
          %swap3A_1238 = arith.constant 0 : i32
          %swap3A_1239 = tpu.memref_slice %arg10[%scan3A_32, %swap3A_1237, %swap3A_1238] : memref<2x40x128xf32, #tpu.memory_space<vmem>> -> memref<1x40x128xf32, #tpu.memory_space<vmem>>
          %swap3A_1240 = tpu.memref_squeeze %swap3A_1239 : memref<1x40x128xf32, #tpu.memory_space<vmem>> -> memref<40x128xf32, #tpu.memory_space<vmem>>
          %swap3A_1241 = arith.index_cast %add3A_270 : i32 to index
          %swap3A_1242 = arith.constant 48 : index
          %swap3A_1243 = tpu.vector_load %swap3A_1240[%swap3A_1241, %swap3A_1242] {strides = array<i32>} : memref<40x128xf32, #tpu.memory_space<vmem>>, vector<16xf32>,
          tpu.vector_store %swap3A_1240[%swap3A_1241, %swap3A_1242], %mul3A_1236 {strides = array<i32>} : memref<40x128xf32, #tpu.memory_space<vmem>>, vector<16xf32>,
          %sub3A_1244 = arith.subf %sub3A_500, %mul3A_1117 : vector<16xf32>
          %mul3A_1245 = arith.mulf %sub3A_1244, %mul3A_1207 : vector<16xf32>
          %swap3A_1246 = arith.constant 0 : i32
          %swap3A_1247 = arith.constant 0 : i32
          %swap3A_1248 = tpu.memref_slice %arg10[%scan3A_32, %swap3A_1246, %swap3A_1247] : memref<2x40x128xf32, #tpu.memory_space<vmem>> -> memref<1x40x128xf32, #tpu.memory_space<vmem>>
          %swap3A_1249 = tpu.memref_squeeze %swap3A_1248 : memref<1x40x128xf32, #tpu.memory_space<vmem>> -> memref<40x128xf32, #tpu.memory_space<vmem>>
          %swap3A_1250 = arith.index_cast %add3A_270 : i32 to index
          %swap3A_1251 = arith.constant 64 : index
          %swap3A_1252 = tpu.vector_load %swap3A_1249[%swap3A_1250, %swap3A_1251] {strides = array<i32>} : memref<40x128xf32, #tpu.memory_space<vmem>>, vector<16xf32>,
          tpu.vector_store %swap3A_1249[%swap3A_1250, %swap3A_1251], %mul3A_1245 {strides = array<i32>} : memref<40x128xf32, #tpu.memory_space<vmem>>, vector<16xf32>,
          %sub3A_1253 = arith.subf %sub3A_518, %mul3A_1117 : vector<16xf32>
          %mul3A_1254 = arith.mulf %sub3A_1253, %mul3A_1207 : vector<16xf32>
          %swap3A_1255 = arith.constant 0 : i32
          %swap3A_1256 = arith.constant 0 : i32
          %swap3A_1257 = tpu.memref_slice %arg10[%scan3A_32, %swap3A_1255, %swap3A_1256] : memref<2x40x128xf32, #tpu.memory_space<vmem>> -> memref<1x40x128xf32, #tpu.memory_space<vmem>>
          %swap3A_1258 = tpu.memref_squeeze %swap3A_1257 : memref<1x40x128xf32, #tpu.memory_space<vmem>> -> memref<40x128xf32, #tpu.memory_space<vmem>>
          %swap3A_1259 = arith.index_cast %add3A_270 : i32 to index
          %swap3A_1260 = arith.constant 80 : index
          %swap3A_1261 = tpu.vector_load %swap3A_1258[%swap3A_1259, %swap3A_1260] {strides = array<i32>} : memref<40x128xf32, #tpu.memory_space<vmem>>, vector<16xf32>,
          tpu.vector_store %swap3A_1258[%swap3A_1259, %swap3A_1260], %mul3A_1254 {strides = array<i32>} : memref<40x128xf32, #tpu.memory_space<vmem>>, vector<16xf32>,
          %sub3A_1262 = arith.subf %sub3A_536, %mul3A_1117 : vector<16xf32>
          %mul3A_1263 = arith.mulf %sub3A_1262, %mul3A_1207 : vector<16xf32>
          %swap3A_1264 = arith.constant 0 : i32
          %swap3A_1265 = arith.constant 0 : i32
          %swap3A_1266 = tpu.memref_slice %arg10[%scan3A_32, %swap3A_1264, %swap3A_1265] : memref<2x40x128xf32, #tpu.memory_space<vmem>> -> memref<1x40x128xf32, #tpu.memory_space<vmem>>
          %swap3A_1267 = tpu.memref_squeeze %swap3A_1266 : memref<1x40x128xf32, #tpu.memory_space<vmem>> -> memref<40x128xf32, #tpu.memory_space<vmem>>
          %swap3A_1268 = arith.index_cast %add3A_270 : i32 to index
          %swap3A_1269 = arith.constant 96 : index
          %swap3A_1270 = tpu.vector_load %swap3A_1267[%swap3A_1268, %swap3A_1269] {strides = array<i32>} : memref<40x128xf32, #tpu.memory_space<vmem>>, vector<16xf32>,
          tpu.vector_store %swap3A_1267[%swap3A_1268, %swap3A_1269], %mul3A_1263 {strides = array<i32>} : memref<40x128xf32, #tpu.memory_space<vmem>>, vector<16xf32>,
          %sub3A_1271 = arith.subf %sub3A_554, %mul3A_1117 : vector<16xf32>
          %mul3A_1272 = arith.mulf %sub3A_1271, %mul3A_1207 : vector<16xf32>
          %swap3A_1273 = arith.constant 0 : i32
          %swap3A_1274 = arith.constant 0 : i32
          %swap3A_1275 = tpu.memref_slice %arg10[%scan3A_32, %swap3A_1273, %swap3A_1274] : memref<2x40x128xf32, #tpu.memory_space<vmem>> -> memref<1x40x128xf32, #tpu.memory_space<vmem>>
          %swap3A_1276 = tpu.memref_squeeze %swap3A_1275 : memref<1x40x128xf32, #tpu.memory_space<vmem>> -> memref<40x128xf32, #tpu.memory_space<vmem>>
          %swap3A_1277 = arith.index_cast %add3A_270 : i32 to index
          %swap3A_1278 = arith.constant 112 : index
          %swap3A_1279 = tpu.vector_load %swap3A_1276[%swap3A_1277, %swap3A_1278] {strides = array<i32>} : memref<40x128xf32, #tpu.memory_space<vmem>>, vector<16xf32>,
          tpu.vector_store %swap3A_1276[%swap3A_1277, %swap3A_1278], %mul3A_1272 {strides = array<i32>} : memref<40x128xf32, #tpu.memory_space<vmem>>, vector<16xf32>,
          %xor3A_1280 = arith.constant 8 : i32
          %xor3A_1281 = vector.broadcast %xor3A_1280 : i32 to vector<16xi32>
          %xor3A_1282 = arith.xori %iota3A, %xor3A_1281 : vector<16xi32>
          %lt3A_1283 = arith.constant 0 : i32
          %lt3A_1284 = vector.broadcast %lt3A_1283 : i32 to vector<16xi32>
          %lt3A_1285 = arith.cmpi slt, %xor3A_1282, %lt3A_1284 : vector<16xi32>
          %add3A_1286 = arith.constant 16 : i32
          %add3A_1287 = vector.broadcast %add3A_1286 : i32 to vector<16xi32>
          %add3A_1288 = arith.addi %xor3A_1282, %add3A_1287 : vector<16xi32>
          %select_n3A_1289 = arith.select %lt3A_1285, %add3A_1288, %xor3A_1282 : vector<16xi1>, vector<16xi32>
          %broadcast_in_dim3A_1290 = vector.shape_cast %select_n3A_1289 : vector<16xi32> to vector<16x1xi32>
          %gather3A_1291 = vector.shape_cast %broadcast_in_dim3A_1290 : vector<16x1xi32> to vector<16xi32>
          %gather3A_1292 = tpu.dynamic_gather %add3A_697[%gather3A_1291] in [0] : vector<16xf32>, vector<16xi32> -> vector<16xf32>
          %add3A_1293 = arith.addf %add3A_697, %gather3A_1292 : vector<16xf32>
          %xor3A_1294 = arith.constant 4 : i32
          %xor3A_1295 = vector.broadcast %xor3A_1294 : i32 to vector<16xi32>
          %xor3A_1296 = arith.xori %iota3A, %xor3A_1295 : vector<16xi32>
          %lt3A_1297 = arith.constant 0 : i32
          %lt3A_1298 = vector.broadcast %lt3A_1297 : i32 to vector<16xi32>
          %lt3A_1299 = arith.cmpi slt, %xor3A_1296, %lt3A_1298 : vector<16xi32>
          %add3A_1300 = arith.constant 16 : i32
          %add3A_1301 = vector.broadcast %add3A_1300 : i32 to vector<16xi32>
          %add3A_1302 = arith.addi %xor3A_1296, %add3A_1301 : vector<16xi32>
          %select_n3A_1303 = arith.select %lt3A_1299, %add3A_1302, %xor3A_1296 : vector<16xi1>, vector<16xi32>
          %broadcast_in_dim3A_1304 = vector.shape_cast %select_n3A_1303 : vector<16xi32> to vector<16x1xi32>
          %gather3A_1305 = vector.shape_cast %broadcast_in_dim3A_1304 : vector<16x1xi32> to vector<16xi32>
          %gather3A_1306 = tpu.dynamic_gather %add3A_1293[%gather3A_1305] in [0] : vector<16xf32>, vector<16xi32> -> vector<16xf32>
          %add3A_1307 = arith.addf %add3A_1293, %gather3A_1306 : vector<16xf32>
          %xor3A_1308 = arith.constant 2 : i32
          %xor3A_1309 = vector.broadcast %xor3A_1308 : i32 to vector<16xi32>
          %xor3A_1310 = arith.xori %iota3A, %xor3A_1309 : vector<16xi32>
          %lt3A_1311 = arith.constant 0 : i32
          %lt3A_1312 = vector.broadcast %lt3A_1311 : i32 to vector<16xi32>
          %lt3A_1313 = arith.cmpi slt, %xor3A_1310, %lt3A_1312 : vector<16xi32>
          %add3A_1314 = arith.constant 16 : i32
          %add3A_1315 = vector.broadcast %add3A_1314 : i32 to vector<16xi32>
          %add3A_1316 = arith.addi %xor3A_1310, %add3A_1315 : vector<16xi32>
          %select_n3A_1317 = arith.select %lt3A_1313, %add3A_1316, %xor3A_1310 : vector<16xi1>, vector<16xi32>
          %broadcast_in_dim3A_1318 = vector.shape_cast %select_n3A_1317 : vector<16xi32> to vector<16x1xi32>
          %gather3A_1319 = vector.shape_cast %broadcast_in_dim3A_1318 : vector<16x1xi32> to vector<16xi32>
          %gather3A_1320 = tpu.dynamic_gather %add3A_1307[%gather3A_1319] in [0] : vector<16xf32>, vector<16xi32> -> vector<16xf32>
          %add3A_1321 = arith.addf %add3A_1307, %gather3A_1320 : vector<16xf32>
          %xor3A_1322 = arith.constant 1 : i32
          %xor3A_1323 = vector.broadcast %xor3A_1322 : i32 to vector<16xi32>
          %xor3A_1324 = arith.xori %iota3A, %xor3A_1323 : vector<16xi32>
          %lt3A_1325 = arith.constant 0 : i32
          %lt3A_1326 = vector.broadcast %lt3A_1325 : i32 to vector<16xi32>
          %lt3A_1327 = arith.cmpi slt, %xor3A_1324, %lt3A_1326 : vector<16xi32>
          %add3A_1328 = arith.constant 16 : i32
          %add3A_1329 = vector.broadcast %add3A_1328 : i32 to vector<16xi32>
          %add3A_1330 = arith.addi %xor3A_1324, %add3A_1329 : vector<16xi32>
          %select_n3A_1331 = arith.select %lt3A_1327, %add3A_1330, %xor3A_1324 : vector<16xi1>, vector<16xi32>
          %broadcast_in_dim3A_1332 = vector.shape_cast %select_n3A_1331 : vector<16xi32> to vector<16x1xi32>
          %gather3A_1333 = vector.shape_cast %broadcast_in_dim3A_1332 : vector<16x1xi32> to vector<16xi32>
          %gather3A_1334 = tpu.dynamic_gather %add3A_1321[%gather3A_1333] in [0] : vector<16xf32>, vector<16xi32> -> vector<16xf32>
          %add3A_1335 = arith.addf %add3A_1321, %gather3A_1334 : vector<16xf32>
          %mul3A_1336 = arith.constant 7.812500e-03 : f32
          %mul3A_1337 = vector.broadcast %mul3A_1336 : f32 to vector<16xf32>
          %mul3A_1338 = arith.mulf %add3A_1335, %mul3A_1337 : vector<16xf32>
          %xor3A_1339 = arith.constant 8 : i32
          %xor3A_1340 = vector.broadcast %xor3A_1339 : i32 to vector<16xi32>
          %xor3A_1341 = arith.xori %iota3A, %xor3A_1340 : vector<16xi32>
          %lt3A_1342 = arith.constant 0 : i32
          %lt3A_1343 = vector.broadcast %lt3A_1342 : i32 to vector<16xi32>
          %lt3A_1344 = arith.cmpi slt, %xor3A_1341, %lt3A_1343 : vector<16xi32>
          %add3A_1345 = arith.constant 16 : i32
          %add3A_1346 = vector.broadcast %add3A_1345 : i32 to vector<16xi32>
          %add3A_1347 = arith.addi %xor3A_1341, %add3A_1346 : vector<16xi32>
          %select_n3A_1348 = arith.select %lt3A_1344, %add3A_1347, %xor3A_1341 : vector<16xi1>, vector<16xi32>
          %broadcast_in_dim3A_1349 = vector.shape_cast %select_n3A_1348 : vector<16xi32> to vector<16x1xi32>
          %gather3A_1350 = vector.shape_cast %broadcast_in_dim3A_1349 : vector<16x1xi32> to vector<16xi32>
          %gather3A_1351 = tpu.dynamic_gather %add3A_699[%gather3A_1350] in [0] : vector<16xf32>, vector<16xi32> -> vector<16xf32>
          %add3A_1352 = arith.addf %add3A_699, %gather3A_1351 : vector<16xf32>
          %xor3A_1353 = arith.constant 4 : i32
          %xor3A_1354 = vector.broadcast %xor3A_1353 : i32 to vector<16xi32>
          %xor3A_1355 = arith.xori %iota3A, %xor3A_1354 : vector<16xi32>
          %lt3A_1356 = arith.constant 0 : i32
          %lt3A_1357 = vector.broadcast %lt3A_1356 : i32 to vector<16xi32>
          %lt3A_1358 = arith.cmpi slt, %xor3A_1355, %lt3A_1357 : vector<16xi32>
          %add3A_1359 = arith.constant 16 : i32
          %add3A_1360 = vector.broadcast %add3A_1359 : i32 to vector<16xi32>
          %add3A_1361 = arith.addi %xor3A_1355, %add3A_1360 : vector<16xi32>
          %select_n3A_1362 = arith.select %lt3A_1358, %add3A_1361, %xor3A_1355 : vector<16xi1>, vector<16xi32>
          %broadcast_in_dim3A_1363 = vector.shape_cast %select_n3A_1362 : vector<16xi32> to vector<16x1xi32>
          %gather3A_1364 = vector.shape_cast %broadcast_in_dim3A_1363 : vector<16x1xi32> to vector<16xi32>
          %gather3A_1365 = tpu.dynamic_gather %add3A_1352[%gather3A_1364] in [0] : vector<16xf32>, vector<16xi32> -> vector<16xf32>
          %add3A_1366 = arith.addf %add3A_1352, %gather3A_1365 : vector<16xf32>
          %xor3A_1367 = arith.constant 2 : i32
          %xor3A_1368 = vector.broadcast %xor3A_1367 : i32 to vector<16xi32>
          %xor3A_1369 = arith.xori %iota3A, %xor3A_1368 : vector<16xi32>
          %lt3A_1370 = arith.constant 0 : i32
          %lt3A_1371 = vector.broadcast %lt3A_1370 : i32 to vector<16xi32>
          %lt3A_1372 = arith.cmpi slt, %xor3A_1369, %lt3A_1371 : vector<16xi32>
          %add3A_1373 = arith.constant 16 : i32
          %add3A_1374 = vector.broadcast %add3A_1373 : i32 to vector<16xi32>
          %add3A_1375 = arith.addi %xor3A_1369, %add3A_1374 : vector<16xi32>
          %select_n3A_1376 = arith.select %lt3A_1372, %add3A_1375, %xor3A_1369 : vector<16xi1>, vector<16xi32>
          %broadcast_in_dim3A_1377 = vector.shape_cast %select_n3A_1376 : vector<16xi32> to vector<16x1xi32>
          %gather3A_1378 = vector.shape_cast %broadcast_in_dim3A_1377 : vector<16x1xi32> to vector<16xi32>
          %gather3A_1379 = tpu.dynamic_gather %add3A_1366[%gather3A_1378] in [0] : vector<16xf32>, vector<16xi32> -> vector<16xf32>
          %add3A_1380 = arith.addf %add3A_1366, %gather3A_1379 : vector<16xf32>
          %xor3A_1381 = arith.constant 1 : i32
          %xor3A_1382 = vector.broadcast %xor3A_1381 : i32 to vector<16xi32>
          %xor3A_1383 = arith.xori %iota3A, %xor3A_1382 : vector<16xi32>
          %lt3A_1384 = arith.constant 0 : i32
          %lt3A_1385 = vector.broadcast %lt3A_1384 : i32 to vector<16xi32>
          %lt3A_1386 = arith.cmpi slt, %xor3A_1383, %lt3A_1385 : vector<16xi32>
          %add3A_1387 = arith.constant 16 : i32
          %add3A_1388 = vector.broadcast %add3A_1387 : i32 to vector<16xi32>
          %add3A_1389 = arith.addi %xor3A_1383, %add3A_1388 : vector<16xi32>
          %select_n3A_1390 = arith.select %lt3A_1386, %add3A_1389, %xor3A_1383 : vector<16xi1>, vector<16xi32>
          %broadcast_in_dim3A_1391 = vector.shape_cast %select_n3A_1390 : vector<16xi32> to vector<16x1xi32>
          %gather3A_1392 = vector.shape_cast %broadcast_in_dim3A_1391 : vector<16x1xi32> to vector<16xi32>
          %gather3A_1393 = tpu.dynamic_gather %add3A_1380[%gather3A_1392] in [0] : vector<16xf32>, vector<16xi32> -> vector<16xf32>
          %add3A_1394 = arith.addf %add3A_1380, %gather3A_1393 : vector<16xf32>
          %mul3A_1395 = arith.constant 7.812500e-03 : f32
          %mul3A_1396 = vector.broadcast %mul3A_1395 : f32 to vector<16xf32>
          %mul3A_1397 = arith.mulf %add3A_1394, %mul3A_1396 : vector<16xf32>
          %mul3A_1398 = arith.mulf %mul3A_1338, %mul3A_1338 : vector<16xf32>
          %sub3A_1399 = arith.subf %mul3A_1397, %mul3A_1398 : vector<16xf32>
          %add3A_1400 = arith.constant 9.99999974E-6 : f32
          %add3A_1401 = vector.broadcast %add3A_1400 : f32 to vector<16xf32>
          %add3A_1402 = arith.addf %sub3A_1399, %add3A_1401 : vector<16xf32>
          %bitcast3A_1403 = vector.bitcast %add3A_1402 : vector<16xf32> to vector<16xi32>
          %shift_right_arithmetic3A_1404 = arith.constant 1 : i32
          %shift_right_arithmetic3A_1405 = vector.broadcast %shift_right_arithmetic3A_1404 : i32 to vector<16xi32>
          %shift_right_arithmetic3A_1406 = arith.shrsi %bitcast3A_1403, %shift_right_arithmetic3A_1405 : vector<16xi32>
          %sub3A_1407 = arith.constant 1597463007 : i32
          %sub3A_1408 = vector.broadcast %sub3A_1407 : i32 to vector<16xi32>
          %sub3A_1409 = arith.subi %sub3A_1408, %shift_right_arithmetic3A_1406 : vector<16xi32>
          %bitcast3A_1410 = vector.bitcast %sub3A_1409 : vector<16xi32> to vector<16xf32>
          %mul3A_1411 = arith.constant 5.000000e-01 : f32
          %mul3A_1412 = vector.broadcast %mul3A_1411 : f32 to vector<16xf32>
          %mul3A_1413 = arith.mulf %mul3A_1412, %add3A_1402 : vector<16xf32>
          %mul3A_1414 = arith.mulf %mul3A_1413, %bitcast3A_1410 : vector<16xf32>
          %mul3A_1415 = arith.mulf %mul3A_1414, %bitcast3A_1410 : vector<16xf32>
          %sub3A_1416 = arith.constant 1.500000e+00 : f32
          %sub3A_1417 = vector.broadcast %sub3A_1416 : f32 to vector<16xf32>
          %sub3A_1418 = arith.subf %sub3A_1417, %mul3A_1415 : vector<16xf32>
          %mul3A_1419 = arith.mulf %bitcast3A_1410, %sub3A_1418 : vector<16xf32>
          %mul3A_1420 = arith.constant 5.000000e-01 : f32
          %mul3A_1421 = vector.broadcast %mul3A_1420 : f32 to vector<16xf32>
          %mul3A_1422 = arith.mulf %mul3A_1421, %add3A_1402 : vector<16xf32>
          %mul3A_1423 = arith.mulf %mul3A_1422, %mul3A_1419 : vector<16xf32>
          %mul3A_1424 = arith.mulf %mul3A_1423, %mul3A_1419 : vector<16xf32>
          %sub3A_1425 = arith.constant 1.500000e+00 : f32
          %sub3A_1426 = vector.broadcast %sub3A_1425 : f32 to vector<16xf32>
          %sub3A_1427 = arith.subf %sub3A_1426, %mul3A_1424 : vector<16xf32>
          %mul3A_1428 = arith.mulf %mul3A_1419, %sub3A_1427 : vector<16xf32>
          %sub3A_1429 = arith.subf %sub3A_572, %mul3A_1338 : vector<16xf32>
          %mul3A_1430 = arith.mulf %sub3A_1429, %mul3A_1428 : vector<16xf32>
          %swap3A_1431 = arith.constant 0 : i32
          %swap3A_1432 = arith.constant 0 : i32
          %swap3A_1433 = tpu.memref_slice %arg10[%scan3A_32, %swap3A_1431, %swap3A_1432] : memref<2x40x128xf32, #tpu.memory_space<vmem>> -> memref<1x40x128xf32, #tpu.memory_space<vmem>>
          %swap3A_1434 = tpu.memref_squeeze %swap3A_1433 : memref<1x40x128xf32, #tpu.memory_space<vmem>> -> memref<40x128xf32, #tpu.memory_space<vmem>>
          %swap3A_1435 = arith.index_cast %add3A_272 : i32 to index
          %swap3A_1436 = arith.constant 0 : index
          %swap3A_1437 = tpu.vector_load %swap3A_1434[%swap3A_1435, %swap3A_1436] {strides = array<i32>} : memref<40x128xf32, #tpu.memory_space<vmem>>, vector<16xf32>,
          tpu.vector_store %swap3A_1434[%swap3A_1435, %swap3A_1436], %mul3A_1430 {strides = array<i32>} : memref<40x128xf32, #tpu.memory_space<vmem>>, vector<16xf32>,
          %sub3A_1438 = arith.subf %sub3A_588, %mul3A_1338 : vector<16xf32>
          %mul3A_1439 = arith.mulf %sub3A_1438, %mul3A_1428 : vector<16xf32>
          %swap3A_1440 = arith.constant 0 : i32
          %swap3A_1441 = arith.constant 0 : i32
          %swap3A_1442 = tpu.memref_slice %arg10[%scan3A_32, %swap3A_1440, %swap3A_1441] : memref<2x40x128xf32, #tpu.memory_space<vmem>> -> memref<1x40x128xf32, #tpu.memory_space<vmem>>
          %swap3A_1443 = tpu.memref_squeeze %swap3A_1442 : memref<1x40x128xf32, #tpu.memory_space<vmem>> -> memref<40x128xf32, #tpu.memory_space<vmem>>
          %swap3A_1444 = arith.index_cast %add3A_272 : i32 to index
          %swap3A_1445 = arith.constant 16 : index
          %swap3A_1446 = tpu.vector_load %swap3A_1443[%swap3A_1444, %swap3A_1445] {strides = array<i32>} : memref<40x128xf32, #tpu.memory_space<vmem>>, vector<16xf32>,
          tpu.vector_store %swap3A_1443[%swap3A_1444, %swap3A_1445], %mul3A_1439 {strides = array<i32>} : memref<40x128xf32, #tpu.memory_space<vmem>>, vector<16xf32>,
          %sub3A_1447 = arith.subf %sub3A_606, %mul3A_1338 : vector<16xf32>
          %mul3A_1448 = arith.mulf %sub3A_1447, %mul3A_1428 : vector<16xf32>
          %swap3A_1449 = arith.constant 0 : i32
          %swap3A_1450 = arith.constant 0 : i32
          %swap3A_1451 = tpu.memref_slice %arg10[%scan3A_32, %swap3A_1449, %swap3A_1450] : memref<2x40x128xf32, #tpu.memory_space<vmem>> -> memref<1x40x128xf32, #tpu.memory_space<vmem>>
          %swap3A_1452 = tpu.memref_squeeze %swap3A_1451 : memref<1x40x128xf32, #tpu.memory_space<vmem>> -> memref<40x128xf32, #tpu.memory_space<vmem>>
          %swap3A_1453 = arith.index_cast %add3A_272 : i32 to index
          %swap3A_1454 = arith.constant 32 : index
          %swap3A_1455 = tpu.vector_load %swap3A_1452[%swap3A_1453, %swap3A_1454] {strides = array<i32>} : memref<40x128xf32, #tpu.memory_space<vmem>>, vector<16xf32>,
          tpu.vector_store %swap3A_1452[%swap3A_1453, %swap3A_1454], %mul3A_1448 {strides = array<i32>} : memref<40x128xf32, #tpu.memory_space<vmem>>, vector<16xf32>,
          %sub3A_1456 = arith.subf %sub3A_624, %mul3A_1338 : vector<16xf32>
          %mul3A_1457 = arith.mulf %sub3A_1456, %mul3A_1428 : vector<16xf32>
          %swap3A_1458 = arith.constant 0 : i32
          %swap3A_1459 = arith.constant 0 : i32
          %swap3A_1460 = tpu.memref_slice %arg10[%scan3A_32, %swap3A_1458, %swap3A_1459] : memref<2x40x128xf32, #tpu.memory_space<vmem>> -> memref<1x40x128xf32, #tpu.memory_space<vmem>>
          %swap3A_1461 = tpu.memref_squeeze %swap3A_1460 : memref<1x40x128xf32, #tpu.memory_space<vmem>> -> memref<40x128xf32, #tpu.memory_space<vmem>>
          %swap3A_1462 = arith.index_cast %add3A_272 : i32 to index
          %swap3A_1463 = arith.constant 48 : index
          %swap3A_1464 = tpu.vector_load %swap3A_1461[%swap3A_1462, %swap3A_1463] {strides = array<i32>} : memref<40x128xf32, #tpu.memory_space<vmem>>, vector<16xf32>,
          tpu.vector_store %swap3A_1461[%swap3A_1462, %swap3A_1463], %mul3A_1457 {strides = array<i32>} : memref<40x128xf32, #tpu.memory_space<vmem>>, vector<16xf32>,
          %sub3A_1465 = arith.subf %sub3A_642, %mul3A_1338 : vector<16xf32>
          %mul3A_1466 = arith.mulf %sub3A_1465, %mul3A_1428 : vector<16xf32>
          %swap3A_1467 = arith.constant 0 : i32
          %swap3A_1468 = arith.constant 0 : i32
          %swap3A_1469 = tpu.memref_slice %arg10[%scan3A_32, %swap3A_1467, %swap3A_1468] : memref<2x40x128xf32, #tpu.memory_space<vmem>> -> memref<1x40x128xf32, #tpu.memory_space<vmem>>
          %swap3A_1470 = tpu.memref_squeeze %swap3A_1469 : memref<1x40x128xf32, #tpu.memory_space<vmem>> -> memref<40x128xf32, #tpu.memory_space<vmem>>
          %swap3A_1471 = arith.index_cast %add3A_272 : i32 to index
          %swap3A_1472 = arith.constant 64 : index
          %swap3A_1473 = tpu.vector_load %swap3A_1470[%swap3A_1471, %swap3A_1472] {strides = array<i32>} : memref<40x128xf32, #tpu.memory_space<vmem>>, vector<16xf32>,
          tpu.vector_store %swap3A_1470[%swap3A_1471, %swap3A_1472], %mul3A_1466 {strides = array<i32>} : memref<40x128xf32, #tpu.memory_space<vmem>>, vector<16xf32>,
          %sub3A_1474 = arith.subf %sub3A_660, %mul3A_1338 : vector<16xf32>
          %mul3A_1475 = arith.mulf %sub3A_1474, %mul3A_1428 : vector<16xf32>
          %swap3A_1476 = arith.constant 0 : i32
          %swap3A_1477 = arith.constant 0 : i32
          %swap3A_1478 = tpu.memref_slice %arg10[%scan3A_32, %swap3A_1476, %swap3A_1477] : memref<2x40x128xf32, #tpu.memory_space<vmem>> -> memref<1x40x128xf32, #tpu.memory_space<vmem>>
          %swap3A_1479 = tpu.memref_squeeze %swap3A_1478 : memref<1x40x128xf32, #tpu.memory_space<vmem>> -> memref<40x128xf32, #tpu.memory_space<vmem>>
          %swap3A_1480 = arith.index_cast %add3A_272 : i32 to index
          %swap3A_1481 = arith.constant 80 : index
          %swap3A_1482 = tpu.vector_load %swap3A_1479[%swap3A_1480, %swap3A_1481] {strides = array<i32>} : memref<40x128xf32, #tpu.memory_space<vmem>>, vector<16xf32>,
          tpu.vector_store %swap3A_1479[%swap3A_1480, %swap3A_1481], %mul3A_1475 {strides = array<i32>} : memref<40x128xf32, #tpu.memory_space<vmem>>, vector<16xf32>,
          %sub3A_1483 = arith.subf %sub3A_678, %mul3A_1338 : vector<16xf32>
          %mul3A_1484 = arith.mulf %sub3A_1483, %mul3A_1428 : vector<16xf32>
          %swap3A_1485 = arith.constant 0 : i32
          %swap3A_1486 = arith.constant 0 : i32
          %swap3A_1487 = tpu.memref_slice %arg10[%scan3A_32, %swap3A_1485, %swap3A_1486] : memref<2x40x128xf32, #tpu.memory_space<vmem>> -> memref<1x40x128xf32, #tpu.memory_space<vmem>>
          %swap3A_1488 = tpu.memref_squeeze %swap3A_1487 : memref<1x40x128xf32, #tpu.memory_space<vmem>> -> memref<40x128xf32, #tpu.memory_space<vmem>>
          %swap3A_1489 = arith.index_cast %add3A_272 : i32 to index
          %swap3A_1490 = arith.constant 96 : index
          %swap3A_1491 = tpu.vector_load %swap3A_1488[%swap3A_1489, %swap3A_1490] {strides = array<i32>} : memref<40x128xf32, #tpu.memory_space<vmem>>, vector<16xf32>,
          tpu.vector_store %swap3A_1488[%swap3A_1489, %swap3A_1490], %mul3A_1484 {strides = array<i32>} : memref<40x128xf32, #tpu.memory_space<vmem>>, vector<16xf32>,
          %sub3A_1492 = arith.subf %sub3A_696, %mul3A_1338 : vector<16xf32>
          %mul3A_1493 = arith.mulf %sub3A_1492, %mul3A_1428 : vector<16xf32>
          %swap3A_1494 = arith.constant 0 : i32
          %swap3A_1495 = arith.constant 0 : i32
          %swap3A_1496 = tpu.memref_slice %arg10[%scan3A_32, %swap3A_1494, %swap3A_1495] : memref<2x40x128xf32, #tpu.memory_space<vmem>> -> memref<1x40x128xf32, #tpu.memory_space<vmem>>
          %swap3A_1497 = tpu.memref_squeeze %swap3A_1496 : memref<1x40x128xf32, #tpu.memory_space<vmem>> -> memref<40x128xf32, #tpu.memory_space<vmem>>
          %swap3A_1498 = arith.index_cast %add3A_272 : i32 to index
          %swap3A_1499 = arith.constant 112 : index
          %swap3A_1500 = tpu.vector_load %swap3A_1497[%swap3A_1498, %swap3A_1499] {strides = array<i32>} : memref<40x128xf32, #tpu.memory_space<vmem>>, vector<16xf32>,
          tpu.vector_store %swap3A_1497[%swap3A_1498, %swap3A_1499], %mul3A_1493 {strides = array<i32>} : memref<40x128xf32, #tpu.memory_space<vmem>>, vector<16xf32>,
          %xor3A_1501 = arith.constant 8 : i32
          %xor3A_1502 = vector.broadcast %xor3A_1501 : i32 to vector<16xi32>
          %xor3A_1503 = arith.xori %iota3A, %xor3A_1502 : vector<16xi32>
          %lt3A_1504 = arith.constant 0 : i32
          %lt3A_1505 = vector.broadcast %lt3A_1504 : i32 to vector<16xi32>
          %lt3A_1506 = arith.cmpi slt, %xor3A_1503, %lt3A_1505 : vector<16xi32>
          %add3A_1507 = arith.constant 16 : i32
          %add3A_1508 = vector.broadcast %add3A_1507 : i32 to vector<16xi32>
          %add3A_1509 = arith.addi %xor3A_1503, %add3A_1508 : vector<16xi32>
          %select_n3A_1510 = arith.select %lt3A_1506, %add3A_1509, %xor3A_1503 : vector<16xi1>, vector<16xi32>
          %broadcast_in_dim3A_1511 = vector.shape_cast %select_n3A_1510 : vector<16xi32> to vector<16x1xi32>
          %gather3A_1512 = vector.shape_cast %broadcast_in_dim3A_1511 : vector<16x1xi32> to vector<16xi32>
          %gather3A_1513 = tpu.dynamic_gather %add3A_839[%gather3A_1512] in [0] : vector<16xf32>, vector<16xi32> -> vector<16xf32>
          %add3A_1514 = arith.addf %add3A_839, %gather3A_1513 : vector<16xf32>
          %xor3A_1515 = arith.constant 4 : i32
          %xor3A_1516 = vector.broadcast %xor3A_1515 : i32 to vector<16xi32>
          %xor3A_1517 = arith.xori %iota3A, %xor3A_1516 : vector<16xi32>
          %lt3A_1518 = arith.constant 0 : i32
          %lt3A_1519 = vector.broadcast %lt3A_1518 : i32 to vector<16xi32>
          %lt3A_1520 = arith.cmpi slt, %xor3A_1517, %lt3A_1519 : vector<16xi32>
          %add3A_1521 = arith.constant 16 : i32
          %add3A_1522 = vector.broadcast %add3A_1521 : i32 to vector<16xi32>
          %add3A_1523 = arith.addi %xor3A_1517, %add3A_1522 : vector<16xi32>
          %select_n3A_1524 = arith.select %lt3A_1520, %add3A_1523, %xor3A_1517 : vector<16xi1>, vector<16xi32>
          %broadcast_in_dim3A_1525 = vector.shape_cast %select_n3A_1524 : vector<16xi32> to vector<16x1xi32>
          %gather3A_1526 = vector.shape_cast %broadcast_in_dim3A_1525 : vector<16x1xi32> to vector<16xi32>
          %gather3A_1527 = tpu.dynamic_gather %add3A_1514[%gather3A_1526] in [0] : vector<16xf32>, vector<16xi32> -> vector<16xf32>
          %add3A_1528 = arith.addf %add3A_1514, %gather3A_1527 : vector<16xf32>
          %xor3A_1529 = arith.constant 2 : i32
          %xor3A_1530 = vector.broadcast %xor3A_1529 : i32 to vector<16xi32>
          %xor3A_1531 = arith.xori %iota3A, %xor3A_1530 : vector<16xi32>
          %lt3A_1532 = arith.constant 0 : i32
          %lt3A_1533 = vector.broadcast %lt3A_1532 : i32 to vector<16xi32>
          %lt3A_1534 = arith.cmpi slt, %xor3A_1531, %lt3A_1533 : vector<16xi32>
          %add3A_1535 = arith.constant 16 : i32
          %add3A_1536 = vector.broadcast %add3A_1535 : i32 to vector<16xi32>
          %add3A_1537 = arith.addi %xor3A_1531, %add3A_1536 : vector<16xi32>
          %select_n3A_1538 = arith.select %lt3A_1534, %add3A_1537, %xor3A_1531 : vector<16xi1>, vector<16xi32>
          %broadcast_in_dim3A_1539 = vector.shape_cast %select_n3A_1538 : vector<16xi32> to vector<16x1xi32>
          %gather3A_1540 = vector.shape_cast %broadcast_in_dim3A_1539 : vector<16x1xi32> to vector<16xi32>
          %gather3A_1541 = tpu.dynamic_gather %add3A_1528[%gather3A_1540] in [0] : vector<16xf32>, vector<16xi32> -> vector<16xf32>
          %add3A_1542 = arith.addf %add3A_1528, %gather3A_1541 : vector<16xf32>
          %xor3A_1543 = arith.constant 1 : i32
          %xor3A_1544 = vector.broadcast %xor3A_1543 : i32 to vector<16xi32>
          %xor3A_1545 = arith.xori %iota3A, %xor3A_1544 : vector<16xi32>
          %lt3A_1546 = arith.constant 0 : i32
          %lt3A_1547 = vector.broadcast %lt3A_1546 : i32 to vector<16xi32>
          %lt3A_1548 = arith.cmpi slt, %xor3A_1545, %lt3A_1547 : vector<16xi32>
          %add3A_1549 = arith.constant 16 : i32
          %add3A_1550 = vector.broadcast %add3A_1549 : i32 to vector<16xi32>
          %add3A_1551 = arith.addi %xor3A_1545, %add3A_1550 : vector<16xi32>
          %select_n3A_1552 = arith.select %lt3A_1548, %add3A_1551, %xor3A_1545 : vector<16xi1>, vector<16xi32>
          %broadcast_in_dim3A_1553 = vector.shape_cast %select_n3A_1552 : vector<16xi32> to vector<16x1xi32>
          %gather3A_1554 = vector.shape_cast %broadcast_in_dim3A_1553 : vector<16x1xi32> to vector<16xi32>
          %gather3A_1555 = tpu.dynamic_gather %add3A_1542[%gather3A_1554] in [0] : vector<16xf32>, vector<16xi32> -> vector<16xf32>
          %add3A_1556 = arith.addf %add3A_1542, %gather3A_1555 : vector<16xf32>
          %mul3A_1557 = arith.constant 7.812500e-03 : f32
          %mul3A_1558 = vector.broadcast %mul3A_1557 : f32 to vector<16xf32>
          %mul3A_1559 = arith.mulf %add3A_1556, %mul3A_1558 : vector<16xf32>
          %xor3A_1560 = arith.constant 8 : i32
          %xor3A_1561 = vector.broadcast %xor3A_1560 : i32 to vector<16xi32>
          %xor3A_1562 = arith.xori %iota3A, %xor3A_1561 : vector<16xi32>
          %lt3A_1563 = arith.constant 0 : i32
          %lt3A_1564 = vector.broadcast %lt3A_1563 : i32 to vector<16xi32>
          %lt3A_1565 = arith.cmpi slt, %xor3A_1562, %lt3A_1564 : vector<16xi32>
          %add3A_1566 = arith.constant 16 : i32
          %add3A_1567 = vector.broadcast %add3A_1566 : i32 to vector<16xi32>
          %add3A_1568 = arith.addi %xor3A_1562, %add3A_1567 : vector<16xi32>
          %select_n3A_1569 = arith.select %lt3A_1565, %add3A_1568, %xor3A_1562 : vector<16xi1>, vector<16xi32>
          %broadcast_in_dim3A_1570 = vector.shape_cast %select_n3A_1569 : vector<16xi32> to vector<16x1xi32>
          %gather3A_1571 = vector.shape_cast %broadcast_in_dim3A_1570 : vector<16x1xi32> to vector<16xi32>
          %gather3A_1572 = tpu.dynamic_gather %add3A_841[%gather3A_1571] in [0] : vector<16xf32>, vector<16xi32> -> vector<16xf32>
          %add3A_1573 = arith.addf %add3A_841, %gather3A_1572 : vector<16xf32>
          %xor3A_1574 = arith.constant 4 : i32
          %xor3A_1575 = vector.broadcast %xor3A_1574 : i32 to vector<16xi32>
          %xor3A_1576 = arith.xori %iota3A, %xor3A_1575 : vector<16xi32>
          %lt3A_1577 = arith.constant 0 : i32
          %lt3A_1578 = vector.broadcast %lt3A_1577 : i32 to vector<16xi32>
          %lt3A_1579 = arith.cmpi slt, %xor3A_1576, %lt3A_1578 : vector<16xi32>
          %add3A_1580 = arith.constant 16 : i32
          %add3A_1581 = vector.broadcast %add3A_1580 : i32 to vector<16xi32>
          %add3A_1582 = arith.addi %xor3A_1576, %add3A_1581 : vector<16xi32>
          %select_n3A_1583 = arith.select %lt3A_1579, %add3A_1582, %xor3A_1576 : vector<16xi1>, vector<16xi32>
          %broadcast_in_dim3A_1584 = vector.shape_cast %select_n3A_1583 : vector<16xi32> to vector<16x1xi32>
          %gather3A_1585 = vector.shape_cast %broadcast_in_dim3A_1584 : vector<16x1xi32> to vector<16xi32>
          %gather3A_1586 = tpu.dynamic_gather %add3A_1573[%gather3A_1585] in [0] : vector<16xf32>, vector<16xi32> -> vector<16xf32>
          %add3A_1587 = arith.addf %add3A_1573, %gather3A_1586 : vector<16xf32>
          %xor3A_1588 = arith.constant 2 : i32
          %xor3A_1589 = vector.broadcast %xor3A_1588 : i32 to vector<16xi32>
          %xor3A_1590 = arith.xori %iota3A, %xor3A_1589 : vector<16xi32>
          %lt3A_1591 = arith.constant 0 : i32
          %lt3A_1592 = vector.broadcast %lt3A_1591 : i32 to vector<16xi32>
          %lt3A_1593 = arith.cmpi slt, %xor3A_1590, %lt3A_1592 : vector<16xi32>
          %add3A_1594 = arith.constant 16 : i32
          %add3A_1595 = vector.broadcast %add3A_1594 : i32 to vector<16xi32>
          %add3A_1596 = arith.addi %xor3A_1590, %add3A_1595 : vector<16xi32>
          %select_n3A_1597 = arith.select %lt3A_1593, %add3A_1596, %xor3A_1590 : vector<16xi1>, vector<16xi32>
          %broadcast_in_dim3A_1598 = vector.shape_cast %select_n3A_1597 : vector<16xi32> to vector<16x1xi32>
          %gather3A_1599 = vector.shape_cast %broadcast_in_dim3A_1598 : vector<16x1xi32> to vector<16xi32>
          %gather3A_1600 = tpu.dynamic_gather %add3A_1587[%gather3A_1599] in [0] : vector<16xf32>, vector<16xi32> -> vector<16xf32>
          %add3A_1601 = arith.addf %add3A_1587, %gather3A_1600 : vector<16xf32>
          %xor3A_1602 = arith.constant 1 : i32
          %xor3A_1603 = vector.broadcast %xor3A_1602 : i32 to vector<16xi32>
          %xor3A_1604 = arith.xori %iota3A, %xor3A_1603 : vector<16xi32>
          %lt3A_1605 = arith.constant 0 : i32
          %lt3A_1606 = vector.broadcast %lt3A_1605 : i32 to vector<16xi32>
          %lt3A_1607 = arith.cmpi slt, %xor3A_1604, %lt3A_1606 : vector<16xi32>
          %add3A_1608 = arith.constant 16 : i32
          %add3A_1609 = vector.broadcast %add3A_1608 : i32 to vector<16xi32>
          %add3A_1610 = arith.addi %xor3A_1604, %add3A_1609 : vector<16xi32>
          %select_n3A_1611 = arith.select %lt3A_1607, %add3A_1610, %xor3A_1604 : vector<16xi1>, vector<16xi32>
          %broadcast_in_dim3A_1612 = vector.shape_cast %select_n3A_1611 : vector<16xi32> to vector<16x1xi32>
          %gather3A_1613 = vector.shape_cast %broadcast_in_dim3A_1612 : vector<16x1xi32> to vector<16xi32>
          %gather3A_1614 = tpu.dynamic_gather %add3A_1601[%gather3A_1613] in [0] : vector<16xf32>, vector<16xi32> -> vector<16xf32>
          %add3A_1615 = arith.addf %add3A_1601, %gather3A_1614 : vector<16xf32>
          %mul3A_1616 = arith.constant 7.812500e-03 : f32
          %mul3A_1617 = vector.broadcast %mul3A_1616 : f32 to vector<16xf32>
          %mul3A_1618 = arith.mulf %add3A_1615, %mul3A_1617 : vector<16xf32>
          %mul3A_1619 = arith.mulf %mul3A_1559, %mul3A_1559 : vector<16xf32>
          %sub3A_1620 = arith.subf %mul3A_1618, %mul3A_1619 : vector<16xf32>
          %add3A_1621 = arith.constant 9.99999974E-6 : f32
          %add3A_1622 = vector.broadcast %add3A_1621 : f32 to vector<16xf32>
          %add3A_1623 = arith.addf %sub3A_1620, %add3A_1622 : vector<16xf32>
          %bitcast3A_1624 = vector.bitcast %add3A_1623 : vector<16xf32> to vector<16xi32>
          %shift_right_arithmetic3A_1625 = arith.constant 1 : i32
          %shift_right_arithmetic3A_1626 = vector.broadcast %shift_right_arithmetic3A_1625 : i32 to vector<16xi32>
          %shift_right_arithmetic3A_1627 = arith.shrsi %bitcast3A_1624, %shift_right_arithmetic3A_1626 : vector<16xi32>
          %sub3A_1628 = arith.constant 1597463007 : i32
          %sub3A_1629 = vector.broadcast %sub3A_1628 : i32 to vector<16xi32>
          %sub3A_1630 = arith.subi %sub3A_1629, %shift_right_arithmetic3A_1627 : vector<16xi32>
          %bitcast3A_1631 = vector.bitcast %sub3A_1630 : vector<16xi32> to vector<16xf32>
          %mul3A_1632 = arith.constant 5.000000e-01 : f32
          %mul3A_1633 = vector.broadcast %mul3A_1632 : f32 to vector<16xf32>
          %mul3A_1634 = arith.mulf %mul3A_1633, %add3A_1623 : vector<16xf32>
          %mul3A_1635 = arith.mulf %mul3A_1634, %bitcast3A_1631 : vector<16xf32>
          %mul3A_1636 = arith.mulf %mul3A_1635, %bitcast3A_1631 : vector<16xf32>
          %sub3A_1637 = arith.constant 1.500000e+00 : f32
          %sub3A_1638 = vector.broadcast %sub3A_1637 : f32 to vector<16xf32>
          %sub3A_1639 = arith.subf %sub3A_1638, %mul3A_1636 : vector<16xf32>
          %mul3A_1640 = arith.mulf %bitcast3A_1631, %sub3A_1639 : vector<16xf32>
          %mul3A_1641 = arith.constant 5.000000e-01 : f32
          %mul3A_1642 = vector.broadcast %mul3A_1641 : f32 to vector<16xf32>
          %mul3A_1643 = arith.mulf %mul3A_1642, %add3A_1623 : vector<16xf32>
          %mul3A_1644 = arith.mulf %mul3A_1643, %mul3A_1640 : vector<16xf32>
          %mul3A_1645 = arith.mulf %mul3A_1644, %mul3A_1640 : vector<16xf32>
          %sub3A_1646 = arith.constant 1.500000e+00 : f32
          %sub3A_1647 = vector.broadcast %sub3A_1646 : f32 to vector<16xf32>
          %sub3A_1648 = arith.subf %sub3A_1647, %mul3A_1645 : vector<16xf32>
          %mul3A_1649 = arith.mulf %mul3A_1640, %sub3A_1648 : vector<16xf32>
          %sub3A_1650 = arith.subf %sub3A_714, %mul3A_1559 : vector<16xf32>
          %mul3A_1651 = arith.mulf %sub3A_1650, %mul3A_1649 : vector<16xf32>
          %swap3A_1652 = arith.constant 0 : i32
          %swap3A_1653 = arith.constant 0 : i32
          %swap3A_1654 = tpu.memref_slice %arg10[%scan3A_32, %swap3A_1652, %swap3A_1653] : memref<2x40x128xf32, #tpu.memory_space<vmem>> -> memref<1x40x128xf32, #tpu.memory_space<vmem>>
          %swap3A_1655 = tpu.memref_squeeze %swap3A_1654 : memref<1x40x128xf32, #tpu.memory_space<vmem>> -> memref<40x128xf32, #tpu.memory_space<vmem>>
          %swap3A_1656 = arith.index_cast %add3A_274 : i32 to index
          %swap3A_1657 = arith.constant 0 : index
          %swap3A_1658 = tpu.vector_load %swap3A_1655[%swap3A_1656, %swap3A_1657] {strides = array<i32>} : memref<40x128xf32, #tpu.memory_space<vmem>>, vector<16xf32>,
          tpu.vector_store %swap3A_1655[%swap3A_1656, %swap3A_1657], %mul3A_1651 {strides = array<i32>} : memref<40x128xf32, #tpu.memory_space<vmem>>, vector<16xf32>,
          %sub3A_1659 = arith.subf %sub3A_730, %mul3A_1559 : vector<16xf32>
          %mul3A_1660 = arith.mulf %sub3A_1659, %mul3A_1649 : vector<16xf32>
          %swap3A_1661 = arith.constant 0 : i32
          %swap3A_1662 = arith.constant 0 : i32
          %swap3A_1663 = tpu.memref_slice %arg10[%scan3A_32, %swap3A_1661, %swap3A_1662] : memref<2x40x128xf32, #tpu.memory_space<vmem>> -> memref<1x40x128xf32, #tpu.memory_space<vmem>>
          %swap3A_1664 = tpu.memref_squeeze %swap3A_1663 : memref<1x40x128xf32, #tpu.memory_space<vmem>> -> memref<40x128xf32, #tpu.memory_space<vmem>>
          %swap3A_1665 = arith.index_cast %add3A_274 : i32 to index
          %swap3A_1666 = arith.constant 16 : index
          %swap3A_1667 = tpu.vector_load %swap3A_1664[%swap3A_1665, %swap3A_1666] {strides = array<i32>} : memref<40x128xf32, #tpu.memory_space<vmem>>, vector<16xf32>,
          tpu.vector_store %swap3A_1664[%swap3A_1665, %swap3A_1666], %mul3A_1660 {strides = array<i32>} : memref<40x128xf32, #tpu.memory_space<vmem>>, vector<16xf32>,
          %sub3A_1668 = arith.subf %sub3A_748, %mul3A_1559 : vector<16xf32>
          %mul3A_1669 = arith.mulf %sub3A_1668, %mul3A_1649 : vector<16xf32>
          %swap3A_1670 = arith.constant 0 : i32
          %swap3A_1671 = arith.constant 0 : i32
          %swap3A_1672 = tpu.memref_slice %arg10[%scan3A_32, %swap3A_1670, %swap3A_1671] : memref<2x40x128xf32, #tpu.memory_space<vmem>> -> memref<1x40x128xf32, #tpu.memory_space<vmem>>
          %swap3A_1673 = tpu.memref_squeeze %swap3A_1672 : memref<1x40x128xf32, #tpu.memory_space<vmem>> -> memref<40x128xf32, #tpu.memory_space<vmem>>
          %swap3A_1674 = arith.index_cast %add3A_274 : i32 to index
          %swap3A_1675 = arith.constant 32 : index
          %swap3A_1676 = tpu.vector_load %swap3A_1673[%swap3A_1674, %swap3A_1675] {strides = array<i32>} : memref<40x128xf32, #tpu.memory_space<vmem>>, vector<16xf32>,
          tpu.vector_store %swap3A_1673[%swap3A_1674, %swap3A_1675], %mul3A_1669 {strides = array<i32>} : memref<40x128xf32, #tpu.memory_space<vmem>>, vector<16xf32>,
          %sub3A_1677 = arith.subf %sub3A_766, %mul3A_1559 : vector<16xf32>
          %mul3A_1678 = arith.mulf %sub3A_1677, %mul3A_1649 : vector<16xf32>
          %swap3A_1679 = arith.constant 0 : i32
          %swap3A_1680 = arith.constant 0 : i32
          %swap3A_1681 = tpu.memref_slice %arg10[%scan3A_32, %swap3A_1679, %swap3A_1680] : memref<2x40x128xf32, #tpu.memory_space<vmem>> -> memref<1x40x128xf32, #tpu.memory_space<vmem>>
          %swap3A_1682 = tpu.memref_squeeze %swap3A_1681 : memref<1x40x128xf32, #tpu.memory_space<vmem>> -> memref<40x128xf32, #tpu.memory_space<vmem>>
          %swap3A_1683 = arith.index_cast %add3A_274 : i32 to index
          %swap3A_1684 = arith.constant 48 : index
          %swap3A_1685 = tpu.vector_load %swap3A_1682[%swap3A_1683, %swap3A_1684] {strides = array<i32>} : memref<40x128xf32, #tpu.memory_space<vmem>>, vector<16xf32>,
          tpu.vector_store %swap3A_1682[%swap3A_1683, %swap3A_1684], %mul3A_1678 {strides = array<i32>} : memref<40x128xf32, #tpu.memory_space<vmem>>, vector<16xf32>,
          %sub3A_1686 = arith.subf %sub3A_784, %mul3A_1559 : vector<16xf32>
          %mul3A_1687 = arith.mulf %sub3A_1686, %mul3A_1649 : vector<16xf32>
          %swap3A_1688 = arith.constant 0 : i32
          %swap3A_1689 = arith.constant 0 : i32
          %swap3A_1690 = tpu.memref_slice %arg10[%scan3A_32, %swap3A_1688, %swap3A_1689] : memref<2x40x128xf32, #tpu.memory_space<vmem>> -> memref<1x40x128xf32, #tpu.memory_space<vmem>>
          %swap3A_1691 = tpu.memref_squeeze %swap3A_1690 : memref<1x40x128xf32, #tpu.memory_space<vmem>> -> memref<40x128xf32, #tpu.memory_space<vmem>>
          %swap3A_1692 = arith.index_cast %add3A_274 : i32 to index
          %swap3A_1693 = arith.constant 64 : index
          %swap3A_1694 = tpu.vector_load %swap3A_1691[%swap3A_1692, %swap3A_1693] {strides = array<i32>} : memref<40x128xf32, #tpu.memory_space<vmem>>, vector<16xf32>,
          tpu.vector_store %swap3A_1691[%swap3A_1692, %swap3A_1693], %mul3A_1687 {strides = array<i32>} : memref<40x128xf32, #tpu.memory_space<vmem>>, vector<16xf32>,
          %sub3A_1695 = arith.subf %sub3A_802, %mul3A_1559 : vector<16xf32>
          %mul3A_1696 = arith.mulf %sub3A_1695, %mul3A_1649 : vector<16xf32>
          %swap3A_1697 = arith.constant 0 : i32
          %swap3A_1698 = arith.constant 0 : i32
          %swap3A_1699 = tpu.memref_slice %arg10[%scan3A_32, %swap3A_1697, %swap3A_1698] : memref<2x40x128xf32, #tpu.memory_space<vmem>> -> memref<1x40x128xf32, #tpu.memory_space<vmem>>
          %swap3A_1700 = tpu.memref_squeeze %swap3A_1699 : memref<1x40x128xf32, #tpu.memory_space<vmem>> -> memref<40x128xf32, #tpu.memory_space<vmem>>
          %swap3A_1701 = arith.index_cast %add3A_274 : i32 to index
          %swap3A_1702 = arith.constant 80 : index
          %swap3A_1703 = tpu.vector_load %swap3A_1700[%swap3A_1701, %swap3A_1702] {strides = array<i32>} : memref<40x128xf32, #tpu.memory_space<vmem>>, vector<16xf32>,
          tpu.vector_store %swap3A_1700[%swap3A_1701, %swap3A_1702], %mul3A_1696 {strides = array<i32>} : memref<40x128xf32, #tpu.memory_space<vmem>>, vector<16xf32>,
          %sub3A_1704 = arith.subf %sub3A_820, %mul3A_1559 : vector<16xf32>
          %mul3A_1705 = arith.mulf %sub3A_1704, %mul3A_1649 : vector<16xf32>
          %swap3A_1706 = arith.constant 0 : i32
          %swap3A_1707 = arith.constant 0 : i32
          %swap3A_1708 = tpu.memref_slice %arg10[%scan3A_32, %swap3A_1706, %swap3A_1707] : memref<2x40x128xf32, #tpu.memory_space<vmem>> -> memref<1x40x128xf32, #tpu.memory_space<vmem>>
          %swap3A_1709 = tpu.memref_squeeze %swap3A_1708 : memref<1x40x128xf32, #tpu.memory_space<vmem>> -> memref<40x128xf32, #tpu.memory_space<vmem>>
          %swap3A_1710 = arith.index_cast %add3A_274 : i32 to index
          %swap3A_1711 = arith.constant 96 : index
          %swap3A_1712 = tpu.vector_load %swap3A_1709[%swap3A_1710, %swap3A_1711] {strides = array<i32>} : memref<40x128xf32, #tpu.memory_space<vmem>>, vector<16xf32>,
          tpu.vector_store %swap3A_1709[%swap3A_1710, %swap3A_1711], %mul3A_1705 {strides = array<i32>} : memref<40x128xf32, #tpu.memory_space<vmem>>, vector<16xf32>,
          %sub3A_1713 = arith.subf %sub3A_838, %mul3A_1559 : vector<16xf32>
          %mul3A_1714 = arith.mulf %sub3A_1713, %mul3A_1649 : vector<16xf32>
          %swap3A_1715 = arith.constant 0 : i32
          %swap3A_1716 = arith.constant 0 : i32
          %swap3A_1717 = tpu.memref_slice %arg10[%scan3A_32, %swap3A_1715, %swap3A_1716] : memref<2x40x128xf32, #tpu.memory_space<vmem>> -> memref<1x40x128xf32, #tpu.memory_space<vmem>>
          %swap3A_1718 = tpu.memref_squeeze %swap3A_1717 : memref<1x40x128xf32, #tpu.memory_space<vmem>> -> memref<40x128xf32, #tpu.memory_space<vmem>>
          %swap3A_1719 = arith.index_cast %add3A_274 : i32 to index
          %swap3A_1720 = arith.constant 112 : index
          %swap3A_1721 = tpu.vector_load %swap3A_1718[%swap3A_1719, %swap3A_1720] {strides = array<i32>} : memref<40x128xf32, #tpu.memory_space<vmem>>, vector<16xf32>,
          tpu.vector_store %swap3A_1718[%swap3A_1719, %swap3A_1720], %mul3A_1714 {strides = array<i32>} : memref<40x128xf32, #tpu.memory_space<vmem>>, vector<16xf32>,
        }
        %scan3A_254 = arith.constant 10 : i32
        %dma_start3A_255 = arith.constant 1 : i32
        %dma_start3A_256 = arith.constant 0 : i32
        %dma_start3A_257 = arith.constant 0 : i32
        %dma_start3A_258 = tpu.memref_slice %arg10[%dma_start3A_255, %dma_start3A_256, %dma_start3A_257] : memref<2x40x128xf32, #tpu.memory_space<vmem>> -> memref<1x40x128xf32, #tpu.memory_space<vmem>>
        %dma_start3A_259 = tpu.memref_squeeze %dma_start3A_258 : memref<1x40x128xf32, #tpu.memory_space<vmem>> -> memref<40x128xf32, #tpu.memory_space<vmem>>
        %dma_start3A_260 = arith.constant 0 : i32
        %dma_start3A_261 = tpu.memref_slice %arg8[%add3A_175, %dma_start3A_260] : memref<50x40xi32, #tpu.memory_space<vmem>> -> memref<1x40xi32, #tpu.memory_space<vmem>>
        %dma_start3A_262 = tpu.memref_squeeze %dma_start3A_261 : memref<1x40xi32, #tpu.memory_space<vmem>> -> memref<40xi32, #tpu.memory_space<vmem>>
        %dma_start3A_263 = arith.constant 0 : i32
        %dma_start3A_264 = arith.constant 0 : i32
        %dma_start3A_265 = tpu.memref_slice %arg13[%dma_start3A_263, %dma_start3A_264] : memref<10112x128xf32, #tpu.memory_space<vmem_shared>> -> memref<10112x128xf32, #tpu.memory_space<vmem_shared>>
        tpu.enqueue_indirect_dma source(%dma_start3A_259 : memref<40x128xf32, #tpu.memory_space<vmem>>) target(%dma_start3A_265 : memref<10112x128xf32, #tpu.memory_space<vmem_shared>>) offsets(%dma_start3A_262 : memref<40xi32, #tpu.memory_space<vmem>>) semaphore(%arg19 : memref<!tpu.dma_semaphore, #tpu.memory_space<semaphore_mem>>) {add = true}
      }
      %scan3A_73 = arith.constant 25 : i32
      %dma_wait3A = arith.constant 1 : i32
      %dma_wait3A_74 = arith.constant 49 : i32
      %dma_wait3A_75 = arith.constant 0 : i32
      %dma_wait3A_76 = arith.constant 0 : i32
      %dma_wait3A_77 = tpu.memref_slice %arg10[%dma_wait3A, %dma_wait3A_75, %dma_wait3A_76] : memref<2x40x128xf32, #tpu.memory_space<vmem>> -> memref<1x40x128xf32, #tpu.memory_space<vmem>>
      %dma_wait3A_78 = tpu.memref_squeeze %dma_wait3A_77 : memref<1x40x128xf32, #tpu.memory_space<vmem>> -> memref<40x128xf32, #tpu.memory_space<vmem>>
      %dma_wait3A_79 = arith.constant 0 : i32
      %dma_wait3A_80 = tpu.memref_slice %arg8[%dma_wait3A_74, %dma_wait3A_79] : memref<50x40xi32, #tpu.memory_space<vmem>> -> memref<1x40xi32, #tpu.memory_space<vmem>>
      %dma_wait3A_81 = tpu.memref_squeeze %dma_wait3A_80 : memref<1x40xi32, #tpu.memory_space<vmem>> -> memref<40xi32, #tpu.memory_space<vmem>>
      %dma_wait3A_82 = arith.constant 0 : i32
      %dma_wait3A_83 = arith.constant 0 : i32
      %dma_wait3A_84 = tpu.memref_slice %arg13[%dma_wait3A_82, %dma_wait3A_83] : memref<10112x128xf32, #tpu.memory_space<vmem_shared>> -> memref<10112x128xf32, #tpu.memory_space<vmem_shared>>
      tpu.wait_indirect_dma semaphore(%arg19 : memref<!tpu.dma_semaphore, #tpu.memory_space<semaphore_mem>>) src(%dma_wait3A_78 : memref<40x128xf32, #tpu.memory_space<vmem>>) dst(%dma_wait3A_84 : memref<10112x128xf32, #tpu.memory_space<vmem_shared>>)
    }
    %scan3A_37 = arith.constant 5 : i32
    "tpu.region"() ({
      %run_scoped3A = tpu.sem_alloc : memref<!tpu.dma_semaphore, #tpu.memory_space<semaphore_mem>>
      %dma_start3A = arith.constant 0 : i32
      %dma_start3A_43 = arith.constant 0 : i32
      %dma_start3A_44 = tpu.memref_slice %arg13[%dma_start3A, %dma_start3A_43] : memref<10112x128xf32, #tpu.memory_space<vmem_shared>> -> memref<10112x128xf32, #tpu.memory_space<vmem_shared>>
      tpu.enqueue_indirect_dma source(%arg11 : memref<80x128xf32, #tpu.memory_space<vmem>>) target(%dma_start3A_44 : memref<10112x128xf32, #tpu.memory_space<vmem_shared>>) offsets(%arg12 : memref<80xi32, #tpu.memory_space<vmem>>) semaphore(%run_scoped3A : memref<!tpu.dma_semaphore, #tpu.memory_space<semaphore_mem>>) {add = true}
      %dma_wait3A = arith.constant 0 : i32
      %dma_wait3A_45 = arith.constant 0 : i32
      %dma_wait3A_46 = tpu.memref_slice %arg13[%dma_wait3A, %dma_wait3A_45] : memref<10112x128xf32, #tpu.memory_space<vmem_shared>> -> memref<10112x128xf32, #tpu.memory_space<vmem_shared>>
      tpu.wait_indirect_dma semaphore(%run_scoped3A : memref<!tpu.dma_semaphore, #tpu.memory_space<semaphore_mem>>) src(%arg11 : memref<80x128xf32, #tpu.memory_space<vmem>>) dst(%dma_wait3A_46 : memref<10112x128xf32, #tpu.memory_space<vmem_shared>>)
      tpu.yield
    }) : () -> ()
    %barrier3A_38 = arith.constant 0 : index
    tpu.barrier barrier_id(%barrier3A_38)
    %mul3A_39 = arith.constant 632 : i32
    %mul3A_40 = arith.muli %arg1, %mul3A_39 : i32
    %mul3A_41 = arith.constant 632 : i32
    %mul3A_42 = arith.muli %arg1, %mul3A_41 : i32
    "tpu.region"() ({
      %run_scoped3A = tpu.sem_alloc : memref<!tpu.dma_semaphore, #tpu.memory_space<semaphore_mem>>
      %dma_start3A = arith.constant 0 : i32
      %dma_start3A_43 = tpu.memref_slice %arg6[%arg0, %mul3A_42, %dma_start3A] : memref<2x10112x128xf32, #tpu.memory_space<hbm>> -> memref<1x632x128xf32, #tpu.memory_space<hbm>>
      %dma_start3A_44 = tpu.memref_squeeze %dma_start3A_43 : memref<1x632x128xf32, #tpu.memory_space<hbm>> -> memref<632x128xf32, #tpu.memory_space<hbm>>
      %dma_start3A_45 = arith.constant 0 : i32
      %dma_start3A_46 = tpu.memref_slice %arg13[%mul3A_40, %dma_start3A_45] : memref<10112x128xf32, #tpu.memory_space<vmem_shared>> -> memref<632x128xf32, #tpu.memory_space<vmem_shared>>
      tpu.enqueue_dma source(%dma_start3A_46 : memref<632x128xf32, #tpu.memory_space<vmem_shared>>) target(%dma_start3A_44 : memref<632x128xf32, #tpu.memory_space<hbm>>) target_semaphore(%run_scoped3A : memref<!tpu.dma_semaphore, #tpu.memory_space<semaphore_mem>>)
      %dma_wait3A = arith.constant 0 : i32
      %dma_wait3A_47 = tpu.memref_slice %arg6[%arg0, %mul3A_42, %dma_wait3A] : memref<2x10112x128xf32, #tpu.memory_space<hbm>> -> memref<1x632x128xf32, #tpu.memory_space<hbm>>
      %dma_wait3A_48 = tpu.memref_squeeze %dma_wait3A_47 : memref<1x632x128xf32, #tpu.memory_space<hbm>> -> memref<632x128xf32, #tpu.memory_space<hbm>>
      %dma_wait3A_49 = arith.constant 0 : i32
      %dma_wait3A_50 = tpu.memref_slice %arg13[%mul3A_40, %dma_wait3A_49] : memref<10112x128xf32, #tpu.memory_space<vmem_shared>> -> memref<632x128xf32, #tpu.memory_space<vmem_shared>>
      tpu.wait_dma2 semaphore(%run_scoped3A : memref<!tpu.dma_semaphore, #tpu.memory_space<semaphore_mem>>) src(%dma_wait3A_50 : memref<632x128xf32, #tpu.memory_space<vmem_shared>>) dst(%dma_wait3A_48 : memref<632x128xf32, #tpu.memory_space<hbm>>)
      tpu.yield
    }) : () -> ()
    return
  }
}

module attributes {stable_mosaic.version = 14 : i64} {
  func.func @_pred_body(%arg0: i32, %arg1: memref<1000x128xf32, #tpu.memory_space<vmem>>, %arg2: memref<128x128xf32, #tpu.memory_space<vmem>>, %arg3: memref<1x128xf32, #tpu.memory_space<vmem>>, %arg4: memref<128x128xf32, #tpu.memory_space<vmem>>, %arg5: memref<1x128xf32, #tpu.memory_space<vmem>>, %arg6: memref<1000x128xf32, #tpu.memory_space<vmem>>) attributes {dimension_semantics = [#tpu.dimension_semantics<arbitrary>], iteration_bounds = array<i64: 10>, scalar_prefetch = 0 : i64, scratch_operands = 0 : i64, tpu.core_type = #tpu.core_type<tc>, window_params = [{transform_indices = @transform_0, window_bounds = array<i64: 1000, 128>}, {pipeline_mode = #tpu.pipeline_mode<synchronous>, transform_indices = @transform_1, window_bounds = array<i64: 128, 128>}, {pipeline_mode = #tpu.pipeline_mode<synchronous>, transform_indices = @transform_2, window_bounds = array<i64: 1, 128>}, {pipeline_mode = #tpu.pipeline_mode<synchronous>, transform_indices = @transform_3, window_bounds = array<i64: 128, 128>}, {pipeline_mode = #tpu.pipeline_mode<synchronous>, transform_indices = @transform_4, window_bounds = array<i64: 1, 128>}, {transform_indices = @transform_5, window_bounds = array<i64: 1000, 128>}]} {
    %get3A = arith.constant 0 : index
    %get3A_0 = arith.constant 0 : index
    %get3A_1 = vector.load %arg1[%get3A, %get3A_0] : memref<1000x128xf32, #tpu.memory_space<vmem>>, vector<1000x128xf32>
    %get3A_2 = arith.constant 0 : index
    %get3A_3 = arith.constant 0 : index
    %get3A_4 = vector.load %arg2[%get3A_2, %get3A_3] : memref<128x128xf32, #tpu.memory_space<vmem>>, vector<128x128xf32>
    %dot_general3A = arith.constant dense<0.000000e+00> : vector<1000x128xf32>
    %dot_general3A_5 = tpu.matmul %get3A_1, %get3A_4, %dot_general3A {dimension_numbers = #tpu.dot_dimension_numbers<[1], [0], [0], [1], [0, 0, 1, 1], [], []>, transpose_lhs_hint = false} : vector<1000x128xf32>, vector<128x128xf32>, vector<1000x128xf32> -> vector<1000x128xf32>
    %get3A_6 = arith.constant 0 : index
    %get3A_7 = arith.constant 0 : index
    %get3A_8 = vector.load %arg3[%get3A_6, %get3A_7] : memref<1x128xf32, #tpu.memory_space<vmem>>, vector<1x128xf32>
    %add3A = vector.broadcast %get3A_8 : vector<1x128xf32> to vector<1000x128xf32>
    %add3A_9 = arith.addf %dot_general3A_5, %add3A : vector<1000x128xf32>
    %max3A = arith.constant 0.000000e+00 : f32
    %max3A_10 = vector.broadcast %max3A : f32 to vector<1000x128xf32>
    %max3A_11 = arith.maximumf %add3A_9, %max3A_10 : vector<1000x128xf32>
    %get3A_12 = arith.constant 0 : index
    %get3A_13 = arith.constant 0 : index
    %get3A_14 = vector.load %arg4[%get3A_12, %get3A_13] : memref<128x128xf32, #tpu.memory_space<vmem>>, vector<128x128xf32>
    %dot_general3A_15 = arith.constant dense<0.000000e+00> : vector<1000x128xf32>
    %dot_general3A_16 = tpu.matmul %max3A_11, %get3A_14, %dot_general3A_15 {dimension_numbers = #tpu.dot_dimension_numbers<[1], [0], [0], [1], [0, 0, 1, 1], [], []>, transpose_lhs_hint = false} : vector<1000x128xf32>, vector<128x128xf32>, vector<1000x128xf32> -> vector<1000x128xf32>
    %get3A_17 = arith.constant 0 : index
    %get3A_18 = arith.constant 0 : index
    %get3A_19 = vector.load %arg5[%get3A_17, %get3A_18] : memref<1x128xf32, #tpu.memory_space<vmem>>, vector<1x128xf32>
    %add3A_20 = vector.broadcast %get3A_19 : vector<1x128xf32> to vector<1000x128xf32>
    %add3A_21 = arith.addf %dot_general3A_16, %add3A_20 : vector<1000x128xf32>
    %swap3A = arith.constant 0 : index
    %swap3A_22 = arith.constant 0 : index
    %swap3A_23 = vector.load %arg6[%swap3A, %swap3A_22] : memref<1000x128xf32, #tpu.memory_space<vmem>>, vector<1000x128xf32>
    tpu.vector_store %arg6[%swap3A, %swap3A_22], %add3A_21 {strides = array<i32>} : memref<1000x128xf32, #tpu.memory_space<vmem>>, vector<1000x128xf32>,
    return
  }
  func.func @transform_0(%arg0: i32) -> (i32, i32) {
    %c0_i32 = arith.constant 0 : i32
    %c0_i32_0 = arith.constant 0 : i32
    return %arg0, %c0_i32 : i32, i32
  }
  func.func @transform_1(%arg0: i32) -> (i32, i32) {
    %c0_i32 = arith.constant 0 : i32
    %c0_i32_0 = arith.constant 0 : i32
    %c0_i32_1 = arith.constant 0 : i32
    return %c0_i32, %c0_i32_0 : i32, i32
  }
  func.func @transform_2(%arg0: i32) -> (i32, i32) {
    %c0_i32 = arith.constant 0 : i32
    %c0_i32_0 = arith.constant 0 : i32
    %c0_i32_1 = arith.constant 0 : i32
    return %c0_i32, %c0_i32_0 : i32, i32
  }
  func.func @transform_3(%arg0: i32) -> (i32, i32) {
    %c0_i32 = arith.constant 0 : i32
    %c0_i32_0 = arith.constant 0 : i32
    %c0_i32_1 = arith.constant 0 : i32
    return %c0_i32, %c0_i32_0 : i32, i32
  }
  func.func @transform_4(%arg0: i32) -> (i32, i32) {
    %c0_i32 = arith.constant 0 : i32
    %c0_i32_0 = arith.constant 0 : i32
    %c0_i32_1 = arith.constant 0 : i32
    return %c0_i32, %c0_i32_0 : i32, i32
  }
  func.func @transform_5(%arg0: i32) -> (i32, i32) {
    %c0_i32 = arith.constant 0 : i32
    %c0_i32_0 = arith.constant 0 : i32
    return %arg0, %c0_i32 : i32, i32
  }
}

module attributes {stable_mosaic.version = 14 : i64} {
  func.func @_update_body(%arg0: i32, %arg1: memref<1000x128xf32, #tpu.memory_space<vmem>>, %arg2: memref<1000x128xf32, #tpu.memory_space<vmem>>, %arg3: memref<1000x128xf32, #tpu.memory_space<vmem>>, %arg4: memref<1000x1xf32, #tpu.memory_space<vmem>>, %arg5: memref<1000x1xf32, #tpu.memory_space<vmem>>, %arg6: memref<128x128xf32, #tpu.memory_space<vmem>>, %arg7: memref<128x128xf32, #tpu.memory_space<vmem>>, %arg8: memref<1x128xf32, #tpu.memory_space<vmem>>, %arg9: memref<1x128xf32, #tpu.memory_space<vmem>>, %arg10: memref<1x128xf32, #tpu.memory_space<vmem>>, %arg11: memref<1000x128xf32, #tpu.memory_space<vmem>>) attributes {dimension_semantics = [#tpu.dimension_semantics<arbitrary>], iteration_bounds = array<i64: 10>, scalar_prefetch = 0 : i64, scratch_operands = 0 : i64, tpu.core_type = #tpu.core_type<tc>, window_params = [{transform_indices = @transform_0, window_bounds = array<i64: 1000, 128>}, {transform_indices = @transform_1, window_bounds = array<i64: 1000, 128>}, {transform_indices = @transform_2, window_bounds = array<i64: 1000, 128>}, {transform_indices = @transform_3, window_bounds = array<i64: 1000, 1>}, {transform_indices = @transform_4, window_bounds = array<i64: 1000, 1>}, {pipeline_mode = #tpu.pipeline_mode<synchronous>, transform_indices = @transform_5, window_bounds = array<i64: 128, 128>}, {pipeline_mode = #tpu.pipeline_mode<synchronous>, transform_indices = @transform_6, window_bounds = array<i64: 128, 128>}, {pipeline_mode = #tpu.pipeline_mode<synchronous>, transform_indices = @transform_7, window_bounds = array<i64: 1, 128>}, {pipeline_mode = #tpu.pipeline_mode<synchronous>, transform_indices = @transform_8, window_bounds = array<i64: 1, 128>}, {pipeline_mode = #tpu.pipeline_mode<synchronous>, transform_indices = @transform_9, window_bounds = array<i64: 1, 128>}, {transform_indices = @transform_10, window_bounds = array<i64: 1000, 128>}]} {
    %get3A = arith.constant 0 : index
    %get3A_0 = arith.constant 0 : index
    %get3A_1 = vector.load %arg2[%get3A, %get3A_0] : memref<1000x128xf32, #tpu.memory_space<vmem>>, vector<1000x128xf32>
    %get3A_2 = arith.constant 0 : index
    %get3A_3 = arith.constant 0 : index
    %get3A_4 = vector.load %arg3[%get3A_2, %get3A_3] : memref<1000x128xf32, #tpu.memory_space<vmem>>, vector<1000x128xf32>
    %add3A = arith.addf %get3A_1, %get3A_4 : vector<1000x128xf32>
    %get3A_5 = arith.constant 0 : index
    %get3A_6 = arith.constant 0 : index
    %get3A_7 = vector.load %arg4[%get3A_5, %get3A_6] : memref<1000x1xf32, #tpu.memory_space<vmem>>, vector<1000x1xf32>
    %get3A_8 = arith.constant 0 : index
    %get3A_9 = arith.constant 0 : index
    %get3A_10 = vector.load %arg5[%get3A_8, %get3A_9] : memref<1000x1xf32, #tpu.memory_space<vmem>>, vector<1000x1xf32>
    %add3A_11 = arith.addf %get3A_7, %get3A_10 : vector<1000x1xf32>
    %max3A = arith.constant 1.000000e+00 : f32
    %max3A_12 = vector.broadcast %max3A : f32 to vector<1000x1xf32>
    %max3A_13 = arith.maximumf %add3A_11, %max3A_12 : vector<1000x1xf32>
    %div3A = arith.constant 1.000000e+00 : f32
    %div3A_14 = vector.broadcast %div3A : f32 to vector<1000x1xf32>
    %div3A_15 = arith.divf %div3A_14, %max3A_13 : vector<1000x1xf32>
    %mul3A = vector.broadcast %div3A_15 : vector<1000x1xf32> to vector<1000x128xf32>
    %mul3A_16 = arith.mulf %add3A, %mul3A : vector<1000x128xf32>
    %gt3A = arith.constant 0.000000e+00 : f32
    %gt3A_17 = vector.broadcast %gt3A : f32 to vector<1000x1xf32>
    %gt3A_18 = arith.cmpf ogt, %add3A_11, %gt3A_17 : vector<1000x1xf32>
    %get3A_19 = arith.constant 0 : index
    %get3A_20 = arith.constant 0 : index
    %get3A_21 = vector.load %arg9[%get3A_19, %get3A_20] : memref<1x128xf32, #tpu.memory_space<vmem>>, vector<1x128xf32>
    %mul3A_22 = vector.broadcast %get3A_21 : vector<1x128xf32> to vector<1000x128xf32>
    %mul3A_23 = arith.mulf %mul3A_16, %mul3A_22 : vector<1000x128xf32>
    %get3A_24 = arith.constant 0 : index
    %get3A_25 = arith.constant 0 : index
    %get3A_26 = vector.load %arg10[%get3A_24, %get3A_25] : memref<1x128xf32, #tpu.memory_space<vmem>>, vector<1x128xf32>
    %add3A_27 = vector.broadcast %get3A_26 : vector<1x128xf32> to vector<1000x128xf32>
    %add3A_28 = arith.addf %mul3A_23, %add3A_27 : vector<1000x128xf32>
    %jit3A = arith.constant 0.000000e+00 : f32
    %broadcast_in_dim3A = vector.shape_cast %gt3A_18 : vector<1000x1xi1> to vector<1000x1xi1>
    %broadcast_in_dim3A_29 = vector.broadcast %broadcast_in_dim3A : vector<1000x1xi1> to vector<1000x128xi1>
    %broadcast_in_dim3A_30 = vector.broadcast %jit3A : f32 to vector<1000x128xf32>
    %select_n3A = arith.select %broadcast_in_dim3A_29, %add3A_28, %broadcast_in_dim3A_30 : vector<1000x128xi1>, vector<1000x128xf32>
    %get3A_31 = arith.constant 0 : index
    %get3A_32 = arith.constant 0 : index
    %get3A_33 = vector.load %arg1[%get3A_31, %get3A_32] : memref<1000x128xf32, #tpu.memory_space<vmem>>, vector<1000x128xf32>
    %get3A_34 = arith.constant 0 : index
    %get3A_35 = arith.constant 0 : index
    %get3A_36 = vector.load %arg6[%get3A_34, %get3A_35] : memref<128x128xf32, #tpu.memory_space<vmem>>, vector<128x128xf32>
    %dot_general3A = arith.constant dense<0.000000e+00> : vector<1000x128xf32>
    %dot_general3A_37 = tpu.matmul %get3A_33, %get3A_36, %dot_general3A {dimension_numbers = #tpu.dot_dimension_numbers<[1], [0], [0], [1], [0, 0, 1, 1], [], []>, transpose_lhs_hint = false} : vector<1000x128xf32>, vector<128x128xf32>, vector<1000x128xf32> -> vector<1000x128xf32>
    %get3A_38 = arith.constant 0 : index
    %get3A_39 = arith.constant 0 : index
    %get3A_40 = vector.load %arg7[%get3A_38, %get3A_39] : memref<128x128xf32, #tpu.memory_space<vmem>>, vector<128x128xf32>
    %dot_general3A_41 = arith.constant dense<0.000000e+00> : vector<1000x128xf32>
    %dot_general3A_42 = tpu.matmul %select_n3A, %get3A_40, %dot_general3A_41 {dimension_numbers = #tpu.dot_dimension_numbers<[1], [0], [0], [1], [0, 0, 1, 1], [], []>, transpose_lhs_hint = false} : vector<1000x128xf32>, vector<128x128xf32>, vector<1000x128xf32> -> vector<1000x128xf32>
    %add3A_43 = arith.addf %dot_general3A_37, %dot_general3A_42 : vector<1000x128xf32>
    %get3A_44 = arith.constant 0 : index
    %get3A_45 = arith.constant 0 : index
    %get3A_46 = vector.load %arg8[%get3A_44, %get3A_45] : memref<1x128xf32, #tpu.memory_space<vmem>>, vector<1x128xf32>
    %add3A_47 = vector.broadcast %get3A_46 : vector<1x128xf32> to vector<1000x128xf32>
    %add3A_48 = arith.addf %add3A_43, %add3A_47 : vector<1000x128xf32>
    %max3A_49 = arith.constant 0.000000e+00 : f32
    %max3A_50 = vector.broadcast %max3A_49 : f32 to vector<1000x128xf32>
    %max3A_51 = arith.maximumf %add3A_48, %max3A_50 : vector<1000x128xf32>
    %swap3A = arith.constant 0 : index
    %swap3A_52 = arith.constant 0 : index
    %swap3A_53 = vector.load %arg11[%swap3A, %swap3A_52] : memref<1000x128xf32, #tpu.memory_space<vmem>>, vector<1000x128xf32>
    tpu.vector_store %arg11[%swap3A, %swap3A_52], %max3A_51 {strides = array<i32>} : memref<1000x128xf32, #tpu.memory_space<vmem>>, vector<1000x128xf32>,
    return
  }
  func.func @transform_0(%arg0: i32) -> (i32, i32) {
    %c0_i32 = arith.constant 0 : i32
    %c0_i32_0 = arith.constant 0 : i32
    return %arg0, %c0_i32 : i32, i32
  }
  func.func @transform_1(%arg0: i32) -> (i32, i32) {
    %c0_i32 = arith.constant 0 : i32
    %c0_i32_0 = arith.constant 0 : i32
    return %arg0, %c0_i32 : i32, i32
  }
  func.func @transform_2(%arg0: i32) -> (i32, i32) {
    %c0_i32 = arith.constant 0 : i32
    %c0_i32_0 = arith.constant 0 : i32
    return %arg0, %c0_i32 : i32, i32
  }
  func.func @transform_3(%arg0: i32) -> (i32, i32) {
    %c0_i32 = arith.constant 0 : i32
    %c0_i32_0 = arith.constant 0 : i32
    return %arg0, %c0_i32 : i32, i32
  }
  func.func @transform_4(%arg0: i32) -> (i32, i32) {
    %c0_i32 = arith.constant 0 : i32
    %c0_i32_0 = arith.constant 0 : i32
    return %arg0, %c0_i32 : i32, i32
  }
  func.func @transform_5(%arg0: i32) -> (i32, i32) {
    %c0_i32 = arith.constant 0 : i32
    %c0_i32_0 = arith.constant 0 : i32
    %c0_i32_1 = arith.constant 0 : i32
    return %c0_i32, %c0_i32_0 : i32, i32
  }
  func.func @transform_6(%arg0: i32) -> (i32, i32) {
    %c0_i32 = arith.constant 0 : i32
    %c0_i32_0 = arith.constant 0 : i32
    %c0_i32_1 = arith.constant 0 : i32
    return %c0_i32, %c0_i32_0 : i32, i32
  }
  func.func @transform_7(%arg0: i32) -> (i32, i32) {
    %c0_i32 = arith.constant 0 : i32
    %c0_i32_0 = arith.constant 0 : i32
    %c0_i32_1 = arith.constant 0 : i32
    return %c0_i32, %c0_i32_0 : i32, i32
  }
  func.func @transform_8(%arg0: i32) -> (i32, i32) {
    %c0_i32 = arith.constant 0 : i32
    %c0_i32_0 = arith.constant 0 : i32
    %c0_i32_1 = arith.constant 0 : i32
    return %c0_i32, %c0_i32_0 : i32, i32
  }
  func.func @transform_9(%arg0: i32) -> (i32, i32) {
    %c0_i32 = arith.constant 0 : i32
    %c0_i32_0 = arith.constant 0 : i32
    %c0_i32_1 = arith.constant 0 : i32
    return %c0_i32, %c0_i32_0 : i32, i32
  }
  func.func @transform_10(%arg0: i32) -> (i32, i32) {
    %c0_i32 = arith.constant 0 : i32
    %c0_i32_0 = arith.constant 0 : i32
    return %arg0, %c0_i32 : i32, i32
  }
}

</mosaic_0001>

<sc_bundles>
// kernel: kernel.5.cloned.1.call-start
scs
__scs_entry_jumppad:
0x0: {  	(pc) =	sbr.rel $0x88, $3  }
0x1: {  	(tag) =	ssettag $0x0;
	lr =	simm.s32 $0x1  }
0x2: {  	[smem:$0x3F96] =	sst lr;
	_ =	strace $0xD0000000  }
0x3: {  	_ = 	snop  }
0x4: {  	_ = 	snop  }
0x5: {  	_ = 	snop  }
0x6: {  	_ = 	snop  }
0x7: {  	_ = 	snop  }
__scs_overlays_trampoline_lowered:
0x8: {  	[smem:$0x3FA5] =	sst s0  }
0x9: {  	[smem:$0x3FA6] =	sst s1  }
0xa: {  	[smem:$0x3FA7] =	sst s2  }
0xb: {  	[smem:$0x3FA8] =	sst s3  }
0xc: {  	[smem:$0x3FA9] =	sst s4  }
0xd: {  	[smem:$0x3FAA] =	sst s5  }
0xe: {  	[smem:$0x3FAB] =	sst s6  }
0xf: {  	[smem:$0x3FAC] =	sst s7  }
0x10: {  	[smem:$0x3FAD] =	sst s8  }
0x11: {  	[smem:$0x3FAE] =	sst s9;
	s0 =	simm.s32 @!p0 $0x0  }
0x12: {  	s1 =	sld [smem:$0x3F94];
	s0 =	simm.s32 @p0 $0x1  }
0x13: {  	[smem:$0x3FAF] =	sst s0;
	s0 =	simm.s32 @!p1 $0x0  }
0x14: {  	s2 =	sld [smem:$0x3F93];
	s0 =	simm.s32 @p1 $0x1  }
0x15: {  	[smem:$0x3FB0] =	sst s0;
	s0 =	simm.s32 @!p2 $0x0  }
0x16: {  	s3 =	sld [smem:$0x3FDB];
	s0 =	simm.s32 @p2 $0x1  }
0x17: {  	s4 =	simm.s32 $0x1BF5;
	[smem:$0x3FB2] =	sst s0  }
0x18: {  	s0 =	sld [smem:$0x3F95];
	_ =	swait.ge [sflag:s4], $0x0  }
0x19: {  	s7 =	sld [smem:$0x3F96]  }
0x1a: {  	s8 =	sadd.s32 $0xFFFFE003, lr  }
0x1b: {  	s9 =	sadd.s32 $0xFFFFFEF7, lr;
	s5 =	simm.s32 $0xFFFFFFFF;
	p2 =	slt.u32 s8, $0xFFFFF086  }
0x1c: {  	p1 =	slt.u32 s9, $0xF7A;
	s5 =	simm.s32 @!p2 $0x0  }
0x1d: {  	s5 =	simm.s32 @p1 $0x1;
	p0 =	seq.s32 s7, s2  }
0x1e: {  	s7 =	smul.u32 @!p0 $0xF7A, s2;
	p2 =	seq.s32 @!p0 s5, $0x0  }
0x1f: {  	s9 =	smul.u32 $0xF7A, s1;
	s8 =	simm.s32 @!p0 $0x1BF5;
	p2 =	por !p2, p0  }
0x20: {  	[sflag:s8] =	ssyncset.s32 @!p0 $0xFFFFF086;
	s6 =	sadd.s32 @!p0 s3, s7;
	s7 =	simm.s32 @!p0 $0x108  }
0x21: {  	s3 =	sadd.s32 s3, s9;
	s6 =	sadd.s32 @!p0 $0x88, s6;
	s7 =	simm.s32 @p2 $0x1082  }
0x22: {  	[simem:s7], [sflag:s8] =	dma.local @!p0 [hbm:s6], $0xF7A  }
0x23: {  	s9 =	sor.u32 $0xD0000000, s2;
	s6 =	simm.s32 $0x108;
	_ =	swait.ge @!p0 [sflag:s8], $0x0  }
0x24: {  	s3 =	sadd.s32 $0x88, s3;
	s6 =	simm.s32 @!p1 $0x1082;
	[sflag:s4] =	ssyncset.s32 $0xFFFFF086  }
0x25: {  	[simem:s6], [sflag:s4] =	dma.local [hbm:s3], $0xF7A  }
0x26: {  	[smem:$0x3F96] =	sst s1;
	(tag) =	ssettag s2;
	_ =	strace s9  }
0x27: {  	s1 =	sld [smem:$0x3FA6]  }
0x28: {  	s2 =	sld [smem:$0x3FA7]  }
0x29: {  	s4 =	sld [smem:$0x3FA9]  }
0x2a: {  	p0 =	seq.s32 s5, $0x0;
	s5 =	sld [smem:$0x3FAA]  }
0x2b: {  	s6 =	sld [smem:$0x3FAB]  }
0x2c: {  	s7 =	sld [smem:$0x3FAC]  }
0x2d: {  	s3 =	simm.s32 $0x108;
	s8 =	sld [smem:$0x3FAD]  }
0x2e: {  	s3 =	simm.s32 @!p0 $0x1082;
	s9 =	sld [smem:$0x3FAE]  }
0x2f: {  	lr =	sadd.s32 s0, s3;
	s0 =	sld [smem:$0x3FA5]  }
0x30: {  	s3 =	sld [smem:$0x3FA8]  }
0x31: {  	[smem:$0x3FB1] =	sst s10  }
0x32: {  	s10 =	sld [smem:$0x3FAF];
	_ =	sdelay $0x3  }
0x33: {  	p0 =	seq.s32 s10, $0x1;
	s10 =	sld [smem:$0x3FB1];
	_ =	sdelay $0x3  }
0x34: {  	[smem:$0x3FB1] =	sst s10  }
0x35: {  	s10 =	sld [smem:$0x3FB0];
	_ =	sdelay $0x3  }
0x36: {  	p1 =	seq.s32 s10, $0x1;
	s10 =	sld [smem:$0x3FB1];
	_ =	sdelay $0x3  }
0x37: {  	[smem:$0x3FB1] =	sst s10  }
0x38: {  	s10 =	sld [smem:$0x3FB2]  }
0x39: {  	_ = 	snop;
	(pc) =	sbr.ind lr, $3  }
0x3a: {  	_ = 	snop  }
0x3b: {  	_ = 	snop  }
0x3c: {  	p2 =	seq.s32 s10, $0x1;
	s10 =	sld [smem:$0x3FB1]  }
0x3d: {  	_ =	shalt  }
0x3e: {  	_ =	shalt  }
0x3f: {  	_ =	shalt  }
0x40: {  	_ =	shalt  }
0x41: {  	_ =	shalt  }
0x42: {  	_ =	shalt  }
0x43: {  	_ =	shalt  }
0x44: {  	_ =	shalt  }
0x45: {  	_ =	shalt  }
0x46: {  	_ =	shalt  }
0x47: {  	_ =	shalt  }
0x48: {  	_ =	shalt  }
0x49: {  	_ =	shalt  }
0x4a: {  	_ =	shalt  }
0x4b: {  	_ =	shalt  }
0x4c: {  	_ =	shalt  }
0x4d: {  	_ =	shalt  }
0x4e: {  	_ =	shalt  }
0x4f: {  	_ =	shalt  }
0x50: {  	_ =	shalt  }
0x51: {  	_ =	shalt  }
0x52: {  	_ =	shalt  }
0x53: {  	_ =	shalt  }
0x54: {  	_ =	shalt  }
0x55: {  	_ =	shalt  }
0x56: {  	_ =	shalt  }
0x57: {  	_ =	shalt  }
0x58: {  	_ =	shalt  }
0x59: {  	_ =	shalt  }
0x5a: {  	_ =	shalt  }
0x5b: {  	_ =	shalt  }
0x5c: {  	_ =	shalt  }
0x5d: {  	_ =	shalt  }
0x5e: {  	_ =	shalt  }
0x5f: {  	_ =	shalt  }
0x60: {  	_ =	shalt  }
0x61: {  	_ =	shalt  }
0x62: {  	_ =	shalt  }
0x63: {  	_ =	shalt  }
0x64: {  	_ =	shalt  }
0x65: {  	_ =	shalt  }
0x66: {  	_ =	shalt  }
0x67: {  	_ =	shalt  }
0x68: {  	_ =	shalt  }
0x69: {  	_ =	shalt  }
0x6a: {  	_ =	shalt  }
0x6b: {  	_ =	shalt  }
0x6c: {  	_ =	shalt  }
0x6d: {  	_ =	shalt  }
0x6e: {  	_ =	shalt  }
0x6f: {  	_ =	shalt  }
0x70: {  	_ =	shalt  }
0x71: {  	_ =	shalt  }
0x72: {  	_ =	shalt  }
0x73: {  	_ =	shalt  }
0x74: {  	_ =	shalt  }
0x75: {  	_ =	shalt  }
0x76: {  	_ =	shalt  }
0x77: {  	_ =	shalt  }
0x78: {  	_ =	shalt  }
0x79: {  	_ =	shalt  }
0x7a: {  	_ =	shalt  }
0x7b: {  	_ =	shalt  }
0x7c: {  	_ =	shalt  }
0x7d: {  	_ =	shalt  }
0x7e: {  	_ =	shalt  }
0x7f: {  	_ =	shalt  }
0x80: {  	_ =	shalt  }
0x81: {  	_ =	shalt  }
0x82: {  	_ =	shalt  }
0x83: {  	_ =	shalt  }
0x84: {  	_ =	shalt  }
0x85: {  	_ =	shalt  }
0x86: {  	_ =	shalt  }
0x87: {  	_ =	shalt  }
.Lfunc_end0:
.L_simem_size_0:
called_computation_lowered:
.L_overlay_start_0:
0x88: {  	s2 =	sld [smem:$0x3FD9]  }
0x89: {  	s3 =	sld [smem:$0x3FFE];
	_ =	sdelay $0x1  }
0x8a: {  	s1 =	srdreg.scid  }
0x8b: {  	s0 =	sand.u32 $0x1, s1  }
0x8c: {  	s17 =	sshll.u32 s0, $0xA;
	s2 =	sadd.s32 s3, s2  }
0x8d: {  	s2 =	sadd.s32 s2, s17  }
0x8e: {  	[smem:$0x3FBD] =	sst s2  }
0x8f: {  	_ = 	snop  }
0x90: {  	s2 =	sld [smem:$0x3FC9]  }
0x91: {  	s18 =	sld [smem:$0x3FD0];
	(tm) =	ssettm $0x1  }
0x92: {  	s4 =	sld [smem:$0x3FFB];
	_ =	sdelay $0x3  }
0x93: {  	_ =	strace s4  }
0x94: {  	s4 =	sld [smem:$0x3FFC];
	_ =	sdelay $0x3  }
0x95: {  	_ =	strace s4  }
0x96: {  	s4 =	sld [smem:$0x3FFD];
	_ =	sdelay $0x3  }
0x97: {  	_ =	strace s4  }
0x98: {  	_ =	strace $0x8FFFFFFF  }
0x99: {  	s19 =	sld [smem:$0x3FDB];
	_ =	sdelay $0x1  }
0x9a: {  	s5 =	simm.s32 $_scs_section_size  }
0x9b: {  	s6 =	simm.s32 $_size__tile_overlayer_lowered;
	s7 =	simm.s32 $_tile_overlayer_lowered  }
0x9c: {  	s22 =	simm.s32 $0x1BFF;
	s21 =	sshll.u32 s7, $0x1;
	s4 =	sadd.s32 s5, s19  }
0x9d: {  	s8 =	simm.s32 $0x0;
	s20 =	sshll.u32 s6, $0x1;
	s6 =	sadd.s32 s21, s4  }
0x9e: {  	[timem:s8], [sflag:s22] =	dma.local [hbm:s6], s20  }
0x9f: {  	_ =	swait.ge [sflag:s22], s20  }
0xa0: {  	s5 =	ssub.s32 $0x0, s20;
	[sflag:s22] =	ssyncset.done $0x0  }
0xa1: {  	[sflag:s22] =	ssyncadd.s32 s5;
	_ =	sdelay $0x1  }
0xa2: {  	s23 =	simm.s32 $0x1B8B  }
0xa3: {  	_ =	swait.ge [sflag:s23], $0x1  }
0xa4: {  	[sflag:s23] =	ssyncset.done $0x0  }
0xa5: {  	s25 =	simm.s32 $0x1B8E;
	s24 =	sld [smem:$0x3FFE];
	[sflag:s23] =	ssyncadd.s32 $0xFFFFFFFF  }
0xa6: {  	s26 =	simm.s32 $execute0_lowered;
	[smem:$0x3FD2] =	sst s25  }
0xa7: {  	s6 =	sshll.u32 s26, $0x1;
	_ =	strace $0x80000046;
	[dreg:$0x1] =	wrdreg $0xFFFFFFFF  }
0xa8: {  	s28 =	simm.s32 $_size_execute0_lowered;
	s4 =	sadd.s32 s4, s6;
	[dreg:$0x0] =	wrdreg $0x0  }
0xa9: {  	s6 =	sshll.u32 s28, $0x1;
	[dreg:$0x2] =	wrdreg s4  }
0xaa: {  	[dreg:$0x3] =	wrdreg s6  }
0xab: {  	[dreg:$0x4] =	wrdreg $0xC0  }
0xac: {  	_ =	task [dreg:s8], $0x5FFFF  }
0xad: {  	[dreg:$0x1] =	wrdreg $0xFFFFFFFF  }
0xae: {  	[dreg:$0x0] =	wrdreg $0x60  }
0xaf: {  	[dreg:$0x2] =	wrdreg s2  }
0xb0: {  	[dreg:$0x3] =	wrdreg s18  }
0xb1: {  	[dreg:$0x4] =	wrdreg s24  }
0xb2: {  	[dreg:$0x5] =	wrdreg $0xB0800  }
0xb3: {  	[dreg:$0x6] =	wrdreg $0x9  }
0xb4: {  	_ =	task.clear_ibuf [dreg:s8], $0x7FFFF;
	_ =	strace $0x90000046  }
0xb5: {  	s29 =	simm.s32 $0x9;
	_ =	strace $0x80000048  }
0xb6: {  	_ =	swait.ge [sflag:s29], $0x1  }
0xb7: {  	[sflag:s29] =	ssyncadd.s32 $0xFFFFFFFF  }
0xb8: {  	_ =	strace $0x90000048  }
0xb9: {  	_ =	sfence  }
0xba: {  	s30 =	sld [smem:$0x0];
	_ =	sdelay $0x2  }
0xbb: {  	s31 =	sshll.u32 s1, $0xD;
	s1 =	sshrl.u32 s1, $0x2  }
0xbc: {  	s3 =	sand.u32 $0x4000, s31;
	s1 =	sadd.s32 s1, s30  }
0xbd: {  	s0 =	sor.u32 s3, s0;
	s1 =	sshll.u32 s1, $0x11  }
0xbe: {  	s0 =	sor.u32 s1, s0  }
0xbf: {  	s0 =	sadd.s32 $0x8F2B, s0  }
0xc0: {  	[sflag:s0] =	ssyncadd.remote.s32 $0x1  }
0xc1: {  	_ =	sfence.sel $0xFFFF  }
0xc2: {  	[dreg:$0x0] =	wrdreg $0xFFFFFFFF;
	(pc) =	sbr.abs _section_cstart, $3  }
0xc3: {  	[dreg:$0x1] =	wrdreg $0xFFFFFFFF  }
0xc4: {  	_ =	task.clear_ibuf [dreg:s8], $0x2FFFF;
	_ =	strace $0x9FFFFFFF  }
0xc5: {  	(tm) =	ssettm $0x7FFFFFFF  }
tec
execute0_lowered:
.L_overlay_start_1:
0x0: {  	(tag) =	ssettag $0x1  }
0x1: {  	s1 =	rddreg [dreg:$0x0]  }
0x2: {  	s2 =	rddreg [dreg:$0x1]  }
0x3: {  	s0 =	rddreg [dreg:$0x2]  }
0x4: {  	s3 =	rddreg [dreg:$0x3];
	s4 =	srdreg.scid  }
0x5: {  	s6 =	simm.s32 $0x0;
	s11 =	stileid.u32;
	v0 =	vimm.s32 $0xBA98FEDC;
	v1 =	vimm.s32 $0x32107654;
	s13 =	simm.s32 $0x7  }
0x6: {  	s14 =	simm.s32 $0x8800;
	s15 =	simm.s32 $0x1C00;
	s16 =	simm.s32 $0x28;
	v2 =	vunpack.c.l.s4.s8 v0;
	v3 =	vunpack.c.l.s4.s8 v1  }
0x7: {  	v6 =	vimm.s32 $0xFEDCBA98;
	v9 =	vimm.s32 $0x67452301;
	s17 =	simm.s32 $0x3800;
	s18 =	simm.s32 $0x6000;
	s19 =	simm.s32 $0x1  }
0x8: {  	s20 =	simm.s32 $0x3;
	s21 =	simm.s32 $0x4C00;
	s22 =	simm.s32 $0x7400;
	v6 =	vunpack.c.l.s4.s8 v6;
	v2 =	vunpack.c.0.s8.s32 v2;
	v3 =	vunpack.c.0.s8.s32 v3  }
0x9: {  	v5 =	vimm.s32 $0x76543210;
	v7 =	vimm.s32 $0xDCFE98BA;
	s23 =	simm.s32 $0x2;
	s24 =	simm.s32 $0x4;
	s30 =	simm.s32 $0x0;
	v9 =	vunpack.c.l.s4.s8 v9  }
0xa: {  	[smem:$0x7FF] =	sst s6;
	s8 =	smul.u32 $0x13C00, s11;
	s6 =	sadd.s32 $0x1E00, s0;
	v5 =	vunpack.c.l.s4.s8 v5;
	v6 =	vunpack.c.0.s8.s32 v6;
	v8 =	vcombine.low v3, v2  }
0xb: {  	s4 =	sand.u32 $0x1, s4;
	s7 =	sadd.s32 $0x47E00, s0;
	s10 =	smul.u32 $0x4F000, s11;
	v2 =	vunpack.c.l.s4.s8 v7;
	v3 =	vimm.s32 $0x54761032;
	v7 =	vimm.s32 $0xEFCDAB89  }
0xc: {  	v4 =	vlaneseq.u32;
	s28 =	sshll.u32 s11, $0x1;
	s31 =	sshll.u32 s11, $0x6;
	s5 =	smul.u32 $0x13C000, s4;
	v3 =	vunpack.c.l.s4.s8 v3;
	v7 =	vunpack.c.l.s4.s8 v7  }
0xd: {  	_ =	strace $0x80000047;
	s25 =	ssub.s32 $0x2, s4;
	s4 =	sor.u32 s4, s28;
	v9 =	vunpack.c.0.s8.s32 v9;
	v5 =	vunpack.c.0.s8.s32 v5;
	v6 =	vand.u32 $0xF, v6  }
0xe: {  	s9 =	sshrl.u32 s25, $0x1;
	s29 =	sshrl.u32 s10, $0x2;
	s5 =	sadd.s32 s8, s5;
	v2 =	vunpack.c.0.s8.s32 v2;
	v3 =	vunpack.c.0.s8.s32 v3;
	v7 =	vunpack.c.0.s8.s32 v7  }
0xf: {  	vm0 =	vcmask $0x3F20;
	v0 =	vor.u32 $0x2710, v4;
	s26 =	ssub.s32 s25, s9;
	s12 =	sadd.s32 s29, s3;
	s5 =	sshrl.u32 s5, $0x3;
	v5 =	vcombine.low v6, v5  }
0x10: {  	v1 =	vor.u32 $0x2720, v4;
	s8 =	sor.u32 $0x1C07, s31;
	s9 =	smul.u32 $0x8C00, s4;
	s0 =	sadd.s32 s5, s0;
	v10 =	vcombine.low v3, v2;
	v9 =	vcombine.low v9, v7  }
0x11: {  	s25 =	simm.s32 $0x5;
	s11 =	smax.u32 s26, $0x1;
	s0 =	sadd.s32 $0x4A600, s0;
	v6 =	vand.u32 $0xF, v8;
	v2 =	vor.u32 $0x2730, v4;
	v3 =	vor.u32 $0x2740, v4  }
0x12: {  	s12 =	sshrl.u32 s12, $0x3;
	s26 =	simm.s32 $0x6;
	[dreg:$0x5] =	wrdreg s0;
	v4 =	vor.u32 $0x2750, v4;
	v7 =	vand.u32 $0xF, v10;
	v8 =	vand.u32 $0xF, v9  }
.LBB2_1:
0x13: {  	[spmem:s12], [sflag:s8] =	dma.local [hbm:s7], $0x2780  }
0x14: {  	_ =	swait.ge [sflag:s13], $0x2780  }
0x15: {  	[sflag:s13] =	ssyncset.done $0x0  }
0x16: {  	s0 =	simm.s32 $0x0;
	[sflag:s13] =	ssyncadd.s32 $0xFFFFD880  }
0x17: {  	[tilespmem:s14], [sflag:$0x7] =	stream.linear.gather [hbm4b:s7+s0], $0x2800, $0x38;
	[tilespmem:$0x1EC80] =	vst v63  }
0x18: {  	_ =	swait.ge [sflag:s13], $0x2800  }
0x19: {  	[sflag:s13] =	ssyncset.done $0x0  }
0x1a: {  	[sflag:s13] =	ssyncadd.s32 $0xFFFFD800  }
0x1b: {  	[tilespmem:$0xB000] =	vst v0  }
0x1c: {  	[tilespmem:$0xB010] =	vst v1  }
0x1d: {  	[tilespmem:$0xB020] =	vst v2  }
0x1e: {  	[tilespmem:$0xB030] =	vst v3  }
0x1f: {  	[tilespmem:$0xB040] =	vst v4  }
0x20: {  	s31 =	simm.s32 $0x0;
	[bflag:$0x0] =	sbarrier.arrive $0xFFFF  }
.LBB2_2:
0x21: {  	s0 =	smul.u32 $0x1C00, s31;
	_ =	sdelay $0x1  }
0x22: {  	s0 =	sadd.s32 s9, s0  }
0x23: {  	s0 =	sshrl.u32 s0, $0x3  }
0x24: {  	s4 =	sadd.s32 s6, s0;
	s0 =	simm.s32 $0x0  }
0x25: {  	[tilespmem:s0], [sflag:$0x7] =	stream.linear.gather [hbm4b:s4+s0], $0x1900, $0x38;
	[tilespmem:$0x1EC80] =	vst v63  }
0x26: {  	_ =	swait.ge [sflag:s13], $0x1900  }
0x27: {  	[sflag:s13] =	ssyncset.done $0x0  }
0x28: {  	s4 =	sadd.s32 $0x23000, s4;
	[sflag:s13] =	ssyncadd.s32 $0xFFFFE700  }
0x29: {  	[tilespmem:s15], [sflag:$0x7] =	stream.linear.gather [hbm4b:s4+s0], $0x1900, $0x38;
	[tilespmem:$0x1EC80] =	vst v63  }
0x2a: {  	_ =	swait.ge [sflag:s13], $0x1900  }
0x2b: {  	[sflag:s13] =	ssyncset.done $0x0  }
0x2c: {  	[sflag:s13] =	ssyncadd.s32 $0xFFFFE700  }
0x2d: {  	[tilespmem:s17], [sflag:$0x1] =	stream.indirect.gather [hbm4b:s1+s16], $0x80, s0, s16, $0xb8;
	[tilespmem:$0x1EC80] =	vst v63  }
0x2e: {  	_ = 	snop  }
0x2f: {  	[tilespmem:s18], [sflag:$0x3] =	stream.indirect.gather [hbm4b:s2+s16], $0x80, s15, s16, $0xb8;
	[tilespmem:$0x1EC80] =	vst v63  }
.LBB2_3:
0x30: {  	_ =	swait.ge [sflag:s19], $0x1400  }
0x31: {  	[sflag:s19] =	ssyncset.done $0x0  }
0x32: {  	[sflag:s19] =	ssyncadd.s32 $0xFFFFEC00  }
0x33: {  	_ =	swait.ge [sflag:s20], $0x1400  }
0x34: {  	p0 =	seq.s32 s0, $0x0;
	[sflag:s20] =	ssyncset.done $0x0  }
0x35: {  	s5 =	simm.s32 @!p0 $0x6;
	[sflag:s20] =	ssyncadd.s32 $0xFFFFEC00  }
0x36: {  	_ =	swait.ge @!p0 [sflag:s5], $0x1400  }
0x37: {  	s4 =	sshll.u32 s0, $0x8;
	[sflag:s5] =	ssyncset.done @!p0 $0x0  }
0x38: {  	s10 =	sor.u32 $0x80, s4;
	[sflag:s5] =	ssyncadd.s32 @!p0 $0xFFFFEC00  }
0x39: {  	[tilespmem:s21], [sflag:$0x2] =	stream.indirect.gather [hbm4b:s1+s16], $0x80, s10, s16, $0xb8;
	[tilespmem:$0x1EC80] =	vst v63  }
0x3a: {  	s10 =	sadd.s32 $0x1C80, s4  }
0x3b: {  	[tilespmem:s22], [sflag:$0x4] =	stream.indirect.gather [hbm4b:s2+s16], $0x80, s10, s16, $0xb8;
	[tilespmem:$0x1EC80] =	vst v63  }
0x3c: {  	v9 =	vld [tilespmem:s4+$0x1C00];
	_ =	sdelay $0x4  }
0x3d: {  	(xrf1) =	vunique.msk.u32 $0xffff, v9;
	_ =	sdelay $0xd  }
0x3e: {  	_, v10, vm1 =	vpop (xrf1);
	_ =	sdelay $0x3  }
0x3f: {  	v10 =	vcvt.s32.f32 v10;
	_ =	sdelay $0x1  }
0x40: {  	[tilespmem:v9+s14+$0x0] =	vst.idx.add.f32.msk vm1, v10  }
0x41: {  	v9 =	vld [tilespmem:s4+$0x1C10];
	_ =	sdelay $0x4  }
0x42: {  	(xrf1) =	vunique.msk.u32 $0xffff, v9;
	_ =	sdelay $0xd  }
0x43: {  	_, v10, vm1 =	vpop (xrf1);
	_ =	sdelay $0x3  }
0x44: {  	v10 =	vcvt.s32.f32 v10;
	_ =	sdelay $0x1  }
0x45: {  	[tilespmem:v9+s14+$0x0] =	vst.idx.add.f32.msk vm1, v10  }
0x46: {  	v9 =	vld [tilespmem:s4+$0x1C18];
	_ =	sdelay $0x4  }
0x47: {  	(xrf1) =	vunique.msk.u32 vm0, v9;
	_ =	sdelay $0xd  }
0x48: {  	_, v10, vm1 =	vpop (xrf1)  }
0x49: {  	vm1 =	vmand vm1, vm0;
	_ =	sdelay $0x3  }
0x4a: {  	v10 =	vcvt.s32.f32 v10;
	_ =	sdelay $0x1  }
0x4b: {  	s29 =	simm.s32 $0x0;
	s28 =	sadd.s32 $0x1C00, s4;
	s5 =	sshll.u32 s0, $0x1;
	[tilespmem:v9+s14+$0x0] =	vst.idx.add.f32.msk vm1, v10  }
.LBB2_4:
0x4c: {  	s10 =	sshra.s32 s29, $0x2  }
0x4d: {  	v9 =	vld [tilespmem:s10+$0x3800]  }
0x4e: {  	v10 =	vld [tilespmem:s10+$0x6000]  }
0x4f: {  	v11 =	vld [tilespmem:s10+$0x3810]  }
0x50: {  	v12 =	vld [tilespmem:s10+$0x6010]  }
0x51: {  	v13 =	vld [tilespmem:s10+$0x3820]  }
0x52: {  	v14 =	vld [tilespmem:s10+$0x6020]  }
0x53: {  	v15 =	vld [tilespmem:s10+$0x3830]  }
0x54: {  	v16 =	vld [tilespmem:s10+$0x6030]  }
0x55: {  	v19 =	vld [tilespmem:s10+$0x3840]  }
0x56: {  	v20 =	vld [tilespmem:s10+$0x6040]  }
0x57: {  	v21 =	vld [tilespmem:s10+$0x3850]  }
0x58: {  	v24 =	vld [tilespmem:s10+$0x6050]  }
0x59: {  	v25 =	vld [tilespmem:s10+$0x3860]  }
0x5a: {  	v26 =	vld [tilespmem:s10+$0x6060]  }
0x5b: {  	v27 =	vld [tilespmem:s10+$0x3870]  }
0x5c: {  	v28 =	vld [tilespmem:s10+$0x6070]  }
0x5d: {  	v29 =	vld [tilespmem:s10+$0x3880]  }
0x5e: {  	v50 =	vld [tilespmem:s10+$0x6090]  }
0x5f: {  	v30 =	vld [tilespmem:s10+$0x38A0]  }
0x60: {  	v53 =	vld [tilespmem:s10+$0x60A0]  }
0x61: {  	v31 =	vld [tilespmem:s10+$0x38B0]  }
0x62: {  	v32 =	vld [tilespmem:s10+$0x60B0]  }
0x63: {  	v58 =	vld [tilespmem:s10+$0x38D0]  }
0x64: {  	v33 =	vld [tilespmem:s10+$0x60D0]  }
0x65: {  	v37 =	vld [tilespmem:s10+$0x38F0]  }
0x66: {  	v38 =	vld [tilespmem:s10+$0x60F0];
	v23 =	vsub.f32 v9, v10;
	v17 =	vsub.f32 v11, v12  }
0x67: {  	v63 =	vld [tilespmem:s10+$0x3910];
	v22 =	vsub.f32 v13, v14;
	v18 =	vsub.f32 v15, v16  }
0x68: {  	v9 =	vld [tilespmem:s10+$0x6080];
	v20 =	vsub.f32 v19, v20;
	v11 =	vmul.f32 v23, v23;
	v12 =	vmul.f32 v17, v17  }
0x69: {  	v10 =	vld [tilespmem:s10+$0x3890];
	v24 =	vsub.f32 v21, v24;
	v51 =	vadd.f32 v17, v23  }
0x6a: {  	v46 =	vld [tilespmem:s10+$0x6110];
	v26 =	vsub.f32 v25, v26;
	v52 =	vmul.f32 v22, v22;
	v11 =	vadd.f32 v12, v11  }
0x6b: {  	v55 =	vld [tilespmem:s10+$0x38C0];
	v19 =	vsub.f32 v58, v33;
	v14 =	vadd.f32 v22, v51  }
0x6c: {  	v56 =	vld [tilespmem:s10+$0x60C0];
	v33 =	vsub.f32 v37, v38;
	v54 =	vmul.f32 v18, v18;
	v11 =	vadd.f32 v52, v11  }
0x6d: {  	v35 =	vld [tilespmem:s10+$0x38E0];
	v15 =	vsub.f32 v29, v9;
	v14 =	vadd.f32 v18, v14  }
0x6e: {  	v57 =	vmul.f32 v20, v20;
	v9 =	vsub.f32 v10, v50;
	v50 =	vld [tilespmem:s10+$0x3930];
	v11 =	vadd.f32 v54, v11  }
0x6f: {  	v34 =	vmul.f32 v24, v24;
	v12 =	vsub.f32 v63, v46;
	v52 =	vld [tilespmem:s10+$0x6130];
	v14 =	vadd.f32 v20, v14  }
0x70: {  	v60 =	vld [tilespmem:s10+$0x3900];
	v29 =	vsub.f32 v27, v28;
	v10 =	vmul.f32 v15, v15;
	v11 =	vadd.f32 v57, v11  }
0x71: {  	v61 =	vld [tilespmem:s10+$0x6100];
	v13 =	vmul.f32 v9, v9;
	v59 =	vadd.f32 v9, v15;
	v14 =	vadd.f32 v24, v14  }
0x72: {  	v63 =	vld [tilespmem:s10+$0x6170];
	v34 =	vadd.f32 v34, v11;
	v11 =	vsub.f32 v30, v53  }
0x73: {  	v62 =	vmul.f32 v26, v26;
	v13 =	vadd.f32 v13, v10;
	v10 =	vsub.f32 v31, v32;
	v31 =	vld [tilespmem:s10+$0x3970]  }
0x74: {  	v36 =	vld [tilespmem:s10+$0x60E0];
	v21 =	vsub.f32 v50, v52;
	v14 =	vadd.f32 v26, v14;
	v30 =	vmul.f32 v11, v11  }
0x75: {  	v39 =	vld [tilespmem:s10+$0x3920];
	v16 =	vadd.f32 v11, v59;
	v32 =	vadd.f32 v62, v34  }
0x76: {  	v49 =	vld [tilespmem:s10+$0x6120];
	v40 =	vadd.f32 v29, v14;
	v44 =	vadd.f32 v30, v13  }
0x77: {  	v47 =	vmul.f32 v29, v29;
	v53 =	vld [tilespmem:s10+$0x3940];
	v13 =	vsub.f32 v55, v56;
	v16 =	vadd.f32 v10, v16  }
0x78: {  	v45 =	vmul.f32 v10, v10;
	v14 =	vsub.f32 v60, v61;
	v34 =	vsub.f32 v31, v63;
	v55 =	vld [tilespmem:s10+$0x6140]  }
0x79: {  	v42 =	vmul.f32 v12, v12;
	v32 =	vadd.f32 v47, v32;
	v16 =	vadd.f32 v13, v16  }
0x7a: {  	v43 =	vld [tilespmem:s10+$0x6160];
	v30 =	vsub.f32 v35, v36;
	v28 =	vadd.f32 v45, v44;
	v48 =	vmul.f32 v13, v13  }
0x7b: {  	v58 =	vld [tilespmem:s10+$0x6150];
	v41 =	vmul.f32 v14, v14;
	v54 =	vadd.f32 v19, v16;
	v16 =	vsub.f32 v39, v49  }
0x7c: {  	v51 =	vmul.f32 v19, v19;
	v56 =	vld [tilespmem:s10+$0x3950];
	v57 =	vadd.f32 v12, v14;
	v28 =	vadd.f32 v48, v28  }
0x7d: {  	v60 =	vld [tilespmem:s10+$0x3960];
	v41 =	vadd.f32 v42, v41;
	v25 =	vsub.f32 v53, v55;
	v59 =	vmul.f32 v16, v16  }
0x7e: {  	v61 =	vmul.f32 v30, v30;
	v55 =	vld [tilespmem:s10+$0x6180];
	v28 =	vadd.f32 v51, v28;
	v35 =	vadd.f32 v16, v57  }
0x7f: {  	v62 =	vmul.f32 v21, v21;
	v27 =	vadd.f32 v30, v54;
	v54 =	vld [tilespmem:s10+$0x3980];
	v41 =	vadd.f32 v59, v41  }
0x80: {  	v57 =	vld [tilespmem:s10+$0x3990];
	v53 =	vmul.f32 v25, v25;
	v44 =	vadd.f32 v61, v28;
	v51 =	vadd.f32 v21, v35  }
0x81: {  	v42 =	vadd.f32 v33, v27;
	v27 =	vsub.f32 v56, v58;
	v56 =	vmul.f32 v33, v33;
	v58 =	vld [tilespmem:s10+$0x6190]  }
0x82: {  	v28 =	vsub.f32 v60, v43;
	v59 =	vperm.xlane v40, v5;
	v52 =	vadd.f32 v62, v41  }
0x83: {  	v63 =	vld [tilespmem:s10+$0x39B0];
	v61 =	vperm.xlane v32, v5;
	v45 =	vadd.f32 v25, v51;
	v39 =	vadd.f32 v56, v44  }
0x84: {  	v47 =	vld [tilespmem:s10+$0x39A0];
	v40 =	vadd.f32 v59, v40;
	v35 =	vadd.f32 v53, v52  }
0x85: {  	v48 =	vld [tilespmem:s10+$0x61A0];
	v46 =	vmul.f32 v27, v27;
	v60 =	vadd.f32 v27, v45;
	v45 =	vadd.f32 v61, v32  }
0x86: {  	v51 =	vperm.xlane v40, v6;
	v32 =	vsub.f32 v54, v55;
	v52 =	vld [tilespmem:s10+$0x61B0];
	v31 =	vsub.f32 v57, v58  }
0x87: {  	v49 =	vld [tilespmem:s10+$0x39C0];
	v62 =	vmul.f32 v28, v28;
	v35 =	vadd.f32 v46, v35;
	v44 =	vadd.f32 v28, v60  }
0x88: {  	v57 =	vld [tilespmem:s10+$0x61C0];
	v53 =	vperm.xlane v45, v6;
	v40 =	vadd.f32 v51, v40;
	v55 =	vmul.f32 v32, v32  }
0x89: {  	v56 =	vmul.f32 v31, v31;
	v59 =	vadd.f32 v31, v32;
	v35 =	vadd.f32 v62, v35  }
0x8a: {  	v54 =	vmul.f32 v34, v34;
	v41 =	vadd.f32 v34, v44;
	v38 =	vadd.f32 v53, v45  }
0x8b: {  	v58 =	vperm.xlane v40, v7;
	v44 =	vadd.f32 v56, v55;
	v36 =	vsub.f32 v63, v52  }
0x8c: {  	v45 =	vld [tilespmem:s10+$0x39E0];
	v43 =	vadd.f32 v54, v35;
	v35 =	vsub.f32 v47, v48;
	v60 =	vperm.xlane v38, v7  }
0x8d: {  	v40 =	vadd.f32 v58, v40;
	v37 =	vsub.f32 v49, v57;
	v57 =	vld [tilespmem:s10+$0x61E0];
	v58 =	vperm.xlane v42, v5  }
0x8e: {  	v63 =	vld [tilespmem:s10+$0x61D0];
	v50 =	vmul.f32 v35, v35;
	v61 =	vadd.f32 v35, v59;
	v38 =	vadd.f32 v60, v38  }
0x8f: {  	v47 =	vld [tilespmem:s10+$0x39D0];
	v55 =	vperm.xlane v40, v8;
	v59 =	vadd.f32 v58, v42;
	v60 =	vperm.xlane v39, v5  }
0x90: {  	v62 =	vmul.f32 v36, v36;
	v44 =	vadd.f32 v50, v44;
	v51 =	vadd.f32 v36, v61  }
0x91: {  	v56 =	vperm.xlane v38, v8;
	v40 =	vadd.f32 v55, v40;
	v42 =	vadd.f32 v60, v39  }
0x92: {  	v61 =	vmul.f32 v37, v37;
	v39 =	vsub.f32 v45, v57;
	v44 =	vadd.f32 v62, v44  }
0x93: {  	v53 =	vperm.xlane v59, v6;
	v51 =	vadd.f32 v37, v51;
	v49 =	vadd.f32 v56, v38  }
0x94: {  	v52 =	vmul.f32 $7.812500000e-03, v40;
	v38 =	vsub.f32 v47, v63;
	v56 =	vperm.xlane v42, v6  }
0x95: {  	v40 =	vadd.f32 v53, v59;
	v58 =	vmul.f32 v39, v39;
	v44 =	vadd.f32 v61, v44  }
0x96: {  	v62 =	vmul.f32 $7.812500000e-03, v49;
	v57 =	vadd.f32 v38, v51;
	v42 =	vadd.f32 v56, v42  }
0x97: {  	v59 =	vld [tilespmem:s10+$0x61F0];
	v63 =	vmul.f32 v52, v52;
	v23 =	vsub.f32 v23, v52;
	v17 =	vsub.f32 v17, v52  }
0x98: {  	v54 =	vmul.f32 v38, v38;
	v49 =	vld [tilespmem:s10+$0x39F0];
	v22 =	vsub.f32 v22, v52;
	v18 =	vsub.f32 v18, v52  }
0x99: {  	v60 =	vperm.xlane v40, v7;
	v20 =	vsub.f32 v20, v52;
	v55 =	vsub.f32 v62, v63  }
0x9a: {  	v44 =	vadd.f32 v54, v44;
	v61 =	vadd.f32 v39, v57;
	v57 =	vperm.xlane v42, v7  }
0x9b: {  	v63 =	vadd.f32 v60, v40;
	v54 =	vperm.xlane v43, v5;
	v45 =	vadd.f32 $9.999999740e-06, v55  }
0x9c: {  	v44 =	vadd.f32 v58, v44;
	v58 =	vperm.xlane v41, v5;
	v42 =	vadd.f32 v57, v42  }
0x9d: {  	v53 =	vperm.xlane v63, v8;
	v43 =	vadd.f32 v54, v43;
	v40 =	vsub.f32 v49, v59  }
0x9e: {  	v62 =	vshra.s32 v45, $0x1;
	v45 =	vmul.f32 $5.000000000e-01, v45;
	v41 =	vadd.f32 v58, v41  }
0x9f: {  	v48 =	vadd.f32 v53, v63;
	v60 =	vperm.xlane v42, v8;
	v47 =	vsub.s32 $0x5F3759DF, v62  }
0xa0: {  	v46 =	vadd.f32 v40, v61;
	v61 =	vperm.xlane v43, v6;
	v62 =	vmul.f32 v40, v40  }
0xa1: {  	v24 =	vsub.f32 v24, v52;
	v59 =	vmul.f32 v47, v45;
	v51 =	vperm.xlane v41, v6  }
0xa2: {  	v48 =	vmul.f32 $7.812500000e-03, v48;
	v42 =	vadd.f32 v60, v42;
	v43 =	vadd.f32 v61, v43  }
0xa3: {  	v57 =	vperm.xlane v46, v5;
	v49 =	vmul.f32 v47, v59;
	v41 =	vadd.f32 v51, v41  }
0xa4: {  	v44 =	vadd.f32 v62, v44;
	v42 =	vmul.f32 $7.812500000e-03, v42;
	v63 =	vmul.f32 v48, v48  }
0xa5: {  	v58 =	vperm.xlane v43, v7;
	v46 =	vadd.f32 v57, v46;
	v56 =	vperm.xlane v41, v7  }
0xa6: {  	v59 =	vperm.xlane v44, v5;
	v49 =	vsub.f32 $1.500000000e+00, v49;
	v42 =	vsub.f32 v42, v63  }
0xa7: {  	v43 =	vadd.f32 v58, v43;
	v41 =	vadd.f32 v56, v41  }
0xa8: {  	v61 =	vperm.xlane v46, v6;
	v44 =	vadd.f32 v59, v44;
	v47 =	vmul.f32 v47, v49  }
0xa9: {  	v42 =	vadd.f32 $9.999999740e-06, v42;
	v63 =	vperm.xlane v43, v8;
	v60 =	vperm.xlane v41, v8  }
0xaa: {  	v46 =	vadd.f32 v61, v46;
	v55 =	vperm.xlane v44, v6;
	v45 =	vmul.f32 v47, v45  }
0xab: {  	v62 =	vshra.s32 v42, $0x1;
	v42 =	vmul.f32 $5.000000000e-01, v42;
	v41 =	vadd.f32 v60, v41  }
0xac: {  	v50 =	vsub.s32 $0x5F3759DF, v62;
	v51 =	vperm.xlane v46, v7;
	v44 =	vadd.f32 v55, v44  }
0xad: {  	v43 =	vadd.f32 v63, v43;
	v45 =	vmul.f32 v45, v47;
	v41 =	vmul.f32 $7.812500000e-03, v41  }
0xae: {  	v54 =	vsub.f32 v26, v52;
	v56 =	vmul.f32 v50, v42;
	v58 =	vperm.xlane v44, v7  }
0xaf: {  	v43 =	vmul.f32 $7.812500000e-03, v43;
	v46 =	vadd.f32 v51, v46;
	v57 =	vmul.f32 v41, v41  }
0xb0: {  	v45 =	vsub.f32 $1.500000000e+00, v45;
	v59 =	vmul.f32 v50, v56;
	v44 =	vadd.f32 v58, v44  }
0xb1: {  	v15 =	vsub.f32 v15, v48;
	v60 =	vperm.xlane v46, v8;
	v43 =	vsub.f32 v43, v57  }
0xb2: {  	v45 =	vmul.f32 v45, v47;
	v47 =	vsub.f32 $1.500000000e+00, v59;
	v61 =	vperm.xlane v44, v8  }
0xb3: {  	v46 =	vadd.f32 v60, v46;
	v43 =	vadd.f32 $9.999999740e-06, v43  }
0xb4: {  	v23 =	vmul.f32 v45, v23;
	v47 =	vmul.f32 v50, v47;
	v44 =	vadd.f32 v61, v44  }
0xb5: {  	v46 =	vmul.f32 $7.812500000e-03, v46;
	v49 =	vmul.f32 $5.000000000e-01, v43;
	v43 =	vshra.s32 v43, $0x1  }
0xb6: {  	v42 =	vmul.f32 v47, v42;
	v44 =	vmul.f32 $7.812500000e-03, v44;
	v43 =	vsub.s32 $0x5F3759DF, v43  }
0xb7: {  	v9 =	vsub.f32 v9, v48;
	v62 =	vmul.f32 v46, v46;
	v63 =	vmul.f32 v43, v49  }
0xb8: {  	v11 =	vsub.f32 v11, v48;
	v17 =	vmul.f32 v45, v17;
	v42 =	vmul.f32 v42, v47  }
0xb9: {  	v22 =	vmul.f32 v45, v22;
	[tilespmem:s10+$0x6000] =	vst v23;
	v44 =	vsub.f32 v44, v62;
	v55 =	vmul.f32 v43, v63  }
0xba: {  	v18 =	vmul.f32 v45, v18;
	v20 =	vmul.f32 v45, v20;
	[tilespmem:s10+$0x6010] =	vst v17;
	v42 =	vsub.f32 $1.500000000e+00, v42  }
0xbb: {  	v53 =	vmul.f32 v45, v24;
	[tilespmem:s10+$0x6020] =	vst v22;
	v60 =	vadd.f32 $9.999999740e-06, v44;
	v59 =	vsub.f32 $1.500000000e+00, v55  }
0xbc: {  	v56 =	vsub.f32 v29, v52;
	v58 =	vmul.f32 v45, v54;
	[tilespmem:s10+$0x6030] =	vst v18;
	v57 =	vmul.f32 v42, v47  }
0xbd: {  	[tilespmem:s10+$0x6040] =	vst v20;
	v62 =	vshra.s32 v60, $0x1;
	v63 =	vmul.f32 $5.000000000e-01, v60;
	v61 =	vmul.f32 v43, v59  }
0xbe: {  	v17 =	vmul.f32 v45, v56;
	[tilespmem:s10+$0x6050] =	vst v53;
	v15 =	vmul.f32 v57, v15;
	v20 =	vsub.s32 $0x5F3759DF, v62  }
0xbf: {  	[tilespmem:s10+$0x6060] =	vst v58;
	v42 =	vmul.f32 v20, v63;
	v26 =	vmul.f32 v61, v49  }
0xc0: {  	v10 =	vsub.f32 v10, v48;
	[tilespmem:s10+$0x6070] =	vst v17;
	v9 =	vmul.f32 v57, v9;
	v11 =	vmul.f32 v57, v11  }
0xc1: {  	v13 =	vsub.f32 v13, v48;
	[tilespmem:s10+$0x6080] =	vst v15;
	v44 =	vmul.f32 v20, v42;
	v43 =	vmul.f32 v26, v61  }
0xc2: {  	v45 =	vsub.f32 v30, v48;
	[tilespmem:s10+$0x6090] =	vst v9;
	v9 =	vmul.f32 v57, v10;
	v10 =	vsub.f32 v19, v48  }
0xc3: {  	[tilespmem:s10+$0x60A0] =	vst v11;
	v11 =	vmul.f32 v57, v13;
	v49 =	vsub.f32 $1.500000000e+00, v44;
	v47 =	vsub.f32 $1.500000000e+00, v43  }
0xc4: {  	v50 =	vsub.f32 v33, v48;
	[tilespmem:s10+$0x60B0] =	vst v9;
	v9 =	vmul.f32 v57, v10;
	v10 =	vmul.f32 v57, v45  }
0xc5: {  	v51 =	vsub.f32 v14, v41;
	[tilespmem:s10+$0x60C0] =	vst v11;
	v52 =	vmul.f32 v20, v49;
	v11 =	vmul.f32 v47, v61  }
0xc6: {  	v12 =	vsub.f32 v12, v41;
	[tilespmem:s10+$0x60D0] =	vst v9;
	v9 =	vmul.f32 v57, v50  }
0xc7: {  	v53 =	vsub.f32 v16, v41;
	[tilespmem:s10+$0x60E0] =	vst v10;
	v15 =	vmul.f32 v52, v63;
	v10 =	vmul.f32 v11, v51  }
0xc8: {  	v54 =	vsub.f32 v21, v41;
	[tilespmem:s10+$0x60F0] =	vst v9;
	v9 =	vmul.f32 v11, v12  }
0xc9: {  	v55 =	vsub.f32 v25, v41;
	v15 =	vmul.f32 v15, v52;
	[tilespmem:s10+$0x6100] =	vst v10;
	v10 =	vmul.f32 v11, v53  }
0xca: {  	v56 =	vsub.f32 v27, v41;
	[tilespmem:s10+$0x6110] =	vst v9;
	v9 =	vmul.f32 v11, v54  }
0xcb: {  	v57 =	vsub.f32 v28, v41;
	v15 =	vsub.f32 $1.500000000e+00, v15;
	[tilespmem:s10+$0x6120] =	vst v10;
	v10 =	vmul.f32 v11, v55  }
0xcc: {  	v58 =	vsub.f32 v34, v41;
	[tilespmem:s10+$0x6130] =	vst v9;
	v9 =	vmul.f32 v11, v56  }
0xcd: {  	v60 =	vsub.f32 v32, v46;
	v59 =	vmul.f32 v15, v52;
	[tilespmem:s10+$0x6140] =	vst v10;
	v10 =	vmul.f32 v11, v57  }
0xce: {  	[tilespmem:s10+$0x6150] =	vst v9;
	v9 =	vmul.f32 v11, v58;
	v11 =	vsub.f32 v31, v46  }
0xcf: {  	v61 =	vsub.f32 v35, v46;
	[tilespmem:s10+$0x6160] =	vst v10;
	v10 =	vmul.f32 v59, v60  }
0xd0: {  	[tilespmem:s10+$0x6170] =	vst v9;
	v9 =	vmul.f32 v59, v11;
	v11 =	vsub.f32 v36, v46  }
0xd1: {  	v62 =	vsub.f32 v37, v46;
	[tilespmem:s10+$0x6180] =	vst v10;
	v10 =	vmul.f32 v59, v61  }
0xd2: {  	[tilespmem:s10+$0x6190] =	vst v9;
	v9 =	vmul.f32 v59, v11;
	v11 =	vsub.f32 v38, v46  }
0xd3: {  	p0 =	sne.s32 s29, $0x4800;
	v63 =	vsub.f32 v39, v46;
	[tilespmem:s10+$0x61A0] =	vst v10;
	v10 =	vmul.f32 v59, v62  }
.Ltmp0:
0xd4: {  	[tilespmem:s10+$0x61B0] =	vst v9;
	v9 =	vmul.f32 v59, v11;
	v11 =	vsub.f32 v40, v46;
	(pc) =	sbr.rel @p0 .LBB2_4-.Ltmp0, $4  }
0xd5: {  	[tilespmem:s10+$0x61C0] =	vst v10;
	v10 =	vmul.f32 v59, v63  }
0xd6: {  	[tilespmem:s10+$0x61D0] =	vst v9;
	v9 =	vmul.f32 v59, v11  }
0xd7: {  	[tilespmem:s10+$0x61E0] =	vst v10  }
0xd8: {  	s29 =	sadd.s32 $0x800, s29;
	[tilespmem:s10+$0x61F0] =	vst v9  }
0xd9: {  	[spmem:s3] =	stream.indirect.scatter.add.f32 [tilespmem:s18], [sflag:$0x5], $0x80, s28, s16, $0xb8;
	[tilespmem:$0x1EC80] =	vst v63  }
0xda: {  	_ =	swait.ge [sflag:s23], $0x1400  }
0xdb: {  	[sflag:s23] =	ssyncset.done $0x0  }
0xdc: {  	[sflag:s23] =	ssyncadd.s32 $0xFFFFEC00  }
0xdd: {  	_ =	swait.ge [sflag:s24], $0x1400  }
0xde: {  	[sflag:s24] =	ssyncset.done $0x0  }
0xdf: {  	s5 =	sor.u32 $0x1, s5;
	[sflag:s24] =	ssyncadd.s32 $0xFFFFEC00  }
0xe0: {  	p0 =	sgt.u32 s5, $0x30;
	_ =	swait.ge [sflag:s25], $0x1400  }
0xe1: {  	s10 =	sadd.s32 @!p0 $0x100, s4;
	[sflag:s25] =	ssyncset.done $0x0  }
0xe2: {  	s28 =	simm.s32 @!p0 $0x28;
	s29 =	simm.s32 @!p0 $0x3800;
	[sflag:s25] =	ssyncadd.s32 $0xFFFFEC00  }
0xe3: {  	[tilespmem:s29], [sflag:$0x1] =	stream.indirect.gather @!p0 [hbm4b:s1+s28], $0x80, s10, s28, $0xb8;
	[tilespmem:$0x1EC80] =	vst v63  }
0xe4: {  	s4 =	sadd.s32 @!p0 $0x1D00, s4;
	s10 =	simm.s32 @!p0 $0x6000;
	s29 =	sshll.u32 s5, $0x7  }
0xe5: {  	[tilespmem:s10], [sflag:$0x3] =	stream.indirect.gather @!p0 [hbm4b:s2+s28], $0x80, s4, s28, $0xb8;
	[tilespmem:$0x1EC80] =	vst v63  }
0xe6: {  	s4 =	sand.u32 $0x3FFFFF80, s29  }
0xe7: {  	v9 =	vld [tilespmem:s4+$0x1C00];
	_ =	sdelay $0x4  }
0xe8: {  	(xrf1) =	vunique.msk.u32 $0xffff, v9;
	_ =	sdelay $0xd  }
0xe9: {  	_, v10, vm1 =	vpop (xrf1);
	_ =	sdelay $0x3  }
0xea: {  	v10 =	vcvt.s32.f32 v10;
	_ =	sdelay $0x1  }
0xeb: {  	[tilespmem:v9+s14+$0x0] =	vst.idx.add.f32.msk vm1, v10  }
0xec: {  	v9 =	vld [tilespmem:s4+$0x1C10];
	_ =	sdelay $0x4  }
0xed: {  	(xrf1) =	vunique.msk.u32 $0xffff, v9;
	_ =	sdelay $0xd  }
0xee: {  	_, v10, vm1 =	vpop (xrf1);
	_ =	sdelay $0x3  }
0xef: {  	v10 =	vcvt.s32.f32 v10;
	_ =	sdelay $0x1  }
0xf0: {  	[tilespmem:v9+s14+$0x0] =	vst.idx.add.f32.msk vm1, v10  }
0xf1: {  	v9 =	vld [tilespmem:s4+$0x1C18];
	_ =	sdelay $0x4  }
0xf2: {  	(xrf1) =	vunique.msk.u32 vm0, v9;
	_ =	sdelay $0xd  }
0xf3: {  	_, v10, vm1 =	vpop (xrf1)  }
0xf4: {  	vm1 =	vmand vm1, vm0;
	_ =	sdelay $0x3  }
0xf5: {  	v10 =	vcvt.s32.f32 v10;
	_ =	sdelay $0x1  }
0xf6: {  	s5 =	simm.s32 $0x0;
	s4 =	sadd.s32 $0x1C00, s4;
	[tilespmem:v9+s14+$0x0] =	vst.idx.add.f32.msk vm1, v10  }
.LBB2_6:
0xf7: {  	s10 =	sshra.s32 s5, $0x2  }
0xf8: {  	v9 =	vld [tilespmem:s10+$0x4C00]  }
0xf9: {  	v10 =	vld [tilespmem:s10+$0x7400]  }
0xfa: {  	v11 =	vld [tilespmem:s10+$0x4C10]  }
0xfb: {  	v12 =	vld [tilespmem:s10+$0x7410]  }
0xfc: {  	v13 =	vld [tilespmem:s10+$0x4C20]  }
0xfd: {  	v14 =	vld [tilespmem:s10+$0x7420]  }
0xfe: {  	v15 =	vld [tilespmem:s10+$0x4C30]  }
0xff: {  	v16 =	vld [tilespmem:s10+$0x7430]  }
0x100: {  	v19 =	vld [tilespmem:s10+$0x4C40]  }
0x101: {  	v20 =	vld [tilespmem:s10+$0x7440]  }
0x102: {  	v21 =	vld [tilespmem:s10+$0x4C50]  }
0x103: {  	v24 =	vld [tilespmem:s10+$0x7450]  }
0x104: {  	v25 =	vld [tilespmem:s10+$0x4C60]  }
0x105: {  	v26 =	vld [tilespmem:s10+$0x7460]  }
0x106: {  	v27 =	vld [tilespmem:s10+$0x4C70]  }
0x107: {  	v28 =	vld [tilespmem:s10+$0x7470]  }
0x108: {  	v29 =	vld [tilespmem:s10+$0x4C80]  }
0x109: {  	v50 =	vld [tilespmem:s10+$0x7490]  }
0x10a: {  	v30 =	vld [tilespmem:s10+$0x4CA0]  }
0x10b: {  	v53 =	vld [tilespmem:s10+$0x74A0]  }
0x10c: {  	v31 =	vld [tilespmem:s10+$0x4CB0]  }
0x10d: {  	v32 =	vld [tilespmem:s10+$0x74B0]  }
0x10e: {  	v58 =	vld [tilespmem:s10+$0x4CD0]  }
0x10f: {  	v33 =	vld [tilespmem:s10+$0x74D0]  }
0x110: {  	v37 =	vld [tilespmem:s10+$0x4CF0]  }
0x111: {  	v38 =	vld [tilespmem:s10+$0x74F0];
	v23 =	vsub.f32 v9, v10;
	v17 =	vsub.f32 v11, v12  }
0x112: {  	v63 =	vld [tilespmem:s10+$0x4D10];
	v22 =	vsub.f32 v13, v14;
	v18 =	vsub.f32 v15, v16  }
0x113: {  	v9 =	vld [tilespmem:s10+$0x7480];
	v20 =	vsub.f32 v19, v20;
	v11 =	vmul.f32 v23, v23;
	v12 =	vmul.f32 v17, v17  }
0x114: {  	v10 =	vld [tilespmem:s10+$0x4C90];
	v24 =	vsub.f32 v21, v24;
	v51 =	vadd.f32 v17, v23  }
0x115: {  	v46 =	vld [tilespmem:s10+$0x7510];
	v26 =	vsub.f32 v25, v26;
	v52 =	vmul.f32 v22, v22;
	v11 =	vadd.f32 v12, v11  }
0x116: {  	v55 =	vld [tilespmem:s10+$0x4CC0];
	v19 =	vsub.f32 v58, v33;
	v14 =	vadd.f32 v22, v51  }
0x117: {  	v56 =	vld [tilespmem:s10+$0x74C0];
	v33 =	vsub.f32 v37, v38;
	v54 =	vmul.f32 v18, v18;
	v11 =	vadd.f32 v52, v11  }
0x118: {  	v35 =	vld [tilespmem:s10+$0x4CE0];
	v15 =	vsub.f32 v29, v9;
	v14 =	vadd.f32 v18, v14  }
0x119: {  	v57 =	vmul.f32 v20, v20;
	v9 =	vsub.f32 v10, v50;
	v50 =	vld [tilespmem:s10+$0x4D30];
	v11 =	vadd.f32 v54, v11  }
0x11a: {  	v34 =	vmul.f32 v24, v24;
	v12 =	vsub.f32 v63, v46;
	v52 =	vld [tilespmem:s10+$0x7530];
	v14 =	vadd.f32 v20, v14  }
0x11b: {  	v60 =	vld [tilespmem:s10+$0x4D00];
	v29 =	vsub.f32 v27, v28;
	v10 =	vmul.f32 v15, v15;
	v11 =	vadd.f32 v57, v11  }
0x11c: {  	v61 =	vld [tilespmem:s10+$0x7500];
	v13 =	vmul.f32 v9, v9;
	v59 =	vadd.f32 v9, v15;
	v14 =	vadd.f32 v24, v14  }
0x11d: {  	v63 =	vld [tilespmem:s10+$0x7570];
	v34 =	vadd.f32 v34, v11;
	v11 =	vsub.f32 v30, v53  }
0x11e: {  	v62 =	vmul.f32 v26, v26;
	v13 =	vadd.f32 v13, v10;
	v10 =	vsub.f32 v31, v32;
	v31 =	vld [tilespmem:s10+$0x4D70]  }
0x11f: {  	v36 =	vld [tilespmem:s10+$0x74E0];
	v21 =	vsub.f32 v50, v52;
	v14 =	vadd.f32 v26, v14;
	v30 =	vmul.f32 v11, v11  }
0x120: {  	v39 =	vld [tilespmem:s10+$0x4D20];
	v16 =	vadd.f32 v11, v59;
	v32 =	vadd.f32 v62, v34  }
0x121: {  	v49 =	vld [tilespmem:s10+$0x7520];
	v40 =	vadd.f32 v29, v14;
	v44 =	vadd.f32 v30, v13  }
0x122: {  	v47 =	vmul.f32 v29, v29;
	v53 =	vld [tilespmem:s10+$0x4D40];
	v13 =	vsub.f32 v55, v56;
	v16 =	vadd.f32 v10, v16  }
0x123: {  	v45 =	vmul.f32 v10, v10;
	v14 =	vsub.f32 v60, v61;
	v34 =	vsub.f32 v31, v63;
	v55 =	vld [tilespmem:s10+$0x7540]  }
0x124: {  	v42 =	vmul.f32 v12, v12;
	v32 =	vadd.f32 v47, v32;
	v16 =	vadd.f32 v13, v16  }
0x125: {  	v43 =	vld [tilespmem:s10+$0x7560];
	v30 =	vsub.f32 v35, v36;
	v28 =	vadd.f32 v45, v44;
	v48 =	vmul.f32 v13, v13  }
0x126: {  	v58 =	vld [tilespmem:s10+$0x7550];
	v41 =	vmul.f32 v14, v14;
	v54 =	vadd.f32 v19, v16;
	v16 =	vsub.f32 v39, v49  }
0x127: {  	v51 =	vmul.f32 v19, v19;
	v56 =	vld [tilespmem:s10+$0x4D50];
	v57 =	vadd.f32 v12, v14;
	v28 =	vadd.f32 v48, v28  }
0x128: {  	v60 =	vld [tilespmem:s10+$0x4D60];
	v41 =	vadd.f32 v42, v41;
	v25 =	vsub.f32 v53, v55;
	v59 =	vmul.f32 v16, v16  }
0x129: {  	v61 =	vmul.f32 v30, v30;
	v55 =	vld [tilespmem:s10+$0x7580];
	v28 =	vadd.f32 v51, v28;
	v35 =	vadd.f32 v16, v57  }
0x12a: {  	v62 =	vmul.f32 v21, v21;
	v27 =	vadd.f32 v30, v54;
	v54 =	vld [tilespmem:s10+$0x4D80];
	v41 =	vadd.f32 v59, v41  }
0x12b: {  	v57 =	vld [tilespmem:s10+$0x4D90];
	v53 =	vmul.f32 v25, v25;
	v44 =	vadd.f32 v61, v28;
	v51 =	vadd.f32 v21, v35  }
0x12c: {  	v42 =	vadd.f32 v33, v27;
	v27 =	vsub.f32 v56, v58;
	v56 =	vmul.f32 v33, v33;
	v58 =	vld [tilespmem:s10+$0x7590]  }
0x12d: {  	v28 =	vsub.f32 v60, v43;
	v59 =	vperm.xlane v40, v5;
	v52 =	vadd.f32 v62, v41  }
0x12e: {  	v63 =	vld [tilespmem:s10+$0x4DB0];
	v61 =	vperm.xlane v32, v5;
	v45 =	vadd.f32 v25, v51;
	v39 =	vadd.f32 v56, v44  }
0x12f: {  	v47 =	vld [tilespmem:s10+$0x4DA0];
	v40 =	vadd.f32 v59, v40;
	v35 =	vadd.f32 v53, v52  }
0x130: {  	v48 =	vld [tilespmem:s10+$0x75A0];
	v46 =	vmul.f32 v27, v27;
	v60 =	vadd.f32 v27, v45;
	v45 =	vadd.f32 v61, v32  }
0x131: {  	v51 =	vperm.xlane v40, v6;
	v32 =	vsub.f32 v54, v55;
	v52 =	vld [tilespmem:s10+$0x75B0];
	v31 =	vsub.f32 v57, v58  }
0x132: {  	v49 =	vld [tilespmem:s10+$0x4DC0];
	v62 =	vmul.f32 v28, v28;
	v35 =	vadd.f32 v46, v35;
	v44 =	vadd.f32 v28, v60  }
0x133: {  	v57 =	vld [tilespmem:s10+$0x75C0];
	v53 =	vperm.xlane v45, v6;
	v40 =	vadd.f32 v51, v40;
	v55 =	vmul.f32 v32, v32  }
0x134: {  	v56 =	vmul.f32 v31, v31;
	v59 =	vadd.f32 v31, v32;
	v35 =	vadd.f32 v62, v35  }
0x135: {  	v54 =	vmul.f32 v34, v34;
	v41 =	vadd.f32 v34, v44;
	v38 =	vadd.f32 v53, v45  }
0x136: {  	v58 =	vperm.xlane v40, v7;
	v44 =	vadd.f32 v56, v55;
	v36 =	vsub.f32 v63, v52  }
0x137: {  	v45 =	vld [tilespmem:s10+$0x4DE0];
	v43 =	vadd.f32 v54, v35;
	v35 =	vsub.f32 v47, v48;
	v60 =	vperm.xlane v38, v7  }
0x138: {  	v40 =	vadd.f32 v58, v40;
	v37 =	vsub.f32 v49, v57;
	v57 =	vld [tilespmem:s10+$0x75E0];
	v58 =	vperm.xlane v42, v5  }
0x139: {  	v63 =	vld [tilespmem:s10+$0x75D0];
	v50 =	vmul.f32 v35, v35;
	v61 =	vadd.f32 v35, v59;
	v38 =	vadd.f32 v60, v38  }
0x13a: {  	v47 =	vld [tilespmem:s10+$0x4DD0];
	v55 =	vperm.xlane v40, v8;
	v59 =	vadd.f32 v58, v42;
	v60 =	vperm.xlane v39, v5  }
0x13b: {  	v62 =	vmul.f32 v36, v36;
	v44 =	vadd.f32 v50, v44;
	v51 =	vadd.f32 v36, v61  }
0x13c: {  	v56 =	vperm.xlane v38, v8;
	v40 =	vadd.f32 v55, v40;
	v42 =	vadd.f32 v60, v39  }
0x13d: {  	v61 =	vmul.f32 v37, v37;
	v39 =	vsub.f32 v45, v57;
	v44 =	vadd.f32 v62, v44  }
0x13e: {  	v53 =	vperm.xlane v59, v6;
	v51 =	vadd.f32 v37, v51;
	v49 =	vadd.f32 v56, v38  }
0x13f: {  	v52 =	vmul.f32 $7.812500000e-03, v40;
	v38 =	vsub.f32 v47, v63;
	v56 =	vperm.xlane v42, v6  }
0x140: {  	v40 =	vadd.f32 v53, v59;
	v58 =	vmul.f32 v39, v39;
	v44 =	vadd.f32 v61, v44  }
0x141: {  	v62 =	vmul.f32 $7.812500000e-03, v49;
	v57 =	vadd.f32 v38, v51;
	v42 =	vadd.f32 v56, v42  }
0x142: {  	v59 =	vld [tilespmem:s10+$0x75F0];
	v63 =	vmul.f32 v52, v52;
	v23 =	vsub.f32 v23, v52;
	v17 =	vsub.f32 v17, v52  }
0x143: {  	v54 =	vmul.f32 v38, v38;
	v49 =	vld [tilespmem:s10+$0x4DF0];
	v22 =	vsub.f32 v22, v52;
	v18 =	vsub.f32 v18, v52  }
0x144: {  	v60 =	vperm.xlane v40, v7;
	v20 =	vsub.f32 v20, v52;
	v55 =	vsub.f32 v62, v63  }
0x145: {  	v44 =	vadd.f32 v54, v44;
	v61 =	vadd.f32 v39, v57;
	v57 =	vperm.xlane v42, v7  }
0x146: {  	v63 =	vadd.f32 v60, v40;
	v54 =	vperm.xlane v43, v5;
	v45 =	vadd.f32 $9.999999740e-06, v55  }
0x147: {  	v44 =	vadd.f32 v58, v44;
	v58 =	vperm.xlane v41, v5;
	v42 =	vadd.f32 v57, v42  }
0x148: {  	v53 =	vperm.xlane v63, v8;
	v43 =	vadd.f32 v54, v43;
	v40 =	vsub.f32 v49, v59  }
0x149: {  	v62 =	vshra.s32 v45, $0x1;
	v45 =	vmul.f32 $5.000000000e-01, v45;
	v41 =	vadd.f32 v58, v41  }
0x14a: {  	v48 =	vadd.f32 v53, v63;
	v60 =	vperm.xlane v42, v8;
	v47 =	vsub.s32 $0x5F3759DF, v62  }
0x14b: {  	v46 =	vadd.f32 v40, v61;
	v61 =	vperm.xlane v43, v6;
	v62 =	vmul.f32 v40, v40  }
0x14c: {  	v24 =	vsub.f32 v24, v52;
	v59 =	vmul.f32 v47, v45;
	v51 =	vperm.xlane v41, v6  }
0x14d: {  	v48 =	vmul.f32 $7.812500000e-03, v48;
	v42 =	vadd.f32 v60, v42;
	v43 =	vadd.f32 v61, v43  }
0x14e: {  	v57 =	vperm.xlane v46, v5;
	v49 =	vmul.f32 v47, v59;
	v41 =	vadd.f32 v51, v41  }
0x14f: {  	v44 =	vadd.f32 v62, v44;
	v42 =	vmul.f32 $7.812500000e-03, v42;
	v63 =	vmul.f32 v48, v48  }
0x150: {  	v58 =	vperm.xlane v43, v7;
	v46 =	vadd.f32 v57, v46;
	v56 =	vperm.xlane v41, v7  }
0x151: {  	v59 =	vperm.xlane v44, v5;
	v49 =	vsub.f32 $1.500000000e+00, v49;
	v42 =	vsub.f32 v42, v63  }
0x152: {  	v43 =	vadd.f32 v58, v43;
	v41 =	vadd.f32 v56, v41  }
0x153: {  	v61 =	vperm.xlane v46, v6;
	v44 =	vadd.f32 v59, v44;
	v47 =	vmul.f32 v47, v49  }
0x154: {  	v42 =	vadd.f32 $9.999999740e-06, v42;
	v63 =	vperm.xlane v43, v8;
	v60 =	vperm.xlane v41, v8  }
0x155: {  	v46 =	vadd.f32 v61, v46;
	v55 =	vperm.xlane v44, v6;
	v45 =	vmul.f32 v47, v45  }
0x156: {  	v62 =	vshra.s32 v42, $0x1;
	v42 =	vmul.f32 $5.000000000e-01, v42;
	v41 =	vadd.f32 v60, v41  }
0x157: {  	v50 =	vsub.s32 $0x5F3759DF, v62;
	v51 =	vperm.xlane v46, v7;
	v44 =	vadd.f32 v55, v44  }
0x158: {  	v43 =	vadd.f32 v63, v43;
	v45 =	vmul.f32 v45, v47;
	v41 =	vmul.f32 $7.812500000e-03, v41  }
0x159: {  	v54 =	vsub.f32 v26, v52;
	v56 =	vmul.f32 v50, v42;
	v58 =	vperm.xlane v44, v7  }
0x15a: {  	v43 =	vmul.f32 $7.812500000e-03, v43;
	v46 =	vadd.f32 v51, v46;
	v57 =	vmul.f32 v41, v41  }
0x15b: {  	v45 =	vsub.f32 $1.500000000e+00, v45;
	v59 =	vmul.f32 v50, v56;
	v44 =	vadd.f32 v58, v44  }
0x15c: {  	v15 =	vsub.f32 v15, v48;
	v60 =	vperm.xlane v46, v8;
	v43 =	vsub.f32 v43, v57  }
0x15d: {  	v45 =	vmul.f32 v45, v47;
	v47 =	vsub.f32 $1.500000000e+00, v59;
	v61 =	vperm.xlane v44, v8  }
0x15e: {  	v46 =	vadd.f32 v60, v46;
	v43 =	vadd.f32 $9.999999740e-06, v43  }
0x15f: {  	v23 =	vmul.f32 v45, v23;
	v47 =	vmul.f32 v50, v47;
	v44 =	vadd.f32 v61, v44  }
0x160: {  	v46 =	vmul.f32 $7.812500000e-03, v46;
	v49 =	vmul.f32 $5.000000000e-01, v43;
	v43 =	vshra.s32 v43, $0x1  }
0x161: {  	v42 =	vmul.f32 v47, v42;
	v44 =	vmul.f32 $7.812500000e-03, v44;
	v43 =	vsub.s32 $0x5F3759DF, v43  }
0x162: {  	v9 =	vsub.f32 v9, v48;
	v62 =	vmul.f32 v46, v46;
	v63 =	vmul.f32 v43, v49  }
0x163: {  	v11 =	vsub.f32 v11, v48;
	v17 =	vmul.f32 v45, v17;
	v42 =	vmul.f32 v42, v47  }
0x164: {  	v22 =	vmul.f32 v45, v22;
	[tilespmem:s10+$0x7400] =	vst v23;
	v44 =	vsub.f32 v44, v62;
	v55 =	vmul.f32 v43, v63  }
0x165: {  	v18 =	vmul.f32 v45, v18;
	v20 =	vmul.f32 v45, v20;
	[tilespmem:s10+$0x7410] =	vst v17;
	v42 =	vsub.f32 $1.500000000e+00, v42  }
0x166: {  	v53 =	vmul.f32 v45, v24;
	[tilespmem:s10+$0x7420] =	vst v22;
	v60 =	vadd.f32 $9.999999740e-06, v44;
	v59 =	vsub.f32 $1.500000000e+00, v55  }
0x167: {  	v56 =	vsub.f32 v29, v52;
	v58 =	vmul.f32 v45, v54;
	[tilespmem:s10+$0x7430] =	vst v18;
	v57 =	vmul.f32 v42, v47  }
0x168: {  	[tilespmem:s10+$0x7440] =	vst v20;
	v62 =	vshra.s32 v60, $0x1;
	v63 =	vmul.f32 $5.000000000e-01, v60;
	v61 =	vmul.f32 v43, v59  }
0x169: {  	v17 =	vmul.f32 v45, v56;
	[tilespmem:s10+$0x7450] =	vst v53;
	v15 =	vmul.f32 v57, v15;
	v20 =	vsub.s32 $0x5F3759DF, v62  }
0x16a: {  	[tilespmem:s10+$0x7460] =	vst v58;
	v42 =	vmul.f32 v20, v63;
	v26 =	vmul.f32 v61, v49  }
0x16b: {  	v10 =	vsub.f32 v10, v48;
	[tilespmem:s10+$0x7470] =	vst v17;
	v9 =	vmul.f32 v57, v9;
	v11 =	vmul.f32 v57, v11  }
0x16c: {  	v13 =	vsub.f32 v13, v48;
	[tilespmem:s10+$0x7480] =	vst v15;
	v44 =	vmul.f32 v20, v42;
	v43 =	vmul.f32 v26, v61  }
0x16d: {  	v45 =	vsub.f32 v30, v48;
	[tilespmem:s10+$0x7490] =	vst v9;
	v9 =	vmul.f32 v57, v10;
	v10 =	vsub.f32 v19, v48  }
0x16e: {  	[tilespmem:s10+$0x74A0] =	vst v11;
	v11 =	vmul.f32 v57, v13;
	v49 =	vsub.f32 $1.500000000e+00, v44;
	v47 =	vsub.f32 $1.500000000e+00, v43  }
0x16f: {  	v50 =	vsub.f32 v33, v48;
	[tilespmem:s10+$0x74B0] =	vst v9;
	v9 =	vmul.f32 v57, v10;
	v10 =	vmul.f32 v57, v45  }
0x170: {  	v51 =	vsub.f32 v14, v41;
	[tilespmem:s10+$0x74C0] =	vst v11;
	v52 =	vmul.f32 v20, v49;
	v11 =	vmul.f32 v47, v61  }
0x171: {  	v12 =	vsub.f32 v12, v41;
	[tilespmem:s10+$0x74D0] =	vst v9;
	v9 =	vmul.f32 v57, v50  }
0x172: {  	v53 =	vsub.f32 v16, v41;
	[tilespmem:s10+$0x74E0] =	vst v10;
	v15 =	vmul.f32 v52, v63;
	v10 =	vmul.f32 v11, v51  }
0x173: {  	v54 =	vsub.f32 v21, v41;
	[tilespmem:s10+$0x74F0] =	vst v9;
	v9 =	vmul.f32 v11, v12  }
0x174: {  	v55 =	vsub.f32 v25, v41;
	v15 =	vmul.f32 v15, v52;
	[tilespmem:s10+$0x7500] =	vst v10;
	v10 =	vmul.f32 v11, v53  }
0x175: {  	v56 =	vsub.f32 v27, v41;
	[tilespmem:s10+$0x7510] =	vst v9;
	v9 =	vmul.f32 v11, v54  }
0x176: {  	v57 =	vsub.f32 v28, v41;
	v15 =	vsub.f32 $1.500000000e+00, v15;
	[tilespmem:s10+$0x7520] =	vst v10;
	v10 =	vmul.f32 v11, v55  }
0x177: {  	v58 =	vsub.f32 v34, v41;
	[tilespmem:s10+$0x7530] =	vst v9;
	v9 =	vmul.f32 v11, v56  }
0x178: {  	v60 =	vsub.f32 v32, v46;
	v59 =	vmul.f32 v15, v52;
	[tilespmem:s10+$0x7540] =	vst v10;
	v10 =	vmul.f32 v11, v57  }
0x179: {  	[tilespmem:s10+$0x7550] =	vst v9;
	v9 =	vmul.f32 v11, v58;
	v11 =	vsub.f32 v31, v46  }
0x17a: {  	v61 =	vsub.f32 v35, v46;
	[tilespmem:s10+$0x7560] =	vst v10;
	v10 =	vmul.f32 v59, v60  }
0x17b: {  	[tilespmem:s10+$0x7570] =	vst v9;
	v9 =	vmul.f32 v59, v11;
	v11 =	vsub.f32 v36, v46  }
0x17c: {  	v62 =	vsub.f32 v37, v46;
	[tilespmem:s10+$0x7580] =	vst v10;
	v10 =	vmul.f32 v59, v61  }
0x17d: {  	[tilespmem:s10+$0x7590] =	vst v9;
	v9 =	vmul.f32 v59, v11;
	v11 =	vsub.f32 v38, v46  }
0x17e: {  	p0 =	sne.s32 s5, $0x4800;
	v63 =	vsub.f32 v39, v46;
	[tilespmem:s10+$0x75A0] =	vst v10;
	v10 =	vmul.f32 v59, v62  }
.Ltmp1:
0x17f: {  	[tilespmem:s10+$0x75B0] =	vst v9;
	v9 =	vmul.f32 v59, v11;
	v11 =	vsub.f32 v40, v46;
	(pc) =	sbr.rel @p0 .LBB2_6-.Ltmp1, $4  }
0x180: {  	[tilespmem:s10+$0x75C0] =	vst v10;
	v10 =	vmul.f32 v59, v63  }
0x181: {  	[tilespmem:s10+$0x75D0] =	vst v9;
	v9 =	vmul.f32 v59, v11  }
0x182: {  	[tilespmem:s10+$0x75E0] =	vst v10  }
0x183: {  	s5 =	sadd.s32 $0x800, s5;
	[tilespmem:s10+$0x75F0] =	vst v9  }
0x184: {  	s0 =	sadd.s32 $0x1, s0  }
0x185: {  	p0 =	sne.s32 s0, $0x19  }
.Ltmp2:
0x186: {  	_ = 	snop;
	(pc) =	sbr.rel @p0 .LBB2_3-.Ltmp2, $2  }
0x187: {  	_ =	sdelay $0x2  }
0x188: {  	[spmem:s3] =	stream.indirect.scatter.add.f32 [tilespmem:s22], [sflag:$0x6], $0x80, s4, s16, $0xb8;
	[tilespmem:$0x1EC80] =	vst v63  }
0x189: {  	s31 =	sadd.s32 $0x1, s31  }
0x18a: {  	p0 =	sne.s32 s31, $0x5  }
.Ltmp3:
0x18b: {  	_ = 	snop;
	(pc) =	sbr.rel @p0 .LBB2_2-.Ltmp3, $4  }
0x18c: {  	_ = 	snop  }
0x18d: {  	_ =	swait.ge [sflag:s26], $0x1400  }
0x18e: {  	[sflag:s26] =	ssyncset.done $0x0  }
0x18f: {  	[sflag:s26] =	ssyncadd.s32 $0xFFFFEC00  }
0x190: {  	s0 =	simm.s32 $0x50;
	s4 =	simm.s32 $0xB000  }
0x191: {  	[spmem:s3] =	stream.indirect.scatter.add.f32 [tilespmem:s14], [sflag:$0x7], $0x80, s4, s0, $0xb8;
	[tilespmem:$0x1EC80] =	vst v63  }
0x192: {  	_ =	swait.ge [sflag:s13], $0x2800  }
0x193: {  	[sflag:s13] =	ssyncset.done $0x0  }
0x194: {  	s30 =	sadd.s32 $0x1, s30;
	[sflag:s13] =	ssyncadd.s32 $0xFFFFD800  }
0x195: {  	p0 =	sne.s32 s30, s11;
	[bflag:$0x0] =	sbarrier.arrive $0xFFFF  }
.Ltmp4:
0x196: {  	s31 =	rddreg [dreg:$0x5];
	(pc) =	sbr.rel @p0 .LBB2_1-.Ltmp4, $4  }
0x197: {  	[hbm:s31], [sflag:s8] =	dma.local [spmem:s12], $0x2780  }
0x198: {  	_ =	swait.ge [sflag:s13], $0x2780  }
0x199: {  	[sflag:s13] =	ssyncset.done $0x0  }
0x19a: {  	[sflag:s13] =	ssyncadd.s32 $0xFFFFD880  }
0x19b: {  	_ =	sfence.sel $0x180000  }
0x19c: {  	[bflag:$0x0] =	sbarrier.arrive $0xFFFF  }
0x19d: {  	_ =	strace $0x90000047  }
0x19e: {  	s0 =	stileid.u32;
	[bflag:$0x2] =	sbarrier.arrive $0xFFFF  }
0x19f: {  	p0 =	sne.s32 s0, $0x0;
	s0 =	rddreg [dreg:$0x4]  }
0x1a0: {  	s0 =	sadd.s32 @!p0 $0x100000, s0  }
0x1a1: {  	[sflag:s0] =	ssyncadd.tile.s32 @!p0 $0x1;
	_ =	shalt  }
.Lfunc_end2:
_tile_overlayer_lowered:
.L_overlay_start_2:
0x1a2: {  	(tag) =	ssettag $0x2  }
0x1a3: {  	s0 =	rddreg [dreg:$0x0];
	s2 =	stileid.u32  }
0x1a4: {  	s1 =	rddreg [dreg:$0x1];
	p0 =	sne.s32 s2, $0x0  }
0x1a5: {  	s3 =	rddreg [dreg:$0x2];
	[bflag:$0x3] =	sbarrier.arrive $0xFFFF;
	s2 =	simm.s32 @!p0 $0x1C07  }
0x1a6: {  	[timem:s3], [sflag:s2] =	dma.local @!p0 [hbm:s0], s1  }
0x1a7: {  	s0 =	simm.s32 @!p0 $0x7  }
0x1a8: {  	_ =	swait.ge @!p0 [sflag:s0], s1  }
0x1a9: {  	s1 =	ssub.s32 @!p0 $0x0, s1;
	[sflag:s0] =	ssyncset.done @!p0 $0x0  }
0x1aa: {  	[sflag:s0] =	ssyncadd.s32 @!p0 s1  }
0x1ab: {  	[bflag:$0x3] =	sbarrier.arrive $0xFFFF  }
0x1ac: {  	_ =	shalt  }

</sc_bundles>
